<compile_context>
chip_gen: v7x
topology: tpu7x:2x2x1
jax: 0.10.2.dev20260603
libtpu: 0.0.44.dev20260713+nightly
codegen_flags: <defaults>
</compile_context>

<pallas_src>
import functools
import math

import jax
import jax.numpy as jnp
from jax import lax
from jax.experimental import pallas as pl
from jax.experimental.pallas import tpu as pltpu
from jax.experimental.pallas import tpu_sc as plsc

_D = 1024
_SCALE = math.sqrt(_D)
_NC, _NS = 2, 16
_NW = _NC * _NS
_ROWS, _COLS = 4, 4096
_B = _ROWS * _COLS
_BPW = _B // _NW
_WPR = _COLS // _BPW
_C = 16
_NCHUNK = _BPW // _C
_NBUF = 4
_NGRP = _NCHUNK // _NBUF
_LANES = 16
_SL_PER_ROW = _D // _LANES


def _embed_body(table, idx, out, idx_v, bufs, gsems, ssems):
    cid = lax.axis_index("c")
    sid = lax.axis_index("s")
    wid = sid * _NC + cid
    r0 = wid // _WPR
    col0 = (wid % _WPR) * _BPW
    pltpu.sync_copy(idx.at[r0, pl.ds(col0, 128)], idx_v.at[pl.ds(0, 128)])

    def gather(c, b):
        pltpu.async_copy(table.at[idx_v.at[pl.ds(c * _C, _C)]], bufs[b], gsems[b])

    def wait_gather(c, b):
        pltpu.make_async_copy(
            table.at[idx_v.at[pl.ds(c * _C, _C)]], bufs[b], gsems[b]
        ).wait()

    def store(c, b):
        dst = out.at[r0, pl.ds(col0 + c * _C, _C)]
        pltpu.async_copy(bufs[b], dst, ssems[b])

    def wait_store(c, b):
        dst = out.at[r0, pl.ds(col0 + c * _C, _C)]
        pltpu.make_async_copy(bufs[b], dst, ssems[b]).wait()

    def scale(b):
        buf = bufs[b]

        def row(r, carry):
            for u in range(_SL_PER_ROW):
                buf[r, pl.ds(u * _LANES, _LANES)] = (
                    buf[r, pl.ds(u * _LANES, _LANES)] * _SCALE
                )
            return carry

        lax.fori_loop(0, _C, row, 0)

    gather(0, 0)
    gather(1, 1)
    pltpu.sync_copy(
        idx.at[r0, pl.ds(col0 + 128, _BPW - 128)],
        idx_v.at[pl.ds(128, _BPW - 128)],
    )

    def group(g, carry):
        for b in range(_NBUF):
            c = g * _NBUF + b
            tgt = (b + 2) % _NBUF
            if b >= 2:
                wait_store(c - 2, tgt)
                pl.when(g < _NGRP - 1)(lambda: gather(c + 2, tgt))
            else:
                pl.when(g >= 1)(lambda: wait_store(c - 2, tgt))
                gather(c + 2, tgt)
            wait_gather(c, b)
            scale(b)
            store(c, b)
        return carry

    lax.fori_loop(0, _NGRP, group, 0)

    wait_store(_NCHUNK - 2, 2)
    wait_store(_NCHUNK - 1, 3)


@functools.partial(
    pl.kernel,
    out_type=jax.ShapeDtypeStruct((_ROWS, _COLS, _D), jnp.float32),
    mesh=plsc.VectorSubcoreMesh(core_axis_name="c", subcore_axis_name="s"),
    scratch_types=(
        [pltpu.VMEM((_BPW,), jnp.int32)]
        + [pltpu.VMEM((_C, _D), jnp.float32)] * _NBUF
        + [pltpu.SemaphoreType.DMA] * (2 * _NBUF)
    ),
)
def _embed(table, idx, out, idx_v, *rest):
    bufs = rest[:_NBUF]
    gsems = rest[_NBUF:2 * _NBUF]
    ssems = rest[2 * _NBUF:]
    _embed_body(table, idx, out, idx_v, bufs, gsems, ssems)


def kernel(input_ids, weight):
    return _embed(weight, input_ids.astype(jnp.int32))

# --- scband reference (transcript-rebuilt; emitter-appended) ---
"""Pipeline reference for scband-token-embedding-23914377904141 (READ-ONLY COPY).

The authoritative reference and input builder live on the scoring server;
editing this copy changes nothing except your own understanding.
"""

import math
import jax, jax.numpy as jnp
import numpy as np

VOCAB_SIZE = 100000
D_MODEL = 1024
PADDING_IDX = 0

def setup_inputs(seed: int = 0) -> dict:
    key = jax.random.key(seed)
    k_ids, k_w = jax.random.split(key)
    input_ids = jax.random.randint(k_ids, (4, 4096), 0, VOCAB_SIZE, dtype=jnp.int64 if jax.config.jax_enable_x64 else jnp.int32)
    weight = 0.02 * jax.random.normal(k_w, (VOCAB_SIZE, D_MODEL), dtype=jnp.float32)
    # zero the padding row per torch init
    weight = weight.at[PADDING_IDX].set(0.0)
    return {"input_ids": input_ids, "weight": weight}

def reference(input_ids, weight):
    # embedding lookup (gather) then scale by sqrt(d_model)
    embeddings = jnp.take(weight, input_ids, axis=0)
    return embeddings * math.sqrt(D_MODEL)

if __name__ == "__main__":
    import jax
    _d = setup_inputs()
    print(jax.jit(kernel)(*tuple(_d.values())))

</pallas_src>

<mosaic_0001>
#map = affine_map<(d0, d1) -> (0, 0)>
#map1 = affine_map<(d0, d1) -> (0, 0, 0)>
module attributes {stable_mosaic.version = 14 : i64} {
  func.func @_embed(%arg0: i32, %arg1: i32, %arg2: memref<100000x1024xf32, #tpu.memory_space<hbm>>, %arg3: memref<4x4096xi32, #tpu.memory_space<hbm>>, %arg4: memref<4x4096x1024xf32, #tpu.memory_space<hbm>>, %arg5: memref<512xi32, #tpu.memory_space<vmem>>, %arg6: memref<16x1024xf32, #tpu.memory_space<vmem>>, %arg7: memref<16x1024xf32, #tpu.memory_space<vmem>>, %arg8: memref<16x1024xf32, #tpu.memory_space<vmem>>, %arg9: memref<16x1024xf32, #tpu.memory_space<vmem>>, %arg10: memref<!tpu.dma_semaphore, #tpu.memory_space<semaphore_mem>>, %arg11: memref<!tpu.dma_semaphore, #tpu.memory_space<semaphore_mem>>, %arg12: memref<!tpu.dma_semaphore, #tpu.memory_space<semaphore_mem>>, %arg13: memref<!tpu.dma_semaphore, #tpu.memory_space<semaphore_mem>>, %arg14: memref<!tpu.dma_semaphore, #tpu.memory_space<semaphore_mem>>, %arg15: memref<!tpu.dma_semaphore, #tpu.memory_space<semaphore_mem>>, %arg16: memref<!tpu.dma_semaphore, #tpu.memory_space<semaphore_mem>>, %arg17: memref<!tpu.dma_semaphore, #tpu.memory_space<semaphore_mem>>) attributes {dimension_semantics = [#tpu.dimension_semantics<core_parallel>, #tpu.dimension_semantics<subcore_parallel>], iteration_bounds = array<i64: 2, 16>, scalar_prefetch = 0 : i64, scratch_operands = 13 : i64, tpu.core_type = #tpu.core_type<sc_vector_subcore>, window_params = [{transform_indices = #map}, {transform_indices = #map}, {transform_indices = #map1}]} {
    %mul3A = arith.constant 2 : i32
    %mul3A_0 = arith.muli %arg1, %mul3A : i32
    %add3A = arith.addi %mul3A_0, %arg0 : i32
    %jit3A = arith.constant 8 : i32
    %div3A = arith.divsi %add3A, %jit3A : i32
    %sign3A = arith.constant 0 : i32
    %sign3A_1 = arith.cmpi sgt, %add3A, %sign3A : i32
    %sign3A_2 = arith.extui %sign3A_1 : i1 to i32
    %sign3A_3 = arith.constant 0 : i32
    %sign3A_4 = arith.cmpi slt, %add3A, %sign3A_3 : i32
    %sign3A_5 = arith.extui %sign3A_4 : i1 to i32
    %sign3A_6 = arith.subi %sign3A_2, %sign3A_5 : i32
    %sign3A_7 = arith.constant 0 : i32
    %sign3A_8 = arith.cmpi sgt, %jit3A, %sign3A_7 : i32
    %sign3A_9 = arith.extui %sign3A_8 : i1 to i32
    %sign3A_10 = arith.constant 0 : i32
    %sign3A_11 = arith.cmpi slt, %jit3A, %sign3A_10 : i32
    %sign3A_12 = arith.extui %sign3A_11 : i1 to i32
    %sign3A_13 = arith.subi %sign3A_9, %sign3A_12 : i32
    %ne3A = arith.cmpi ne, %sign3A_6, %sign3A_13 : i32
    %rem3A = arith.remsi %add3A, %jit3A : i32
    %ne3A_14 = arith.constant 0 : i32
    %ne3A_15 = arith.cmpi ne, %rem3A, %ne3A_14 : i32
    %and3A = arith.andi %ne3A, %ne3A_15 : i1
    %sub3A = arith.constant 1 : i32
    %sub3A_16 = arith.subi %div3A, %sub3A : i32
    %select_n3A = arith.select %and3A, %sub3A_16, %div3A : i32
    %jit3A_17 = arith.constant 8 : i32
    %eq3A = arith.constant 0 : i32
    %eq3A_18 = arith.cmpi eq, %jit3A_17, %eq3A : i32
    %jit3A_19 = arith.constant 1 : i32
    %select_n3A_20 = arith.select %eq3A_18, %jit3A_19, %jit3A_17 : i32
    %rem3A_21 = arith.remsi %add3A, %select_n3A_20 : i32
    %ne3A_22 = arith.constant 0 : i32
    %ne3A_23 = arith.cmpi ne, %rem3A_21, %ne3A_22 : i32
    %lt3A = arith.constant 0 : i32
    %lt3A_24 = arith.cmpi slt, %rem3A_21, %lt3A : i32
    %lt3A_25 = arith.constant 0 : i32
    %lt3A_26 = arith.cmpi slt, %select_n3A_20, %lt3A_25 : i32
    %ne3A_27 = arith.xori %lt3A_24, %lt3A_26 : i1
    %and3A_28 = arith.andi %ne3A_27, %ne3A_23 : i1
    %add3A_29 = arith.addi %rem3A_21, %select_n3A_20 : i32
    %select_n3A_30 = arith.select %and3A_28, %add3A_29, %rem3A_21 : i32
    %mul3A_31 = arith.constant 512 : i32
    %mul3A_32 = arith.muli %select_n3A_30, %mul3A_31 : i32
    "tpu.region"() ({
      %run_scoped3A = tpu.sem_alloc : memref<!tpu.dma_semaphore, #tpu.memory_space<semaphore_mem>>
      %dma_start3A_64 = arith.constant 0 : i32
      %dma_start3A_65 = tpu.memref_slice %arg5[%dma_start3A_64] : memref<512xi32, #tpu.memory_space<vmem>> -> memref<128xi32, #tpu.memory_space<vmem>>
      %dma_start3A_66 = tpu.memref_slice %arg3[%select_n3A, %mul3A_32] : memref<4x4096xi32, #tpu.memory_space<hbm>> -> memref<1x128xi32, #tpu.memory_space<hbm>>
      %dma_start3A_67 = tpu.memref_squeeze %dma_start3A_66 : memref<1x128xi32, #tpu.memory_space<hbm>> -> memref<128xi32, #tpu.memory_space<hbm>>
      %dma_start3A_68 = arith.constant 0 : i32
      %dma_start3A_69 = tpu.memref_slice %arg5[%dma_start3A_68] : memref<512xi32, #tpu.memory_space<vmem>> -> memref<128xi32, #tpu.memory_space<vmem>>
      %dma_start3A_70 = tpu.memref_slice %arg3[%select_n3A, %mul3A_32] : memref<4x4096xi32, #tpu.memory_space<hbm>> -> memref<1x128xi32, #tpu.memory_space<hbm>>
      %dma_start3A_71 = tpu.memref_squeeze %dma_start3A_70 : memref<1x128xi32, #tpu.memory_space<hbm>> -> memref<128xi32, #tpu.memory_space<hbm>>
      tpu.enqueue_dma source(%dma_start3A_71 : memref<128xi32, #tpu.memory_space<hbm>>) target(%dma_start3A_69 : memref<128xi32, #tpu.memory_space<vmem>>) target_semaphore(%run_scoped3A : memref<!tpu.dma_semaphore, #tpu.memory_space<semaphore_mem>>)
      %dma_wait3A_72 = arith.constant 0 : i32
      %dma_wait3A_73 = tpu.memref_slice %arg5[%dma_wait3A_72] : memref<512xi32, #tpu.memory_space<vmem>> -> memref<128xi32, #tpu.memory_space<vmem>>
      %dma_wait3A_74 = tpu.memref_slice %arg3[%select_n3A, %mul3A_32] : memref<4x4096xi32, #tpu.memory_space<hbm>> -> memref<1x128xi32, #tpu.memory_space<hbm>>
      %dma_wait3A_75 = tpu.memref_squeeze %dma_wait3A_74 : memref<1x128xi32, #tpu.memory_space<hbm>> -> memref<128xi32, #tpu.memory_space<hbm>>
      %dma_wait3A_76 = arith.constant 0 : i32
      %dma_wait3A_77 = tpu.memref_slice %arg5[%dma_wait3A_76] : memref<512xi32, #tpu.memory_space<vmem>> -> memref<128xi32, #tpu.memory_space<vmem>>
      %dma_wait3A_78 = tpu.memref_slice %arg3[%select_n3A, %mul3A_32] : memref<4x4096xi32, #tpu.memory_space<hbm>> -> memref<1x128xi32, #tpu.memory_space<hbm>>
      %dma_wait3A_79 = tpu.memref_squeeze %dma_wait3A_78 : memref<1x128xi32, #tpu.memory_space<hbm>> -> memref<128xi32, #tpu.memory_space<hbm>>
      tpu.wait_dma2 semaphore(%run_scoped3A : memref<!tpu.dma_semaphore, #tpu.memory_space<semaphore_mem>>) src(%dma_wait3A_79 : memref<128xi32, #tpu.memory_space<hbm>>) dst(%dma_wait3A_77 : memref<128xi32, #tpu.memory_space<vmem>>)
      tpu.yield
    }) : () -> ()
    %dma_start3A = arith.constant 0 : i32
    %dma_start3A_33 = tpu.memref_slice %arg5[%dma_start3A] : memref<512xi32, #tpu.memory_space<vmem>> -> memref<16xi32, #tpu.memory_space<vmem>>
    %dma_start3A_34 = arith.constant 0 : i32
    %dma_start3A_35 = arith.constant 0 : i32
    %dma_start3A_36 = tpu.memref_slice %arg2[%dma_start3A_34, %dma_start3A_35] : memref<100000x1024xf32, #tpu.memory_space<hbm>> -> memref<100000x1024xf32, #tpu.memory_space<hbm>>
    tpu.enqueue_indirect_dma source(%dma_start3A_36 : memref<100000x1024xf32, #tpu.memory_space<hbm>>) target(%arg6 : memref<16x1024xf32, #tpu.memory_space<vmem>>) offsets(%dma_start3A_33 : memref<16xi32, #tpu.memory_space<vmem>>) semaphore(%arg10 : memref<!tpu.dma_semaphore, #tpu.memory_space<semaphore_mem>>)
    %dma_start3A_37 = arith.constant 16 : i32
    %dma_start3A_38 = tpu.memref_slice %arg5[%dma_start3A_37] : memref<512xi32, #tpu.memory_space<vmem>> -> memref<16xi32, #tpu.memory_space<vmem>>
    %dma_start3A_39 = arith.constant 0 : i32
    %dma_start3A_40 = arith.constant 0 : i32
    %dma_start3A_41 = tpu.memref_slice %arg2[%dma_start3A_39, %dma_start3A_40] : memref<100000x1024xf32, #tpu.memory_space<hbm>> -> memref<100000x1024xf32, #tpu.memory_space<hbm>>
    tpu.enqueue_indirect_dma source(%dma_start3A_41 : memref<100000x1024xf32, #tpu.memory_space<hbm>>) target(%arg7 : memref<16x1024xf32, #tpu.memory_space<vmem>>) offsets(%dma_start3A_38 : memref<16xi32, #tpu.memory_space<vmem>>) semaphore(%arg11 : memref<!tpu.dma_semaphore, #tpu.memory_space<semaphore_mem>>)
    %add3A_42 = arith.constant 128 : i32
    %add3A_43 = arith.addi %mul3A_32, %add3A_42 : i32
    "tpu.region"() ({
      %run_scoped3A = tpu.sem_alloc : memref<!tpu.dma_semaphore, #tpu.memory_space<semaphore_mem>>
      %dma_start3A_64 = arith.constant 128 : i32
      %dma_start3A_65 = tpu.memref_slice %arg5[%dma_start3A_64] : memref<512xi32, #tpu.memory_space<vmem>> -> memref<384xi32, #tpu.memory_space<vmem>>
      %dma_start3A_66 = tpu.memref_slice %arg3[%select_n3A, %add3A_43] : memref<4x4096xi32, #tpu.memory_space<hbm>> -> memref<1x384xi32, #tpu.memory_space<hbm>>
      %dma_start3A_67 = tpu.memref_squeeze %dma_start3A_66 : memref<1x384xi32, #tpu.memory_space<hbm>> -> memref<384xi32, #tpu.memory_space<hbm>>
      %dma_start3A_68 = arith.constant 128 : i32
      %dma_start3A_69 = tpu.memref_slice %arg5[%dma_start3A_68] : memref<512xi32, #tpu.memory_space<vmem>> -> memref<384xi32, #tpu.memory_space<vmem>>
      %dma_start3A_70 = tpu.memref_slice %arg3[%select_n3A, %add3A_43] : memref<4x4096xi32, #tpu.memory_space<hbm>> -> memref<1x384xi32, #tpu.memory_space<hbm>>
      %dma_start3A_71 = tpu.memref_squeeze %dma_start3A_70 : memref<1x384xi32, #tpu.memory_space<hbm>> -> memref<384xi32, #tpu.memory_space<hbm>>
      tpu.enqueue_dma source(%dma_start3A_71 : memref<384xi32, #tpu.memory_space<hbm>>) target(%dma_start3A_69 : memref<384xi32, #tpu.memory_space<vmem>>) target_semaphore(%run_scoped3A : memref<!tpu.dma_semaphore, #tpu.memory_space<semaphore_mem>>)
      %dma_wait3A_72 = arith.constant 128 : i32
      %dma_wait3A_73 = tpu.memref_slice %arg5[%dma_wait3A_72] : memref<512xi32, #tpu.memory_space<vmem>> -> memref<384xi32, #tpu.memory_space<vmem>>
      %dma_wait3A_74 = tpu.memref_slice %arg3[%select_n3A, %add3A_43] : memref<4x4096xi32, #tpu.memory_space<hbm>> -> memref<1x384xi32, #tpu.memory_space<hbm>>
      %dma_wait3A_75 = tpu.memref_squeeze %dma_wait3A_74 : memref<1x384xi32, #tpu.memory_space<hbm>> -> memref<384xi32, #tpu.memory_space<hbm>>
      %dma_wait3A_76 = arith.constant 128 : i32
      %dma_wait3A_77 = tpu.memref_slice %arg5[%dma_wait3A_76] : memref<512xi32, #tpu.memory_space<vmem>> -> memref<384xi32, #tpu.memory_space<vmem>>
      %dma_wait3A_78 = tpu.memref_slice %arg3[%select_n3A, %add3A_43] : memref<4x4096xi32, #tpu.memory_space<hbm>> -> memref<1x384xi32, #tpu.memory_space<hbm>>
      %dma_wait3A_79 = tpu.memref_squeeze %dma_wait3A_78 : memref<1x384xi32, #tpu.memory_space<hbm>> -> memref<384xi32, #tpu.memory_space<hbm>>
      tpu.wait_dma2 semaphore(%run_scoped3A : memref<!tpu.dma_semaphore, #tpu.memory_space<semaphore_mem>>) src(%dma_wait3A_79 : memref<384xi32, #tpu.memory_space<hbm>>) dst(%dma_wait3A_77 : memref<384xi32, #tpu.memory_space<vmem>>)
      tpu.yield
    }) : () -> ()
    %scan3A = arith.constant 0 : i32
    %scan3A_44 = arith.constant 0 : i32
    %scan3A_45 = arith.constant 8 : i32
    %scan3A_46 = arith.addi %scan3A_44, %scan3A_45 : i32
    %scan3A_47 = arith.constant 1 : i32
    scf.for %scan3A_64 = %scan3A_44 to %scan3A_46 step %scan3A_47  : i32 {
      %mul3A_65 = arith.constant 4 : i32
      %mul3A_66 = arith.muli %scan3A_64, %mul3A_65 : i32
      %add3A_67 = arith.constant 0 : i32
      %add3A_68 = arith.addi %mul3A_66, %add3A_67 : i32
      %ge3A = arith.constant 1 : i32
      %ge3A_69 = arith.cmpi sge, %scan3A_64, %ge3A : i32
      %convert_element_type3A = arith.extui %ge3A_69 : i1 to i32
      %cond3A = arith.constant 0 : i32
      %cond3A_70 = arith.cmpi ne, %convert_element_type3A, %cond3A : i32
      scf.if %cond3A_70 {
        %sub3A_220 = arith.constant 2 : i32
        %sub3A_221 = arith.subi %add3A_68, %sub3A_220 : i32
        %mul3A_222 = arith.constant 16 : i32
        %mul3A_223 = arith.muli %sub3A_221, %mul3A_222 : i32
        %add3A_224 = arith.addi %mul3A_32, %mul3A_223 : i32
        %dma_wait3A_225 = arith.constant 0 : i32
        %dma_wait3A_226 = tpu.memref_slice %arg4[%select_n3A, %add3A_224, %dma_wait3A_225] : memref<4x4096x1024xf32, #tpu.memory_space<hbm>> -> memref<1x16x1024xf32, #tpu.memory_space<hbm>>
        %dma_wait3A_227 = tpu.memref_squeeze %dma_wait3A_226 : memref<1x16x1024xf32, #tpu.memory_space<hbm>> -> memref<16x1024xf32, #tpu.memory_space<hbm>>
        %dma_wait3A_228 = arith.constant 0 : i32
        %dma_wait3A_229 = tpu.memref_slice %arg4[%select_n3A, %add3A_224, %dma_wait3A_228] : memref<4x4096x1024xf32, #tpu.memory_space<hbm>> -> memref<1x16x1024xf32, #tpu.memory_space<hbm>>
        %dma_wait3A_230 = tpu.memref_squeeze %dma_wait3A_229 : memref<1x16x1024xf32, #tpu.memory_space<hbm>> -> memref<16x1024xf32, #tpu.memory_space<hbm>>
        tpu.wait_dma2 semaphore(%arg16 : memref<!tpu.dma_semaphore, #tpu.memory_space<semaphore_mem>>) src(%arg8 : memref<16x1024xf32, #tpu.memory_space<vmem>>) dst(%dma_wait3A_230 : memref<16x1024xf32, #tpu.memory_space<hbm>>)
      } else {
      }
      %add3A_71 = arith.constant 2 : i32
      %add3A_72 = arith.addi %add3A_68, %add3A_71 : i32
      %mul3A_73 = arith.constant 16 : i32
      %mul3A_74 = arith.muli %add3A_72, %mul3A_73 : i32
      %dma_start3A_75 = tpu.memref_slice %arg5[%mul3A_74] : memref<512xi32, #tpu.memory_space<vmem>> -> memref<16xi32, #tpu.memory_space<vmem>>
      %dma_start3A_76 = arith.constant 0 : i32
      %dma_start3A_77 = arith.constant 0 : i32
      %dma_start3A_78 = tpu.memref_slice %arg2[%dma_start3A_76, %dma_start3A_77] : memref<100000x1024xf32, #tpu.memory_space<hbm>> -> memref<100000x1024xf32, #tpu.memory_space<hbm>>
      tpu.enqueue_indirect_dma source(%dma_start3A_78 : memref<100000x1024xf32, #tpu.memory_space<hbm>>) target(%arg8 : memref<16x1024xf32, #tpu.memory_space<vmem>>) offsets(%dma_start3A_75 : memref<16xi32, #tpu.memory_space<vmem>>) semaphore(%arg12 : memref<!tpu.dma_semaphore, #tpu.memory_space<semaphore_mem>>)
      %mul3A_79 = arith.constant 16 : i32
      %mul3A_80 = arith.muli %add3A_68, %mul3A_79 : i32
      %dma_wait3A_81 = tpu.memref_slice %arg5[%mul3A_80] : memref<512xi32, #tpu.memory_space<vmem>> -> memref<16xi32, #tpu.memory_space<vmem>>
      %dma_wait3A_82 = arith.constant 0 : i32
      %dma_wait3A_83 = arith.constant 0 : i32
      %dma_wait3A_84 = tpu.memref_slice %arg2[%dma_wait3A_82, %dma_wait3A_83] : memref<100000x1024xf32, #tpu.memory_space<hbm>> -> memref<100000x1024xf32, #tpu.memory_space<hbm>>
      tpu.wait_indirect_dma semaphore(%arg10 : memref<!tpu.dma_semaphore, #tpu.memory_space<semaphore_mem>>) src(%dma_wait3A_84 : memref<100000x1024xf32, #tpu.memory_space<hbm>>) dst(%arg6 : memref<16x1024xf32, #tpu.memory_space<vmem>>)
      %scan3A_85 = arith.constant 0 : i32
      %scan3A_86 = arith.constant 0 : i32
      %scan3A_87 = arith.constant 16 : i32
      %scan3A_88 = arith.addi %scan3A_86, %scan3A_87 : i32
      %scan3A_89 = arith.constant 1 : i32
      scf.for %scan3A_220 = %scan3A_86 to %scan3A_88 step %scan3A_89  : i32 {
        %get3A = arith.index_cast %scan3A_220 : i32 to index
        %get3A_221 = arith.constant 0 : index
        %get3A_222 = tpu.vector_load %arg6[%get3A, %get3A_221] {strides = array<i32>} : memref<16x1024xf32, #tpu.memory_space<vmem>>, vector<1x16xf32>,
        %get3A_223 = vector.shape_cast %get3A_222 : vector<1x16xf32> to vector<16xf32>
        %mul3A_224 = arith.constant 3.200000e+01 : f32
        %mul3A_225 = vector.broadcast %mul3A_224 : f32 to vector<16xf32>
        %mul3A_226 = arith.mulf %get3A_223, %mul3A_225 : vector<16xf32>
        %swap3A = arith.index_cast %scan3A_220 : i32 to index
        %swap3A_227 = arith.constant 0 : index
        %swap3A_228 = tpu.vector_load %arg6[%swap3A, %swap3A_227] {strides = array<i32>} : memref<16x1024xf32, #tpu.memory_space<vmem>>, vector<1x16xf32>,
        %swap3A_229 = vector.shape_cast %swap3A_228 : vector<1x16xf32> to vector<16xf32>
        %swap3A_230 = vector.shape_cast %mul3A_226 : vector<16xf32> to vector<1x16xf32>
        tpu.vector_store %arg6[%swap3A, %swap3A_227], %swap3A_230 {strides = array<i32>} : memref<16x1024xf32, #tpu.memory_space<vmem>>, vector<1x16xf32>,
        %get3A_231 = arith.index_cast %scan3A_220 : i32 to index
        %get3A_232 = arith.constant 16 : index
        %get3A_233 = tpu.vector_load %arg6[%get3A_231, %get3A_232] {strides = array<i32>} : memref<16x1024xf32, #tpu.memory_space<vmem>>, vector<1x16xf32>,
        %get3A_234 = vector.shape_cast %get3A_233 : vector<1x16xf32> to vector<16xf32>
        %mul3A_235 = arith.constant 3.200000e+01 : f32
        %mul3A_236 = vector.broadcast %mul3A_235 : f32 to vector<16xf32>
        %mul3A_237 = arith.mulf %get3A_234, %mul3A_236 : vector<16xf32>
        %swap3A_238 = arith.index_cast %scan3A_220 : i32 to index
        %swap3A_239 = arith.constant 16 : index
        %swap3A_240 = tpu.vector_load %arg6[%swap3A_238, %swap3A_239] {strides = array<i32>} : memref<16x1024xf32, #tpu.memory_space<vmem>>, vector<1x16xf32>,
        %swap3A_241 = vector.shape_cast %swap3A_240 : vector<1x16xf32> to vector<16xf32>
        %swap3A_242 = vector.shape_cast %mul3A_237 : vector<16xf32> to vector<1x16xf32>
        tpu.vector_store %arg6[%swap3A_238, %swap3A_239], %swap3A_242 {strides = array<i32>} : memref<16x1024xf32, #tpu.memory_space<vmem>>, vector<1x16xf32>,
        %get3A_243 = arith.index_cast %scan3A_220 : i32 to index
        %get3A_244 = arith.constant 32 : index
        %get3A_245 = tpu.vector_load %arg6[%get3A_243, %get3A_244] {strides = array<i32>} : memref<16x1024xf32, #tpu.memory_space<vmem>>, vector<1x16xf32>,
        %get3A_246 = vector.shape_cast %get3A_245 : vector<1x16xf32> to vector<16xf32>
        %mul3A_247 = arith.constant 3.200000e+01 : f32
        %mul3A_248 = vector.broadcast %mul3A_247 : f32 to vector<16xf32>
        %mul3A_249 = arith.mulf %get3A_246, %mul3A_248 : vector<16xf32>
        %swap3A_250 = arith.index_cast %scan3A_220 : i32 to index
        %swap3A_251 = arith.constant 32 : index
        %swap3A_252 = tpu.vector_load %arg6[%swap3A_250, %swap3A_251] {strides = array<i32>} : memref<16x1024xf32, #tpu.memory_space<vmem>>, vector<1x16xf32>,
        %swap3A_253 = vector.shape_cast %swap3A_252 : vector<1x16xf32> to vector<16xf32>
        %swap3A_254 = vector.shape_cast %mul3A_249 : vector<16xf32> to vector<1x16xf32>
        tpu.vector_store %arg6[%swap3A_250, %swap3A_251], %swap3A_254 {strides = array<i32>} : memref<16x1024xf32, #tpu.memory_space<vmem>>, vector<1x16xf32>,
        %get3A_255 = arith.index_cast %scan3A_220 : i32 to index
        %get3A_256 = arith.constant 48 : index
        %get3A_257 = tpu.vector_load %arg6[%get3A_255, %get3A_256] {strides = array<i32>} : memref<16x1024xf32, #tpu.memory_space<vmem>>, vector<1x16xf32>,
        %get3A_258 = vector.shape_cast %get3A_257 : vector<1x16xf32> to vector<16xf32>
        %mul3A_259 = arith.constant 3.200000e+01 : f32
        %mul3A_260 = vector.broadcast %mul3A_259 : f32 to vector<16xf32>
        %mul3A_261 = arith.mulf %get3A_258, %mul3A_260 : vector<16xf32>
        %swap3A_262 = arith.index_cast %scan3A_220 : i32 to index
        %swap3A_263 = arith.constant 48 : index
        %swap3A_264 = tpu.vector_load %arg6[%swap3A_262, %swap3A_263] {strides = array<i32>} : memref<16x1024xf32, #tpu.memory_space<vmem>>, vector<1x16xf32>,
        %swap3A_265 = vector.shape_cast %swap3A_264 : vector<1x16xf32> to vector<16xf32>
        %swap3A_266 = vector.shape_cast %mul3A_261 : vector<16xf32> to vector<1x16xf32>
        tpu.vector_store %arg6[%swap3A_262, %swap3A_263], %swap3A_266 {strides = array<i32>} : memref<16x1024xf32, #tpu.memory_space<vmem>>, vector<1x16xf32>,
        %get3A_267 = arith.index_cast %scan3A_220 : i32 to index
        %get3A_268 = arith.constant 64 : index
        %get3A_269 = tpu.vector_load %arg6[%get3A_267, %get3A_268] {strides = array<i32>} : memref<16x1024xf32, #tpu.memory_space<vmem>>, vector<1x16xf32>,
        %get3A_270 = vector.shape_cast %get3A_269 : vector<1x16xf32> to vector<16xf32>
        %mul3A_271 = arith.constant 3.200000e+01 : f32
        %mul3A_272 = vector.broadcast %mul3A_271 : f32 to vector<16xf32>
        %mul3A_273 = arith.mulf %get3A_270, %mul3A_272 : vector<16xf32>
        %swap3A_274 = arith.index_cast %scan3A_220 : i32 to index
        %swap3A_275 = arith.constant 64 : index
        %swap3A_276 = tpu.vector_load %arg6[%swap3A_274, %swap3A_275] {strides = array<i32>} : memref<16x1024xf32, #tpu.memory_space<vmem>>, vector<1x16xf32>,
        %swap3A_277 = vector.shape_cast %swap3A_276 : vector<1x16xf32> to vector<16xf32>
        %swap3A_278 = vector.shape_cast %mul3A_273 : vector<16xf32> to vector<1x16xf32>
        tpu.vector_store %arg6[%swap3A_274, %swap3A_275], %swap3A_278 {strides = array<i32>} : memref<16x1024xf32, #tpu.memory_space<vmem>>, vector<1x16xf32>,
        %get3A_279 = arith.index_cast %scan3A_220 : i32 to index
        %get3A_280 = arith.constant 80 : index
        %get3A_281 = tpu.vector_load %arg6[%get3A_279, %get3A_280] {strides = array<i32>} : memref<16x1024xf32, #tpu.memory_space<vmem>>, vector<1x16xf32>,
        %get3A_282 = vector.shape_cast %get3A_281 : vector<1x16xf32> to vector<16xf32>
        %mul3A_283 = arith.constant 3.200000e+01 : f32
        %mul3A_284 = vector.broadcast %mul3A_283 : f32 to vector<16xf32>
        %mul3A_285 = arith.mulf %get3A_282, %mul3A_284 : vector<16xf32>
        %swap3A_286 = arith.index_cast %scan3A_220 : i32 to index
        %swap3A_287 = arith.constant 80 : index
        %swap3A_288 = tpu.vector_load %arg6[%swap3A_286, %swap3A_287] {strides = array<i32>} : memref<16x1024xf32, #tpu.memory_space<vmem>>, vector<1x16xf32>,
        %swap3A_289 = vector.shape_cast %swap3A_288 : vector<1x16xf32> to vector<16xf32>
        %swap3A_290 = vector.shape_cast %mul3A_285 : vector<16xf32> to vector<1x16xf32>
        tpu.vector_store %arg6[%swap3A_286, %swap3A_287], %swap3A_290 {strides = array<i32>} : memref<16x1024xf32, #tpu.memory_space<vmem>>, vector<1x16xf32>,
        %get3A_291 = arith.index_cast %scan3A_220 : i32 to index
        %get3A_292 = arith.constant 96 : index
        %get3A_293 = tpu.vector_load %arg6[%get3A_291, %get3A_292] {strides = array<i32>} : memref<16x1024xf32, #tpu.memory_space<vmem>>, vector<1x16xf32>,
        %get3A_294 = vector.shape_cast %get3A_293 : vector<1x16xf32> to vector<16xf32>
        %mul3A_295 = arith.constant 3.200000e+01 : f32
        %mul3A_296 = vector.broadcast %mul3A_295 : f32 to vector<16xf32>
        %mul3A_297 = arith.mulf %get3A_294, %mul3A_296 : vector<16xf32>
        %swap3A_298 = arith.index_cast %scan3A_220 : i32 to index
        %swap3A_299 = arith.constant 96 : index
        %swap3A_300 = tpu.vector_load %arg6[%swap3A_298, %swap3A_299] {strides = array<i32>} : memref<16x1024xf32, #tpu.memory_space<vmem>>, vector<1x16xf32>,
        %swap3A_301 = vector.shape_cast %swap3A_300 : vector<1x16xf32> to vector<16xf32>
        %swap3A_302 = vector.shape_cast %mul3A_297 : vector<16xf32> to vector<1x16xf32>
        tpu.vector_store %arg6[%swap3A_298, %swap3A_299], %swap3A_302 {strides = array<i32>} : memref<16x1024xf32, #tpu.memory_space<vmem>>, vector<1x16xf32>,
        %get3A_303 = arith.index_cast %scan3A_220 : i32 to index
        %get3A_304 = arith.constant 112 : index
        %get3A_305 = tpu.vector_load %arg6[%get3A_303, %get3A_304] {strides = array<i32>} : memref<16x1024xf32, #tpu.memory_space<vmem>>, vector<1x16xf32>,
        %get3A_306 = vector.shape_cast %get3A_305 : vector<1x16xf32> to vector<16xf32>
        %mul3A_307 = arith.constant 3.200000e+01 : f32
        %mul3A_308 = vector.broadcast %mul3A_307 : f32 to vector<16xf32>
        %mul3A_309 = arith.mulf %get3A_306, %mul3A_308 : vector<16xf32>
        %swap3A_310 = arith.index_cast %scan3A_220 : i32 to index
        %swap3A_311 = arith.constant 112 : index
        %swap3A_312 = tpu.vector_load %arg6[%swap3A_310, %swap3A_311] {strides = array<i32>} : memref<16x1024xf32, #tpu.memory_space<vmem>>, vector<1x16xf32>,
        %swap3A_313 = vector.shape_cast %swap3A_312 : vector<1x16xf32> to vector<16xf32>
        %swap3A_314 = vector.shape_cast %mul3A_309 : vector<16xf32> to vector<1x16xf32>
        tpu.vector_store %arg6[%swap3A_310, %swap3A_311], %swap3A_314 {strides = array<i32>} : memref<16x1024xf32, #tpu.memory_space<vmem>>, vector<1x16xf32>,
        %get3A_315 = arith.index_cast %scan3A_220 : i32 to index
        %get3A_316 = arith.constant 128 : index
        %get3A_317 = tpu.vector_load %arg6[%get3A_315, %get3A_316] {strides = array<i32>} : memref<16x1024xf32, #tpu.memory_space<vmem>>, vector<1x16xf32>,
        %get3A_318 = vector.shape_cast %get3A_317 : vector<1x16xf32> to vector<16xf32>
        %mul3A_319 = arith.constant 3.200000e+01 : f32
        %mul3A_320 = vector.broadcast %mul3A_319 : f32 to vector<16xf32>
        %mul3A_321 = arith.mulf %get3A_318, %mul3A_320 : vector<16xf32>
        %swap3A_322 = arith.index_cast %scan3A_220 : i32 to index
        %swap3A_323 = arith.constant 128 : index
        %swap3A_324 = tpu.vector_load %arg6[%swap3A_322, %swap3A_323] {strides = array<i32>} : memref<16x1024xf32, #tpu.memory_space<vmem>>, vector<1x16xf32>,
        %swap3A_325 = vector.shape_cast %swap3A_324 : vector<1x16xf32> to vector<16xf32>
        %swap3A_326 = vector.shape_cast %mul3A_321 : vector<16xf32> to vector<1x16xf32>
        tpu.vector_store %arg6[%swap3A_322, %swap3A_323], %swap3A_326 {strides = array<i32>} : memref<16x1024xf32, #tpu.memory_space<vmem>>, vector<1x16xf32>,
        %get3A_327 = arith.index_cast %scan3A_220 : i32 to index
        %get3A_328 = arith.constant 144 : index
        %get3A_329 = tpu.vector_load %arg6[%get3A_327, %get3A_328] {strides = array<i32>} : memref<16x1024xf32, #tpu.memory_space<vmem>>, vector<1x16xf32>,
        %get3A_330 = vector.shape_cast %get3A_329 : vector<1x16xf32> to vector<16xf32>
        %mul3A_331 = arith.constant 3.200000e+01 : f32
        %mul3A_332 = vector.broadcast %mul3A_331 : f32 to vector<16xf32>
        %mul3A_333 = arith.mulf %get3A_330, %mul3A_332 : vector<16xf32>
        %swap3A_334 = arith.index_cast %scan3A_220 : i32 to index
        %swap3A_335 = arith.constant 144 : index
        %swap3A_336 = tpu.vector_load %arg6[%swap3A_334, %swap3A_335] {strides = array<i32>} : memref<16x1024xf32, #tpu.memory_space<vmem>>, vector<1x16xf32>,
        %swap3A_337 = vector.shape_cast %swap3A_336 : vector<1x16xf32> to vector<16xf32>
        %swap3A_338 = vector.shape_cast %mul3A_333 : vector<16xf32> to vector<1x16xf32>
        tpu.vector_store %arg6[%swap3A_334, %swap3A_335], %swap3A_338 {strides = array<i32>} : memref<16x1024xf32, #tpu.memory_space<vmem>>, vector<1x16xf32>,
        %get3A_339 = arith.index_cast %scan3A_220 : i32 to index
        %get3A_340 = arith.constant 160 : index
        %get3A_341 = tpu.vector_load %arg6[%get3A_339, %get3A_340] {strides = array<i32>} : memref<16x1024xf32, #tpu.memory_space<vmem>>, vector<1x16xf32>,
        %get3A_342 = vector.shape_cast %get3A_341 : vector<1x16xf32> to vector<16xf32>
        %mul3A_343 = arith.constant 3.200000e+01 : f32
        %mul3A_344 = vector.broadcast %mul3A_343 : f32 to vector<16xf32>
        %mul3A_345 = arith.mulf %get3A_342, %mul3A_344 : vector<16xf32>
        %swap3A_346 = arith.index_cast %scan3A_220 : i32 to index
        %swap3A_347 = arith.constant 160 : index
        %swap3A_348 = tpu.vector_load %arg6[%swap3A_346, %swap3A_347] {strides = array<i32>} : memref<16x1024xf32, #tpu.memory_space<vmem>>, vector<1x16xf32>,
        %swap3A_349 = vector.shape_cast %swap3A_348 : vector<1x16xf32> to vector<16xf32>
        %swap3A_350 = vector.shape_cast %mul3A_345 : vector<16xf32> to vector<1x16xf32>
        tpu.vector_store %arg6[%swap3A_346, %swap3A_347], %swap3A_350 {strides = array<i32>} : memref<16x1024xf32, #tpu.memory_space<vmem>>, vector<1x16xf32>,
        %get3A_351 = arith.index_cast %scan3A_220 : i32 to index
        %get3A_352 = arith.constant 176 : index
        %get3A_353 = tpu.vector_load %arg6[%get3A_351, %get3A_352] {strides = array<i32>} : memref<16x1024xf32, #tpu.memory_space<vmem>>, vector<1x16xf32>,
        %get3A_354 = vector.shape_cast %get3A_353 : vector<1x16xf32> to vector<16xf32>
        %mul3A_355 = arith.constant 3.200000e+01 : f32
        %mul3A_356 = vector.broadcast %mul3A_355 : f32 to vector<16xf32>
        %mul3A_357 = arith.mulf %get3A_354, %mul3A_356 : vector<16xf32>
        %swap3A_358 = arith.index_cast %scan3A_220 : i32 to index
        %swap3A_359 = arith.constant 176 : index
        %swap3A_360 = tpu.vector_load %arg6[%swap3A_358, %swap3A_359] {strides = array<i32>} : memref<16x1024xf32, #tpu.memory_space<vmem>>, vector<1x16xf32>,
        %swap3A_361 = vector.shape_cast %swap3A_360 : vector<1x16xf32> to vector<16xf32>
        %swap3A_362 = vector.shape_cast %mul3A_357 : vector<16xf32> to vector<1x16xf32>
        tpu.vector_store %arg6[%swap3A_358, %swap3A_359], %swap3A_362 {strides = array<i32>} : memref<16x1024xf32, #tpu.memory_space<vmem>>, vector<1x16xf32>,
        %get3A_363 = arith.index_cast %scan3A_220 : i32 to index
        %get3A_364 = arith.constant 192 : index
        %get3A_365 = tpu.vector_load %arg6[%get3A_363, %get3A_364] {strides = array<i32>} : memref<16x1024xf32, #tpu.memory_space<vmem>>, vector<1x16xf32>,
        %get3A_366 = vector.shape_cast %get3A_365 : vector<1x16xf32> to vector<16xf32>
        %mul3A_367 = arith.constant 3.200000e+01 : f32
        %mul3A_368 = vector.broadcast %mul3A_367 : f32 to vector<16xf32>
        %mul3A_369 = arith.mulf %get3A_366, %mul3A_368 : vector<16xf32>
        %swap3A_370 = arith.index_cast %scan3A_220 : i32 to index
        %swap3A_371 = arith.constant 192 : index
        %swap3A_372 = tpu.vector_load %arg6[%swap3A_370, %swap3A_371] {strides = array<i32>} : memref<16x1024xf32, #tpu.memory_space<vmem>>, vector<1x16xf32>,
        %swap3A_373 = vector.shape_cast %swap3A_372 : vector<1x16xf32> to vector<16xf32>
        %swap3A_374 = vector.shape_cast %mul3A_369 : vector<16xf32> to vector<1x16xf32>
        tpu.vector_store %arg6[%swap3A_370, %swap3A_371], %swap3A_374 {strides = array<i32>} : memref<16x1024xf32, #tpu.memory_space<vmem>>, vector<1x16xf32>,
        %get3A_375 = arith.index_cast %scan3A_220 : i32 to index
        %get3A_376 = arith.constant 208 : index
        %get3A_377 = tpu.vector_load %arg6[%get3A_375, %get3A_376] {strides = array<i32>} : memref<16x1024xf32, #tpu.memory_space<vmem>>, vector<1x16xf32>,
        %get3A_378 = vector.shape_cast %get3A_377 : vector<1x16xf32> to vector<16xf32>
        %mul3A_379 = arith.constant 3.200000e+01 : f32
        %mul3A_380 = vector.broadcast %mul3A_379 : f32 to vector<16xf32>
        %mul3A_381 = arith.mulf %get3A_378, %mul3A_380 : vector<16xf32>
        %swap3A_382 = arith.index_cast %scan3A_220 : i32 to index
        %swap3A_383 = arith.constant 208 : index
        %swap3A_384 = tpu.vector_load %arg6[%swap3A_382, %swap3A_383] {strides = array<i32>} : memref<16x1024xf32, #tpu.memory_space<vmem>>, vector<1x16xf32>,
        %swap3A_385 = vector.shape_cast %swap3A_384 : vector<1x16xf32> to vector<16xf32>
        %swap3A_386 = vector.shape_cast %mul3A_381 : vector<16xf32> to vector<1x16xf32>
        tpu.vector_store %arg6[%swap3A_382, %swap3A_383], %swap3A_386 {strides = array<i32>} : memref<16x1024xf32, #tpu.memory_space<vmem>>, vector<1x16xf32>,
        %get3A_387 = arith.index_cast %scan3A_220 : i32 to index
        %get3A_388 = arith.constant 224 : index
        %get3A_389 = tpu.vector_load %arg6[%get3A_387, %get3A_388] {strides = array<i32>} : memref<16x1024xf32, #tpu.memory_space<vmem>>, vector<1x16xf32>,
        %get3A_390 = vector.shape_cast %get3A_389 : vector<1x16xf32> to vector<16xf32>
        %mul3A_391 = arith.constant 3.200000e+01 : f32
        %mul3A_392 = vector.broadcast %mul3A_391 : f32 to vector<16xf32>
        %mul3A_393 = arith.mulf %get3A_390, %mul3A_392 : vector<16xf32>
        %swap3A_394 = arith.index_cast %scan3A_220 : i32 to index
        %swap3A_395 = arith.constant 224 : index
        %swap3A_396 = tpu.vector_load %arg6[%swap3A_394, %swap3A_395] {strides = array<i32>} : memref<16x1024xf32, #tpu.memory_space<vmem>>, vector<1x16xf32>,
        %swap3A_397 = vector.shape_cast %swap3A_396 : vector<1x16xf32> to vector<16xf32>
        %swap3A_398 = vector.shape_cast %mul3A_393 : vector<16xf32> to vector<1x16xf32>
        tpu.vector_store %arg6[%swap3A_394, %swap3A_395], %swap3A_398 {strides = array<i32>} : memref<16x1024xf32, #tpu.memory_space<vmem>>, vector<1x16xf32>,
        %get3A_399 = arith.index_cast %scan3A_220 : i32 to index
        %get3A_400 = arith.constant 240 : index
        %get3A_401 = tpu.vector_load %arg6[%get3A_399, %get3A_400] {strides = array<i32>} : memref<16x1024xf32, #tpu.memory_space<vmem>>, vector<1x16xf32>,
        %get3A_402 = vector.shape_cast %get3A_401 : vector<1x16xf32> to vector<16xf32>
        %mul3A_403 = arith.constant 3.200000e+01 : f32
        %mul3A_404 = vector.broadcast %mul3A_403 : f32 to vector<16xf32>
        %mul3A_405 = arith.mulf %get3A_402, %mul3A_404 : vector<16xf32>
        %swap3A_406 = arith.index_cast %scan3A_220 : i32 to index
        %swap3A_407 = arith.constant 240 : index
        %swap3A_408 = tpu.vector_load %arg6[%swap3A_406, %swap3A_407] {strides = array<i32>} : memref<16x1024xf32, #tpu.memory_space<vmem>>, vector<1x16xf32>,
        %swap3A_409 = vector.shape_cast %swap3A_408 : vector<1x16xf32> to vector<16xf32>
        %swap3A_410 = vector.shape_cast %mul3A_405 : vector<16xf32> to vector<1x16xf32>
        tpu.vector_store %arg6[%swap3A_406, %swap3A_407], %swap3A_410 {strides = array<i32>} : memref<16x1024xf32, #tpu.memory_space<vmem>>, vector<1x16xf32>,
        %get3A_411 = arith.index_cast %scan3A_220 : i32 to index
        %get3A_412 = arith.constant 256 : index
        %get3A_413 = tpu.vector_load %arg6[%get3A_411, %get3A_412] {strides = array<i32>} : memref<16x1024xf32, #tpu.memory_space<vmem>>, vector<1x16xf32>,
        %get3A_414 = vector.shape_cast %get3A_413 : vector<1x16xf32> to vector<16xf32>
        %mul3A_415 = arith.constant 3.200000e+01 : f32
        %mul3A_416 = vector.broadcast %mul3A_415 : f32 to vector<16xf32>
        %mul3A_417 = arith.mulf %get3A_414, %mul3A_416 : vector<16xf32>
        %swap3A_418 = arith.index_cast %scan3A_220 : i32 to index
        %swap3A_419 = arith.constant 256 : index
        %swap3A_420 = tpu.vector_load %arg6[%swap3A_418, %swap3A_419] {strides = array<i32>} : memref<16x1024xf32, #tpu.memory_space<vmem>>, vector<1x16xf32>,
        %swap3A_421 = vector.shape_cast %swap3A_420 : vector<1x16xf32> to vector<16xf32>
        %swap3A_422 = vector.shape_cast %mul3A_417 : vector<16xf32> to vector<1x16xf32>
        tpu.vector_store %arg6[%swap3A_418, %swap3A_419], %swap3A_422 {strides = array<i32>} : memref<16x1024xf32, #tpu.memory_space<vmem>>, vector<1x16xf32>,
        %get3A_423 = arith.index_cast %scan3A_220 : i32 to index
        %get3A_424 = arith.constant 272 : index
        %get3A_425 = tpu.vector_load %arg6[%get3A_423, %get3A_424] {strides = array<i32>} : memref<16x1024xf32, #tpu.memory_space<vmem>>, vector<1x16xf32>,
        %get3A_426 = vector.shape_cast %get3A_425 : vector<1x16xf32> to vector<16xf32>
        %mul3A_427 = arith.constant 3.200000e+01 : f32
        %mul3A_428 = vector.broadcast %mul3A_427 : f32 to vector<16xf32>
        %mul3A_429 = arith.mulf %get3A_426, %mul3A_428 : vector<16xf32>
        %swap3A_430 = arith.index_cast %scan3A_220 : i32 to index
        %swap3A_431 = arith.constant 272 : index
        %swap3A_432 = tpu.vector_load %arg6[%swap3A_430, %swap3A_431] {strides = array<i32>} : memref<16x1024xf32, #tpu.memory_space<vmem>>, vector<1x16xf32>,
        %swap3A_433 = vector.shape_cast %swap3A_432 : vector<1x16xf32> to vector<16xf32>
        %swap3A_434 = vector.shape_cast %mul3A_429 : vector<16xf32> to vector<1x16xf32>
        tpu.vector_store %arg6[%swap3A_430, %swap3A_431], %swap3A_434 {strides = array<i32>} : memref<16x1024xf32, #tpu.memory_space<vmem>>, vector<1x16xf32>,
        %get3A_435 = arith.index_cast %scan3A_220 : i32 to index
        %get3A_436 = arith.constant 288 : index
        %get3A_437 = tpu.vector_load %arg6[%get3A_435, %get3A_436] {strides = array<i32>} : memref<16x1024xf32, #tpu.memory_space<vmem>>, vector<1x16xf32>,
        %get3A_438 = vector.shape_cast %get3A_437 : vector<1x16xf32> to vector<16xf32>
        %mul3A_439 = arith.constant 3.200000e+01 : f32
        %mul3A_440 = vector.broadcast %mul3A_439 : f32 to vector<16xf32>
        %mul3A_441 = arith.mulf %get3A_438, %mul3A_440 : vector<16xf32>
        %swap3A_442 = arith.index_cast %scan3A_220 : i32 to index
        %swap3A_443 = arith.constant 288 : index
        %swap3A_444 = tpu.vector_load %arg6[%swap3A_442, %swap3A_443] {strides = array<i32>} : memref<16x1024xf32, #tpu.memory_space<vmem>>, vector<1x16xf32>,
        %swap3A_445 = vector.shape_cast %swap3A_444 : vector<1x16xf32> to vector<16xf32>
        %swap3A_446 = vector.shape_cast %mul3A_441 : vector<16xf32> to vector<1x16xf32>
        tpu.vector_store %arg6[%swap3A_442, %swap3A_443], %swap3A_446 {strides = array<i32>} : memref<16x1024xf32, #tpu.memory_space<vmem>>, vector<1x16xf32>,
        %get3A_447 = arith.index_cast %scan3A_220 : i32 to index
        %get3A_448 = arith.constant 304 : index
        %get3A_449 = tpu.vector_load %arg6[%get3A_447, %get3A_448] {strides = array<i32>} : memref<16x1024xf32, #tpu.memory_space<vmem>>, vector<1x16xf32>,
        %get3A_450 = vector.shape_cast %get3A_449 : vector<1x16xf32> to vector<16xf32>
        %mul3A_451 = arith.constant 3.200000e+01 : f32
        %mul3A_452 = vector.broadcast %mul3A_451 : f32 to vector<16xf32>
        %mul3A_453 = arith.mulf %get3A_450, %mul3A_452 : vector<16xf32>
        %swap3A_454 = arith.index_cast %scan3A_220 : i32 to index
        %swap3A_455 = arith.constant 304 : index
        %swap3A_456 = tpu.vector_load %arg6[%swap3A_454, %swap3A_455] {strides = array<i32>} : memref<16x1024xf32, #tpu.memory_space<vmem>>, vector<1x16xf32>,
        %swap3A_457 = vector.shape_cast %swap3A_456 : vector<1x16xf32> to vector<16xf32>
        %swap3A_458 = vector.shape_cast %mul3A_453 : vector<16xf32> to vector<1x16xf32>
        tpu.vector_store %arg6[%swap3A_454, %swap3A_455], %swap3A_458 {strides = array<i32>} : memref<16x1024xf32, #tpu.memory_space<vmem>>, vector<1x16xf32>,
        %get3A_459 = arith.index_cast %scan3A_220 : i32 to index
        %get3A_460 = arith.constant 320 : index
        %get3A_461 = tpu.vector_load %arg6[%get3A_459, %get3A_460] {strides = array<i32>} : memref<16x1024xf32, #tpu.memory_space<vmem>>, vector<1x16xf32>,
        %get3A_462 = vector.shape_cast %get3A_461 : vector<1x16xf32> to vector<16xf32>
        %mul3A_463 = arith.constant 3.200000e+01 : f32
        %mul3A_464 = vector.broadcast %mul3A_463 : f32 to vector<16xf32>
        %mul3A_465 = arith.mulf %get3A_462, %mul3A_464 : vector<16xf32>
        %swap3A_466 = arith.index_cast %scan3A_220 : i32 to index
        %swap3A_467 = arith.constant 320 : index
        %swap3A_468 = tpu.vector_load %arg6[%swap3A_466, %swap3A_467] {strides = array<i32>} : memref<16x1024xf32, #tpu.memory_space<vmem>>, vector<1x16xf32>,
        %swap3A_469 = vector.shape_cast %swap3A_468 : vector<1x16xf32> to vector<16xf32>
        %swap3A_470 = vector.shape_cast %mul3A_465 : vector<16xf32> to vector<1x16xf32>
        tpu.vector_store %arg6[%swap3A_466, %swap3A_467], %swap3A_470 {strides = array<i32>} : memref<16x1024xf32, #tpu.memory_space<vmem>>, vector<1x16xf32>,
        %get3A_471 = arith.index_cast %scan3A_220 : i32 to index
        %get3A_472 = arith.constant 336 : index
        %get3A_473 = tpu.vector_load %arg6[%get3A_471, %get3A_472] {strides = array<i32>} : memref<16x1024xf32, #tpu.memory_space<vmem>>, vector<1x16xf32>,
        %get3A_474 = vector.shape_cast %get3A_473 : vector<1x16xf32> to vector<16xf32>
        %mul3A_475 = arith.constant 3.200000e+01 : f32
        %mul3A_476 = vector.broadcast %mul3A_475 : f32 to vector<16xf32>
        %mul3A_477 = arith.mulf %get3A_474, %mul3A_476 : vector<16xf32>
        %swap3A_478 = arith.index_cast %scan3A_220 : i32 to index
        %swap3A_479 = arith.constant 336 : index
        %swap3A_480 = tpu.vector_load %arg6[%swap3A_478, %swap3A_479] {strides = array<i32>} : memref<16x1024xf32, #tpu.memory_space<vmem>>, vector<1x16xf32>,
        %swap3A_481 = vector.shape_cast %swap3A_480 : vector<1x16xf32> to vector<16xf32>
        %swap3A_482 = vector.shape_cast %mul3A_477 : vector<16xf32> to vector<1x16xf32>
        tpu.vector_store %arg6[%swap3A_478, %swap3A_479], %swap3A_482 {strides = array<i32>} : memref<16x1024xf32, #tpu.memory_space<vmem>>, vector<1x16xf32>,
        %get3A_483 = arith.index_cast %scan3A_220 : i32 to index
        %get3A_484 = arith.constant 352 : index
        %get3A_485 = tpu.vector_load %arg6[%get3A_483, %get3A_484] {strides = array<i32>} : memref<16x1024xf32, #tpu.memory_space<vmem>>, vector<1x16xf32>,
        %get3A_486 = vector.shape_cast %get3A_485 : vector<1x16xf32> to vector<16xf32>
        %mul3A_487 = arith.constant 3.200000e+01 : f32
        %mul3A_488 = vector.broadcast %mul3A_487 : f32 to vector<16xf32>
        %mul3A_489 = arith.mulf %get3A_486, %mul3A_488 : vector<16xf32>
        %swap3A_490 = arith.index_cast %scan3A_220 : i32 to index
        %swap3A_491 = arith.constant 352 : index
        %swap3A_492 = tpu.vector_load %arg6[%swap3A_490, %swap3A_491] {strides = array<i32>} : memref<16x1024xf32, #tpu.memory_space<vmem>>, vector<1x16xf32>,
        %swap3A_493 = vector.shape_cast %swap3A_492 : vector<1x16xf32> to vector<16xf32>
        %swap3A_494 = vector.shape_cast %mul3A_489 : vector<16xf32> to vector<1x16xf32>
        tpu.vector_store %arg6[%swap3A_490, %swap3A_491], %swap3A_494 {strides = array<i32>} : memref<16x1024xf32, #tpu.memory_space<vmem>>, vector<1x16xf32>,
        %get3A_495 = arith.index_cast %scan3A_220 : i32 to index
        %get3A_496 = arith.constant 368 : index
        %get3A_497 = tpu.vector_load %arg6[%get3A_495, %get3A_496] {strides = array<i32>} : memref<16x1024xf32, #tpu.memory_space<vmem>>, vector<1x16xf32>,
        %get3A_498 = vector.shape_cast %get3A_497 : vector<1x16xf32> to vector<16xf32>
        %mul3A_499 = arith.constant 3.200000e+01 : f32
        %mul3A_500 = vector.broadcast %mul3A_499 : f32 to vector<16xf32>
        %mul3A_501 = arith.mulf %get3A_498, %mul3A_500 : vector<16xf32>
        %swap3A_502 = arith.index_cast %scan3A_220 : i32 to index
        %swap3A_503 = arith.constant 368 : index
        %swap3A_504 = tpu.vector_load %arg6[%swap3A_502, %swap3A_503] {strides = array<i32>} : memref<16x1024xf32, #tpu.memory_space<vmem>>, vector<1x16xf32>,
        %swap3A_505 = vector.shape_cast %swap3A_504 : vector<1x16xf32> to vector<16xf32>
        %swap3A_506 = vector.shape_cast %mul3A_501 : vector<16xf32> to vector<1x16xf32>
        tpu.vector_store %arg6[%swap3A_502, %swap3A_503], %swap3A_506 {strides = array<i32>} : memref<16x1024xf32, #tpu.memory_space<vmem>>, vector<1x16xf32>,
        %get3A_507 = arith.index_cast %scan3A_220 : i32 to index
        %get3A_508 = arith.constant 384 : index
        %get3A_509 = tpu.vector_load %arg6[%get3A_507, %get3A_508] {strides = array<i32>} : memref<16x1024xf32, #tpu.memory_space<vmem>>, vector<1x16xf32>,
        %get3A_510 = vector.shape_cast %get3A_509 : vector<1x16xf32> to vector<16xf32>
        %mul3A_511 = arith.constant 3.200000e+01 : f32
        %mul3A_512 = vector.broadcast %mul3A_511 : f32 to vector<16xf32>
        %mul3A_513 = arith.mulf %get3A_510, %mul3A_512 : vector<16xf32>
        %swap3A_514 = arith.index_cast %scan3A_220 : i32 to index
        %swap3A_515 = arith.constant 384 : index
        %swap3A_516 = tpu.vector_load %arg6[%swap3A_514, %swap3A_515] {strides = array<i32>} : memref<16x1024xf32, #tpu.memory_space<vmem>>, vector<1x16xf32>,
        %swap3A_517 = vector.shape_cast %swap3A_516 : vector<1x16xf32> to vector<16xf32>
        %swap3A_518 = vector.shape_cast %mul3A_513 : vector<16xf32> to vector<1x16xf32>
        tpu.vector_store %arg6[%swap3A_514, %swap3A_515], %swap3A_518 {strides = array<i32>} : memref<16x1024xf32, #tpu.memory_space<vmem>>, vector<1x16xf32>,
        %get3A_519 = arith.index_cast %scan3A_220 : i32 to index
        %get3A_520 = arith.constant 400 : index
        %get3A_521 = tpu.vector_load %arg6[%get3A_519, %get3A_520] {strides = array<i32>} : memref<16x1024xf32, #tpu.memory_space<vmem>>, vector<1x16xf32>,
        %get3A_522 = vector.shape_cast %get3A_521 : vector<1x16xf32> to vector<16xf32>
        %mul3A_523 = arith.constant 3.200000e+01 : f32
        %mul3A_524 = vector.broadcast %mul3A_523 : f32 to vector<16xf32>
        %mul3A_525 = arith.mulf %get3A_522, %mul3A_524 : vector<16xf32>
        %swap3A_526 = arith.index_cast %scan3A_220 : i32 to index
        %swap3A_527 = arith.constant 400 : index
        %swap3A_528 = tpu.vector_load %arg6[%swap3A_526, %swap3A_527] {strides = array<i32>} : memref<16x1024xf32, #tpu.memory_space<vmem>>, vector<1x16xf32>,
        %swap3A_529 = vector.shape_cast %swap3A_528 : vector<1x16xf32> to vector<16xf32>
        %swap3A_530 = vector.shape_cast %mul3A_525 : vector<16xf32> to vector<1x16xf32>
        tpu.vector_store %arg6[%swap3A_526, %swap3A_527], %swap3A_530 {strides = array<i32>} : memref<16x1024xf32, #tpu.memory_space<vmem>>, vector<1x16xf32>,
        %get3A_531 = arith.index_cast %scan3A_220 : i32 to index
        %get3A_532 = arith.constant 416 : index
        %get3A_533 = tpu.vector_load %arg6[%get3A_531, %get3A_532] {strides = array<i32>} : memref<16x1024xf32, #tpu.memory_space<vmem>>, vector<1x16xf32>,
        %get3A_534 = vector.shape_cast %get3A_533 : vector<1x16xf32> to vector<16xf32>
        %mul3A_535 = arith.constant 3.200000e+01 : f32
        %mul3A_536 = vector.broadcast %mul3A_535 : f32 to vector<16xf32>
        %mul3A_537 = arith.mulf %get3A_534, %mul3A_536 : vector<16xf32>
        %swap3A_538 = arith.index_cast %scan3A_220 : i32 to index
        %swap3A_539 = arith.constant 416 : index
        %swap3A_540 = tpu.vector_load %arg6[%swap3A_538, %swap3A_539] {strides = array<i32>} : memref<16x1024xf32, #tpu.memory_space<vmem>>, vector<1x16xf32>,
        %swap3A_541 = vector.shape_cast %swap3A_540 : vector<1x16xf32> to vector<16xf32>
        %swap3A_542 = vector.shape_cast %mul3A_537 : vector<16xf32> to vector<1x16xf32>
        tpu.vector_store %arg6[%swap3A_538, %swap3A_539], %swap3A_542 {strides = array<i32>} : memref<16x1024xf32, #tpu.memory_space<vmem>>, vector<1x16xf32>,
        %get3A_543 = arith.index_cast %scan3A_220 : i32 to index
        %get3A_544 = arith.constant 432 : index
        %get3A_545 = tpu.vector_load %arg6[%get3A_543, %get3A_544] {strides = array<i32>} : memref<16x1024xf32, #tpu.memory_space<vmem>>, vector<1x16xf32>,
        %get3A_546 = vector.shape_cast %get3A_545 : vector<1x16xf32> to vector<16xf32>
        %mul3A_547 = arith.constant 3.200000e+01 : f32
        %mul3A_548 = vector.broadcast %mul3A_547 : f32 to vector<16xf32>
        %mul3A_549 = arith.mulf %get3A_546, %mul3A_548 : vector<16xf32>
        %swap3A_550 = arith.index_cast %scan3A_220 : i32 to index
        %swap3A_551 = arith.constant 432 : index
        %swap3A_552 = tpu.vector_load %arg6[%swap3A_550, %swap3A_551] {strides = array<i32>} : memref<16x1024xf32, #tpu.memory_space<vmem>>, vector<1x16xf32>,
        %swap3A_553 = vector.shape_cast %swap3A_552 : vector<1x16xf32> to vector<16xf32>
        %swap3A_554 = vector.shape_cast %mul3A_549 : vector<16xf32> to vector<1x16xf32>
        tpu.vector_store %arg6[%swap3A_550, %swap3A_551], %swap3A_554 {strides = array<i32>} : memref<16x1024xf32, #tpu.memory_space<vmem>>, vector<1x16xf32>,
        %get3A_555 = arith.index_cast %scan3A_220 : i32 to index
        %get3A_556 = arith.constant 448 : index
        %get3A_557 = tpu.vector_load %arg6[%get3A_555, %get3A_556] {strides = array<i32>} : memref<16x1024xf32, #tpu.memory_space<vmem>>, vector<1x16xf32>,
        %get3A_558 = vector.shape_cast %get3A_557 : vector<1x16xf32> to vector<16xf32>
        %mul3A_559 = arith.constant 3.200000e+01 : f32
        %mul3A_560 = vector.broadcast %mul3A_559 : f32 to vector<16xf32>
        %mul3A_561 = arith.mulf %get3A_558, %mul3A_560 : vector<16xf32>
        %swap3A_562 = arith.index_cast %scan3A_220 : i32 to index
        %swap3A_563 = arith.constant 448 : index
        %swap3A_564 = tpu.vector_load %arg6[%swap3A_562, %swap3A_563] {strides = array<i32>} : memref<16x1024xf32, #tpu.memory_space<vmem>>, vector<1x16xf32>,
        %swap3A_565 = vector.shape_cast %swap3A_564 : vector<1x16xf32> to vector<16xf32>
        %swap3A_566 = vector.shape_cast %mul3A_561 : vector<16xf32> to vector<1x16xf32>
        tpu.vector_store %arg6[%swap3A_562, %swap3A_563], %swap3A_566 {strides = array<i32>} : memref<16x1024xf32, #tpu.memory_space<vmem>>, vector<1x16xf32>,
        %get3A_567 = arith.index_cast %scan3A_220 : i32 to index
        %get3A_568 = arith.constant 464 : index
        %get3A_569 = tpu.vector_load %arg6[%get3A_567, %get3A_568] {strides = array<i32>} : memref<16x1024xf32, #tpu.memory_space<vmem>>, vector<1x16xf32>,
        %get3A_570 = vector.shape_cast %get3A_569 : vector<1x16xf32> to vector<16xf32>
        %mul3A_571 = arith.constant 3.200000e+01 : f32
        %mul3A_572 = vector.broadcast %mul3A_571 : f32 to vector<16xf32>
        %mul3A_573 = arith.mulf %get3A_570, %mul3A_572 : vector<16xf32>
        %swap3A_574 = arith.index_cast %scan3A_220 : i32 to index
        %swap3A_575 = arith.constant 464 : index
        %swap3A_576 = tpu.vector_load %arg6[%swap3A_574, %swap3A_575] {strides = array<i32>} : memref<16x1024xf32, #tpu.memory_space<vmem>>, vector<1x16xf32>,
        %swap3A_577 = vector.shape_cast %swap3A_576 : vector<1x16xf32> to vector<16xf32>
        %swap3A_578 = vector.shape_cast %mul3A_573 : vector<16xf32> to vector<1x16xf32>
        tpu.vector_store %arg6[%swap3A_574, %swap3A_575], %swap3A_578 {strides = array<i32>} : memref<16x1024xf32, #tpu.memory_space<vmem>>, vector<1x16xf32>,
        %get3A_579 = arith.index_cast %scan3A_220 : i32 to index
        %get3A_580 = arith.constant 480 : index
        %get3A_581 = tpu.vector_load %arg6[%get3A_579, %get3A_580] {strides = array<i32>} : memref<16x1024xf32, #tpu.memory_space<vmem>>, vector<1x16xf32>,
        %get3A_582 = vector.shape_cast %get3A_581 : vector<1x16xf32> to vector<16xf32>
        %mul3A_583 = arith.constant 3.200000e+01 : f32
        %mul3A_584 = vector.broadcast %mul3A_583 : f32 to vector<16xf32>
        %mul3A_585 = arith.mulf %get3A_582, %mul3A_584 : vector<16xf32>
        %swap3A_586 = arith.index_cast %scan3A_220 : i32 to index
        %swap3A_587 = arith.constant 480 : index
        %swap3A_588 = tpu.vector_load %arg6[%swap3A_586, %swap3A_587] {strides = array<i32>} : memref<16x1024xf32, #tpu.memory_space<vmem>>, vector<1x16xf32>,
        %swap3A_589 = vector.shape_cast %swap3A_588 : vector<1x16xf32> to vector<16xf32>
        %swap3A_590 = vector.shape_cast %mul3A_585 : vector<16xf32> to vector<1x16xf32>
        tpu.vector_store %arg6[%swap3A_586, %swap3A_587], %swap3A_590 {strides = array<i32>} : memref<16x1024xf32, #tpu.memory_space<vmem>>, vector<1x16xf32>,
        %get3A_591 = arith.index_cast %scan3A_220 : i32 to index
        %get3A_592 = arith.constant 496 : index
        %get3A_593 = tpu.vector_load %arg6[%get3A_591, %get3A_592] {strides = array<i32>} : memref<16x1024xf32, #tpu.memory_space<vmem>>, vector<1x16xf32>,
        %get3A_594 = vector.shape_cast %get3A_593 : vector<1x16xf32> to vector<16xf32>
        %mul3A_595 = arith.constant 3.200000e+01 : f32
        %mul3A_596 = vector.broadcast %mul3A_595 : f32 to vector<16xf32>
        %mul3A_597 = arith.mulf %get3A_594, %mul3A_596 : vector<16xf32>
        %swap3A_598 = arith.index_cast %scan3A_220 : i32 to index
        %swap3A_599 = arith.constant 496 : index
        %swap3A_600 = tpu.vector_load %arg6[%swap3A_598, %swap3A_599] {strides = array<i32>} : memref<16x1024xf32, #tpu.memory_space<vmem>>, vector<1x16xf32>,
        %swap3A_601 = vector.shape_cast %swap3A_600 : vector<1x16xf32> to vector<16xf32>
        %swap3A_602 = vector.shape_cast %mul3A_597 : vector<16xf32> to vector<1x16xf32>
        tpu.vector_store %arg6[%swap3A_598, %swap3A_599], %swap3A_602 {strides = array<i32>} : memref<16x1024xf32, #tpu.memory_space<vmem>>, vector<1x16xf32>,
        %get3A_603 = arith.index_cast %scan3A_220 : i32 to index
        %get3A_604 = arith.constant 512 : index
        %get3A_605 = tpu.vector_load %arg6[%get3A_603, %get3A_604] {strides = array<i32>} : memref<16x1024xf32, #tpu.memory_space<vmem>>, vector<1x16xf32>,
        %get3A_606 = vector.shape_cast %get3A_605 : vector<1x16xf32> to vector<16xf32>
        %mul3A_607 = arith.constant 3.200000e+01 : f32
        %mul3A_608 = vector.broadcast %mul3A_607 : f32 to vector<16xf32>
        %mul3A_609 = arith.mulf %get3A_606, %mul3A_608 : vector<16xf32>
        %swap3A_610 = arith.index_cast %scan3A_220 : i32 to index
        %swap3A_611 = arith.constant 512 : index
        %swap3A_612 = tpu.vector_load %arg6[%swap3A_610, %swap3A_611] {strides = array<i32>} : memref<16x1024xf32, #tpu.memory_space<vmem>>, vector<1x16xf32>,
        %swap3A_613 = vector.shape_cast %swap3A_612 : vector<1x16xf32> to vector<16xf32>
        %swap3A_614 = vector.shape_cast %mul3A_609 : vector<16xf32> to vector<1x16xf32>
        tpu.vector_store %arg6[%swap3A_610, %swap3A_611], %swap3A_614 {strides = array<i32>} : memref<16x1024xf32, #tpu.memory_space<vmem>>, vector<1x16xf32>,
        %get3A_615 = arith.index_cast %scan3A_220 : i32 to index
        %get3A_616 = arith.constant 528 : index
        %get3A_617 = tpu.vector_load %arg6[%get3A_615, %get3A_616] {strides = array<i32>} : memref<16x1024xf32, #tpu.memory_space<vmem>>, vector<1x16xf32>,
        %get3A_618 = vector.shape_cast %get3A_617 : vector<1x16xf32> to vector<16xf32>
        %mul3A_619 = arith.constant 3.200000e+01 : f32
        %mul3A_620 = vector.broadcast %mul3A_619 : f32 to vector<16xf32>
        %mul3A_621 = arith.mulf %get3A_618, %mul3A_620 : vector<16xf32>
        %swap3A_622 = arith.index_cast %scan3A_220 : i32 to index
        %swap3A_623 = arith.constant 528 : index
        %swap3A_624 = tpu.vector_load %arg6[%swap3A_622, %swap3A_623] {strides = array<i32>} : memref<16x1024xf32, #tpu.memory_space<vmem>>, vector<1x16xf32>,
        %swap3A_625 = vector.shape_cast %swap3A_624 : vector<1x16xf32> to vector<16xf32>
        %swap3A_626 = vector.shape_cast %mul3A_621 : vector<16xf32> to vector<1x16xf32>
        tpu.vector_store %arg6[%swap3A_622, %swap3A_623], %swap3A_626 {strides = array<i32>} : memref<16x1024xf32, #tpu.memory_space<vmem>>, vector<1x16xf32>,
        %get3A_627 = arith.index_cast %scan3A_220 : i32 to index
        %get3A_628 = arith.constant 544 : index
        %get3A_629 = tpu.vector_load %arg6[%get3A_627, %get3A_628] {strides = array<i32>} : memref<16x1024xf32, #tpu.memory_space<vmem>>, vector<1x16xf32>,
        %get3A_630 = vector.shape_cast %get3A_629 : vector<1x16xf32> to vector<16xf32>
        %mul3A_631 = arith.constant 3.200000e+01 : f32
        %mul3A_632 = vector.broadcast %mul3A_631 : f32 to vector<16xf32>
        %mul3A_633 = arith.mulf %get3A_630, %mul3A_632 : vector<16xf32>
        %swap3A_634 = arith.index_cast %scan3A_220 : i32 to index
        %swap3A_635 = arith.constant 544 : index
        %swap3A_636 = tpu.vector_load %arg6[%swap3A_634, %swap3A_635] {strides = array<i32>} : memref<16x1024xf32, #tpu.memory_space<vmem>>, vector<1x16xf32>,
        %swap3A_637 = vector.shape_cast %swap3A_636 : vector<1x16xf32> to vector<16xf32>
        %swap3A_638 = vector.shape_cast %mul3A_633 : vector<16xf32> to vector<1x16xf32>
        tpu.vector_store %arg6[%swap3A_634, %swap3A_635], %swap3A_638 {strides = array<i32>} : memref<16x1024xf32, #tpu.memory_space<vmem>>, vector<1x16xf32>,
        %get3A_639 = arith.index_cast %scan3A_220 : i32 to index
        %get3A_640 = arith.constant 560 : index
        %get3A_641 = tpu.vector_load %arg6[%get3A_639, %get3A_640] {strides = array<i32>} : memref<16x1024xf32, #tpu.memory_space<vmem>>, vector<1x16xf32>,
        %get3A_642 = vector.shape_cast %get3A_641 : vector<1x16xf32> to vector<16xf32>
        %mul3A_643 = arith.constant 3.200000e+01 : f32
        %mul3A_644 = vector.broadcast %mul3A_643 : f32 to vector<16xf32>
        %mul3A_645 = arith.mulf %get3A_642, %mul3A_644 : vector<16xf32>
        %swap3A_646 = arith.index_cast %scan3A_220 : i32 to index
        %swap3A_647 = arith.constant 560 : index
        %swap3A_648 = tpu.vector_load %arg6[%swap3A_646, %swap3A_647] {strides = array<i32>} : memref<16x1024xf32, #tpu.memory_space<vmem>>, vector<1x16xf32>,
        %swap3A_649 = vector.shape_cast %swap3A_648 : vector<1x16xf32> to vector<16xf32>
        %swap3A_650 = vector.shape_cast %mul3A_645 : vector<16xf32> to vector<1x16xf32>
        tpu.vector_store %arg6[%swap3A_646, %swap3A_647], %swap3A_650 {strides = array<i32>} : memref<16x1024xf32, #tpu.memory_space<vmem>>, vector<1x16xf32>,
        %get3A_651 = arith.index_cast %scan3A_220 : i32 to index
        %get3A_652 = arith.constant 576 : index
        %get3A_653 = tpu.vector_load %arg6[%get3A_651, %get3A_652] {strides = array<i32>} : memref<16x1024xf32, #tpu.memory_space<vmem>>, vector<1x16xf32>,
        %get3A_654 = vector.shape_cast %get3A_653 : vector<1x16xf32> to vector<16xf32>
        %mul3A_655 = arith.constant 3.200000e+01 : f32
        %mul3A_656 = vector.broadcast %mul3A_655 : f32 to vector<16xf32>
        %mul3A_657 = arith.mulf %get3A_654, %mul3A_656 : vector<16xf32>
        %swap3A_658 = arith.index_cast %scan3A_220 : i32 to index
        %swap3A_659 = arith.constant 576 : index
        %swap3A_660 = tpu.vector_load %arg6[%swap3A_658, %swap3A_659] {strides = array<i32>} : memref<16x1024xf32, #tpu.memory_space<vmem>>, vector<1x16xf32>,
        %swap3A_661 = vector.shape_cast %swap3A_660 : vector<1x16xf32> to vector<16xf32>
        %swap3A_662 = vector.shape_cast %mul3A_657 : vector<16xf32> to vector<1x16xf32>
        tpu.vector_store %arg6[%swap3A_658, %swap3A_659], %swap3A_662 {strides = array<i32>} : memref<16x1024xf32, #tpu.memory_space<vmem>>, vector<1x16xf32>,
        %get3A_663 = arith.index_cast %scan3A_220 : i32 to index
        %get3A_664 = arith.constant 592 : index
        %get3A_665 = tpu.vector_load %arg6[%get3A_663, %get3A_664] {strides = array<i32>} : memref<16x1024xf32, #tpu.memory_space<vmem>>, vector<1x16xf32>,
        %get3A_666 = vector.shape_cast %get3A_665 : vector<1x16xf32> to vector<16xf32>
        %mul3A_667 = arith.constant 3.200000e+01 : f32
        %mul3A_668 = vector.broadcast %mul3A_667 : f32 to vector<16xf32>
        %mul3A_669 = arith.mulf %get3A_666, %mul3A_668 : vector<16xf32>
        %swap3A_670 = arith.index_cast %scan3A_220 : i32 to index
        %swap3A_671 = arith.constant 592 : index
        %swap3A_672 = tpu.vector_load %arg6[%swap3A_670, %swap3A_671] {strides = array<i32>} : memref<16x1024xf32, #tpu.memory_space<vmem>>, vector<1x16xf32>,
        %swap3A_673 = vector.shape_cast %swap3A_672 : vector<1x16xf32> to vector<16xf32>
        %swap3A_674 = vector.shape_cast %mul3A_669 : vector<16xf32> to vector<1x16xf32>
        tpu.vector_store %arg6[%swap3A_670, %swap3A_671], %swap3A_674 {strides = array<i32>} : memref<16x1024xf32, #tpu.memory_space<vmem>>, vector<1x16xf32>,
        %get3A_675 = arith.index_cast %scan3A_220 : i32 to index
        %get3A_676 = arith.constant 608 : index
        %get3A_677 = tpu.vector_load %arg6[%get3A_675, %get3A_676] {strides = array<i32>} : memref<16x1024xf32, #tpu.memory_space<vmem>>, vector<1x16xf32>,
        %get3A_678 = vector.shape_cast %get3A_677 : vector<1x16xf32> to vector<16xf32>
        %mul3A_679 = arith.constant 3.200000e+01 : f32
        %mul3A_680 = vector.broadcast %mul3A_679 : f32 to vector<16xf32>
        %mul3A_681 = arith.mulf %get3A_678, %mul3A_680 : vector<16xf32>
        %swap3A_682 = arith.index_cast %scan3A_220 : i32 to index
        %swap3A_683 = arith.constant 608 : index
        %swap3A_684 = tpu.vector_load %arg6[%swap3A_682, %swap3A_683] {strides = array<i32>} : memref<16x1024xf32, #tpu.memory_space<vmem>>, vector<1x16xf32>,
        %swap3A_685 = vector.shape_cast %swap3A_684 : vector<1x16xf32> to vector<16xf32>
        %swap3A_686 = vector.shape_cast %mul3A_681 : vector<16xf32> to vector<1x16xf32>
        tpu.vector_store %arg6[%swap3A_682, %swap3A_683], %swap3A_686 {strides = array<i32>} : memref<16x1024xf32, #tpu.memory_space<vmem>>, vector<1x16xf32>,
        %get3A_687 = arith.index_cast %scan3A_220 : i32 to index
        %get3A_688 = arith.constant 624 : index
        %get3A_689 = tpu.vector_load %arg6[%get3A_687, %get3A_688] {strides = array<i32>} : memref<16x1024xf32, #tpu.memory_space<vmem>>, vector<1x16xf32>,
        %get3A_690 = vector.shape_cast %get3A_689 : vector<1x16xf32> to vector<16xf32>
        %mul3A_691 = arith.constant 3.200000e+01 : f32
        %mul3A_692 = vector.broadcast %mul3A_691 : f32 to vector<16xf32>
        %mul3A_693 = arith.mulf %get3A_690, %mul3A_692 : vector<16xf32>
        %swap3A_694 = arith.index_cast %scan3A_220 : i32 to index
        %swap3A_695 = arith.constant 624 : index
        %swap3A_696 = tpu.vector_load %arg6[%swap3A_694, %swap3A_695] {strides = array<i32>} : memref<16x1024xf32, #tpu.memory_space<vmem>>, vector<1x16xf32>,
        %swap3A_697 = vector.shape_cast %swap3A_696 : vector<1x16xf32> to vector<16xf32>
        %swap3A_698 = vector.shape_cast %mul3A_693 : vector<16xf32> to vector<1x16xf32>
        tpu.vector_store %arg6[%swap3A_694, %swap3A_695], %swap3A_698 {strides = array<i32>} : memref<16x1024xf32, #tpu.memory_space<vmem>>, vector<1x16xf32>,
        %get3A_699 = arith.index_cast %scan3A_220 : i32 to index
        %get3A_700 = arith.constant 640 : index
        %get3A_701 = tpu.vector_load %arg6[%get3A_699, %get3A_700] {strides = array<i32>} : memref<16x1024xf32, #tpu.memory_space<vmem>>, vector<1x16xf32>,
        %get3A_702 = vector.shape_cast %get3A_701 : vector<1x16xf32> to vector<16xf32>
        %mul3A_703 = arith.constant 3.200000e+01 : f32
        %mul3A_704 = vector.broadcast %mul3A_703 : f32 to vector<16xf32>
        %mul3A_705 = arith.mulf %get3A_702, %mul3A_704 : vector<16xf32>
        %swap3A_706 = arith.index_cast %scan3A_220 : i32 to index
        %swap3A_707 = arith.constant 640 : index
        %swap3A_708 = tpu.vector_load %arg6[%swap3A_706, %swap3A_707] {strides = array<i32>} : memref<16x1024xf32, #tpu.memory_space<vmem>>, vector<1x16xf32>,
        %swap3A_709 = vector.shape_cast %swap3A_708 : vector<1x16xf32> to vector<16xf32>
        %swap3A_710 = vector.shape_cast %mul3A_705 : vector<16xf32> to vector<1x16xf32>
        tpu.vector_store %arg6[%swap3A_706, %swap3A_707], %swap3A_710 {strides = array<i32>} : memref<16x1024xf32, #tpu.memory_space<vmem>>, vector<1x16xf32>,
        %get3A_711 = arith.index_cast %scan3A_220 : i32 to index
        %get3A_712 = arith.constant 656 : index
        %get3A_713 = tpu.vector_load %arg6[%get3A_711, %get3A_712] {strides = array<i32>} : memref<16x1024xf32, #tpu.memory_space<vmem>>, vector<1x16xf32>,
        %get3A_714 = vector.shape_cast %get3A_713 : vector<1x16xf32> to vector<16xf32>
        %mul3A_715 = arith.constant 3.200000e+01 : f32
        %mul3A_716 = vector.broadcast %mul3A_715 : f32 to vector<16xf32>
        %mul3A_717 = arith.mulf %get3A_714, %mul3A_716 : vector<16xf32>
        %swap3A_718 = arith.index_cast %scan3A_220 : i32 to index
        %swap3A_719 = arith.constant 656 : index
        %swap3A_720 = tpu.vector_load %arg6[%swap3A_718, %swap3A_719] {strides = array<i32>} : memref<16x1024xf32, #tpu.memory_space<vmem>>, vector<1x16xf32>,
        %swap3A_721 = vector.shape_cast %swap3A_720 : vector<1x16xf32> to vector<16xf32>
        %swap3A_722 = vector.shape_cast %mul3A_717 : vector<16xf32> to vector<1x16xf32>
        tpu.vector_store %arg6[%swap3A_718, %swap3A_719], %swap3A_722 {strides = array<i32>} : memref<16x1024xf32, #tpu.memory_space<vmem>>, vector<1x16xf32>,
        %get3A_723 = arith.index_cast %scan3A_220 : i32 to index
        %get3A_724 = arith.constant 672 : index
        %get3A_725 = tpu.vector_load %arg6[%get3A_723, %get3A_724] {strides = array<i32>} : memref<16x1024xf32, #tpu.memory_space<vmem>>, vector<1x16xf32>,
        %get3A_726 = vector.shape_cast %get3A_725 : vector<1x16xf32> to vector<16xf32>
        %mul3A_727 = arith.constant 3.200000e+01 : f32
        %mul3A_728 = vector.broadcast %mul3A_727 : f32 to vector<16xf32>
        %mul3A_729 = arith.mulf %get3A_726, %mul3A_728 : vector<16xf32>
        %swap3A_730 = arith.index_cast %scan3A_220 : i32 to index
        %swap3A_731 = arith.constant 672 : index
        %swap3A_732 = tpu.vector_load %arg6[%swap3A_730, %swap3A_731] {strides = array<i32>} : memref<16x1024xf32, #tpu.memory_space<vmem>>, vector<1x16xf32>,
        %swap3A_733 = vector.shape_cast %swap3A_732 : vector<1x16xf32> to vector<16xf32>
        %swap3A_734 = vector.shape_cast %mul3A_729 : vector<16xf32> to vector<1x16xf32>
        tpu.vector_store %arg6[%swap3A_730, %swap3A_731], %swap3A_734 {strides = array<i32>} : memref<16x1024xf32, #tpu.memory_space<vmem>>, vector<1x16xf32>,
        %get3A_735 = arith.index_cast %scan3A_220 : i32 to index
        %get3A_736 = arith.constant 688 : index
        %get3A_737 = tpu.vector_load %arg6[%get3A_735, %get3A_736] {strides = array<i32>} : memref<16x1024xf32, #tpu.memory_space<vmem>>, vector<1x16xf32>,
        %get3A_738 = vector.shape_cast %get3A_737 : vector<1x16xf32> to vector<16xf32>
        %mul3A_739 = arith.constant 3.200000e+01 : f32
        %mul3A_740 = vector.broadcast %mul3A_739 : f32 to vector<16xf32>
        %mul3A_741 = arith.mulf %get3A_738, %mul3A_740 : vector<16xf32>
        %swap3A_742 = arith.index_cast %scan3A_220 : i32 to index
        %swap3A_743 = arith.constant 688 : index
        %swap3A_744 = tpu.vector_load %arg6[%swap3A_742, %swap3A_743] {strides = array<i32>} : memref<16x1024xf32, #tpu.memory_space<vmem>>, vector<1x16xf32>,
        %swap3A_745 = vector.shape_cast %swap3A_744 : vector<1x16xf32> to vector<16xf32>
        %swap3A_746 = vector.shape_cast %mul3A_741 : vector<16xf32> to vector<1x16xf32>
        tpu.vector_store %arg6[%swap3A_742, %swap3A_743], %swap3A_746 {strides = array<i32>} : memref<16x1024xf32, #tpu.memory_space<vmem>>, vector<1x16xf32>,
        %get3A_747 = arith.index_cast %scan3A_220 : i32 to index
        %get3A_748 = arith.constant 704 : index
        %get3A_749 = tpu.vector_load %arg6[%get3A_747, %get3A_748] {strides = array<i32>} : memref<16x1024xf32, #tpu.memory_space<vmem>>, vector<1x16xf32>,
        %get3A_750 = vector.shape_cast %get3A_749 : vector<1x16xf32> to vector<16xf32>
        %mul3A_751 = arith.constant 3.200000e+01 : f32
        %mul3A_752 = vector.broadcast %mul3A_751 : f32 to vector<16xf32>
        %mul3A_753 = arith.mulf %get3A_750, %mul3A_752 : vector<16xf32>
        %swap3A_754 = arith.index_cast %scan3A_220 : i32 to index
        %swap3A_755 = arith.constant 704 : index
        %swap3A_756 = tpu.vector_load %arg6[%swap3A_754, %swap3A_755] {strides = array<i32>} : memref<16x1024xf32, #tpu.memory_space<vmem>>, vector<1x16xf32>,
        %swap3A_757 = vector.shape_cast %swap3A_756 : vector<1x16xf32> to vector<16xf32>
        %swap3A_758 = vector.shape_cast %mul3A_753 : vector<16xf32> to vector<1x16xf32>
        tpu.vector_store %arg6[%swap3A_754, %swap3A_755], %swap3A_758 {strides = array<i32>} : memref<16x1024xf32, #tpu.memory_space<vmem>>, vector<1x16xf32>,
        %get3A_759 = arith.index_cast %scan3A_220 : i32 to index
        %get3A_760 = arith.constant 720 : index
        %get3A_761 = tpu.vector_load %arg6[%get3A_759, %get3A_760] {strides = array<i32>} : memref<16x1024xf32, #tpu.memory_space<vmem>>, vector<1x16xf32>,
        %get3A_762 = vector.shape_cast %get3A_761 : vector<1x16xf32> to vector<16xf32>
        %mul3A_763 = arith.constant 3.200000e+01 : f32
        %mul3A_764 = vector.broadcast %mul3A_763 : f32 to vector<16xf32>
        %mul3A_765 = arith.mulf %get3A_762, %mul3A_764 : vector<16xf32>
        %swap3A_766 = arith.index_cast %scan3A_220 : i32 to index
        %swap3A_767 = arith.constant 720 : index
        %swap3A_768 = tpu.vector_load %arg6[%swap3A_766, %swap3A_767] {strides = array<i32>} : memref<16x1024xf32, #tpu.memory_space<vmem>>, vector<1x16xf32>,
        %swap3A_769 = vector.shape_cast %swap3A_768 : vector<1x16xf32> to vector<16xf32>
        %swap3A_770 = vector.shape_cast %mul3A_765 : vector<16xf32> to vector<1x16xf32>
        tpu.vector_store %arg6[%swap3A_766, %swap3A_767], %swap3A_770 {strides = array<i32>} : memref<16x1024xf32, #tpu.memory_space<vmem>>, vector<1x16xf32>,
        %get3A_771 = arith.index_cast %scan3A_220 : i32 to index
        %get3A_772 = arith.constant 736 : index
        %get3A_773 = tpu.vector_load %arg6[%get3A_771, %get3A_772] {strides = array<i32>} : memref<16x1024xf32, #tpu.memory_space<vmem>>, vector<1x16xf32>,
        %get3A_774 = vector.shape_cast %get3A_773 : vector<1x16xf32> to vector<16xf32>
        %mul3A_775 = arith.constant 3.200000e+01 : f32
        %mul3A_776 = vector.broadcast %mul3A_775 : f32 to vector<16xf32>
        %mul3A_777 = arith.mulf %get3A_774, %mul3A_776 : vector<16xf32>
        %swap3A_778 = arith.index_cast %scan3A_220 : i32 to index
        %swap3A_779 = arith.constant 736 : index
        %swap3A_780 = tpu.vector_load %arg6[%swap3A_778, %swap3A_779] {strides = array<i32>} : memref<16x1024xf32, #tpu.memory_space<vmem>>, vector<1x16xf32>,
        %swap3A_781 = vector.shape_cast %swap3A_780 : vector<1x16xf32> to vector<16xf32>
        %swap3A_782 = vector.shape_cast %mul3A_777 : vector<16xf32> to vector<1x16xf32>
        tpu.vector_store %arg6[%swap3A_778, %swap3A_779], %swap3A_782 {strides = array<i32>} : memref<16x1024xf32, #tpu.memory_space<vmem>>, vector<1x16xf32>,
        %get3A_783 = arith.index_cast %scan3A_220 : i32 to index
        %get3A_784 = arith.constant 752 : index
        %get3A_785 = tpu.vector_load %arg6[%get3A_783, %get3A_784] {strides = array<i32>} : memref<16x1024xf32, #tpu.memory_space<vmem>>, vector<1x16xf32>,
        %get3A_786 = vector.shape_cast %get3A_785 : vector<1x16xf32> to vector<16xf32>
        %mul3A_787 = arith.constant 3.200000e+01 : f32
        %mul3A_788 = vector.broadcast %mul3A_787 : f32 to vector<16xf32>
        %mul3A_789 = arith.mulf %get3A_786, %mul3A_788 : vector<16xf32>
        %swap3A_790 = arith.index_cast %scan3A_220 : i32 to index
        %swap3A_791 = arith.constant 752 : index
        %swap3A_792 = tpu.vector_load %arg6[%swap3A_790, %swap3A_791] {strides = array<i32>} : memref<16x1024xf32, #tpu.memory_space<vmem>>, vector<1x16xf32>,
        %swap3A_793 = vector.shape_cast %swap3A_792 : vector<1x16xf32> to vector<16xf32>
        %swap3A_794 = vector.shape_cast %mul3A_789 : vector<16xf32> to vector<1x16xf32>
        tpu.vector_store %arg6[%swap3A_790, %swap3A_791], %swap3A_794 {strides = array<i32>} : memref<16x1024xf32, #tpu.memory_space<vmem>>, vector<1x16xf32>,
        %get3A_795 = arith.index_cast %scan3A_220 : i32 to index
        %get3A_796 = arith.constant 768 : index
        %get3A_797 = tpu.vector_load %arg6[%get3A_795, %get3A_796] {strides = array<i32>} : memref<16x1024xf32, #tpu.memory_space<vmem>>, vector<1x16xf32>,
        %get3A_798 = vector.shape_cast %get3A_797 : vector<1x16xf32> to vector<16xf32>
        %mul3A_799 = arith.constant 3.200000e+01 : f32
        %mul3A_800 = vector.broadcast %mul3A_799 : f32 to vector<16xf32>
        %mul3A_801 = arith.mulf %get3A_798, %mul3A_800 : vector<16xf32>
        %swap3A_802 = arith.index_cast %scan3A_220 : i32 to index
        %swap3A_803 = arith.constant 768 : index
        %swap3A_804 = tpu.vector_load %arg6[%swap3A_802, %swap3A_803] {strides = array<i32>} : memref<16x1024xf32, #tpu.memory_space<vmem>>, vector<1x16xf32>,
        %swap3A_805 = vector.shape_cast %swap3A_804 : vector<1x16xf32> to vector<16xf32>
        %swap3A_806 = vector.shape_cast %mul3A_801 : vector<16xf32> to vector<1x16xf32>
        tpu.vector_store %arg6[%swap3A_802, %swap3A_803], %swap3A_806 {strides = array<i32>} : memref<16x1024xf32, #tpu.memory_space<vmem>>, vector<1x16xf32>,
        %get3A_807 = arith.index_cast %scan3A_220 : i32 to index
        %get3A_808 = arith.constant 784 : index
        %get3A_809 = tpu.vector_load %arg6[%get3A_807, %get3A_808] {strides = array<i32>} : memref<16x1024xf32, #tpu.memory_space<vmem>>, vector<1x16xf32>,
        %get3A_810 = vector.shape_cast %get3A_809 : vector<1x16xf32> to vector<16xf32>
        %mul3A_811 = arith.constant 3.200000e+01 : f32
        %mul3A_812 = vector.broadcast %mul3A_811 : f32 to vector<16xf32>
        %mul3A_813 = arith.mulf %get3A_810, %mul3A_812 : vector<16xf32>
        %swap3A_814 = arith.index_cast %scan3A_220 : i32 to index
        %swap3A_815 = arith.constant 784 : index
        %swap3A_816 = tpu.vector_load %arg6[%swap3A_814, %swap3A_815] {strides = array<i32>} : memref<16x1024xf32, #tpu.memory_space<vmem>>, vector<1x16xf32>,
        %swap3A_817 = vector.shape_cast %swap3A_816 : vector<1x16xf32> to vector<16xf32>
        %swap3A_818 = vector.shape_cast %mul3A_813 : vector<16xf32> to vector<1x16xf32>
        tpu.vector_store %arg6[%swap3A_814, %swap3A_815], %swap3A_818 {strides = array<i32>} : memref<16x1024xf32, #tpu.memory_space<vmem>>, vector<1x16xf32>,
        %get3A_819 = arith.index_cast %scan3A_220 : i32 to index
        %get3A_820 = arith.constant 800 : index
        %get3A_821 = tpu.vector_load %arg6[%get3A_819, %get3A_820] {strides = array<i32>} : memref<16x1024xf32, #tpu.memory_space<vmem>>, vector<1x16xf32>,
        %get3A_822 = vector.shape_cast %get3A_821 : vector<1x16xf32> to vector<16xf32>
        %mul3A_823 = arith.constant 3.200000e+01 : f32
        %mul3A_824 = vector.broadcast %mul3A_823 : f32 to vector<16xf32>
        %mul3A_825 = arith.mulf %get3A_822, %mul3A_824 : vector<16xf32>
        %swap3A_826 = arith.index_cast %scan3A_220 : i32 to index
        %swap3A_827 = arith.constant 800 : index
        %swap3A_828 = tpu.vector_load %arg6[%swap3A_826, %swap3A_827] {strides = array<i32>} : memref<16x1024xf32, #tpu.memory_space<vmem>>, vector<1x16xf32>,
        %swap3A_829 = vector.shape_cast %swap3A_828 : vector<1x16xf32> to vector<16xf32>
        %swap3A_830 = vector.shape_cast %mul3A_825 : vector<16xf32> to vector<1x16xf32>
        tpu.vector_store %arg6[%swap3A_826, %swap3A_827], %swap3A_830 {strides = array<i32>} : memref<16x1024xf32, #tpu.memory_space<vmem>>, vector<1x16xf32>,
        %get3A_831 = arith.index_cast %scan3A_220 : i32 to index
        %get3A_832 = arith.constant 816 : index
        %get3A_833 = tpu.vector_load %arg6[%get3A_831, %get3A_832] {strides = array<i32>} : memref<16x1024xf32, #tpu.memory_space<vmem>>, vector<1x16xf32>,
        %get3A_834 = vector.shape_cast %get3A_833 : vector<1x16xf32> to vector<16xf32>
        %mul3A_835 = arith.constant 3.200000e+01 : f32
        %mul3A_836 = vector.broadcast %mul3A_835 : f32 to vector<16xf32>
        %mul3A_837 = arith.mulf %get3A_834, %mul3A_836 : vector<16xf32>
        %swap3A_838 = arith.index_cast %scan3A_220 : i32 to index
        %swap3A_839 = arith.constant 816 : index
        %swap3A_840 = tpu.vector_load %arg6[%swap3A_838, %swap3A_839] {strides = array<i32>} : memref<16x1024xf32, #tpu.memory_space<vmem>>, vector<1x16xf32>,
        %swap3A_841 = vector.shape_cast %swap3A_840 : vector<1x16xf32> to vector<16xf32>
        %swap3A_842 = vector.shape_cast %mul3A_837 : vector<16xf32> to vector<1x16xf32>
        tpu.vector_store %arg6[%swap3A_838, %swap3A_839], %swap3A_842 {strides = array<i32>} : memref<16x1024xf32, #tpu.memory_space<vmem>>, vector<1x16xf32>,
        %get3A_843 = arith.index_cast %scan3A_220 : i32 to index
        %get3A_844 = arith.constant 832 : index
        %get3A_845 = tpu.vector_load %arg6[%get3A_843, %get3A_844] {strides = array<i32>} : memref<16x1024xf32, #tpu.memory_space<vmem>>, vector<1x16xf32>,
        %get3A_846 = vector.shape_cast %get3A_845 : vector<1x16xf32> to vector<16xf32>
        %mul3A_847 = arith.constant 3.200000e+01 : f32
        %mul3A_848 = vector.broadcast %mul3A_847 : f32 to vector<16xf32>
        %mul3A_849 = arith.mulf %get3A_846, %mul3A_848 : vector<16xf32>
        %swap3A_850 = arith.index_cast %scan3A_220 : i32 to index
        %swap3A_851 = arith.constant 832 : index
        %swap3A_852 = tpu.vector_load %arg6[%swap3A_850, %swap3A_851] {strides = array<i32>} : memref<16x1024xf32, #tpu.memory_space<vmem>>, vector<1x16xf32>,
        %swap3A_853 = vector.shape_cast %swap3A_852 : vector<1x16xf32> to vector<16xf32>
        %swap3A_854 = vector.shape_cast %mul3A_849 : vector<16xf32> to vector<1x16xf32>
        tpu.vector_store %arg6[%swap3A_850, %swap3A_851], %swap3A_854 {strides = array<i32>} : memref<16x1024xf32, #tpu.memory_space<vmem>>, vector<1x16xf32>,
        %get3A_855 = arith.index_cast %scan3A_220 : i32 to index
        %get3A_856 = arith.constant 848 : index
        %get3A_857 = tpu.vector_load %arg6[%get3A_855, %get3A_856] {strides = array<i32>} : memref<16x1024xf32, #tpu.memory_space<vmem>>, vector<1x16xf32>,
        %get3A_858 = vector.shape_cast %get3A_857 : vector<1x16xf32> to vector<16xf32>
        %mul3A_859 = arith.constant 3.200000e+01 : f32
        %mul3A_860 = vector.broadcast %mul3A_859 : f32 to vector<16xf32>
        %mul3A_861 = arith.mulf %get3A_858, %mul3A_860 : vector<16xf32>
        %swap3A_862 = arith.index_cast %scan3A_220 : i32 to index
        %swap3A_863 = arith.constant 848 : index
        %swap3A_864 = tpu.vector_load %arg6[%swap3A_862, %swap3A_863] {strides = array<i32>} : memref<16x1024xf32, #tpu.memory_space<vmem>>, vector<1x16xf32>,
        %swap3A_865 = vector.shape_cast %swap3A_864 : vector<1x16xf32> to vector<16xf32>
        %swap3A_866 = vector.shape_cast %mul3A_861 : vector<16xf32> to vector<1x16xf32>
        tpu.vector_store %arg6[%swap3A_862, %swap3A_863], %swap3A_866 {strides = array<i32>} : memref<16x1024xf32, #tpu.memory_space<vmem>>, vector<1x16xf32>,
        %get3A_867 = arith.index_cast %scan3A_220 : i32 to index
        %get3A_868 = arith.constant 864 : index
        %get3A_869 = tpu.vector_load %arg6[%get3A_867, %get3A_868] {strides = array<i32>} : memref<16x1024xf32, #tpu.memory_space<vmem>>, vector<1x16xf32>,
        %get3A_870 = vector.shape_cast %get3A_869 : vector<1x16xf32> to vector<16xf32>
        %mul3A_871 = arith.constant 3.200000e+01 : f32
        %mul3A_872 = vector.broadcast %mul3A_871 : f32 to vector<16xf32>
        %mul3A_873 = arith.mulf %get3A_870, %mul3A_872 : vector<16xf32>
        %swap3A_874 = arith.index_cast %scan3A_220 : i32 to index
        %swap3A_875 = arith.constant 864 : index
        %swap3A_876 = tpu.vector_load %arg6[%swap3A_874, %swap3A_875] {strides = array<i32>} : memref<16x1024xf32, #tpu.memory_space<vmem>>, vector<1x16xf32>,
        %swap3A_877 = vector.shape_cast %swap3A_876 : vector<1x16xf32> to vector<16xf32>
        %swap3A_878 = vector.shape_cast %mul3A_873 : vector<16xf32> to vector<1x16xf32>
        tpu.vector_store %arg6[%swap3A_874, %swap3A_875], %swap3A_878 {strides = array<i32>} : memref<16x1024xf32, #tpu.memory_space<vmem>>, vector<1x16xf32>,
        %get3A_879 = arith.index_cast %scan3A_220 : i32 to index
        %get3A_880 = arith.constant 880 : index
        %get3A_881 = tpu.vector_load %arg6[%get3A_879, %get3A_880] {strides = array<i32>} : memref<16x1024xf32, #tpu.memory_space<vmem>>, vector<1x16xf32>,
        %get3A_882 = vector.shape_cast %get3A_881 : vector<1x16xf32> to vector<16xf32>
        %mul3A_883 = arith.constant 3.200000e+01 : f32
        %mul3A_884 = vector.broadcast %mul3A_883 : f32 to vector<16xf32>
        %mul3A_885 = arith.mulf %get3A_882, %mul3A_884 : vector<16xf32>
        %swap3A_886 = arith.index_cast %scan3A_220 : i32 to index
        %swap3A_887 = arith.constant 880 : index
        %swap3A_888 = tpu.vector_load %arg6[%swap3A_886, %swap3A_887] {strides = array<i32>} : memref<16x1024xf32, #tpu.memory_space<vmem>>, vector<1x16xf32>,
        %swap3A_889 = vector.shape_cast %swap3A_888 : vector<1x16xf32> to vector<16xf32>
        %swap3A_890 = vector.shape_cast %mul3A_885 : vector<16xf32> to vector<1x16xf32>
        tpu.vector_store %arg6[%swap3A_886, %swap3A_887], %swap3A_890 {strides = array<i32>} : memref<16x1024xf32, #tpu.memory_space<vmem>>, vector<1x16xf32>,
        %get3A_891 = arith.index_cast %scan3A_220 : i32 to index
        %get3A_892 = arith.constant 896 : index
        %get3A_893 = tpu.vector_load %arg6[%get3A_891, %get3A_892] {strides = array<i32>} : memref<16x1024xf32, #tpu.memory_space<vmem>>, vector<1x16xf32>,
        %get3A_894 = vector.shape_cast %get3A_893 : vector<1x16xf32> to vector<16xf32>
        %mul3A_895 = arith.constant 3.200000e+01 : f32
        %mul3A_896 = vector.broadcast %mul3A_895 : f32 to vector<16xf32>
        %mul3A_897 = arith.mulf %get3A_894, %mul3A_896 : vector<16xf32>
        %swap3A_898 = arith.index_cast %scan3A_220 : i32 to index
        %swap3A_899 = arith.constant 896 : index
        %swap3A_900 = tpu.vector_load %arg6[%swap3A_898, %swap3A_899] {strides = array<i32>} : memref<16x1024xf32, #tpu.memory_space<vmem>>, vector<1x16xf32>,
        %swap3A_901 = vector.shape_cast %swap3A_900 : vector<1x16xf32> to vector<16xf32>
        %swap3A_902 = vector.shape_cast %mul3A_897 : vector<16xf32> to vector<1x16xf32>
        tpu.vector_store %arg6[%swap3A_898, %swap3A_899], %swap3A_902 {strides = array<i32>} : memref<16x1024xf32, #tpu.memory_space<vmem>>, vector<1x16xf32>,
        %get3A_903 = arith.index_cast %scan3A_220 : i32 to index
        %get3A_904 = arith.constant 912 : index
        %get3A_905 = tpu.vector_load %arg6[%get3A_903, %get3A_904] {strides = array<i32>} : memref<16x1024xf32, #tpu.memory_space<vmem>>, vector<1x16xf32>,
        %get3A_906 = vector.shape_cast %get3A_905 : vector<1x16xf32> to vector<16xf32>
        %mul3A_907 = arith.constant 3.200000e+01 : f32
        %mul3A_908 = vector.broadcast %mul3A_907 : f32 to vector<16xf32>
        %mul3A_909 = arith.mulf %get3A_906, %mul3A_908 : vector<16xf32>
        %swap3A_910 = arith.index_cast %scan3A_220 : i32 to index
        %swap3A_911 = arith.constant 912 : index
        %swap3A_912 = tpu.vector_load %arg6[%swap3A_910, %swap3A_911] {strides = array<i32>} : memref<16x1024xf32, #tpu.memory_space<vmem>>, vector<1x16xf32>,
        %swap3A_913 = vector.shape_cast %swap3A_912 : vector<1x16xf32> to vector<16xf32>
        %swap3A_914 = vector.shape_cast %mul3A_909 : vector<16xf32> to vector<1x16xf32>
        tpu.vector_store %arg6[%swap3A_910, %swap3A_911], %swap3A_914 {strides = array<i32>} : memref<16x1024xf32, #tpu.memory_space<vmem>>, vector<1x16xf32>,
        %get3A_915 = arith.index_cast %scan3A_220 : i32 to index
        %get3A_916 = arith.constant 928 : index
        %get3A_917 = tpu.vector_load %arg6[%get3A_915, %get3A_916] {strides = array<i32>} : memref<16x1024xf32, #tpu.memory_space<vmem>>, vector<1x16xf32>,
        %get3A_918 = vector.shape_cast %get3A_917 : vector<1x16xf32> to vector<16xf32>
        %mul3A_919 = arith.constant 3.200000e+01 : f32
        %mul3A_920 = vector.broadcast %mul3A_919 : f32 to vector<16xf32>
        %mul3A_921 = arith.mulf %get3A_918, %mul3A_920 : vector<16xf32>
        %swap3A_922 = arith.index_cast %scan3A_220 : i32 to index
        %swap3A_923 = arith.constant 928 : index
        %swap3A_924 = tpu.vector_load %arg6[%swap3A_922, %swap3A_923] {strides = array<i32>} : memref<16x1024xf32, #tpu.memory_space<vmem>>, vector<1x16xf32>,
        %swap3A_925 = vector.shape_cast %swap3A_924 : vector<1x16xf32> to vector<16xf32>
        %swap3A_926 = vector.shape_cast %mul3A_921 : vector<16xf32> to vector<1x16xf32>
        tpu.vector_store %arg6[%swap3A_922, %swap3A_923], %swap3A_926 {strides = array<i32>} : memref<16x1024xf32, #tpu.memory_space<vmem>>, vector<1x16xf32>,
        %get3A_927 = arith.index_cast %scan3A_220 : i32 to index
        %get3A_928 = arith.constant 944 : index
        %get3A_929 = tpu.vector_load %arg6[%get3A_927, %get3A_928] {strides = array<i32>} : memref<16x1024xf32, #tpu.memory_space<vmem>>, vector<1x16xf32>,
        %get3A_930 = vector.shape_cast %get3A_929 : vector<1x16xf32> to vector<16xf32>
        %mul3A_931 = arith.constant 3.200000e+01 : f32
        %mul3A_932 = vector.broadcast %mul3A_931 : f32 to vector<16xf32>
        %mul3A_933 = arith.mulf %get3A_930, %mul3A_932 : vector<16xf32>
        %swap3A_934 = arith.index_cast %scan3A_220 : i32 to index
        %swap3A_935 = arith.constant 944 : index
        %swap3A_936 = tpu.vector_load %arg6[%swap3A_934, %swap3A_935] {strides = array<i32>} : memref<16x1024xf32, #tpu.memory_space<vmem>>, vector<1x16xf32>,
        %swap3A_937 = vector.shape_cast %swap3A_936 : vector<1x16xf32> to vector<16xf32>
        %swap3A_938 = vector.shape_cast %mul3A_933 : vector<16xf32> to vector<1x16xf32>
        tpu.vector_store %arg6[%swap3A_934, %swap3A_935], %swap3A_938 {strides = array<i32>} : memref<16x1024xf32, #tpu.memory_space<vmem>>, vector<1x16xf32>,
        %get3A_939 = arith.index_cast %scan3A_220 : i32 to index
        %get3A_940 = arith.constant 960 : index
        %get3A_941 = tpu.vector_load %arg6[%get3A_939, %get3A_940] {strides = array<i32>} : memref<16x1024xf32, #tpu.memory_space<vmem>>, vector<1x16xf32>,
        %get3A_942 = vector.shape_cast %get3A_941 : vector<1x16xf32> to vector<16xf32>
        %mul3A_943 = arith.constant 3.200000e+01 : f32
        %mul3A_944 = vector.broadcast %mul3A_943 : f32 to vector<16xf32>
        %mul3A_945 = arith.mulf %get3A_942, %mul3A_944 : vector<16xf32>
        %swap3A_946 = arith.index_cast %scan3A_220 : i32 to index
        %swap3A_947 = arith.constant 960 : index
        %swap3A_948 = tpu.vector_load %arg6[%swap3A_946, %swap3A_947] {strides = array<i32>} : memref<16x1024xf32, #tpu.memory_space<vmem>>, vector<1x16xf32>,
        %swap3A_949 = vector.shape_cast %swap3A_948 : vector<1x16xf32> to vector<16xf32>
        %swap3A_950 = vector.shape_cast %mul3A_945 : vector<16xf32> to vector<1x16xf32>
        tpu.vector_store %arg6[%swap3A_946, %swap3A_947], %swap3A_950 {strides = array<i32>} : memref<16x1024xf32, #tpu.memory_space<vmem>>, vector<1x16xf32>,
        %get3A_951 = arith.index_cast %scan3A_220 : i32 to index
        %get3A_952 = arith.constant 976 : index
        %get3A_953 = tpu.vector_load %arg6[%get3A_951, %get3A_952] {strides = array<i32>} : memref<16x1024xf32, #tpu.memory_space<vmem>>, vector<1x16xf32>,
        %get3A_954 = vector.shape_cast %get3A_953 : vector<1x16xf32> to vector<16xf32>
        %mul3A_955 = arith.constant 3.200000e+01 : f32
        %mul3A_956 = vector.broadcast %mul3A_955 : f32 to vector<16xf32>
        %mul3A_957 = arith.mulf %get3A_954, %mul3A_956 : vector<16xf32>
        %swap3A_958 = arith.index_cast %scan3A_220 : i32 to index
        %swap3A_959 = arith.constant 976 : index
        %swap3A_960 = tpu.vector_load %arg6[%swap3A_958, %swap3A_959] {strides = array<i32>} : memref<16x1024xf32, #tpu.memory_space<vmem>>, vector<1x16xf32>,
        %swap3A_961 = vector.shape_cast %swap3A_960 : vector<1x16xf32> to vector<16xf32>
        %swap3A_962 = vector.shape_cast %mul3A_957 : vector<16xf32> to vector<1x16xf32>
        tpu.vector_store %arg6[%swap3A_958, %swap3A_959], %swap3A_962 {strides = array<i32>} : memref<16x1024xf32, #tpu.memory_space<vmem>>, vector<1x16xf32>,
        %get3A_963 = arith.index_cast %scan3A_220 : i32 to index
        %get3A_964 = arith.constant 992 : index
        %get3A_965 = tpu.vector_load %arg6[%get3A_963, %get3A_964] {strides = array<i32>} : memref<16x1024xf32, #tpu.memory_space<vmem>>, vector<1x16xf32>,
        %get3A_966 = vector.shape_cast %get3A_965 : vector<1x16xf32> to vector<16xf32>
        %mul3A_967 = arith.constant 3.200000e+01 : f32
        %mul3A_968 = vector.broadcast %mul3A_967 : f32 to vector<16xf32>
        %mul3A_969 = arith.mulf %get3A_966, %mul3A_968 : vector<16xf32>
        %swap3A_970 = arith.index_cast %scan3A_220 : i32 to index
        %swap3A_971 = arith.constant 992 : index
        %swap3A_972 = tpu.vector_load %arg6[%swap3A_970, %swap3A_971] {strides = array<i32>} : memref<16x1024xf32, #tpu.memory_space<vmem>>, vector<1x16xf32>,
        %swap3A_973 = vector.shape_cast %swap3A_972 : vector<1x16xf32> to vector<16xf32>
        %swap3A_974 = vector.shape_cast %mul3A_969 : vector<16xf32> to vector<1x16xf32>
        tpu.vector_store %arg6[%swap3A_970, %swap3A_971], %swap3A_974 {strides = array<i32>} : memref<16x1024xf32, #tpu.memory_space<vmem>>, vector<1x16xf32>,
        %get3A_975 = arith.index_cast %scan3A_220 : i32 to index
        %get3A_976 = arith.constant 1008 : index
        %get3A_977 = tpu.vector_load %arg6[%get3A_975, %get3A_976] {strides = array<i32>} : memref<16x1024xf32, #tpu.memory_space<vmem>>, vector<1x16xf32>,
        %get3A_978 = vector.shape_cast %get3A_977 : vector<1x16xf32> to vector<16xf32>
        %mul3A_979 = arith.constant 3.200000e+01 : f32
        %mul3A_980 = vector.broadcast %mul3A_979 : f32 to vector<16xf32>
        %mul3A_981 = arith.mulf %get3A_978, %mul3A_980 : vector<16xf32>
        %swap3A_982 = arith.index_cast %scan3A_220 : i32 to index
        %swap3A_983 = arith.constant 1008 : index
        %swap3A_984 = tpu.vector_load %arg6[%swap3A_982, %swap3A_983] {strides = array<i32>} : memref<16x1024xf32, #tpu.memory_space<vmem>>, vector<1x16xf32>,
        %swap3A_985 = vector.shape_cast %swap3A_984 : vector<1x16xf32> to vector<16xf32>
        %swap3A_986 = vector.shape_cast %mul3A_981 : vector<16xf32> to vector<1x16xf32>
        tpu.vector_store %arg6[%swap3A_982, %swap3A_983], %swap3A_986 {strides = array<i32>} : memref<16x1024xf32, #tpu.memory_space<vmem>>, vector<1x16xf32>,
      }
      %scan3A_90 = arith.constant 16 : i32
      %mul3A_91 = arith.constant 16 : i32
      %mul3A_92 = arith.muli %add3A_68, %mul3A_91 : i32
      %add3A_93 = arith.addi %mul3A_32, %mul3A_92 : i32
      %dma_start3A_94 = arith.constant 0 : i32
      %dma_start3A_95 = tpu.memref_slice %arg4[%select_n3A, %add3A_93, %dma_start3A_94] : memref<4x4096x1024xf32, #tpu.memory_space<hbm>> -> memref<1x16x1024xf32, #tpu.memory_space<hbm>>
      %dma_start3A_96 = tpu.memref_squeeze %dma_start3A_95 : memref<1x16x1024xf32, #tpu.memory_space<hbm>> -> memref<16x1024xf32, #tpu.memory_space<hbm>>
      %dma_start3A_97 = arith.constant 0 : i32
      %dma_start3A_98 = tpu.memref_slice %arg4[%select_n3A, %add3A_93, %dma_start3A_97] : memref<4x4096x1024xf32, #tpu.memory_space<hbm>> -> memref<1x16x1024xf32, #tpu.memory_space<hbm>>
      %dma_start3A_99 = tpu.memref_squeeze %dma_start3A_98 : memref<1x16x1024xf32, #tpu.memory_space<hbm>> -> memref<16x1024xf32, #tpu.memory_space<hbm>>
      tpu.enqueue_dma source(%arg6 : memref<16x1024xf32, #tpu.memory_space<vmem>>) target(%dma_start3A_99 : memref<16x1024xf32, #tpu.memory_space<hbm>>) target_semaphore(%arg14 : memref<!tpu.dma_semaphore, #tpu.memory_space<semaphore_mem>>)
      %mul3A_100 = arith.constant 4 : i32
      %mul3A_101 = arith.muli %scan3A_64, %mul3A_100 : i32
      %add3A_102 = arith.constant 1 : i32
      %add3A_103 = arith.addi %mul3A_101, %add3A_102 : i32
      %ge3A_104 = arith.constant 1 : i32
      %ge3A_105 = arith.cmpi sge, %scan3A_64, %ge3A_104 : i32
      %convert_element_type3A_106 = arith.extui %ge3A_105 : i1 to i32
      %cond3A_107 = arith.constant 0 : i32
      %cond3A_108 = arith.cmpi ne, %convert_element_type3A_106, %cond3A_107 : i32
      scf.if %cond3A_108 {
        %sub3A_220 = arith.constant 2 : i32
        %sub3A_221 = arith.subi %add3A_103, %sub3A_220 : i32
        %mul3A_222 = arith.constant 16 : i32
        %mul3A_223 = arith.muli %sub3A_221, %mul3A_222 : i32
        %add3A_224 = arith.addi %mul3A_32, %mul3A_223 : i32
        %dma_wait3A_225 = arith.constant 0 : i32
        %dma_wait3A_226 = tpu.memref_slice %arg4[%select_n3A, %add3A_224, %dma_wait3A_225] : memref<4x4096x1024xf32, #tpu.memory_space<hbm>> -> memref<1x16x1024xf32, #tpu.memory_space<hbm>>
        %dma_wait3A_227 = tpu.memref_squeeze %dma_wait3A_226 : memref<1x16x1024xf32, #tpu.memory_space<hbm>> -> memref<16x1024xf32, #tpu.memory_space<hbm>>
        %dma_wait3A_228 = arith.constant 0 : i32
        %dma_wait3A_229 = tpu.memref_slice %arg4[%select_n3A, %add3A_224, %dma_wait3A_228] : memref<4x4096x1024xf32, #tpu.memory_space<hbm>> -> memref<1x16x1024xf32, #tpu.memory_space<hbm>>
        %dma_wait3A_230 = tpu.memref_squeeze %dma_wait3A_229 : memref<1x16x1024xf32, #tpu.memory_space<hbm>> -> memref<16x1024xf32, #tpu.memory_space<hbm>>
        tpu.wait_dma2 semaphore(%arg17 : memref<!tpu.dma_semaphore, #tpu.memory_space<semaphore_mem>>) src(%arg9 : memref<16x1024xf32, #tpu.memory_space<vmem>>) dst(%dma_wait3A_230 : memref<16x1024xf32, #tpu.memory_space<hbm>>)
      } else {
      }
      %add3A_109 = arith.constant 2 : i32
      %add3A_110 = arith.addi %add3A_103, %add3A_109 : i32
      %mul3A_111 = arith.constant 16 : i32
      %mul3A_112 = arith.muli %add3A_110, %mul3A_111 : i32
      %dma_start3A_113 = tpu.memref_slice %arg5[%mul3A_112] : memref<512xi32, #tpu.memory_space<vmem>> -> memref<16xi32, #tpu.memory_space<vmem>>
      %dma_start3A_114 = arith.constant 0 : i32
      %dma_start3A_115 = arith.constant 0 : i32
      %dma_start3A_116 = tpu.memref_slice %arg2[%dma_start3A_114, %dma_start3A_115] : memref<100000x1024xf32, #tpu.memory_space<hbm>> -> memref<100000x1024xf32, #tpu.memory_space<hbm>>
      tpu.enqueue_indirect_dma source(%dma_start3A_116 : memref<100000x1024xf32, #tpu.memory_space<hbm>>) target(%arg9 : memref<16x1024xf32, #tpu.memory_space<vmem>>) offsets(%dma_start3A_113 : memref<16xi32, #tpu.memory_space<vmem>>) semaphore(%arg13 : memref<!tpu.dma_semaphore, #tpu.memory_space<semaphore_mem>>)
      %mul3A_117 = arith.constant 16 : i32
      %mul3A_118 = arith.muli %add3A_103, %mul3A_117 : i32
      %dma_wait3A_119 = tpu.memref_slice %arg5[%mul3A_118] : memref<512xi32, #tpu.memory_space<vmem>> -> memref<16xi32, #tpu.memory_space<vmem>>
      %dma_wait3A_120 = arith.constant 0 : i32
      %dma_wait3A_121 = arith.constant 0 : i32
      %dma_wait3A_122 = tpu.memref_slice %arg2[%dma_wait3A_120, %dma_wait3A_121] : memref<100000x1024xf32, #tpu.memory_space<hbm>> -> memref<100000x1024xf32, #tpu.memory_space<hbm>>
      tpu.wait_indirect_dma semaphore(%arg11 : memref<!tpu.dma_semaphore, #tpu.memory_space<semaphore_mem>>) src(%dma_wait3A_122 : memref<100000x1024xf32, #tpu.memory_space<hbm>>) dst(%arg7 : memref<16x1024xf32, #tpu.memory_space<vmem>>)
      %scan3A_123 = arith.constant 0 : i32
      %scan3A_124 = arith.constant 0 : i32
      %scan3A_125 = arith.constant 16 : i32
      %scan3A_126 = arith.addi %scan3A_124, %scan3A_125 : i32
      %scan3A_127 = arith.constant 1 : i32
      scf.for %scan3A_220 = %scan3A_124 to %scan3A_126 step %scan3A_127  : i32 {
        %get3A = arith.index_cast %scan3A_220 : i32 to index
        %get3A_221 = arith.constant 0 : index
        %get3A_222 = tpu.vector_load %arg7[%get3A, %get3A_221] {strides = array<i32>} : memref<16x1024xf32, #tpu.memory_space<vmem>>, vector<1x16xf32>,
        %get3A_223 = vector.shape_cast %get3A_222 : vector<1x16xf32> to vector<16xf32>
        %mul3A_224 = arith.constant 3.200000e+01 : f32
        %mul3A_225 = vector.broadcast %mul3A_224 : f32 to vector<16xf32>
        %mul3A_226 = arith.mulf %get3A_223, %mul3A_225 : vector<16xf32>
        %swap3A = arith.index_cast %scan3A_220 : i32 to index
        %swap3A_227 = arith.constant 0 : index
        %swap3A_228 = tpu.vector_load %arg7[%swap3A, %swap3A_227] {strides = array<i32>} : memref<16x1024xf32, #tpu.memory_space<vmem>>, vector<1x16xf32>,
        %swap3A_229 = vector.shape_cast %swap3A_228 : vector<1x16xf32> to vector<16xf32>
        %swap3A_230 = vector.shape_cast %mul3A_226 : vector<16xf32> to vector<1x16xf32>
        tpu.vector_store %arg7[%swap3A, %swap3A_227], %swap3A_230 {strides = array<i32>} : memref<16x1024xf32, #tpu.memory_space<vmem>>, vector<1x16xf32>,
        %get3A_231 = arith.index_cast %scan3A_220 : i32 to index
        %get3A_232 = arith.constant 16 : index
        %get3A_233 = tpu.vector_load %arg7[%get3A_231, %get3A_232] {strides = array<i32>} : memref<16x1024xf32, #tpu.memory_space<vmem>>, vector<1x16xf32>,
        %get3A_234 = vector.shape_cast %get3A_233 : vector<1x16xf32> to vector<16xf32>
        %mul3A_235 = arith.constant 3.200000e+01 : f32
        %mul3A_236 = vector.broadcast %mul3A_235 : f32 to vector<16xf32>
        %mul3A_237 = arith.mulf %get3A_234, %mul3A_236 : vector<16xf32>
        %swap3A_238 = arith.index_cast %scan3A_220 : i32 to index
        %swap3A_239 = arith.constant 16 : index
        %swap3A_240 = tpu.vector_load %arg7[%swap3A_238, %swap3A_239] {strides = array<i32>} : memref<16x1024xf32, #tpu.memory_space<vmem>>, vector<1x16xf32>,
        %swap3A_241 = vector.shape_cast %swap3A_240 : vector<1x16xf32> to vector<16xf32>
        %swap3A_242 = vector.shape_cast %mul3A_237 : vector<16xf32> to vector<1x16xf32>
        tpu.vector_store %arg7[%swap3A_238, %swap3A_239], %swap3A_242 {strides = array<i32>} : memref<16x1024xf32, #tpu.memory_space<vmem>>, vector<1x16xf32>,
        %get3A_243 = arith.index_cast %scan3A_220 : i32 to index
        %get3A_244 = arith.constant 32 : index
        %get3A_245 = tpu.vector_load %arg7[%get3A_243, %get3A_244] {strides = array<i32>} : memref<16x1024xf32, #tpu.memory_space<vmem>>, vector<1x16xf32>,
        %get3A_246 = vector.shape_cast %get3A_245 : vector<1x16xf32> to vector<16xf32>
        %mul3A_247 = arith.constant 3.200000e+01 : f32
        %mul3A_248 = vector.broadcast %mul3A_247 : f32 to vector<16xf32>
        %mul3A_249 = arith.mulf %get3A_246, %mul3A_248 : vector<16xf32>
        %swap3A_250 = arith.index_cast %scan3A_220 : i32 to index
        %swap3A_251 = arith.constant 32 : index
        %swap3A_252 = tpu.vector_load %arg7[%swap3A_250, %swap3A_251] {strides = array<i32>} : memref<16x1024xf32, #tpu.memory_space<vmem>>, vector<1x16xf32>,
        %swap3A_253 = vector.shape_cast %swap3A_252 : vector<1x16xf32> to vector<16xf32>
        %swap3A_254 = vector.shape_cast %mul3A_249 : vector<16xf32> to vector<1x16xf32>
        tpu.vector_store %arg7[%swap3A_250, %swap3A_251], %swap3A_254 {strides = array<i32>} : memref<16x1024xf32, #tpu.memory_space<vmem>>, vector<1x16xf32>,
        %get3A_255 = arith.index_cast %scan3A_220 : i32 to index
        %get3A_256 = arith.constant 48 : index
        %get3A_257 = tpu.vector_load %arg7[%get3A_255, %get3A_256] {strides = array<i32>} : memref<16x1024xf32, #tpu.memory_space<vmem>>, vector<1x16xf32>,
        %get3A_258 = vector.shape_cast %get3A_257 : vector<1x16xf32> to vector<16xf32>
        %mul3A_259 = arith.constant 3.200000e+01 : f32
        %mul3A_260 = vector.broadcast %mul3A_259 : f32 to vector<16xf32>
        %mul3A_261 = arith.mulf %get3A_258, %mul3A_260 : vector<16xf32>
        %swap3A_262 = arith.index_cast %scan3A_220 : i32 to index
        %swap3A_263 = arith.constant 48 : index
        %swap3A_264 = tpu.vector_load %arg7[%swap3A_262, %swap3A_263] {strides = array<i32>} : memref<16x1024xf32, #tpu.memory_space<vmem>>, vector<1x16xf32>,
        %swap3A_265 = vector.shape_cast %swap3A_264 : vector<1x16xf32> to vector<16xf32>
        %swap3A_266 = vector.shape_cast %mul3A_261 : vector<16xf32> to vector<1x16xf32>
        tpu.vector_store %arg7[%swap3A_262, %swap3A_263], %swap3A_266 {strides = array<i32>} : memref<16x1024xf32, #tpu.memory_space<vmem>>, vector<1x16xf32>,
        %get3A_267 = arith.index_cast %scan3A_220 : i32 to index
        %get3A_268 = arith.constant 64 : index
        %get3A_269 = tpu.vector_load %arg7[%get3A_267, %get3A_268] {strides = array<i32>} : memref<16x1024xf32, #tpu.memory_space<vmem>>, vector<1x16xf32>,
        %get3A_270 = vector.shape_cast %get3A_269 : vector<1x16xf32> to vector<16xf32>
        %mul3A_271 = arith.constant 3.200000e+01 : f32
        %mul3A_272 = vector.broadcast %mul3A_271 : f32 to vector<16xf32>
        %mul3A_273 = arith.mulf %get3A_270, %mul3A_272 : vector<16xf32>
        %swap3A_274 = arith.index_cast %scan3A_220 : i32 to index
        %swap3A_275 = arith.constant 64 : index
        %swap3A_276 = tpu.vector_load %arg7[%swap3A_274, %swap3A_275] {strides = array<i32>} : memref<16x1024xf32, #tpu.memory_space<vmem>>, vector<1x16xf32>,
        %swap3A_277 = vector.shape_cast %swap3A_276 : vector<1x16xf32> to vector<16xf32>
        %swap3A_278 = vector.shape_cast %mul3A_273 : vector<16xf32> to vector<1x16xf32>
        tpu.vector_store %arg7[%swap3A_274, %swap3A_275], %swap3A_278 {strides = array<i32>} : memref<16x1024xf32, #tpu.memory_space<vmem>>, vector<1x16xf32>,
        %get3A_279 = arith.index_cast %scan3A_220 : i32 to index
        %get3A_280 = arith.constant 80 : index
        %get3A_281 = tpu.vector_load %arg7[%get3A_279, %get3A_280] {strides = array<i32>} : memref<16x1024xf32, #tpu.memory_space<vmem>>, vector<1x16xf32>,
        %get3A_282 = vector.shape_cast %get3A_281 : vector<1x16xf32> to vector<16xf32>
        %mul3A_283 = arith.constant 3.200000e+01 : f32
        %mul3A_284 = vector.broadcast %mul3A_283 : f32 to vector<16xf32>
        %mul3A_285 = arith.mulf %get3A_282, %mul3A_284 : vector<16xf32>
        %swap3A_286 = arith.index_cast %scan3A_220 : i32 to index
        %swap3A_287 = arith.constant 80 : index
        %swap3A_288 = tpu.vector_load %arg7[%swap3A_286, %swap3A_287] {strides = array<i32>} : memref<16x1024xf32, #tpu.memory_space<vmem>>, vector<1x16xf32>,
        %swap3A_289 = vector.shape_cast %swap3A_288 : vector<1x16xf32> to vector<16xf32>
        %swap3A_290 = vector.shape_cast %mul3A_285 : vector<16xf32> to vector<1x16xf32>
        tpu.vector_store %arg7[%swap3A_286, %swap3A_287], %swap3A_290 {strides = array<i32>} : memref<16x1024xf32, #tpu.memory_space<vmem>>, vector<1x16xf32>,
        %get3A_291 = arith.index_cast %scan3A_220 : i32 to index
        %get3A_292 = arith.constant 96 : index
        %get3A_293 = tpu.vector_load %arg7[%get3A_291, %get3A_292] {strides = array<i32>} : memref<16x1024xf32, #tpu.memory_space<vmem>>, vector<1x16xf32>,
        %get3A_294 = vector.shape_cast %get3A_293 : vector<1x16xf32> to vector<16xf32>
        %mul3A_295 = arith.constant 3.200000e+01 : f32
        %mul3A_296 = vector.broadcast %mul3A_295 : f32 to vector<16xf32>
        %mul3A_297 = arith.mulf %get3A_294, %mul3A_296 : vector<16xf32>
        %swap3A_298 = arith.index_cast %scan3A_220 : i32 to index
        %swap3A_299 = arith.constant 96 : index
        %swap3A_300 = tpu.vector_load %arg7[%swap3A_298, %swap3A_299] {strides = array<i32>} : memref<16x1024xf32, #tpu.memory_space<vmem>>, vector<1x16xf32>,
        %swap3A_301 = vector.shape_cast %swap3A_300 : vector<1x16xf32> to vector<16xf32>
        %swap3A_302 = vector.shape_cast %mul3A_297 : vector<16xf32> to vector<1x16xf32>
        tpu.vector_store %arg7[%swap3A_298, %swap3A_299], %swap3A_302 {strides = array<i32>} : memref<16x1024xf32, #tpu.memory_space<vmem>>, vector<1x16xf32>,
        %get3A_303 = arith.index_cast %scan3A_220 : i32 to index
        %get3A_304 = arith.constant 112 : index
        %get3A_305 = tpu.vector_load %arg7[%get3A_303, %get3A_304] {strides = array<i32>} : memref<16x1024xf32, #tpu.memory_space<vmem>>, vector<1x16xf32>,
        %get3A_306 = vector.shape_cast %get3A_305 : vector<1x16xf32> to vector<16xf32>
        %mul3A_307 = arith.constant 3.200000e+01 : f32
        %mul3A_308 = vector.broadcast %mul3A_307 : f32 to vector<16xf32>
        %mul3A_309 = arith.mulf %get3A_306, %mul3A_308 : vector<16xf32>
        %swap3A_310 = arith.index_cast %scan3A_220 : i32 to index
        %swap3A_311 = arith.constant 112 : index
        %swap3A_312 = tpu.vector_load %arg7[%swap3A_310, %swap3A_311] {strides = array<i32>} : memref<16x1024xf32, #tpu.memory_space<vmem>>, vector<1x16xf32>,
        %swap3A_313 = vector.shape_cast %swap3A_312 : vector<1x16xf32> to vector<16xf32>
        %swap3A_314 = vector.shape_cast %mul3A_309 : vector<16xf32> to vector<1x16xf32>
        tpu.vector_store %arg7[%swap3A_310, %swap3A_311], %swap3A_314 {strides = array<i32>} : memref<16x1024xf32, #tpu.memory_space<vmem>>, vector<1x16xf32>,
        %get3A_315 = arith.index_cast %scan3A_220 : i32 to index
        %get3A_316 = arith.constant 128 : index
        %get3A_317 = tpu.vector_load %arg7[%get3A_315, %get3A_316] {strides = array<i32>} : memref<16x1024xf32, #tpu.memory_space<vmem>>, vector<1x16xf32>,
        %get3A_318 = vector.shape_cast %get3A_317 : vector<1x16xf32> to vector<16xf32>
        %mul3A_319 = arith.constant 3.200000e+01 : f32
        %mul3A_320 = vector.broadcast %mul3A_319 : f32 to vector<16xf32>
        %mul3A_321 = arith.mulf %get3A_318, %mul3A_320 : vector<16xf32>
        %swap3A_322 = arith.index_cast %scan3A_220 : i32 to index
        %swap3A_323 = arith.constant 128 : index
        %swap3A_324 = tpu.vector_load %arg7[%swap3A_322, %swap3A_323] {strides = array<i32>} : memref<16x1024xf32, #tpu.memory_space<vmem>>, vector<1x16xf32>,
        %swap3A_325 = vector.shape_cast %swap3A_324 : vector<1x16xf32> to vector<16xf32>
        %swap3A_326 = vector.shape_cast %mul3A_321 : vector<16xf32> to vector<1x16xf32>
        tpu.vector_store %arg7[%swap3A_322, %swap3A_323], %swap3A_326 {strides = array<i32>} : memref<16x1024xf32, #tpu.memory_space<vmem>>, vector<1x16xf32>,
        %get3A_327 = arith.index_cast %scan3A_220 : i32 to index
        %get3A_328 = arith.constant 144 : index
        %get3A_329 = tpu.vector_load %arg7[%get3A_327, %get3A_328] {strides = array<i32>} : memref<16x1024xf32, #tpu.memory_space<vmem>>, vector<1x16xf32>,
        %get3A_330 = vector.shape_cast %get3A_329 : vector<1x16xf32> to vector<16xf32>
        %mul3A_331 = arith.constant 3.200000e+01 : f32
        %mul3A_332 = vector.broadcast %mul3A_331 : f32 to vector<16xf32>
        %mul3A_333 = arith.mulf %get3A_330, %mul3A_332 : vector<16xf32>
        %swap3A_334 = arith.index_cast %scan3A_220 : i32 to index
        %swap3A_335 = arith.constant 144 : index
        %swap3A_336 = tpu.vector_load %arg7[%swap3A_334, %swap3A_335] {strides = array<i32>} : memref<16x1024xf32, #tpu.memory_space<vmem>>, vector<1x16xf32>,
        %swap3A_337 = vector.shape_cast %swap3A_336 : vector<1x16xf32> to vector<16xf32>
        %swap3A_338 = vector.shape_cast %mul3A_333 : vector<16xf32> to vector<1x16xf32>
        tpu.vector_store %arg7[%swap3A_334, %swap3A_335], %swap3A_338 {strides = array<i32>} : memref<16x1024xf32, #tpu.memory_space<vmem>>, vector<1x16xf32>,
        %get3A_339 = arith.index_cast %scan3A_220 : i32 to index
        %get3A_340 = arith.constant 160 : index
        %get3A_341 = tpu.vector_load %arg7[%get3A_339, %get3A_340] {strides = array<i32>} : memref<16x1024xf32, #tpu.memory_space<vmem>>, vector<1x16xf32>,
        %get3A_342 = vector.shape_cast %get3A_341 : vector<1x16xf32> to vector<16xf32>
        %mul3A_343 = arith.constant 3.200000e+01 : f32
        %mul3A_344 = vector.broadcast %mul3A_343 : f32 to vector<16xf32>
        %mul3A_345 = arith.mulf %get3A_342, %mul3A_344 : vector<16xf32>
        %swap3A_346 = arith.index_cast %scan3A_220 : i32 to index
        %swap3A_347 = arith.constant 160 : index
        %swap3A_348 = tpu.vector_load %arg7[%swap3A_346, %swap3A_347] {strides = array<i32>} : memref<16x1024xf32, #tpu.memory_space<vmem>>, vector<1x16xf32>,
        %swap3A_349 = vector.shape_cast %swap3A_348 : vector<1x16xf32> to vector<16xf32>
        %swap3A_350 = vector.shape_cast %mul3A_345 : vector<16xf32> to vector<1x16xf32>
        tpu.vector_store %arg7[%swap3A_346, %swap3A_347], %swap3A_350 {strides = array<i32>} : memref<16x1024xf32, #tpu.memory_space<vmem>>, vector<1x16xf32>,
        %get3A_351 = arith.index_cast %scan3A_220 : i32 to index
        %get3A_352 = arith.constant 176 : index
        %get3A_353 = tpu.vector_load %arg7[%get3A_351, %get3A_352] {strides = array<i32>} : memref<16x1024xf32, #tpu.memory_space<vmem>>, vector<1x16xf32>,
        %get3A_354 = vector.shape_cast %get3A_353 : vector<1x16xf32> to vector<16xf32>
        %mul3A_355 = arith.constant 3.200000e+01 : f32
        %mul3A_356 = vector.broadcast %mul3A_355 : f32 to vector<16xf32>
        %mul3A_357 = arith.mulf %get3A_354, %mul3A_356 : vector<16xf32>
        %swap3A_358 = arith.index_cast %scan3A_220 : i32 to index
        %swap3A_359 = arith.constant 176 : index
        %swap3A_360 = tpu.vector_load %arg7[%swap3A_358, %swap3A_359] {strides = array<i32>} : memref<16x1024xf32, #tpu.memory_space<vmem>>, vector<1x16xf32>,
        %swap3A_361 = vector.shape_cast %swap3A_360 : vector<1x16xf32> to vector<16xf32>
        %swap3A_362 = vector.shape_cast %mul3A_357 : vector<16xf32> to vector<1x16xf32>
        tpu.vector_store %arg7[%swap3A_358, %swap3A_359], %swap3A_362 {strides = array<i32>} : memref<16x1024xf32, #tpu.memory_space<vmem>>, vector<1x16xf32>,
        %get3A_363 = arith.index_cast %scan3A_220 : i32 to index
        %get3A_364 = arith.constant 192 : index
        %get3A_365 = tpu.vector_load %arg7[%get3A_363, %get3A_364] {strides = array<i32>} : memref<16x1024xf32, #tpu.memory_space<vmem>>, vector<1x16xf32>,
        %get3A_366 = vector.shape_cast %get3A_365 : vector<1x16xf32> to vector<16xf32>
        %mul3A_367 = arith.constant 3.200000e+01 : f32
        %mul3A_368 = vector.broadcast %mul3A_367 : f32 to vector<16xf32>
        %mul3A_369 = arith.mulf %get3A_366, %mul3A_368 : vector<16xf32>
        %swap3A_370 = arith.index_cast %scan3A_220 : i32 to index
        %swap3A_371 = arith.constant 192 : index
        %swap3A_372 = tpu.vector_load %arg7[%swap3A_370, %swap3A_371] {strides = array<i32>} : memref<16x1024xf32, #tpu.memory_space<vmem>>, vector<1x16xf32>,
        %swap3A_373 = vector.shape_cast %swap3A_372 : vector<1x16xf32> to vector<16xf32>
        %swap3A_374 = vector.shape_cast %mul3A_369 : vector<16xf32> to vector<1x16xf32>
        tpu.vector_store %arg7[%swap3A_370, %swap3A_371], %swap3A_374 {strides = array<i32>} : memref<16x1024xf32, #tpu.memory_space<vmem>>, vector<1x16xf32>,
        %get3A_375 = arith.index_cast %scan3A_220 : i32 to index
        %get3A_376 = arith.constant 208 : index
        %get3A_377 = tpu.vector_load %arg7[%get3A_375, %get3A_376] {strides = array<i32>} : memref<16x1024xf32, #tpu.memory_space<vmem>>, vector<1x16xf32>,
        %get3A_378 = vector.shape_cast %get3A_377 : vector<1x16xf32> to vector<16xf32>
        %mul3A_379 = arith.constant 3.200000e+01 : f32
        %mul3A_380 = vector.broadcast %mul3A_379 : f32 to vector<16xf32>
        %mul3A_381 = arith.mulf %get3A_378, %mul3A_380 : vector<16xf32>
        %swap3A_382 = arith.index_cast %scan3A_220 : i32 to index
        %swap3A_383 = arith.constant 208 : index
        %swap3A_384 = tpu.vector_load %arg7[%swap3A_382, %swap3A_383] {strides = array<i32>} : memref<16x1024xf32, #tpu.memory_space<vmem>>, vector<1x16xf32>,
        %swap3A_385 = vector.shape_cast %swap3A_384 : vector<1x16xf32> to vector<16xf32>
        %swap3A_386 = vector.shape_cast %mul3A_381 : vector<16xf32> to vector<1x16xf32>
        tpu.vector_store %arg7[%swap3A_382, %swap3A_383], %swap3A_386 {strides = array<i32>} : memref<16x1024xf32, #tpu.memory_space<vmem>>, vector<1x16xf32>,
        %get3A_387 = arith.index_cast %scan3A_220 : i32 to index
        %get3A_388 = arith.constant 224 : index
        %get3A_389 = tpu.vector_load %arg7[%get3A_387, %get3A_388] {strides = array<i32>} : memref<16x1024xf32, #tpu.memory_space<vmem>>, vector<1x16xf32>,
        %get3A_390 = vector.shape_cast %get3A_389 : vector<1x16xf32> to vector<16xf32>
        %mul3A_391 = arith.constant 3.200000e+01 : f32
        %mul3A_392 = vector.broadcast %mul3A_391 : f32 to vector<16xf32>
        %mul3A_393 = arith.mulf %get3A_390, %mul3A_392 : vector<16xf32>
        %swap3A_394 = arith.index_cast %scan3A_220 : i32 to index
        %swap3A_395 = arith.constant 224 : index
        %swap3A_396 = tpu.vector_load %arg7[%swap3A_394, %swap3A_395] {strides = array<i32>} : memref<16x1024xf32, #tpu.memory_space<vmem>>, vector<1x16xf32>,
        %swap3A_397 = vector.shape_cast %swap3A_396 : vector<1x16xf32> to vector<16xf32>
        %swap3A_398 = vector.shape_cast %mul3A_393 : vector<16xf32> to vector<1x16xf32>
        tpu.vector_store %arg7[%swap3A_394, %swap3A_395], %swap3A_398 {strides = array<i32>} : memref<16x1024xf32, #tpu.memory_space<vmem>>, vector<1x16xf32>,
        %get3A_399 = arith.index_cast %scan3A_220 : i32 to index
        %get3A_400 = arith.constant 240 : index
        %get3A_401 = tpu.vector_load %arg7[%get3A_399, %get3A_400] {strides = array<i32>} : memref<16x1024xf32, #tpu.memory_space<vmem>>, vector<1x16xf32>,
        %get3A_402 = vector.shape_cast %get3A_401 : vector<1x16xf32> to vector<16xf32>
        %mul3A_403 = arith.constant 3.200000e+01 : f32
        %mul3A_404 = vector.broadcast %mul3A_403 : f32 to vector<16xf32>
        %mul3A_405 = arith.mulf %get3A_402, %mul3A_404 : vector<16xf32>
        %swap3A_406 = arith.index_cast %scan3A_220 : i32 to index
        %swap3A_407 = arith.constant 240 : index
        %swap3A_408 = tpu.vector_load %arg7[%swap3A_406, %swap3A_407] {strides = array<i32>} : memref<16x1024xf32, #tpu.memory_space<vmem>>, vector<1x16xf32>,
        %swap3A_409 = vector.shape_cast %swap3A_408 : vector<1x16xf32> to vector<16xf32>
        %swap3A_410 = vector.shape_cast %mul3A_405 : vector<16xf32> to vector<1x16xf32>
        tpu.vector_store %arg7[%swap3A_406, %swap3A_407], %swap3A_410 {strides = array<i32>} : memref<16x1024xf32, #tpu.memory_space<vmem>>, vector<1x16xf32>,
        %get3A_411 = arith.index_cast %scan3A_220 : i32 to index
        %get3A_412 = arith.constant 256 : index
        %get3A_413 = tpu.vector_load %arg7[%get3A_411, %get3A_412] {strides = array<i32>} : memref<16x1024xf32, #tpu.memory_space<vmem>>, vector<1x16xf32>,
        %get3A_414 = vector.shape_cast %get3A_413 : vector<1x16xf32> to vector<16xf32>
        %mul3A_415 = arith.constant 3.200000e+01 : f32
        %mul3A_416 = vector.broadcast %mul3A_415 : f32 to vector<16xf32>
        %mul3A_417 = arith.mulf %get3A_414, %mul3A_416 : vector<16xf32>
        %swap3A_418 = arith.index_cast %scan3A_220 : i32 to index
        %swap3A_419 = arith.constant 256 : index
        %swap3A_420 = tpu.vector_load %arg7[%swap3A_418, %swap3A_419] {strides = array<i32>} : memref<16x1024xf32, #tpu.memory_space<vmem>>, vector<1x16xf32>,
        %swap3A_421 = vector.shape_cast %swap3A_420 : vector<1x16xf32> to vector<16xf32>
        %swap3A_422 = vector.shape_cast %mul3A_417 : vector<16xf32> to vector<1x16xf32>
        tpu.vector_store %arg7[%swap3A_418, %swap3A_419], %swap3A_422 {strides = array<i32>} : memref<16x1024xf32, #tpu.memory_space<vmem>>, vector<1x16xf32>,
        %get3A_423 = arith.index_cast %scan3A_220 : i32 to index
        %get3A_424 = arith.constant 272 : index
        %get3A_425 = tpu.vector_load %arg7[%get3A_423, %get3A_424] {strides = array<i32>} : memref<16x1024xf32, #tpu.memory_space<vmem>>, vector<1x16xf32>,
        %get3A_426 = vector.shape_cast %get3A_425 : vector<1x16xf32> to vector<16xf32>
        %mul3A_427 = arith.constant 3.200000e+01 : f32
        %mul3A_428 = vector.broadcast %mul3A_427 : f32 to vector<16xf32>
        %mul3A_429 = arith.mulf %get3A_426, %mul3A_428 : vector<16xf32>
        %swap3A_430 = arith.index_cast %scan3A_220 : i32 to index
        %swap3A_431 = arith.constant 272 : index
        %swap3A_432 = tpu.vector_load %arg7[%swap3A_430, %swap3A_431] {strides = array<i32>} : memref<16x1024xf32, #tpu.memory_space<vmem>>, vector<1x16xf32>,
        %swap3A_433 = vector.shape_cast %swap3A_432 : vector<1x16xf32> to vector<16xf32>
        %swap3A_434 = vector.shape_cast %mul3A_429 : vector<16xf32> to vector<1x16xf32>
        tpu.vector_store %arg7[%swap3A_430, %swap3A_431], %swap3A_434 {strides = array<i32>} : memref<16x1024xf32, #tpu.memory_space<vmem>>, vector<1x16xf32>,
        %get3A_435 = arith.index_cast %scan3A_220 : i32 to index
        %get3A_436 = arith.constant 288 : index
        %get3A_437 = tpu.vector_load %arg7[%get3A_435, %get3A_436] {strides = array<i32>} : memref<16x1024xf32, #tpu.memory_space<vmem>>, vector<1x16xf32>,
        %get3A_438 = vector.shape_cast %get3A_437 : vector<1x16xf32> to vector<16xf32>
        %mul3A_439 = arith.constant 3.200000e+01 : f32
        %mul3A_440 = vector.broadcast %mul3A_439 : f32 to vector<16xf32>
        %mul3A_441 = arith.mulf %get3A_438, %mul3A_440 : vector<16xf32>
        %swap3A_442 = arith.index_cast %scan3A_220 : i32 to index
        %swap3A_443 = arith.constant 288 : index
        %swap3A_444 = tpu.vector_load %arg7[%swap3A_442, %swap3A_443] {strides = array<i32>} : memref<16x1024xf32, #tpu.memory_space<vmem>>, vector<1x16xf32>,
        %swap3A_445 = vector.shape_cast %swap3A_444 : vector<1x16xf32> to vector<16xf32>
        %swap3A_446 = vector.shape_cast %mul3A_441 : vector<16xf32> to vector<1x16xf32>
        tpu.vector_store %arg7[%swap3A_442, %swap3A_443], %swap3A_446 {strides = array<i32>} : memref<16x1024xf32, #tpu.memory_space<vmem>>, vector<1x16xf32>,
        %get3A_447 = arith.index_cast %scan3A_220 : i32 to index
        %get3A_448 = arith.constant 304 : index
        %get3A_449 = tpu.vector_load %arg7[%get3A_447, %get3A_448] {strides = array<i32>} : memref<16x1024xf32, #tpu.memory_space<vmem>>, vector<1x16xf32>,
        %get3A_450 = vector.shape_cast %get3A_449 : vector<1x16xf32> to vector<16xf32>
        %mul3A_451 = arith.constant 3.200000e+01 : f32
        %mul3A_452 = vector.broadcast %mul3A_451 : f32 to vector<16xf32>
        %mul3A_453 = arith.mulf %get3A_450, %mul3A_452 : vector<16xf32>
        %swap3A_454 = arith.index_cast %scan3A_220 : i32 to index
        %swap3A_455 = arith.constant 304 : index
        %swap3A_456 = tpu.vector_load %arg7[%swap3A_454, %swap3A_455] {strides = array<i32>} : memref<16x1024xf32, #tpu.memory_space<vmem>>, vector<1x16xf32>,
        %swap3A_457 = vector.shape_cast %swap3A_456 : vector<1x16xf32> to vector<16xf32>
        %swap3A_458 = vector.shape_cast %mul3A_453 : vector<16xf32> to vector<1x16xf32>
        tpu.vector_store %arg7[%swap3A_454, %swap3A_455], %swap3A_458 {strides = array<i32>} : memref<16x1024xf32, #tpu.memory_space<vmem>>, vector<1x16xf32>,
        %get3A_459 = arith.index_cast %scan3A_220 : i32 to index
        %get3A_460 = arith.constant 320 : index
        %get3A_461 = tpu.vector_load %arg7[%get3A_459, %get3A_460] {strides = array<i32>} : memref<16x1024xf32, #tpu.memory_space<vmem>>, vector<1x16xf32>,
        %get3A_462 = vector.shape_cast %get3A_461 : vector<1x16xf32> to vector<16xf32>
        %mul3A_463 = arith.constant 3.200000e+01 : f32
        %mul3A_464 = vector.broadcast %mul3A_463 : f32 to vector<16xf32>
        %mul3A_465 = arith.mulf %get3A_462, %mul3A_464 : vector<16xf32>
        %swap3A_466 = arith.index_cast %scan3A_220 : i32 to index
        %swap3A_467 = arith.constant 320 : index
        %swap3A_468 = tpu.vector_load %arg7[%swap3A_466, %swap3A_467] {strides = array<i32>} : memref<16x1024xf32, #tpu.memory_space<vmem>>, vector<1x16xf32>,
        %swap3A_469 = vector.shape_cast %swap3A_468 : vector<1x16xf32> to vector<16xf32>
        %swap3A_470 = vector.shape_cast %mul3A_465 : vector<16xf32> to vector<1x16xf32>
        tpu.vector_store %arg7[%swap3A_466, %swap3A_467], %swap3A_470 {strides = array<i32>} : memref<16x1024xf32, #tpu.memory_space<vmem>>, vector<1x16xf32>,
        %get3A_471 = arith.index_cast %scan3A_220 : i32 to index
        %get3A_472 = arith.constant 336 : index
        %get3A_473 = tpu.vector_load %arg7[%get3A_471, %get3A_472] {strides = array<i32>} : memref<16x1024xf32, #tpu.memory_space<vmem>>, vector<1x16xf32>,
        %get3A_474 = vector.shape_cast %get3A_473 : vector<1x16xf32> to vector<16xf32>
        %mul3A_475 = arith.constant 3.200000e+01 : f32
        %mul3A_476 = vector.broadcast %mul3A_475 : f32 to vector<16xf32>
        %mul3A_477 = arith.mulf %get3A_474, %mul3A_476 : vector<16xf32>
        %swap3A_478 = arith.index_cast %scan3A_220 : i32 to index
        %swap3A_479 = arith.constant 336 : index
        %swap3A_480 = tpu.vector_load %arg7[%swap3A_478, %swap3A_479] {strides = array<i32>} : memref<16x1024xf32, #tpu.memory_space<vmem>>, vector<1x16xf32>,
        %swap3A_481 = vector.shape_cast %swap3A_480 : vector<1x16xf32> to vector<16xf32>
        %swap3A_482 = vector.shape_cast %mul3A_477 : vector<16xf32> to vector<1x16xf32>
        tpu.vector_store %arg7[%swap3A_478, %swap3A_479], %swap3A_482 {strides = array<i32>} : memref<16x1024xf32, #tpu.memory_space<vmem>>, vector<1x16xf32>,
        %get3A_483 = arith.index_cast %scan3A_220 : i32 to index
        %get3A_484 = arith.constant 352 : index
        %get3A_485 = tpu.vector_load %arg7[%get3A_483, %get3A_484] {strides = array<i32>} : memref<16x1024xf32, #tpu.memory_space<vmem>>, vector<1x16xf32>,
        %get3A_486 = vector.shape_cast %get3A_485 : vector<1x16xf32> to vector<16xf32>
        %mul3A_487 = arith.constant 3.200000e+01 : f32
        %mul3A_488 = vector.broadcast %mul3A_487 : f32 to vector<16xf32>
        %mul3A_489 = arith.mulf %get3A_486, %mul3A_488 : vector<16xf32>
        %swap3A_490 = arith.index_cast %scan3A_220 : i32 to index
        %swap3A_491 = arith.constant 352 : index
        %swap3A_492 = tpu.vector_load %arg7[%swap3A_490, %swap3A_491] {strides = array<i32>} : memref<16x1024xf32, #tpu.memory_space<vmem>>, vector<1x16xf32>,
        %swap3A_493 = vector.shape_cast %swap3A_492 : vector<1x16xf32> to vector<16xf32>
        %swap3A_494 = vector.shape_cast %mul3A_489 : vector<16xf32> to vector<1x16xf32>
        tpu.vector_store %arg7[%swap3A_490, %swap3A_491], %swap3A_494 {strides = array<i32>} : memref<16x1024xf32, #tpu.memory_space<vmem>>, vector<1x16xf32>,
        %get3A_495 = arith.index_cast %scan3A_220 : i32 to index
        %get3A_496 = arith.constant 368 : index
        %get3A_497 = tpu.vector_load %arg7[%get3A_495, %get3A_496] {strides = array<i32>} : memref<16x1024xf32, #tpu.memory_space<vmem>>, vector<1x16xf32>,
        %get3A_498 = vector.shape_cast %get3A_497 : vector<1x16xf32> to vector<16xf32>
        %mul3A_499 = arith.constant 3.200000e+01 : f32
        %mul3A_500 = vector.broadcast %mul3A_499 : f32 to vector<16xf32>
        %mul3A_501 = arith.mulf %get3A_498, %mul3A_500 : vector<16xf32>
        %swap3A_502 = arith.index_cast %scan3A_220 : i32 to index
        %swap3A_503 = arith.constant 368 : index
        %swap3A_504 = tpu.vector_load %arg7[%swap3A_502, %swap3A_503] {strides = array<i32>} : memref<16x1024xf32, #tpu.memory_space<vmem>>, vector<1x16xf32>,
        %swap3A_505 = vector.shape_cast %swap3A_504 : vector<1x16xf32> to vector<16xf32>
        %swap3A_506 = vector.shape_cast %mul3A_501 : vector<16xf32> to vector<1x16xf32>
        tpu.vector_store %arg7[%swap3A_502, %swap3A_503], %swap3A_506 {strides = array<i32>} : memref<16x1024xf32, #tpu.memory_space<vmem>>, vector<1x16xf32>,
        %get3A_507 = arith.index_cast %scan3A_220 : i32 to index
        %get3A_508 = arith.constant 384 : index
        %get3A_509 = tpu.vector_load %arg7[%get3A_507, %get3A_508] {strides = array<i32>} : memref<16x1024xf32, #tpu.memory_space<vmem>>, vector<1x16xf32>,
        %get3A_510 = vector.shape_cast %get3A_509 : vector<1x16xf32> to vector<16xf32>
        %mul3A_511 = arith.constant 3.200000e+01 : f32
        %mul3A_512 = vector.broadcast %mul3A_511 : f32 to vector<16xf32>
        %mul3A_513 = arith.mulf %get3A_510, %mul3A_512 : vector<16xf32>
        %swap3A_514 = arith.index_cast %scan3A_220 : i32 to index
        %swap3A_515 = arith.constant 384 : index
        %swap3A_516 = tpu.vector_load %arg7[%swap3A_514, %swap3A_515] {strides = array<i32>} : memref<16x1024xf32, #tpu.memory_space<vmem>>, vector<1x16xf32>,
        %swap3A_517 = vector.shape_cast %swap3A_516 : vector<1x16xf32> to vector<16xf32>
        %swap3A_518 = vector.shape_cast %mul3A_513 : vector<16xf32> to vector<1x16xf32>
        tpu.vector_store %arg7[%swap3A_514, %swap3A_515], %swap3A_518 {strides = array<i32>} : memref<16x1024xf32, #tpu.memory_space<vmem>>, vector<1x16xf32>,
        %get3A_519 = arith.index_cast %scan3A_220 : i32 to index
        %get3A_520 = arith.constant 400 : index
        %get3A_521 = tpu.vector_load %arg7[%get3A_519, %get3A_520] {strides = array<i32>} : memref<16x1024xf32, #tpu.memory_space<vmem>>, vector<1x16xf32>,
        %get3A_522 = vector.shape_cast %get3A_521 : vector<1x16xf32> to vector<16xf32>
        %mul3A_523 = arith.constant 3.200000e+01 : f32
        %mul3A_524 = vector.broadcast %mul3A_523 : f32 to vector<16xf32>
        %mul3A_525 = arith.mulf %get3A_522, %mul3A_524 : vector<16xf32>
        %swap3A_526 = arith.index_cast %scan3A_220 : i32 to index
        %swap3A_527 = arith.constant 400 : index
        %swap3A_528 = tpu.vector_load %arg7[%swap3A_526, %swap3A_527] {strides = array<i32>} : memref<16x1024xf32, #tpu.memory_space<vmem>>, vector<1x16xf32>,
        %swap3A_529 = vector.shape_cast %swap3A_528 : vector<1x16xf32> to vector<16xf32>
        %swap3A_530 = vector.shape_cast %mul3A_525 : vector<16xf32> to vector<1x16xf32>
        tpu.vector_store %arg7[%swap3A_526, %swap3A_527], %swap3A_530 {strides = array<i32>} : memref<16x1024xf32, #tpu.memory_space<vmem>>, vector<1x16xf32>,
        %get3A_531 = arith.index_cast %scan3A_220 : i32 to index
        %get3A_532 = arith.constant 416 : index
        %get3A_533 = tpu.vector_load %arg7[%get3A_531, %get3A_532] {strides = array<i32>} : memref<16x1024xf32, #tpu.memory_space<vmem>>, vector<1x16xf32>,
        %get3A_534 = vector.shape_cast %get3A_533 : vector<1x16xf32> to vector<16xf32>
        %mul3A_535 = arith.constant 3.200000e+01 : f32
        %mul3A_536 = vector.broadcast %mul3A_535 : f32 to vector<16xf32>
        %mul3A_537 = arith.mulf %get3A_534, %mul3A_536 : vector<16xf32>
        %swap3A_538 = arith.index_cast %scan3A_220 : i32 to index
        %swap3A_539 = arith.constant 416 : index
        %swap3A_540 = tpu.vector_load %arg7[%swap3A_538, %swap3A_539] {strides = array<i32>} : memref<16x1024xf32, #tpu.memory_space<vmem>>, vector<1x16xf32>,
        %swap3A_541 = vector.shape_cast %swap3A_540 : vector<1x16xf32> to vector<16xf32>
        %swap3A_542 = vector.shape_cast %mul3A_537 : vector<16xf32> to vector<1x16xf32>
        tpu.vector_store %arg7[%swap3A_538, %swap3A_539], %swap3A_542 {strides = array<i32>} : memref<16x1024xf32, #tpu.memory_space<vmem>>, vector<1x16xf32>,
        %get3A_543 = arith.index_cast %scan3A_220 : i32 to index
        %get3A_544 = arith.constant 432 : index
        %get3A_545 = tpu.vector_load %arg7[%get3A_543, %get3A_544] {strides = array<i32>} : memref<16x1024xf32, #tpu.memory_space<vmem>>, vector<1x16xf32>,
        %get3A_546 = vector.shape_cast %get3A_545 : vector<1x16xf32> to vector<16xf32>
        %mul3A_547 = arith.constant 3.200000e+01 : f32
        %mul3A_548 = vector.broadcast %mul3A_547 : f32 to vector<16xf32>
        %mul3A_549 = arith.mulf %get3A_546, %mul3A_548 : vector<16xf32>
        %swap3A_550 = arith.index_cast %scan3A_220 : i32 to index
        %swap3A_551 = arith.constant 432 : index
        %swap3A_552 = tpu.vector_load %arg7[%swap3A_550, %swap3A_551] {strides = array<i32>} : memref<16x1024xf32, #tpu.memory_space<vmem>>, vector<1x16xf32>,
        %swap3A_553 = vector.shape_cast %swap3A_552 : vector<1x16xf32> to vector<16xf32>
        %swap3A_554 = vector.shape_cast %mul3A_549 : vector<16xf32> to vector<1x16xf32>
        tpu.vector_store %arg7[%swap3A_550, %swap3A_551], %swap3A_554 {strides = array<i32>} : memref<16x1024xf32, #tpu.memory_space<vmem>>, vector<1x16xf32>,
        %get3A_555 = arith.index_cast %scan3A_220 : i32 to index
        %get3A_556 = arith.constant 448 : index
        %get3A_557 = tpu.vector_load %arg7[%get3A_555, %get3A_556] {strides = array<i32>} : memref<16x1024xf32, #tpu.memory_space<vmem>>, vector<1x16xf32>,
        %get3A_558 = vector.shape_cast %get3A_557 : vector<1x16xf32> to vector<16xf32>
        %mul3A_559 = arith.constant 3.200000e+01 : f32
        %mul3A_560 = vector.broadcast %mul3A_559 : f32 to vector<16xf32>
        %mul3A_561 = arith.mulf %get3A_558, %mul3A_560 : vector<16xf32>
        %swap3A_562 = arith.index_cast %scan3A_220 : i32 to index
        %swap3A_563 = arith.constant 448 : index
        %swap3A_564 = tpu.vector_load %arg7[%swap3A_562, %swap3A_563] {strides = array<i32>} : memref<16x1024xf32, #tpu.memory_space<vmem>>, vector<1x16xf32>,
        %swap3A_565 = vector.shape_cast %swap3A_564 : vector<1x16xf32> to vector<16xf32>
        %swap3A_566 = vector.shape_cast %mul3A_561 : vector<16xf32> to vector<1x16xf32>
        tpu.vector_store %arg7[%swap3A_562, %swap3A_563], %swap3A_566 {strides = array<i32>} : memref<16x1024xf32, #tpu.memory_space<vmem>>, vector<1x16xf32>,
        %get3A_567 = arith.index_cast %scan3A_220 : i32 to index
        %get3A_568 = arith.constant 464 : index
        %get3A_569 = tpu.vector_load %arg7[%get3A_567, %get3A_568] {strides = array<i32>} : memref<16x1024xf32, #tpu.memory_space<vmem>>, vector<1x16xf32>,
        %get3A_570 = vector.shape_cast %get3A_569 : vector<1x16xf32> to vector<16xf32>
        %mul3A_571 = arith.constant 3.200000e+01 : f32
        %mul3A_572 = vector.broadcast %mul3A_571 : f32 to vector<16xf32>
        %mul3A_573 = arith.mulf %get3A_570, %mul3A_572 : vector<16xf32>
        %swap3A_574 = arith.index_cast %scan3A_220 : i32 to index
        %swap3A_575 = arith.constant 464 : index
        %swap3A_576 = tpu.vector_load %arg7[%swap3A_574, %swap3A_575] {strides = array<i32>} : memref<16x1024xf32, #tpu.memory_space<vmem>>, vector<1x16xf32>,
        %swap3A_577 = vector.shape_cast %swap3A_576 : vector<1x16xf32> to vector<16xf32>
        %swap3A_578 = vector.shape_cast %mul3A_573 : vector<16xf32> to vector<1x16xf32>
        tpu.vector_store %arg7[%swap3A_574, %swap3A_575], %swap3A_578 {strides = array<i32>} : memref<16x1024xf32, #tpu.memory_space<vmem>>, vector<1x16xf32>,
        %get3A_579 = arith.index_cast %scan3A_220 : i32 to index
        %get3A_580 = arith.constant 480 : index
        %get3A_581 = tpu.vector_load %arg7[%get3A_579, %get3A_580] {strides = array<i32>} : memref<16x1024xf32, #tpu.memory_space<vmem>>, vector<1x16xf32>,
        %get3A_582 = vector.shape_cast %get3A_581 : vector<1x16xf32> to vector<16xf32>
        %mul3A_583 = arith.constant 3.200000e+01 : f32
        %mul3A_584 = vector.broadcast %mul3A_583 : f32 to vector<16xf32>
        %mul3A_585 = arith.mulf %get3A_582, %mul3A_584 : vector<16xf32>
        %swap3A_586 = arith.index_cast %scan3A_220 : i32 to index
        %swap3A_587 = arith.constant 480 : index
        %swap3A_588 = tpu.vector_load %arg7[%swap3A_586, %swap3A_587] {strides = array<i32>} : memref<16x1024xf32, #tpu.memory_space<vmem>>, vector<1x16xf32>,
        %swap3A_589 = vector.shape_cast %swap3A_588 : vector<1x16xf32> to vector<16xf32>
        %swap3A_590 = vector.shape_cast %mul3A_585 : vector<16xf32> to vector<1x16xf32>
        tpu.vector_store %arg7[%swap3A_586, %swap3A_587], %swap3A_590 {strides = array<i32>} : memref<16x1024xf32, #tpu.memory_space<vmem>>, vector<1x16xf32>,
        %get3A_591 = arith.index_cast %scan3A_220 : i32 to index
        %get3A_592 = arith.constant 496 : index
        %get3A_593 = tpu.vector_load %arg7[%get3A_591, %get3A_592] {strides = array<i32>} : memref<16x1024xf32, #tpu.memory_space<vmem>>, vector<1x16xf32>,
        %get3A_594 = vector.shape_cast %get3A_593 : vector<1x16xf32> to vector<16xf32>
        %mul3A_595 = arith.constant 3.200000e+01 : f32
        %mul3A_596 = vector.broadcast %mul3A_595 : f32 to vector<16xf32>
        %mul3A_597 = arith.mulf %get3A_594, %mul3A_596 : vector<16xf32>
        %swap3A_598 = arith.index_cast %scan3A_220 : i32 to index
        %swap3A_599 = arith.constant 496 : index
        %swap3A_600 = tpu.vector_load %arg7[%swap3A_598, %swap3A_599] {strides = array<i32>} : memref<16x1024xf32, #tpu.memory_space<vmem>>, vector<1x16xf32>,
        %swap3A_601 = vector.shape_cast %swap3A_600 : vector<1x16xf32> to vector<16xf32>
        %swap3A_602 = vector.shape_cast %mul3A_597 : vector<16xf32> to vector<1x16xf32>
        tpu.vector_store %arg7[%swap3A_598, %swap3A_599], %swap3A_602 {strides = array<i32>} : memref<16x1024xf32, #tpu.memory_space<vmem>>, vector<1x16xf32>,
        %get3A_603 = arith.index_cast %scan3A_220 : i32 to index
        %get3A_604 = arith.constant 512 : index
        %get3A_605 = tpu.vector_load %arg7[%get3A_603, %get3A_604] {strides = array<i32>} : memref<16x1024xf32, #tpu.memory_space<vmem>>, vector<1x16xf32>,
        %get3A_606 = vector.shape_cast %get3A_605 : vector<1x16xf32> to vector<16xf32>
        %mul3A_607 = arith.constant 3.200000e+01 : f32
        %mul3A_608 = vector.broadcast %mul3A_607 : f32 to vector<16xf32>
        %mul3A_609 = arith.mulf %get3A_606, %mul3A_608 : vector<16xf32>
        %swap3A_610 = arith.index_cast %scan3A_220 : i32 to index
        %swap3A_611 = arith.constant 512 : index
        %swap3A_612 = tpu.vector_load %arg7[%swap3A_610, %swap3A_611] {strides = array<i32>} : memref<16x1024xf32, #tpu.memory_space<vmem>>, vector<1x16xf32>,
        %swap3A_613 = vector.shape_cast %swap3A_612 : vector<1x16xf32> to vector<16xf32>
        %swap3A_614 = vector.shape_cast %mul3A_609 : vector<16xf32> to vector<1x16xf32>
        tpu.vector_store %arg7[%swap3A_610, %swap3A_611], %swap3A_614 {strides = array<i32>} : memref<16x1024xf32, #tpu.memory_space<vmem>>, vector<1x16xf32>,
        %get3A_615 = arith.index_cast %scan3A_220 : i32 to index
        %get3A_616 = arith.constant 528 : index
        %get3A_617 = tpu.vector_load %arg7[%get3A_615, %get3A_616] {strides = array<i32>} : memref<16x1024xf32, #tpu.memory_space<vmem>>, vector<1x16xf32>,
        %get3A_618 = vector.shape_cast %get3A_617 : vector<1x16xf32> to vector<16xf32>
        %mul3A_619 = arith.constant 3.200000e+01 : f32
        %mul3A_620 = vector.broadcast %mul3A_619 : f32 to vector<16xf32>
        %mul3A_621 = arith.mulf %get3A_618, %mul3A_620 : vector<16xf32>
        %swap3A_622 = arith.index_cast %scan3A_220 : i32 to index
        %swap3A_623 = arith.constant 528 : index
        %swap3A_624 = tpu.vector_load %arg7[%swap3A_622, %swap3A_623] {strides = array<i32>} : memref<16x1024xf32, #tpu.memory_space<vmem>>, vector<1x16xf32>,
        %swap3A_625 = vector.shape_cast %swap3A_624 : vector<1x16xf32> to vector<16xf32>
        %swap3A_626 = vector.shape_cast %mul3A_621 : vector<16xf32> to vector<1x16xf32>
        tpu.vector_store %arg7[%swap3A_622, %swap3A_623], %swap3A_626 {strides = array<i32>} : memref<16x1024xf32, #tpu.memory_space<vmem>>, vector<1x16xf32>,
        %get3A_627 = arith.index_cast %scan3A_220 : i32 to index
        %get3A_628 = arith.constant 544 : index
        %get3A_629 = tpu.vector_load %arg7[%get3A_627, %get3A_628] {strides = array<i32>} : memref<16x1024xf32, #tpu.memory_space<vmem>>, vector<1x16xf32>,
        %get3A_630 = vector.shape_cast %get3A_629 : vector<1x16xf32> to vector<16xf32>
        %mul3A_631 = arith.constant 3.200000e+01 : f32
        %mul3A_632 = vector.broadcast %mul3A_631 : f32 to vector<16xf32>
        %mul3A_633 = arith.mulf %get3A_630, %mul3A_632 : vector<16xf32>
        %swap3A_634 = arith.index_cast %scan3A_220 : i32 to index
        %swap3A_635 = arith.constant 544 : index
        %swap3A_636 = tpu.vector_load %arg7[%swap3A_634, %swap3A_635] {strides = array<i32>} : memref<16x1024xf32, #tpu.memory_space<vmem>>, vector<1x16xf32>,
        %swap3A_637 = vector.shape_cast %swap3A_636 : vector<1x16xf32> to vector<16xf32>
        %swap3A_638 = vector.shape_cast %mul3A_633 : vector<16xf32> to vector<1x16xf32>
        tpu.vector_store %arg7[%swap3A_634, %swap3A_635], %swap3A_638 {strides = array<i32>} : memref<16x1024xf32, #tpu.memory_space<vmem>>, vector<1x16xf32>,
        %get3A_639 = arith.index_cast %scan3A_220 : i32 to index
        %get3A_640 = arith.constant 560 : index
        %get3A_641 = tpu.vector_load %arg7[%get3A_639, %get3A_640] {strides = array<i32>} : memref<16x1024xf32, #tpu.memory_space<vmem>>, vector<1x16xf32>,
        %get3A_642 = vector.shape_cast %get3A_641 : vector<1x16xf32> to vector<16xf32>
        %mul3A_643 = arith.constant 3.200000e+01 : f32
        %mul3A_644 = vector.broadcast %mul3A_643 : f32 to vector<16xf32>
        %mul3A_645 = arith.mulf %get3A_642, %mul3A_644 : vector<16xf32>
        %swap3A_646 = arith.index_cast %scan3A_220 : i32 to index
        %swap3A_647 = arith.constant 560 : index
        %swap3A_648 = tpu.vector_load %arg7[%swap3A_646, %swap3A_647] {strides = array<i32>} : memref<16x1024xf32, #tpu.memory_space<vmem>>, vector<1x16xf32>,
        %swap3A_649 = vector.shape_cast %swap3A_648 : vector<1x16xf32> to vector<16xf32>
        %swap3A_650 = vector.shape_cast %mul3A_645 : vector<16xf32> to vector<1x16xf32>
        tpu.vector_store %arg7[%swap3A_646, %swap3A_647], %swap3A_650 {strides = array<i32>} : memref<16x1024xf32, #tpu.memory_space<vmem>>, vector<1x16xf32>,
        %get3A_651 = arith.index_cast %scan3A_220 : i32 to index
        %get3A_652 = arith.constant 576 : index
        %get3A_653 = tpu.vector_load %arg7[%get3A_651, %get3A_652] {strides = array<i32>} : memref<16x1024xf32, #tpu.memory_space<vmem>>, vector<1x16xf32>,
        %get3A_654 = vector.shape_cast %get3A_653 : vector<1x16xf32> to vector<16xf32>
        %mul3A_655 = arith.constant 3.200000e+01 : f32
        %mul3A_656 = vector.broadcast %mul3A_655 : f32 to vector<16xf32>
        %mul3A_657 = arith.mulf %get3A_654, %mul3A_656 : vector<16xf32>
        %swap3A_658 = arith.index_cast %scan3A_220 : i32 to index
        %swap3A_659 = arith.constant 576 : index
        %swap3A_660 = tpu.vector_load %arg7[%swap3A_658, %swap3A_659] {strides = array<i32>} : memref<16x1024xf32, #tpu.memory_space<vmem>>, vector<1x16xf32>,
        %swap3A_661 = vector.shape_cast %swap3A_660 : vector<1x16xf32> to vector<16xf32>
        %swap3A_662 = vector.shape_cast %mul3A_657 : vector<16xf32> to vector<1x16xf32>
        tpu.vector_store %arg7[%swap3A_658, %swap3A_659], %swap3A_662 {strides = array<i32>} : memref<16x1024xf32, #tpu.memory_space<vmem>>, vector<1x16xf32>,
        %get3A_663 = arith.index_cast %scan3A_220 : i32 to index
        %get3A_664 = arith.constant 592 : index
        %get3A_665 = tpu.vector_load %arg7[%get3A_663, %get3A_664] {strides = array<i32>} : memref<16x1024xf32, #tpu.memory_space<vmem>>, vector<1x16xf32>,
        %get3A_666 = vector.shape_cast %get3A_665 : vector<1x16xf32> to vector<16xf32>
        %mul3A_667 = arith.constant 3.200000e+01 : f32
        %mul3A_668 = vector.broadcast %mul3A_667 : f32 to vector<16xf32>
        %mul3A_669 = arith.mulf %get3A_666, %mul3A_668 : vector<16xf32>
        %swap3A_670 = arith.index_cast %scan3A_220 : i32 to index
        %swap3A_671 = arith.constant 592 : index
        %swap3A_672 = tpu.vector_load %arg7[%swap3A_670, %swap3A_671] {strides = array<i32>} : memref<16x1024xf32, #tpu.memory_space<vmem>>, vector<1x16xf32>,
        %swap3A_673 = vector.shape_cast %swap3A_672 : vector<1x16xf32> to vector<16xf32>
        %swap3A_674 = vector.shape_cast %mul3A_669 : vector<16xf32> to vector<1x16xf32>
        tpu.vector_store %arg7[%swap3A_670, %swap3A_671], %swap3A_674 {strides = array<i32>} : memref<16x1024xf32, #tpu.memory_space<vmem>>, vector<1x16xf32>,
        %get3A_675 = arith.index_cast %scan3A_220 : i32 to index
        %get3A_676 = arith.constant 608 : index
        %get3A_677 = tpu.vector_load %arg7[%get3A_675, %get3A_676] {strides = array<i32>} : memref<16x1024xf32, #tpu.memory_space<vmem>>, vector<1x16xf32>,
        %get3A_678 = vector.shape_cast %get3A_677 : vector<1x16xf32> to vector<16xf32>
        %mul3A_679 = arith.constant 3.200000e+01 : f32
        %mul3A_680 = vector.broadcast %mul3A_679 : f32 to vector<16xf32>
        %mul3A_681 = arith.mulf %get3A_678, %mul3A_680 : vector<16xf32>
        %swap3A_682 = arith.index_cast %scan3A_220 : i32 to index
        %swap3A_683 = arith.constant 608 : index
        %swap3A_684 = tpu.vector_load %arg7[%swap3A_682, %swap3A_683] {strides = array<i32>} : memref<16x1024xf32, #tpu.memory_space<vmem>>, vector<1x16xf32>,
        %swap3A_685 = vector.shape_cast %swap3A_684 : vector<1x16xf32> to vector<16xf32>
        %swap3A_686 = vector.shape_cast %mul3A_681 : vector<16xf32> to vector<1x16xf32>
        tpu.vector_store %arg7[%swap3A_682, %swap3A_683], %swap3A_686 {strides = array<i32>} : memref<16x1024xf32, #tpu.memory_space<vmem>>, vector<1x16xf32>,
        %get3A_687 = arith.index_cast %scan3A_220 : i32 to index
        %get3A_688 = arith.constant 624 : index
        %get3A_689 = tpu.vector_load %arg7[%get3A_687, %get3A_688] {strides = array<i32>} : memref<16x1024xf32, #tpu.memory_space<vmem>>, vector<1x16xf32>,
        %get3A_690 = vector.shape_cast %get3A_689 : vector<1x16xf32> to vector<16xf32>
        %mul3A_691 = arith.constant 3.200000e+01 : f32
        %mul3A_692 = vector.broadcast %mul3A_691 : f32 to vector<16xf32>
        %mul3A_693 = arith.mulf %get3A_690, %mul3A_692 : vector<16xf32>
        %swap3A_694 = arith.index_cast %scan3A_220 : i32 to index
        %swap3A_695 = arith.constant 624 : index
        %swap3A_696 = tpu.vector_load %arg7[%swap3A_694, %swap3A_695] {strides = array<i32>} : memref<16x1024xf32, #tpu.memory_space<vmem>>, vector<1x16xf32>,
        %swap3A_697 = vector.shape_cast %swap3A_696 : vector<1x16xf32> to vector<16xf32>
        %swap3A_698 = vector.shape_cast %mul3A_693 : vector<16xf32> to vector<1x16xf32>
        tpu.vector_store %arg7[%swap3A_694, %swap3A_695], %swap3A_698 {strides = array<i32>} : memref<16x1024xf32, #tpu.memory_space<vmem>>, vector<1x16xf32>,
        %get3A_699 = arith.index_cast %scan3A_220 : i32 to index
        %get3A_700 = arith.constant 640 : index
        %get3A_701 = tpu.vector_load %arg7[%get3A_699, %get3A_700] {strides = array<i32>} : memref<16x1024xf32, #tpu.memory_space<vmem>>, vector<1x16xf32>,
        %get3A_702 = vector.shape_cast %get3A_701 : vector<1x16xf32> to vector<16xf32>
        %mul3A_703 = arith.constant 3.200000e+01 : f32
        %mul3A_704 = vector.broadcast %mul3A_703 : f32 to vector<16xf32>
        %mul3A_705 = arith.mulf %get3A_702, %mul3A_704 : vector<16xf32>
        %swap3A_706 = arith.index_cast %scan3A_220 : i32 to index
        %swap3A_707 = arith.constant 640 : index
        %swap3A_708 = tpu.vector_load %arg7[%swap3A_706, %swap3A_707] {strides = array<i32>} : memref<16x1024xf32, #tpu.memory_space<vmem>>, vector<1x16xf32>,
        %swap3A_709 = vector.shape_cast %swap3A_708 : vector<1x16xf32> to vector<16xf32>
        %swap3A_710 = vector.shape_cast %mul3A_705 : vector<16xf32> to vector<1x16xf32>
        tpu.vector_store %arg7[%swap3A_706, %swap3A_707], %swap3A_710 {strides = array<i32>} : memref<16x1024xf32, #tpu.memory_space<vmem>>, vector<1x16xf32>,
        %get3A_711 = arith.index_cast %scan3A_220 : i32 to index
        %get3A_712 = arith.constant 656 : index
        %get3A_713 = tpu.vector_load %arg7[%get3A_711, %get3A_712] {strides = array<i32>} : memref<16x1024xf32, #tpu.memory_space<vmem>>, vector<1x16xf32>,
        %get3A_714 = vector.shape_cast %get3A_713 : vector<1x16xf32> to vector<16xf32>
        %mul3A_715 = arith.constant 3.200000e+01 : f32
        %mul3A_716 = vector.broadcast %mul3A_715 : f32 to vector<16xf32>
        %mul3A_717 = arith.mulf %get3A_714, %mul3A_716 : vector<16xf32>
        %swap3A_718 = arith.index_cast %scan3A_220 : i32 to index
        %swap3A_719 = arith.constant 656 : index
        %swap3A_720 = tpu.vector_load %arg7[%swap3A_718, %swap3A_719] {strides = array<i32>} : memref<16x1024xf32, #tpu.memory_space<vmem>>, vector<1x16xf32>,
        %swap3A_721 = vector.shape_cast %swap3A_720 : vector<1x16xf32> to vector<16xf32>
        %swap3A_722 = vector.shape_cast %mul3A_717 : vector<16xf32> to vector<1x16xf32>
        tpu.vector_store %arg7[%swap3A_718, %swap3A_719], %swap3A_722 {strides = array<i32>} : memref<16x1024xf32, #tpu.memory_space<vmem>>, vector<1x16xf32>,
        %get3A_723 = arith.index_cast %scan3A_220 : i32 to index
        %get3A_724 = arith.constant 672 : index
        %get3A_725 = tpu.vector_load %arg7[%get3A_723, %get3A_724] {strides = array<i32>} : memref<16x1024xf32, #tpu.memory_space<vmem>>, vector<1x16xf32>,
        %get3A_726 = vector.shape_cast %get3A_725 : vector<1x16xf32> to vector<16xf32>
        %mul3A_727 = arith.constant 3.200000e+01 : f32
        %mul3A_728 = vector.broadcast %mul3A_727 : f32 to vector<16xf32>
        %mul3A_729 = arith.mulf %get3A_726, %mul3A_728 : vector<16xf32>
        %swap3A_730 = arith.index_cast %scan3A_220 : i32 to index
        %swap3A_731 = arith.constant 672 : index
        %swap3A_732 = tpu.vector_load %arg7[%swap3A_730, %swap3A_731] {strides = array<i32>} : memref<16x1024xf32, #tpu.memory_space<vmem>>, vector<1x16xf32>,
        %swap3A_733 = vector.shape_cast %swap3A_732 : vector<1x16xf32> to vector<16xf32>
        %swap3A_734 = vector.shape_cast %mul3A_729 : vector<16xf32> to vector<1x16xf32>
        tpu.vector_store %arg7[%swap3A_730, %swap3A_731], %swap3A_734 {strides = array<i32>} : memref<16x1024xf32, #tpu.memory_space<vmem>>, vector<1x16xf32>,
        %get3A_735 = arith.index_cast %scan3A_220 : i32 to index
        %get3A_736 = arith.constant 688 : index
        %get3A_737 = tpu.vector_load %arg7[%get3A_735, %get3A_736] {strides = array<i32>} : memref<16x1024xf32, #tpu.memory_space<vmem>>, vector<1x16xf32>,
        %get3A_738 = vector.shape_cast %get3A_737 : vector<1x16xf32> to vector<16xf32>
        %mul3A_739 = arith.constant 3.200000e+01 : f32
        %mul3A_740 = vector.broadcast %mul3A_739 : f32 to vector<16xf32>
        %mul3A_741 = arith.mulf %get3A_738, %mul3A_740 : vector<16xf32>
        %swap3A_742 = arith.index_cast %scan3A_220 : i32 to index
        %swap3A_743 = arith.constant 688 : index
        %swap3A_744 = tpu.vector_load %arg7[%swap3A_742, %swap3A_743] {strides = array<i32>} : memref<16x1024xf32, #tpu.memory_space<vmem>>, vector<1x16xf32>,
        %swap3A_745 = vector.shape_cast %swap3A_744 : vector<1x16xf32> to vector<16xf32>
        %swap3A_746 = vector.shape_cast %mul3A_741 : vector<16xf32> to vector<1x16xf32>
        tpu.vector_store %arg7[%swap3A_742, %swap3A_743], %swap3A_746 {strides = array<i32>} : memref<16x1024xf32, #tpu.memory_space<vmem>>, vector<1x16xf32>,
        %get3A_747 = arith.index_cast %scan3A_220 : i32 to index
        %get3A_748 = arith.constant 704 : index
        %get3A_749 = tpu.vector_load %arg7[%get3A_747, %get3A_748] {strides = array<i32>} : memref<16x1024xf32, #tpu.memory_space<vmem>>, vector<1x16xf32>,
        %get3A_750 = vector.shape_cast %get3A_749 : vector<1x16xf32> to vector<16xf32>
        %mul3A_751 = arith.constant 3.200000e+01 : f32
        %mul3A_752 = vector.broadcast %mul3A_751 : f32 to vector<16xf32>
        %mul3A_753 = arith.mulf %get3A_750, %mul3A_752 : vector<16xf32>
        %swap3A_754 = arith.index_cast %scan3A_220 : i32 to index
        %swap3A_755 = arith.constant 704 : index
        %swap3A_756 = tpu.vector_load %arg7[%swap3A_754, %swap3A_755] {strides = array<i32>} : memref<16x1024xf32, #tpu.memory_space<vmem>>, vector<1x16xf32>,
        %swap3A_757 = vector.shape_cast %swap3A_756 : vector<1x16xf32> to vector<16xf32>
        %swap3A_758 = vector.shape_cast %mul3A_753 : vector<16xf32> to vector<1x16xf32>
        tpu.vector_store %arg7[%swap3A_754, %swap3A_755], %swap3A_758 {strides = array<i32>} : memref<16x1024xf32, #tpu.memory_space<vmem>>, vector<1x16xf32>,
        %get3A_759 = arith.index_cast %scan3A_220 : i32 to index
        %get3A_760 = arith.constant 720 : index
        %get3A_761 = tpu.vector_load %arg7[%get3A_759, %get3A_760] {strides = array<i32>} : memref<16x1024xf32, #tpu.memory_space<vmem>>, vector<1x16xf32>,
        %get3A_762 = vector.shape_cast %get3A_761 : vector<1x16xf32> to vector<16xf32>
        %mul3A_763 = arith.constant 3.200000e+01 : f32
        %mul3A_764 = vector.broadcast %mul3A_763 : f32 to vector<16xf32>
        %mul3A_765 = arith.mulf %get3A_762, %mul3A_764 : vector<16xf32>
        %swap3A_766 = arith.index_cast %scan3A_220 : i32 to index
        %swap3A_767 = arith.constant 720 : index
        %swap3A_768 = tpu.vector_load %arg7[%swap3A_766, %swap3A_767] {strides = array<i32>} : memref<16x1024xf32, #tpu.memory_space<vmem>>, vector<1x16xf32>,
        %swap3A_769 = vector.shape_cast %swap3A_768 : vector<1x16xf32> to vector<16xf32>
        %swap3A_770 = vector.shape_cast %mul3A_765 : vector<16xf32> to vector<1x16xf32>
        tpu.vector_store %arg7[%swap3A_766, %swap3A_767], %swap3A_770 {strides = array<i32>} : memref<16x1024xf32, #tpu.memory_space<vmem>>, vector<1x16xf32>,
        %get3A_771 = arith.index_cast %scan3A_220 : i32 to index
        %get3A_772 = arith.constant 736 : index
        %get3A_773 = tpu.vector_load %arg7[%get3A_771, %get3A_772] {strides = array<i32>} : memref<16x1024xf32, #tpu.memory_space<vmem>>, vector<1x16xf32>,
        %get3A_774 = vector.shape_cast %get3A_773 : vector<1x16xf32> to vector<16xf32>
        %mul3A_775 = arith.constant 3.200000e+01 : f32
        %mul3A_776 = vector.broadcast %mul3A_775 : f32 to vector<16xf32>
        %mul3A_777 = arith.mulf %get3A_774, %mul3A_776 : vector<16xf32>
        %swap3A_778 = arith.index_cast %scan3A_220 : i32 to index
        %swap3A_779 = arith.constant 736 : index
        %swap3A_780 = tpu.vector_load %arg7[%swap3A_778, %swap3A_779] {strides = array<i32>} : memref<16x1024xf32, #tpu.memory_space<vmem>>, vector<1x16xf32>,
        %swap3A_781 = vector.shape_cast %swap3A_780 : vector<1x16xf32> to vector<16xf32>
        %swap3A_782 = vector.shape_cast %mul3A_777 : vector<16xf32> to vector<1x16xf32>
        tpu.vector_store %arg7[%swap3A_778, %swap3A_779], %swap3A_782 {strides = array<i32>} : memref<16x1024xf32, #tpu.memory_space<vmem>>, vector<1x16xf32>,
        %get3A_783 = arith.index_cast %scan3A_220 : i32 to index
        %get3A_784 = arith.constant 752 : index
        %get3A_785 = tpu.vector_load %arg7[%get3A_783, %get3A_784] {strides = array<i32>} : memref<16x1024xf32, #tpu.memory_space<vmem>>, vector<1x16xf32>,
        %get3A_786 = vector.shape_cast %get3A_785 : vector<1x16xf32> to vector<16xf32>
        %mul3A_787 = arith.constant 3.200000e+01 : f32
        %mul3A_788 = vector.broadcast %mul3A_787 : f32 to vector<16xf32>
        %mul3A_789 = arith.mulf %get3A_786, %mul3A_788 : vector<16xf32>
        %swap3A_790 = arith.index_cast %scan3A_220 : i32 to index
        %swap3A_791 = arith.constant 752 : index
        %swap3A_792 = tpu.vector_load %arg7[%swap3A_790, %swap3A_791] {strides = array<i32>} : memref<16x1024xf32, #tpu.memory_space<vmem>>, vector<1x16xf32>,
        %swap3A_793 = vector.shape_cast %swap3A_792 : vector<1x16xf32> to vector<16xf32>
        %swap3A_794 = vector.shape_cast %mul3A_789 : vector<16xf32> to vector<1x16xf32>
        tpu.vector_store %arg7[%swap3A_790, %swap3A_791], %swap3A_794 {strides = array<i32>} : memref<16x1024xf32, #tpu.memory_space<vmem>>, vector<1x16xf32>,
        %get3A_795 = arith.index_cast %scan3A_220 : i32 to index
        %get3A_796 = arith.constant 768 : index
        %get3A_797 = tpu.vector_load %arg7[%get3A_795, %get3A_796] {strides = array<i32>} : memref<16x1024xf32, #tpu.memory_space<vmem>>, vector<1x16xf32>,
        %get3A_798 = vector.shape_cast %get3A_797 : vector<1x16xf32> to vector<16xf32>
        %mul3A_799 = arith.constant 3.200000e+01 : f32
        %mul3A_800 = vector.broadcast %mul3A_799 : f32 to vector<16xf32>
        %mul3A_801 = arith.mulf %get3A_798, %mul3A_800 : vector<16xf32>
        %swap3A_802 = arith.index_cast %scan3A_220 : i32 to index
        %swap3A_803 = arith.constant 768 : index
        %swap3A_804 = tpu.vector_load %arg7[%swap3A_802, %swap3A_803] {strides = array<i32>} : memref<16x1024xf32, #tpu.memory_space<vmem>>, vector<1x16xf32>,
        %swap3A_805 = vector.shape_cast %swap3A_804 : vector<1x16xf32> to vector<16xf32>
        %swap3A_806 = vector.shape_cast %mul3A_801 : vector<16xf32> to vector<1x16xf32>
        tpu.vector_store %arg7[%swap3A_802, %swap3A_803], %swap3A_806 {strides = array<i32>} : memref<16x1024xf32, #tpu.memory_space<vmem>>, vector<1x16xf32>,
        %get3A_807 = arith.index_cast %scan3A_220 : i32 to index
        %get3A_808 = arith.constant 784 : index
        %get3A_809 = tpu.vector_load %arg7[%get3A_807, %get3A_808] {strides = array<i32>} : memref<16x1024xf32, #tpu.memory_space<vmem>>, vector<1x16xf32>,
        %get3A_810 = vector.shape_cast %get3A_809 : vector<1x16xf32> to vector<16xf32>
        %mul3A_811 = arith.constant 3.200000e+01 : f32
        %mul3A_812 = vector.broadcast %mul3A_811 : f32 to vector<16xf32>
        %mul3A_813 = arith.mulf %get3A_810, %mul3A_812 : vector<16xf32>
        %swap3A_814 = arith.index_cast %scan3A_220 : i32 to index
        %swap3A_815 = arith.constant 784 : index
        %swap3A_816 = tpu.vector_load %arg7[%swap3A_814, %swap3A_815] {strides = array<i32>} : memref<16x1024xf32, #tpu.memory_space<vmem>>, vector<1x16xf32>,
        %swap3A_817 = vector.shape_cast %swap3A_816 : vector<1x16xf32> to vector<16xf32>
        %swap3A_818 = vector.shape_cast %mul3A_813 : vector<16xf32> to vector<1x16xf32>
        tpu.vector_store %arg7[%swap3A_814, %swap3A_815], %swap3A_818 {strides = array<i32>} : memref<16x1024xf32, #tpu.memory_space<vmem>>, vector<1x16xf32>,
        %get3A_819 = arith.index_cast %scan3A_220 : i32 to index
        %get3A_820 = arith.constant 800 : index
        %get3A_821 = tpu.vector_load %arg7[%get3A_819, %get3A_820] {strides = array<i32>} : memref<16x1024xf32, #tpu.memory_space<vmem>>, vector<1x16xf32>,
        %get3A_822 = vector.shape_cast %get3A_821 : vector<1x16xf32> to vector<16xf32>
        %mul3A_823 = arith.constant 3.200000e+01 : f32
        %mul3A_824 = vector.broadcast %mul3A_823 : f32 to vector<16xf32>
        %mul3A_825 = arith.mulf %get3A_822, %mul3A_824 : vector<16xf32>
        %swap3A_826 = arith.index_cast %scan3A_220 : i32 to index
        %swap3A_827 = arith.constant 800 : index
        %swap3A_828 = tpu.vector_load %arg7[%swap3A_826, %swap3A_827] {strides = array<i32>} : memref<16x1024xf32, #tpu.memory_space<vmem>>, vector<1x16xf32>,
        %swap3A_829 = vector.shape_cast %swap3A_828 : vector<1x16xf32> to vector<16xf32>
        %swap3A_830 = vector.shape_cast %mul3A_825 : vector<16xf32> to vector<1x16xf32>
        tpu.vector_store %arg7[%swap3A_826, %swap3A_827], %swap3A_830 {strides = array<i32>} : memref<16x1024xf32, #tpu.memory_space<vmem>>, vector<1x16xf32>,
        %get3A_831 = arith.index_cast %scan3A_220 : i32 to index
        %get3A_832 = arith.constant 816 : index
        %get3A_833 = tpu.vector_load %arg7[%get3A_831, %get3A_832] {strides = array<i32>} : memref<16x1024xf32, #tpu.memory_space<vmem>>, vector<1x16xf32>,
        %get3A_834 = vector.shape_cast %get3A_833 : vector<1x16xf32> to vector<16xf32>
        %mul3A_835 = arith.constant 3.200000e+01 : f32
        %mul3A_836 = vector.broadcast %mul3A_835 : f32 to vector<16xf32>
        %mul3A_837 = arith.mulf %get3A_834, %mul3A_836 : vector<16xf32>
        %swap3A_838 = arith.index_cast %scan3A_220 : i32 to index
        %swap3A_839 = arith.constant 816 : index
        %swap3A_840 = tpu.vector_load %arg7[%swap3A_838, %swap3A_839] {strides = array<i32>} : memref<16x1024xf32, #tpu.memory_space<vmem>>, vector<1x16xf32>,
        %swap3A_841 = vector.shape_cast %swap3A_840 : vector<1x16xf32> to vector<16xf32>
        %swap3A_842 = vector.shape_cast %mul3A_837 : vector<16xf32> to vector<1x16xf32>
        tpu.vector_store %arg7[%swap3A_838, %swap3A_839], %swap3A_842 {strides = array<i32>} : memref<16x1024xf32, #tpu.memory_space<vmem>>, vector<1x16xf32>,
        %get3A_843 = arith.index_cast %scan3A_220 : i32 to index
        %get3A_844 = arith.constant 832 : index
        %get3A_845 = tpu.vector_load %arg7[%get3A_843, %get3A_844] {strides = array<i32>} : memref<16x1024xf32, #tpu.memory_space<vmem>>, vector<1x16xf32>,
        %get3A_846 = vector.shape_cast %get3A_845 : vector<1x16xf32> to vector<16xf32>
        %mul3A_847 = arith.constant 3.200000e+01 : f32
        %mul3A_848 = vector.broadcast %mul3A_847 : f32 to vector<16xf32>
        %mul3A_849 = arith.mulf %get3A_846, %mul3A_848 : vector<16xf32>
        %swap3A_850 = arith.index_cast %scan3A_220 : i32 to index
        %swap3A_851 = arith.constant 832 : index
        %swap3A_852 = tpu.vector_load %arg7[%swap3A_850, %swap3A_851] {strides = array<i32>} : memref<16x1024xf32, #tpu.memory_space<vmem>>, vector<1x16xf32>,
        %swap3A_853 = vector.shape_cast %swap3A_852 : vector<1x16xf32> to vector<16xf32>
        %swap3A_854 = vector.shape_cast %mul3A_849 : vector<16xf32> to vector<1x16xf32>
        tpu.vector_store %arg7[%swap3A_850, %swap3A_851], %swap3A_854 {strides = array<i32>} : memref<16x1024xf32, #tpu.memory_space<vmem>>, vector<1x16xf32>,
        %get3A_855 = arith.index_cast %scan3A_220 : i32 to index
        %get3A_856 = arith.constant 848 : index
        %get3A_857 = tpu.vector_load %arg7[%get3A_855, %get3A_856] {strides = array<i32>} : memref<16x1024xf32, #tpu.memory_space<vmem>>, vector<1x16xf32>,
        %get3A_858 = vector.shape_cast %get3A_857 : vector<1x16xf32> to vector<16xf32>
        %mul3A_859 = arith.constant 3.200000e+01 : f32
        %mul3A_860 = vector.broadcast %mul3A_859 : f32 to vector<16xf32>
        %mul3A_861 = arith.mulf %get3A_858, %mul3A_860 : vector<16xf32>
        %swap3A_862 = arith.index_cast %scan3A_220 : i32 to index
        %swap3A_863 = arith.constant 848 : index
        %swap3A_864 = tpu.vector_load %arg7[%swap3A_862, %swap3A_863] {strides = array<i32>} : memref<16x1024xf32, #tpu.memory_space<vmem>>, vector<1x16xf32>,
        %swap3A_865 = vector.shape_cast %swap3A_864 : vector<1x16xf32> to vector<16xf32>
        %swap3A_866 = vector.shape_cast %mul3A_861 : vector<16xf32> to vector<1x16xf32>
        tpu.vector_store %arg7[%swap3A_862, %swap3A_863], %swap3A_866 {strides = array<i32>} : memref<16x1024xf32, #tpu.memory_space<vmem>>, vector<1x16xf32>,
        %get3A_867 = arith.index_cast %scan3A_220 : i32 to index
        %get3A_868 = arith.constant 864 : index
        %get3A_869 = tpu.vector_load %arg7[%get3A_867, %get3A_868] {strides = array<i32>} : memref<16x1024xf32, #tpu.memory_space<vmem>>, vector<1x16xf32>,
        %get3A_870 = vector.shape_cast %get3A_869 : vector<1x16xf32> to vector<16xf32>
        %mul3A_871 = arith.constant 3.200000e+01 : f32
        %mul3A_872 = vector.broadcast %mul3A_871 : f32 to vector<16xf32>
        %mul3A_873 = arith.mulf %get3A_870, %mul3A_872 : vector<16xf32>
        %swap3A_874 = arith.index_cast %scan3A_220 : i32 to index
        %swap3A_875 = arith.constant 864 : index
        %swap3A_876 = tpu.vector_load %arg7[%swap3A_874, %swap3A_875] {strides = array<i32>} : memref<16x1024xf32, #tpu.memory_space<vmem>>, vector<1x16xf32>,
        %swap3A_877 = vector.shape_cast %swap3A_876 : vector<1x16xf32> to vector<16xf32>
        %swap3A_878 = vector.shape_cast %mul3A_873 : vector<16xf32> to vector<1x16xf32>
        tpu.vector_store %arg7[%swap3A_874, %swap3A_875], %swap3A_878 {strides = array<i32>} : memref<16x1024xf32, #tpu.memory_space<vmem>>, vector<1x16xf32>,
        %get3A_879 = arith.index_cast %scan3A_220 : i32 to index
        %get3A_880 = arith.constant 880 : index
        %get3A_881 = tpu.vector_load %arg7[%get3A_879, %get3A_880] {strides = array<i32>} : memref<16x1024xf32, #tpu.memory_space<vmem>>, vector<1x16xf32>,
        %get3A_882 = vector.shape_cast %get3A_881 : vector<1x16xf32> to vector<16xf32>
        %mul3A_883 = arith.constant 3.200000e+01 : f32
        %mul3A_884 = vector.broadcast %mul3A_883 : f32 to vector<16xf32>
        %mul3A_885 = arith.mulf %get3A_882, %mul3A_884 : vector<16xf32>
        %swap3A_886 = arith.index_cast %scan3A_220 : i32 to index
        %swap3A_887 = arith.constant 880 : index
        %swap3A_888 = tpu.vector_load %arg7[%swap3A_886, %swap3A_887] {strides = array<i32>} : memref<16x1024xf32, #tpu.memory_space<vmem>>, vector<1x16xf32>,
        %swap3A_889 = vector.shape_cast %swap3A_888 : vector<1x16xf32> to vector<16xf32>
        %swap3A_890 = vector.shape_cast %mul3A_885 : vector<16xf32> to vector<1x16xf32>
        tpu.vector_store %arg7[%swap3A_886, %swap3A_887], %swap3A_890 {strides = array<i32>} : memref<16x1024xf32, #tpu.memory_space<vmem>>, vector<1x16xf32>,
        %get3A_891 = arith.index_cast %scan3A_220 : i32 to index
        %get3A_892 = arith.constant 896 : index
        %get3A_893 = tpu.vector_load %arg7[%get3A_891, %get3A_892] {strides = array<i32>} : memref<16x1024xf32, #tpu.memory_space<vmem>>, vector<1x16xf32>,
        %get3A_894 = vector.shape_cast %get3A_893 : vector<1x16xf32> to vector<16xf32>
        %mul3A_895 = arith.constant 3.200000e+01 : f32
        %mul3A_896 = vector.broadcast %mul3A_895 : f32 to vector<16xf32>
        %mul3A_897 = arith.mulf %get3A_894, %mul3A_896 : vector<16xf32>
        %swap3A_898 = arith.index_cast %scan3A_220 : i32 to index
        %swap3A_899 = arith.constant 896 : index
        %swap3A_900 = tpu.vector_load %arg7[%swap3A_898, %swap3A_899] {strides = array<i32>} : memref<16x1024xf32, #tpu.memory_space<vmem>>, vector<1x16xf32>,
        %swap3A_901 = vector.shape_cast %swap3A_900 : vector<1x16xf32> to vector<16xf32>
        %swap3A_902 = vector.shape_cast %mul3A_897 : vector<16xf32> to vector<1x16xf32>
        tpu.vector_store %arg7[%swap3A_898, %swap3A_899], %swap3A_902 {strides = array<i32>} : memref<16x1024xf32, #tpu.memory_space<vmem>>, vector<1x16xf32>,
        %get3A_903 = arith.index_cast %scan3A_220 : i32 to index
        %get3A_904 = arith.constant 912 : index
        %get3A_905 = tpu.vector_load %arg7[%get3A_903, %get3A_904] {strides = array<i32>} : memref<16x1024xf32, #tpu.memory_space<vmem>>, vector<1x16xf32>,
        %get3A_906 = vector.shape_cast %get3A_905 : vector<1x16xf32> to vector<16xf32>
        %mul3A_907 = arith.constant 3.200000e+01 : f32
        %mul3A_908 = vector.broadcast %mul3A_907 : f32 to vector<16xf32>
        %mul3A_909 = arith.mulf %get3A_906, %mul3A_908 : vector<16xf32>
        %swap3A_910 = arith.index_cast %scan3A_220 : i32 to index
        %swap3A_911 = arith.constant 912 : index
        %swap3A_912 = tpu.vector_load %arg7[%swap3A_910, %swap3A_911] {strides = array<i32>} : memref<16x1024xf32, #tpu.memory_space<vmem>>, vector<1x16xf32>,
        %swap3A_913 = vector.shape_cast %swap3A_912 : vector<1x16xf32> to vector<16xf32>
        %swap3A_914 = vector.shape_cast %mul3A_909 : vector<16xf32> to vector<1x16xf32>
        tpu.vector_store %arg7[%swap3A_910, %swap3A_911], %swap3A_914 {strides = array<i32>} : memref<16x1024xf32, #tpu.memory_space<vmem>>, vector<1x16xf32>,
        %get3A_915 = arith.index_cast %scan3A_220 : i32 to index
        %get3A_916 = arith.constant 928 : index
        %get3A_917 = tpu.vector_load %arg7[%get3A_915, %get3A_916] {strides = array<i32>} : memref<16x1024xf32, #tpu.memory_space<vmem>>, vector<1x16xf32>,
        %get3A_918 = vector.shape_cast %get3A_917 : vector<1x16xf32> to vector<16xf32>
        %mul3A_919 = arith.constant 3.200000e+01 : f32
        %mul3A_920 = vector.broadcast %mul3A_919 : f32 to vector<16xf32>
        %mul3A_921 = arith.mulf %get3A_918, %mul3A_920 : vector<16xf32>
        %swap3A_922 = arith.index_cast %scan3A_220 : i32 to index
        %swap3A_923 = arith.constant 928 : index
        %swap3A_924 = tpu.vector_load %arg7[%swap3A_922, %swap3A_923] {strides = array<i32>} : memref<16x1024xf32, #tpu.memory_space<vmem>>, vector<1x16xf32>,
        %swap3A_925 = vector.shape_cast %swap3A_924 : vector<1x16xf32> to vector<16xf32>
        %swap3A_926 = vector.shape_cast %mul3A_921 : vector<16xf32> to vector<1x16xf32>
        tpu.vector_store %arg7[%swap3A_922, %swap3A_923], %swap3A_926 {strides = array<i32>} : memref<16x1024xf32, #tpu.memory_space<vmem>>, vector<1x16xf32>,
        %get3A_927 = arith.index_cast %scan3A_220 : i32 to index
        %get3A_928 = arith.constant 944 : index
        %get3A_929 = tpu.vector_load %arg7[%get3A_927, %get3A_928] {strides = array<i32>} : memref<16x1024xf32, #tpu.memory_space<vmem>>, vector<1x16xf32>,
        %get3A_930 = vector.shape_cast %get3A_929 : vector<1x16xf32> to vector<16xf32>
        %mul3A_931 = arith.constant 3.200000e+01 : f32
        %mul3A_932 = vector.broadcast %mul3A_931 : f32 to vector<16xf32>
        %mul3A_933 = arith.mulf %get3A_930, %mul3A_932 : vector<16xf32>
        %swap3A_934 = arith.index_cast %scan3A_220 : i32 to index
        %swap3A_935 = arith.constant 944 : index
        %swap3A_936 = tpu.vector_load %arg7[%swap3A_934, %swap3A_935] {strides = array<i32>} : memref<16x1024xf32, #tpu.memory_space<vmem>>, vector<1x16xf32>,
        %swap3A_937 = vector.shape_cast %swap3A_936 : vector<1x16xf32> to vector<16xf32>
        %swap3A_938 = vector.shape_cast %mul3A_933 : vector<16xf32> to vector<1x16xf32>
        tpu.vector_store %arg7[%swap3A_934, %swap3A_935], %swap3A_938 {strides = array<i32>} : memref<16x1024xf32, #tpu.memory_space<vmem>>, vector<1x16xf32>,
        %get3A_939 = arith.index_cast %scan3A_220 : i32 to index
        %get3A_940 = arith.constant 960 : index
        %get3A_941 = tpu.vector_load %arg7[%get3A_939, %get3A_940] {strides = array<i32>} : memref<16x1024xf32, #tpu.memory_space<vmem>>, vector<1x16xf32>,
        %get3A_942 = vector.shape_cast %get3A_941 : vector<1x16xf32> to vector<16xf32>
        %mul3A_943 = arith.constant 3.200000e+01 : f32
        %mul3A_944 = vector.broadcast %mul3A_943 : f32 to vector<16xf32>
        %mul3A_945 = arith.mulf %get3A_942, %mul3A_944 : vector<16xf32>
        %swap3A_946 = arith.index_cast %scan3A_220 : i32 to index
        %swap3A_947 = arith.constant 960 : index
        %swap3A_948 = tpu.vector_load %arg7[%swap3A_946, %swap3A_947] {strides = array<i32>} : memref<16x1024xf32, #tpu.memory_space<vmem>>, vector<1x16xf32>,
        %swap3A_949 = vector.shape_cast %swap3A_948 : vector<1x16xf32> to vector<16xf32>
        %swap3A_950 = vector.shape_cast %mul3A_945 : vector<16xf32> to vector<1x16xf32>
        tpu.vector_store %arg7[%swap3A_946, %swap3A_947], %swap3A_950 {strides = array<i32>} : memref<16x1024xf32, #tpu.memory_space<vmem>>, vector<1x16xf32>,
        %get3A_951 = arith.index_cast %scan3A_220 : i32 to index
        %get3A_952 = arith.constant 976 : index
        %get3A_953 = tpu.vector_load %arg7[%get3A_951, %get3A_952] {strides = array<i32>} : memref<16x1024xf32, #tpu.memory_space<vmem>>, vector<1x16xf32>,
        %get3A_954 = vector.shape_cast %get3A_953 : vector<1x16xf32> to vector<16xf32>
        %mul3A_955 = arith.constant 3.200000e+01 : f32
        %mul3A_956 = vector.broadcast %mul3A_955 : f32 to vector<16xf32>
        %mul3A_957 = arith.mulf %get3A_954, %mul3A_956 : vector<16xf32>
        %swap3A_958 = arith.index_cast %scan3A_220 : i32 to index
        %swap3A_959 = arith.constant 976 : index
        %swap3A_960 = tpu.vector_load %arg7[%swap3A_958, %swap3A_959] {strides = array<i32>} : memref<16x1024xf32, #tpu.memory_space<vmem>>, vector<1x16xf32>,
        %swap3A_961 = vector.shape_cast %swap3A_960 : vector<1x16xf32> to vector<16xf32>
        %swap3A_962 = vector.shape_cast %mul3A_957 : vector<16xf32> to vector<1x16xf32>
        tpu.vector_store %arg7[%swap3A_958, %swap3A_959], %swap3A_962 {strides = array<i32>} : memref<16x1024xf32, #tpu.memory_space<vmem>>, vector<1x16xf32>,
        %get3A_963 = arith.index_cast %scan3A_220 : i32 to index
        %get3A_964 = arith.constant 992 : index
        %get3A_965 = tpu.vector_load %arg7[%get3A_963, %get3A_964] {strides = array<i32>} : memref<16x1024xf32, #tpu.memory_space<vmem>>, vector<1x16xf32>,
        %get3A_966 = vector.shape_cast %get3A_965 : vector<1x16xf32> to vector<16xf32>
        %mul3A_967 = arith.constant 3.200000e+01 : f32
        %mul3A_968 = vector.broadcast %mul3A_967 : f32 to vector<16xf32>
        %mul3A_969 = arith.mulf %get3A_966, %mul3A_968 : vector<16xf32>
        %swap3A_970 = arith.index_cast %scan3A_220 : i32 to index
        %swap3A_971 = arith.constant 992 : index
        %swap3A_972 = tpu.vector_load %arg7[%swap3A_970, %swap3A_971] {strides = array<i32>} : memref<16x1024xf32, #tpu.memory_space<vmem>>, vector<1x16xf32>,
        %swap3A_973 = vector.shape_cast %swap3A_972 : vector<1x16xf32> to vector<16xf32>
        %swap3A_974 = vector.shape_cast %mul3A_969 : vector<16xf32> to vector<1x16xf32>
        tpu.vector_store %arg7[%swap3A_970, %swap3A_971], %swap3A_974 {strides = array<i32>} : memref<16x1024xf32, #tpu.memory_space<vmem>>, vector<1x16xf32>,
        %get3A_975 = arith.index_cast %scan3A_220 : i32 to index
        %get3A_976 = arith.constant 1008 : index
        %get3A_977 = tpu.vector_load %arg7[%get3A_975, %get3A_976] {strides = array<i32>} : memref<16x1024xf32, #tpu.memory_space<vmem>>, vector<1x16xf32>,
        %get3A_978 = vector.shape_cast %get3A_977 : vector<1x16xf32> to vector<16xf32>
        %mul3A_979 = arith.constant 3.200000e+01 : f32
        %mul3A_980 = vector.broadcast %mul3A_979 : f32 to vector<16xf32>
        %mul3A_981 = arith.mulf %get3A_978, %mul3A_980 : vector<16xf32>
        %swap3A_982 = arith.index_cast %scan3A_220 : i32 to index
        %swap3A_983 = arith.constant 1008 : index
        %swap3A_984 = tpu.vector_load %arg7[%swap3A_982, %swap3A_983] {strides = array<i32>} : memref<16x1024xf32, #tpu.memory_space<vmem>>, vector<1x16xf32>,
        %swap3A_985 = vector.shape_cast %swap3A_984 : vector<1x16xf32> to vector<16xf32>
        %swap3A_986 = vector.shape_cast %mul3A_981 : vector<16xf32> to vector<1x16xf32>
        tpu.vector_store %arg7[%swap3A_982, %swap3A_983], %swap3A_986 {strides = array<i32>} : memref<16x1024xf32, #tpu.memory_space<vmem>>, vector<1x16xf32>,
      }
      %scan3A_128 = arith.constant 16 : i32
      %mul3A_129 = arith.constant 16 : i32
      %mul3A_130 = arith.muli %add3A_103, %mul3A_129 : i32
      %add3A_131 = arith.addi %mul3A_32, %mul3A_130 : i32
      %dma_start3A_132 = arith.constant 0 : i32
      %dma_start3A_133 = tpu.memref_slice %arg4[%select_n3A, %add3A_131, %dma_start3A_132] : memref<4x4096x1024xf32, #tpu.memory_space<hbm>> -> memref<1x16x1024xf32, #tpu.memory_space<hbm>>
      %dma_start3A_134 = tpu.memref_squeeze %dma_start3A_133 : memref<1x16x1024xf32, #tpu.memory_space<hbm>> -> memref<16x1024xf32, #tpu.memory_space<hbm>>
      %dma_start3A_135 = arith.constant 0 : i32
      %dma_start3A_136 = tpu.memref_slice %arg4[%select_n3A, %add3A_131, %dma_start3A_135] : memref<4x4096x1024xf32, #tpu.memory_space<hbm>> -> memref<1x16x1024xf32, #tpu.memory_space<hbm>>
      %dma_start3A_137 = tpu.memref_squeeze %dma_start3A_136 : memref<1x16x1024xf32, #tpu.memory_space<hbm>> -> memref<16x1024xf32, #tpu.memory_space<hbm>>
      tpu.enqueue_dma source(%arg7 : memref<16x1024xf32, #tpu.memory_space<vmem>>) target(%dma_start3A_137 : memref<16x1024xf32, #tpu.memory_space<hbm>>) target_semaphore(%arg15 : memref<!tpu.dma_semaphore, #tpu.memory_space<semaphore_mem>>)
      %mul3A_138 = arith.constant 4 : i32
      %mul3A_139 = arith.muli %scan3A_64, %mul3A_138 : i32
      %add3A_140 = arith.constant 2 : i32
      %add3A_141 = arith.addi %mul3A_139, %add3A_140 : i32
      %sub3A_142 = arith.constant 2 : i32
      %sub3A_143 = arith.subi %add3A_141, %sub3A_142 : i32
      %mul3A_144 = arith.constant 16 : i32
      %mul3A_145 = arith.muli %sub3A_143, %mul3A_144 : i32
      %add3A_146 = arith.addi %mul3A_32, %mul3A_145 : i32
      %dma_wait3A_147 = arith.constant 0 : i32
      %dma_wait3A_148 = tpu.memref_slice %arg4[%select_n3A, %add3A_146, %dma_wait3A_147] : memref<4x4096x1024xf32, #tpu.memory_space<hbm>> -> memref<1x16x1024xf32, #tpu.memory_space<hbm>>
      %dma_wait3A_149 = tpu.memref_squeeze %dma_wait3A_148 : memref<1x16x1024xf32, #tpu.memory_space<hbm>> -> memref<16x1024xf32, #tpu.memory_space<hbm>>
      %dma_wait3A_150 = arith.constant 0 : i32
      %dma_wait3A_151 = tpu.memref_slice %arg4[%select_n3A, %add3A_146, %dma_wait3A_150] : memref<4x4096x1024xf32, #tpu.memory_space<hbm>> -> memref<1x16x1024xf32, #tpu.memory_space<hbm>>
      %dma_wait3A_152 = tpu.memref_squeeze %dma_wait3A_151 : memref<1x16x1024xf32, #tpu.memory_space<hbm>> -> memref<16x1024xf32, #tpu.memory_space<hbm>>
      tpu.wait_dma2 semaphore(%arg14 : memref<!tpu.dma_semaphore, #tpu.memory_space<semaphore_mem>>) src(%arg6 : memref<16x1024xf32, #tpu.memory_space<vmem>>) dst(%dma_wait3A_152 : memref<16x1024xf32, #tpu.memory_space<hbm>>)
      %lt3A_153 = arith.constant 7 : i32
      %lt3A_154 = arith.cmpi slt, %scan3A_64, %lt3A_153 : i32
      %convert_element_type3A_155 = arith.extui %lt3A_154 : i1 to i32
      %cond3A_156 = arith.constant 0 : i32
      %cond3A_157 = arith.cmpi ne, %convert_element_type3A_155, %cond3A_156 : i32
      scf.if %cond3A_157 {
        %add3A_220 = arith.constant 2 : i32
        %add3A_221 = arith.addi %add3A_141, %add3A_220 : i32
        %mul3A_222 = arith.constant 16 : i32
        %mul3A_223 = arith.muli %add3A_221, %mul3A_222 : i32
        %dma_start3A_224 = tpu.memref_slice %arg5[%mul3A_223] : memref<512xi32, #tpu.memory_space<vmem>> -> memref<16xi32, #tpu.memory_space<vmem>>
        %dma_start3A_225 = arith.constant 0 : i32
        %dma_start3A_226 = arith.constant 0 : i32
        %dma_start3A_227 = tpu.memref_slice %arg2[%dma_start3A_225, %dma_start3A_226] : memref<100000x1024xf32, #tpu.memory_space<hbm>> -> memref<100000x1024xf32, #tpu.memory_space<hbm>>
        tpu.enqueue_indirect_dma source(%dma_start3A_227 : memref<100000x1024xf32, #tpu.memory_space<hbm>>) target(%arg6 : memref<16x1024xf32, #tpu.memory_space<vmem>>) offsets(%dma_start3A_224 : memref<16xi32, #tpu.memory_space<vmem>>) semaphore(%arg10 : memref<!tpu.dma_semaphore, #tpu.memory_space<semaphore_mem>>)
      } else {
      }
      %mul3A_158 = arith.constant 16 : i32
      %mul3A_159 = arith.muli %add3A_141, %mul3A_158 : i32
      %dma_wait3A_160 = tpu.memref_slice %arg5[%mul3A_159] : memref<512xi32, #tpu.memory_space<vmem>> -> memref<16xi32, #tpu.memory_space<vmem>>
      %dma_wait3A_161 = arith.constant 0 : i32
      %dma_wait3A_162 = arith.constant 0 : i32
      %dma_wait3A_163 = tpu.memref_slice %arg2[%dma_wait3A_161, %dma_wait3A_162] : memref<100000x1024xf32, #tpu.memory_space<hbm>> -> memref<100000x1024xf32, #tpu.memory_space<hbm>>
      tpu.wait_indirect_dma semaphore(%arg12 : memref<!tpu.dma_semaphore, #tpu.memory_space<semaphore_mem>>) src(%dma_wait3A_163 : memref<100000x1024xf32, #tpu.memory_space<hbm>>) dst(%arg8 : memref<16x1024xf32, #tpu.memory_space<vmem>>)
      %scan3A_164 = arith.constant 0 : i32
      %scan3A_165 = arith.constant 0 : i32
      %scan3A_166 = arith.constant 16 : i32
      %scan3A_167 = arith.addi %scan3A_165, %scan3A_166 : i32
      %scan3A_168 = arith.constant 1 : i32
      scf.for %scan3A_220 = %scan3A_165 to %scan3A_167 step %scan3A_168  : i32 {
        %get3A = arith.index_cast %scan3A_220 : i32 to index
        %get3A_221 = arith.constant 0 : index
        %get3A_222 = tpu.vector_load %arg8[%get3A, %get3A_221] {strides = array<i32>} : memref<16x1024xf32, #tpu.memory_space<vmem>>, vector<1x16xf32>,
        %get3A_223 = vector.shape_cast %get3A_222 : vector<1x16xf32> to vector<16xf32>
        %mul3A_224 = arith.constant 3.200000e+01 : f32
        %mul3A_225 = vector.broadcast %mul3A_224 : f32 to vector<16xf32>
        %mul3A_226 = arith.mulf %get3A_223, %mul3A_225 : vector<16xf32>
        %swap3A = arith.index_cast %scan3A_220 : i32 to index
        %swap3A_227 = arith.constant 0 : index
        %swap3A_228 = tpu.vector_load %arg8[%swap3A, %swap3A_227] {strides = array<i32>} : memref<16x1024xf32, #tpu.memory_space<vmem>>, vector<1x16xf32>,
        %swap3A_229 = vector.shape_cast %swap3A_228 : vector<1x16xf32> to vector<16xf32>
        %swap3A_230 = vector.shape_cast %mul3A_226 : vector<16xf32> to vector<1x16xf32>
        tpu.vector_store %arg8[%swap3A, %swap3A_227], %swap3A_230 {strides = array<i32>} : memref<16x1024xf32, #tpu.memory_space<vmem>>, vector<1x16xf32>,
        %get3A_231 = arith.index_cast %scan3A_220 : i32 to index
        %get3A_232 = arith.constant 16 : index
        %get3A_233 = tpu.vector_load %arg8[%get3A_231, %get3A_232] {strides = array<i32>} : memref<16x1024xf32, #tpu.memory_space<vmem>>, vector<1x16xf32>,
        %get3A_234 = vector.shape_cast %get3A_233 : vector<1x16xf32> to vector<16xf32>
        %mul3A_235 = arith.constant 3.200000e+01 : f32
        %mul3A_236 = vector.broadcast %mul3A_235 : f32 to vector<16xf32>
        %mul3A_237 = arith.mulf %get3A_234, %mul3A_236 : vector<16xf32>
        %swap3A_238 = arith.index_cast %scan3A_220 : i32 to index
        %swap3A_239 = arith.constant 16 : index
        %swap3A_240 = tpu.vector_load %arg8[%swap3A_238, %swap3A_239] {strides = array<i32>} : memref<16x1024xf32, #tpu.memory_space<vmem>>, vector<1x16xf32>,
        %swap3A_241 = vector.shape_cast %swap3A_240 : vector<1x16xf32> to vector<16xf32>
        %swap3A_242 = vector.shape_cast %mul3A_237 : vector<16xf32> to vector<1x16xf32>
        tpu.vector_store %arg8[%swap3A_238, %swap3A_239], %swap3A_242 {strides = array<i32>} : memref<16x1024xf32, #tpu.memory_space<vmem>>, vector<1x16xf32>,
        %get3A_243 = arith.index_cast %scan3A_220 : i32 to index
        %get3A_244 = arith.constant 32 : index
        %get3A_245 = tpu.vector_load %arg8[%get3A_243, %get3A_244] {strides = array<i32>} : memref<16x1024xf32, #tpu.memory_space<vmem>>, vector<1x16xf32>,
        %get3A_246 = vector.shape_cast %get3A_245 : vector<1x16xf32> to vector<16xf32>
        %mul3A_247 = arith.constant 3.200000e+01 : f32
        %mul3A_248 = vector.broadcast %mul3A_247 : f32 to vector<16xf32>
        %mul3A_249 = arith.mulf %get3A_246, %mul3A_248 : vector<16xf32>
        %swap3A_250 = arith.index_cast %scan3A_220 : i32 to index
        %swap3A_251 = arith.constant 32 : index
        %swap3A_252 = tpu.vector_load %arg8[%swap3A_250, %swap3A_251] {strides = array<i32>} : memref<16x1024xf32, #tpu.memory_space<vmem>>, vector<1x16xf32>,
        %swap3A_253 = vector.shape_cast %swap3A_252 : vector<1x16xf32> to vector<16xf32>
        %swap3A_254 = vector.shape_cast %mul3A_249 : vector<16xf32> to vector<1x16xf32>
        tpu.vector_store %arg8[%swap3A_250, %swap3A_251], %swap3A_254 {strides = array<i32>} : memref<16x1024xf32, #tpu.memory_space<vmem>>, vector<1x16xf32>,
        %get3A_255 = arith.index_cast %scan3A_220 : i32 to index
        %get3A_256 = arith.constant 48 : index
        %get3A_257 = tpu.vector_load %arg8[%get3A_255, %get3A_256] {strides = array<i32>} : memref<16x1024xf32, #tpu.memory_space<vmem>>, vector<1x16xf32>,
        %get3A_258 = vector.shape_cast %get3A_257 : vector<1x16xf32> to vector<16xf32>
        %mul3A_259 = arith.constant 3.200000e+01 : f32
        %mul3A_260 = vector.broadcast %mul3A_259 : f32 to vector<16xf32>
        %mul3A_261 = arith.mulf %get3A_258, %mul3A_260 : vector<16xf32>
        %swap3A_262 = arith.index_cast %scan3A_220 : i32 to index
        %swap3A_263 = arith.constant 48 : index
        %swap3A_264 = tpu.vector_load %arg8[%swap3A_262, %swap3A_263] {strides = array<i32>} : memref<16x1024xf32, #tpu.memory_space<vmem>>, vector<1x16xf32>,
        %swap3A_265 = vector.shape_cast %swap3A_264 : vector<1x16xf32> to vector<16xf32>
        %swap3A_266 = vector.shape_cast %mul3A_261 : vector<16xf32> to vector<1x16xf32>
        tpu.vector_store %arg8[%swap3A_262, %swap3A_263], %swap3A_266 {strides = array<i32>} : memref<16x1024xf32, #tpu.memory_space<vmem>>, vector<1x16xf32>,
        %get3A_267 = arith.index_cast %scan3A_220 : i32 to index
        %get3A_268 = arith.constant 64 : index
        %get3A_269 = tpu.vector_load %arg8[%get3A_267, %get3A_268] {strides = array<i32>} : memref<16x1024xf32, #tpu.memory_space<vmem>>, vector<1x16xf32>,
        %get3A_270 = vector.shape_cast %get3A_269 : vector<1x16xf32> to vector<16xf32>
        %mul3A_271 = arith.constant 3.200000e+01 : f32
        %mul3A_272 = vector.broadcast %mul3A_271 : f32 to vector<16xf32>
        %mul3A_273 = arith.mulf %get3A_270, %mul3A_272 : vector<16xf32>
        %swap3A_274 = arith.index_cast %scan3A_220 : i32 to index
        %swap3A_275 = arith.constant 64 : index
        %swap3A_276 = tpu.vector_load %arg8[%swap3A_274, %swap3A_275] {strides = array<i32>} : memref<16x1024xf32, #tpu.memory_space<vmem>>, vector<1x16xf32>,
        %swap3A_277 = vector.shape_cast %swap3A_276 : vector<1x16xf32> to vector<16xf32>
        %swap3A_278 = vector.shape_cast %mul3A_273 : vector<16xf32> to vector<1x16xf32>
        tpu.vector_store %arg8[%swap3A_274, %swap3A_275], %swap3A_278 {strides = array<i32>} : memref<16x1024xf32, #tpu.memory_space<vmem>>, vector<1x16xf32>,
        %get3A_279 = arith.index_cast %scan3A_220 : i32 to index
        %get3A_280 = arith.constant 80 : index
        %get3A_281 = tpu.vector_load %arg8[%get3A_279, %get3A_280] {strides = array<i32>} : memref<16x1024xf32, #tpu.memory_space<vmem>>, vector<1x16xf32>,
        %get3A_282 = vector.shape_cast %get3A_281 : vector<1x16xf32> to vector<16xf32>
        %mul3A_283 = arith.constant 3.200000e+01 : f32
        %mul3A_284 = vector.broadcast %mul3A_283 : f32 to vector<16xf32>
        %mul3A_285 = arith.mulf %get3A_282, %mul3A_284 : vector<16xf32>
        %swap3A_286 = arith.index_cast %scan3A_220 : i32 to index
        %swap3A_287 = arith.constant 80 : index
        %swap3A_288 = tpu.vector_load %arg8[%swap3A_286, %swap3A_287] {strides = array<i32>} : memref<16x1024xf32, #tpu.memory_space<vmem>>, vector<1x16xf32>,
        %swap3A_289 = vector.shape_cast %swap3A_288 : vector<1x16xf32> to vector<16xf32>
        %swap3A_290 = vector.shape_cast %mul3A_285 : vector<16xf32> to vector<1x16xf32>
        tpu.vector_store %arg8[%swap3A_286, %swap3A_287], %swap3A_290 {strides = array<i32>} : memref<16x1024xf32, #tpu.memory_space<vmem>>, vector<1x16xf32>,
        %get3A_291 = arith.index_cast %scan3A_220 : i32 to index
        %get3A_292 = arith.constant 96 : index
        %get3A_293 = tpu.vector_load %arg8[%get3A_291, %get3A_292] {strides = array<i32>} : memref<16x1024xf32, #tpu.memory_space<vmem>>, vector<1x16xf32>,
        %get3A_294 = vector.shape_cast %get3A_293 : vector<1x16xf32> to vector<16xf32>
        %mul3A_295 = arith.constant 3.200000e+01 : f32
        %mul3A_296 = vector.broadcast %mul3A_295 : f32 to vector<16xf32>
        %mul3A_297 = arith.mulf %get3A_294, %mul3A_296 : vector<16xf32>
        %swap3A_298 = arith.index_cast %scan3A_220 : i32 to index
        %swap3A_299 = arith.constant 96 : index
        %swap3A_300 = tpu.vector_load %arg8[%swap3A_298, %swap3A_299] {strides = array<i32>} : memref<16x1024xf32, #tpu.memory_space<vmem>>, vector<1x16xf32>,
        %swap3A_301 = vector.shape_cast %swap3A_300 : vector<1x16xf32> to vector<16xf32>
        %swap3A_302 = vector.shape_cast %mul3A_297 : vector<16xf32> to vector<1x16xf32>
        tpu.vector_store %arg8[%swap3A_298, %swap3A_299], %swap3A_302 {strides = array<i32>} : memref<16x1024xf32, #tpu.memory_space<vmem>>, vector<1x16xf32>,
        %get3A_303 = arith.index_cast %scan3A_220 : i32 to index
        %get3A_304 = arith.constant 112 : index
        %get3A_305 = tpu.vector_load %arg8[%get3A_303, %get3A_304] {strides = array<i32>} : memref<16x1024xf32, #tpu.memory_space<vmem>>, vector<1x16xf32>,
        %get3A_306 = vector.shape_cast %get3A_305 : vector<1x16xf32> to vector<16xf32>
        %mul3A_307 = arith.constant 3.200000e+01 : f32
        %mul3A_308 = vector.broadcast %mul3A_307 : f32 to vector<16xf32>
        %mul3A_309 = arith.mulf %get3A_306, %mul3A_308 : vector<16xf32>
        %swap3A_310 = arith.index_cast %scan3A_220 : i32 to index
        %swap3A_311 = arith.constant 112 : index
        %swap3A_312 = tpu.vector_load %arg8[%swap3A_310, %swap3A_311] {strides = array<i32>} : memref<16x1024xf32, #tpu.memory_space<vmem>>, vector<1x16xf32>,
        %swap3A_313 = vector.shape_cast %swap3A_312 : vector<1x16xf32> to vector<16xf32>
        %swap3A_314 = vector.shape_cast %mul3A_309 : vector<16xf32> to vector<1x16xf32>
        tpu.vector_store %arg8[%swap3A_310, %swap3A_311], %swap3A_314 {strides = array<i32>} : memref<16x1024xf32, #tpu.memory_space<vmem>>, vector<1x16xf32>,
        %get3A_315 = arith.index_cast %scan3A_220 : i32 to index
        %get3A_316 = arith.constant 128 : index
        %get3A_317 = tpu.vector_load %arg8[%get3A_315, %get3A_316] {strides = array<i32>} : memref<16x1024xf32, #tpu.memory_space<vmem>>, vector<1x16xf32>,
        %get3A_318 = vector.shape_cast %get3A_317 : vector<1x16xf32> to vector<16xf32>
        %mul3A_319 = arith.constant 3.200000e+01 : f32
        %mul3A_320 = vector.broadcast %mul3A_319 : f32 to vector<16xf32>
        %mul3A_321 = arith.mulf %get3A_318, %mul3A_320 : vector<16xf32>
        %swap3A_322 = arith.index_cast %scan3A_220 : i32 to index
        %swap3A_323 = arith.constant 128 : index
        %swap3A_324 = tpu.vector_load %arg8[%swap3A_322, %swap3A_323] {strides = array<i32>} : memref<16x1024xf32, #tpu.memory_space<vmem>>, vector<1x16xf32>,
        %swap3A_325 = vector.shape_cast %swap3A_324 : vector<1x16xf32> to vector<16xf32>
        %swap3A_326 = vector.shape_cast %mul3A_321 : vector<16xf32> to vector<1x16xf32>
        tpu.vector_store %arg8[%swap3A_322, %swap3A_323], %swap3A_326 {strides = array<i32>} : memref<16x1024xf32, #tpu.memory_space<vmem>>, vector<1x16xf32>,
        %get3A_327 = arith.index_cast %scan3A_220 : i32 to index
        %get3A_328 = arith.constant 144 : index
        %get3A_329 = tpu.vector_load %arg8[%get3A_327, %get3A_328] {strides = array<i32>} : memref<16x1024xf32, #tpu.memory_space<vmem>>, vector<1x16xf32>,
        %get3A_330 = vector.shape_cast %get3A_329 : vector<1x16xf32> to vector<16xf32>
        %mul3A_331 = arith.constant 3.200000e+01 : f32
        %mul3A_332 = vector.broadcast %mul3A_331 : f32 to vector<16xf32>
        %mul3A_333 = arith.mulf %get3A_330, %mul3A_332 : vector<16xf32>
        %swap3A_334 = arith.index_cast %scan3A_220 : i32 to index
        %swap3A_335 = arith.constant 144 : index
        %swap3A_336 = tpu.vector_load %arg8[%swap3A_334, %swap3A_335] {strides = array<i32>} : memref<16x1024xf32, #tpu.memory_space<vmem>>, vector<1x16xf32>,
        %swap3A_337 = vector.shape_cast %swap3A_336 : vector<1x16xf32> to vector<16xf32>
        %swap3A_338 = vector.shape_cast %mul3A_333 : vector<16xf32> to vector<1x16xf32>
        tpu.vector_store %arg8[%swap3A_334, %swap3A_335], %swap3A_338 {strides = array<i32>} : memref<16x1024xf32, #tpu.memory_space<vmem>>, vector<1x16xf32>,
        %get3A_339 = arith.index_cast %scan3A_220 : i32 to index
        %get3A_340 = arith.constant 160 : index
        %get3A_341 = tpu.vector_load %arg8[%get3A_339, %get3A_340] {strides = array<i32>} : memref<16x1024xf32, #tpu.memory_space<vmem>>, vector<1x16xf32>,
        %get3A_342 = vector.shape_cast %get3A_341 : vector<1x16xf32> to vector<16xf32>
        %mul3A_343 = arith.constant 3.200000e+01 : f32
        %mul3A_344 = vector.broadcast %mul3A_343 : f32 to vector<16xf32>
        %mul3A_345 = arith.mulf %get3A_342, %mul3A_344 : vector<16xf32>
        %swap3A_346 = arith.index_cast %scan3A_220 : i32 to index
        %swap3A_347 = arith.constant 160 : index
        %swap3A_348 = tpu.vector_load %arg8[%swap3A_346, %swap3A_347] {strides = array<i32>} : memref<16x1024xf32, #tpu.memory_space<vmem>>, vector<1x16xf32>,
        %swap3A_349 = vector.shape_cast %swap3A_348 : vector<1x16xf32> to vector<16xf32>
        %swap3A_350 = vector.shape_cast %mul3A_345 : vector<16xf32> to vector<1x16xf32>
        tpu.vector_store %arg8[%swap3A_346, %swap3A_347], %swap3A_350 {strides = array<i32>} : memref<16x1024xf32, #tpu.memory_space<vmem>>, vector<1x16xf32>,
        %get3A_351 = arith.index_cast %scan3A_220 : i32 to index
        %get3A_352 = arith.constant 176 : index
        %get3A_353 = tpu.vector_load %arg8[%get3A_351, %get3A_352] {strides = array<i32>} : memref<16x1024xf32, #tpu.memory_space<vmem>>, vector<1x16xf32>,
        %get3A_354 = vector.shape_cast %get3A_353 : vector<1x16xf32> to vector<16xf32>
        %mul3A_355 = arith.constant 3.200000e+01 : f32
        %mul3A_356 = vector.broadcast %mul3A_355 : f32 to vector<16xf32>
        %mul3A_357 = arith.mulf %get3A_354, %mul3A_356 : vector<16xf32>
        %swap3A_358 = arith.index_cast %scan3A_220 : i32 to index
        %swap3A_359 = arith.constant 176 : index
        %swap3A_360 = tpu.vector_load %arg8[%swap3A_358, %swap3A_359] {strides = array<i32>} : memref<16x1024xf32, #tpu.memory_space<vmem>>, vector<1x16xf32>,
        %swap3A_361 = vector.shape_cast %swap3A_360 : vector<1x16xf32> to vector<16xf32>
        %swap3A_362 = vector.shape_cast %mul3A_357 : vector<16xf32> to vector<1x16xf32>
        tpu.vector_store %arg8[%swap3A_358, %swap3A_359], %swap3A_362 {strides = array<i32>} : memref<16x1024xf32, #tpu.memory_space<vmem>>, vector<1x16xf32>,
        %get3A_363 = arith.index_cast %scan3A_220 : i32 to index
        %get3A_364 = arith.constant 192 : index
        %get3A_365 = tpu.vector_load %arg8[%get3A_363, %get3A_364] {strides = array<i32>} : memref<16x1024xf32, #tpu.memory_space<vmem>>, vector<1x16xf32>,
        %get3A_366 = vector.shape_cast %get3A_365 : vector<1x16xf32> to vector<16xf32>
        %mul3A_367 = arith.constant 3.200000e+01 : f32
        %mul3A_368 = vector.broadcast %mul3A_367 : f32 to vector<16xf32>
        %mul3A_369 = arith.mulf %get3A_366, %mul3A_368 : vector<16xf32>
        %swap3A_370 = arith.index_cast %scan3A_220 : i32 to index
        %swap3A_371 = arith.constant 192 : index
        %swap3A_372 = tpu.vector_load %arg8[%swap3A_370, %swap3A_371] {strides = array<i32>} : memref<16x1024xf32, #tpu.memory_space<vmem>>, vector<1x16xf32>,
        %swap3A_373 = vector.shape_cast %swap3A_372 : vector<1x16xf32> to vector<16xf32>
        %swap3A_374 = vector.shape_cast %mul3A_369 : vector<16xf32> to vector<1x16xf32>
        tpu.vector_store %arg8[%swap3A_370, %swap3A_371], %swap3A_374 {strides = array<i32>} : memref<16x1024xf32, #tpu.memory_space<vmem>>, vector<1x16xf32>,
        %get3A_375 = arith.index_cast %scan3A_220 : i32 to index
        %get3A_376 = arith.constant 208 : index
        %get3A_377 = tpu.vector_load %arg8[%get3A_375, %get3A_376] {strides = array<i32>} : memref<16x1024xf32, #tpu.memory_space<vmem>>, vector<1x16xf32>,
        %get3A_378 = vector.shape_cast %get3A_377 : vector<1x16xf32> to vector<16xf32>
        %mul3A_379 = arith.constant 3.200000e+01 : f32
        %mul3A_380 = vector.broadcast %mul3A_379 : f32 to vector<16xf32>
        %mul3A_381 = arith.mulf %get3A_378, %mul3A_380 : vector<16xf32>
        %swap3A_382 = arith.index_cast %scan3A_220 : i32 to index
        %swap3A_383 = arith.constant 208 : index
        %swap3A_384 = tpu.vector_load %arg8[%swap3A_382, %swap3A_383] {strides = array<i32>} : memref<16x1024xf32, #tpu.memory_space<vmem>>, vector<1x16xf32>,
        %swap3A_385 = vector.shape_cast %swap3A_384 : vector<1x16xf32> to vector<16xf32>
        %swap3A_386 = vector.shape_cast %mul3A_381 : vector<16xf32> to vector<1x16xf32>
        tpu.vector_store %arg8[%swap3A_382, %swap3A_383], %swap3A_386 {strides = array<i32>} : memref<16x1024xf32, #tpu.memory_space<vmem>>, vector<1x16xf32>,
        %get3A_387 = arith.index_cast %scan3A_220 : i32 to index
        %get3A_388 = arith.constant 224 : index
        %get3A_389 = tpu.vector_load %arg8[%get3A_387, %get3A_388] {strides = array<i32>} : memref<16x1024xf32, #tpu.memory_space<vmem>>, vector<1x16xf32>,
        %get3A_390 = vector.shape_cast %get3A_389 : vector<1x16xf32> to vector<16xf32>
        %mul3A_391 = arith.constant 3.200000e+01 : f32
        %mul3A_392 = vector.broadcast %mul3A_391 : f32 to vector<16xf32>
        %mul3A_393 = arith.mulf %get3A_390, %mul3A_392 : vector<16xf32>
        %swap3A_394 = arith.index_cast %scan3A_220 : i32 to index
        %swap3A_395 = arith.constant 224 : index
        %swap3A_396 = tpu.vector_load %arg8[%swap3A_394, %swap3A_395] {strides = array<i32>} : memref<16x1024xf32, #tpu.memory_space<vmem>>, vector<1x16xf32>,
        %swap3A_397 = vector.shape_cast %swap3A_396 : vector<1x16xf32> to vector<16xf32>
        %swap3A_398 = vector.shape_cast %mul3A_393 : vector<16xf32> to vector<1x16xf32>
        tpu.vector_store %arg8[%swap3A_394, %swap3A_395], %swap3A_398 {strides = array<i32>} : memref<16x1024xf32, #tpu.memory_space<vmem>>, vector<1x16xf32>,
        %get3A_399 = arith.index_cast %scan3A_220 : i32 to index
        %get3A_400 = arith.constant 240 : index
        %get3A_401 = tpu.vector_load %arg8[%get3A_399, %get3A_400] {strides = array<i32>} : memref<16x1024xf32, #tpu.memory_space<vmem>>, vector<1x16xf32>,
        %get3A_402 = vector.shape_cast %get3A_401 : vector<1x16xf32> to vector<16xf32>
        %mul3A_403 = arith.constant 3.200000e+01 : f32
        %mul3A_404 = vector.broadcast %mul3A_403 : f32 to vector<16xf32>
        %mul3A_405 = arith.mulf %get3A_402, %mul3A_404 : vector<16xf32>
        %swap3A_406 = arith.index_cast %scan3A_220 : i32 to index
        %swap3A_407 = arith.constant 240 : index
        %swap3A_408 = tpu.vector_load %arg8[%swap3A_406, %swap3A_407] {strides = array<i32>} : memref<16x1024xf32, #tpu.memory_space<vmem>>, vector<1x16xf32>,
        %swap3A_409 = vector.shape_cast %swap3A_408 : vector<1x16xf32> to vector<16xf32>
        %swap3A_410 = vector.shape_cast %mul3A_405 : vector<16xf32> to vector<1x16xf32>
        tpu.vector_store %arg8[%swap3A_406, %swap3A_407], %swap3A_410 {strides = array<i32>} : memref<16x1024xf32, #tpu.memory_space<vmem>>, vector<1x16xf32>,
        %get3A_411 = arith.index_cast %scan3A_220 : i32 to index
        %get3A_412 = arith.constant 256 : index
        %get3A_413 = tpu.vector_load %arg8[%get3A_411, %get3A_412] {strides = array<i32>} : memref<16x1024xf32, #tpu.memory_space<vmem>>, vector<1x16xf32>,
        %get3A_414 = vector.shape_cast %get3A_413 : vector<1x16xf32> to vector<16xf32>
        %mul3A_415 = arith.constant 3.200000e+01 : f32
        %mul3A_416 = vector.broadcast %mul3A_415 : f32 to vector<16xf32>
        %mul3A_417 = arith.mulf %get3A_414, %mul3A_416 : vector<16xf32>
        %swap3A_418 = arith.index_cast %scan3A_220 : i32 to index
        %swap3A_419 = arith.constant 256 : index
        %swap3A_420 = tpu.vector_load %arg8[%swap3A_418, %swap3A_419] {strides = array<i32>} : memref<16x1024xf32, #tpu.memory_space<vmem>>, vector<1x16xf32>,
        %swap3A_421 = vector.shape_cast %swap3A_420 : vector<1x16xf32> to vector<16xf32>
        %swap3A_422 = vector.shape_cast %mul3A_417 : vector<16xf32> to vector<1x16xf32>
        tpu.vector_store %arg8[%swap3A_418, %swap3A_419], %swap3A_422 {strides = array<i32>} : memref<16x1024xf32, #tpu.memory_space<vmem>>, vector<1x16xf32>,
        %get3A_423 = arith.index_cast %scan3A_220 : i32 to index
        %get3A_424 = arith.constant 272 : index
        %get3A_425 = tpu.vector_load %arg8[%get3A_423, %get3A_424] {strides = array<i32>} : memref<16x1024xf32, #tpu.memory_space<vmem>>, vector<1x16xf32>,
        %get3A_426 = vector.shape_cast %get3A_425 : vector<1x16xf32> to vector<16xf32>
        %mul3A_427 = arith.constant 3.200000e+01 : f32
        %mul3A_428 = vector.broadcast %mul3A_427 : f32 to vector<16xf32>
        %mul3A_429 = arith.mulf %get3A_426, %mul3A_428 : vector<16xf32>
        %swap3A_430 = arith.index_cast %scan3A_220 : i32 to index
        %swap3A_431 = arith.constant 272 : index
        %swap3A_432 = tpu.vector_load %arg8[%swap3A_430, %swap3A_431] {strides = array<i32>} : memref<16x1024xf32, #tpu.memory_space<vmem>>, vector<1x16xf32>,
        %swap3A_433 = vector.shape_cast %swap3A_432 : vector<1x16xf32> to vector<16xf32>
        %swap3A_434 = vector.shape_cast %mul3A_429 : vector<16xf32> to vector<1x16xf32>
        tpu.vector_store %arg8[%swap3A_430, %swap3A_431], %swap3A_434 {strides = array<i32>} : memref<16x1024xf32, #tpu.memory_space<vmem>>, vector<1x16xf32>,
        %get3A_435 = arith.index_cast %scan3A_220 : i32 to index
        %get3A_436 = arith.constant 288 : index
        %get3A_437 = tpu.vector_load %arg8[%get3A_435, %get3A_436] {strides = array<i32>} : memref<16x1024xf32, #tpu.memory_space<vmem>>, vector<1x16xf32>,
        %get3A_438 = vector.shape_cast %get3A_437 : vector<1x16xf32> to vector<16xf32>
        %mul3A_439 = arith.constant 3.200000e+01 : f32
        %mul3A_440 = vector.broadcast %mul3A_439 : f32 to vector<16xf32>
        %mul3A_441 = arith.mulf %get3A_438, %mul3A_440 : vector<16xf32>
        %swap3A_442 = arith.index_cast %scan3A_220 : i32 to index
        %swap3A_443 = arith.constant 288 : index
        %swap3A_444 = tpu.vector_load %arg8[%swap3A_442, %swap3A_443] {strides = array<i32>} : memref<16x1024xf32, #tpu.memory_space<vmem>>, vector<1x16xf32>,
        %swap3A_445 = vector.shape_cast %swap3A_444 : vector<1x16xf32> to vector<16xf32>
        %swap3A_446 = vector.shape_cast %mul3A_441 : vector<16xf32> to vector<1x16xf32>
        tpu.vector_store %arg8[%swap3A_442, %swap3A_443], %swap3A_446 {strides = array<i32>} : memref<16x1024xf32, #tpu.memory_space<vmem>>, vector<1x16xf32>,
        %get3A_447 = arith.index_cast %scan3A_220 : i32 to index
        %get3A_448 = arith.constant 304 : index
        %get3A_449 = tpu.vector_load %arg8[%get3A_447, %get3A_448] {strides = array<i32>} : memref<16x1024xf32, #tpu.memory_space<vmem>>, vector<1x16xf32>,
        %get3A_450 = vector.shape_cast %get3A_449 : vector<1x16xf32> to vector<16xf32>
        %mul3A_451 = arith.constant 3.200000e+01 : f32
        %mul3A_452 = vector.broadcast %mul3A_451 : f32 to vector<16xf32>
        %mul3A_453 = arith.mulf %get3A_450, %mul3A_452 : vector<16xf32>
        %swap3A_454 = arith.index_cast %scan3A_220 : i32 to index
        %swap3A_455 = arith.constant 304 : index
        %swap3A_456 = tpu.vector_load %arg8[%swap3A_454, %swap3A_455] {strides = array<i32>} : memref<16x1024xf32, #tpu.memory_space<vmem>>, vector<1x16xf32>,
        %swap3A_457 = vector.shape_cast %swap3A_456 : vector<1x16xf32> to vector<16xf32>
        %swap3A_458 = vector.shape_cast %mul3A_453 : vector<16xf32> to vector<1x16xf32>
        tpu.vector_store %arg8[%swap3A_454, %swap3A_455], %swap3A_458 {strides = array<i32>} : memref<16x1024xf32, #tpu.memory_space<vmem>>, vector<1x16xf32>,
        %get3A_459 = arith.index_cast %scan3A_220 : i32 to index
        %get3A_460 = arith.constant 320 : index
        %get3A_461 = tpu.vector_load %arg8[%get3A_459, %get3A_460] {strides = array<i32>} : memref<16x1024xf32, #tpu.memory_space<vmem>>, vector<1x16xf32>,
        %get3A_462 = vector.shape_cast %get3A_461 : vector<1x16xf32> to vector<16xf32>
        %mul3A_463 = arith.constant 3.200000e+01 : f32
        %mul3A_464 = vector.broadcast %mul3A_463 : f32 to vector<16xf32>
        %mul3A_465 = arith.mulf %get3A_462, %mul3A_464 : vector<16xf32>
        %swap3A_466 = arith.index_cast %scan3A_220 : i32 to index
        %swap3A_467 = arith.constant 320 : index
        %swap3A_468 = tpu.vector_load %arg8[%swap3A_466, %swap3A_467] {strides = array<i32>} : memref<16x1024xf32, #tpu.memory_space<vmem>>, vector<1x16xf32>,
        %swap3A_469 = vector.shape_cast %swap3A_468 : vector<1x16xf32> to vector<16xf32>
        %swap3A_470 = vector.shape_cast %mul3A_465 : vector<16xf32> to vector<1x16xf32>
        tpu.vector_store %arg8[%swap3A_466, %swap3A_467], %swap3A_470 {strides = array<i32>} : memref<16x1024xf32, #tpu.memory_space<vmem>>, vector<1x16xf32>,
        %get3A_471 = arith.index_cast %scan3A_220 : i32 to index
        %get3A_472 = arith.constant 336 : index
        %get3A_473 = tpu.vector_load %arg8[%get3A_471, %get3A_472] {strides = array<i32>} : memref<16x1024xf32, #tpu.memory_space<vmem>>, vector<1x16xf32>,
        %get3A_474 = vector.shape_cast %get3A_473 : vector<1x16xf32> to vector<16xf32>
        %mul3A_475 = arith.constant 3.200000e+01 : f32
        %mul3A_476 = vector.broadcast %mul3A_475 : f32 to vector<16xf32>
        %mul3A_477 = arith.mulf %get3A_474, %mul3A_476 : vector<16xf32>
        %swap3A_478 = arith.index_cast %scan3A_220 : i32 to index
        %swap3A_479 = arith.constant 336 : index
        %swap3A_480 = tpu.vector_load %arg8[%swap3A_478, %swap3A_479] {strides = array<i32>} : memref<16x1024xf32, #tpu.memory_space<vmem>>, vector<1x16xf32>,
        %swap3A_481 = vector.shape_cast %swap3A_480 : vector<1x16xf32> to vector<16xf32>
        %swap3A_482 = vector.shape_cast %mul3A_477 : vector<16xf32> to vector<1x16xf32>
        tpu.vector_store %arg8[%swap3A_478, %swap3A_479], %swap3A_482 {strides = array<i32>} : memref<16x1024xf32, #tpu.memory_space<vmem>>, vector<1x16xf32>,
        %get3A_483 = arith.index_cast %scan3A_220 : i32 to index
        %get3A_484 = arith.constant 352 : index
        %get3A_485 = tpu.vector_load %arg8[%get3A_483, %get3A_484] {strides = array<i32>} : memref<16x1024xf32, #tpu.memory_space<vmem>>, vector<1x16xf32>,
        %get3A_486 = vector.shape_cast %get3A_485 : vector<1x16xf32> to vector<16xf32>
        %mul3A_487 = arith.constant 3.200000e+01 : f32
        %mul3A_488 = vector.broadcast %mul3A_487 : f32 to vector<16xf32>
        %mul3A_489 = arith.mulf %get3A_486, %mul3A_488 : vector<16xf32>
        %swap3A_490 = arith.index_cast %scan3A_220 : i32 to index
        %swap3A_491 = arith.constant 352 : index
        %swap3A_492 = tpu.vector_load %arg8[%swap3A_490, %swap3A_491] {strides = array<i32>} : memref<16x1024xf32, #tpu.memory_space<vmem>>, vector<1x16xf32>,
        %swap3A_493 = vector.shape_cast %swap3A_492 : vector<1x16xf32> to vector<16xf32>
        %swap3A_494 = vector.shape_cast %mul3A_489 : vector<16xf32> to vector<1x16xf32>
        tpu.vector_store %arg8[%swap3A_490, %swap3A_491], %swap3A_494 {strides = array<i32>} : memref<16x1024xf32, #tpu.memory_space<vmem>>, vector<1x16xf32>,
        %get3A_495 = arith.index_cast %scan3A_220 : i32 to index
        %get3A_496 = arith.constant 368 : index
        %get3A_497 = tpu.vector_load %arg8[%get3A_495, %get3A_496] {strides = array<i32>} : memref<16x1024xf32, #tpu.memory_space<vmem>>, vector<1x16xf32>,
        %get3A_498 = vector.shape_cast %get3A_497 : vector<1x16xf32> to vector<16xf32>
        %mul3A_499 = arith.constant 3.200000e+01 : f32
        %mul3A_500 = vector.broadcast %mul3A_499 : f32 to vector<16xf32>
        %mul3A_501 = arith.mulf %get3A_498, %mul3A_500 : vector<16xf32>
        %swap3A_502 = arith.index_cast %scan3A_220 : i32 to index
        %swap3A_503 = arith.constant 368 : index
        %swap3A_504 = tpu.vector_load %arg8[%swap3A_502, %swap3A_503] {strides = array<i32>} : memref<16x1024xf32, #tpu.memory_space<vmem>>, vector<1x16xf32>,
        %swap3A_505 = vector.shape_cast %swap3A_504 : vector<1x16xf32> to vector<16xf32>
        %swap3A_506 = vector.shape_cast %mul3A_501 : vector<16xf32> to vector<1x16xf32>
        tpu.vector_store %arg8[%swap3A_502, %swap3A_503], %swap3A_506 {strides = array<i32>} : memref<16x1024xf32, #tpu.memory_space<vmem>>, vector<1x16xf32>,
        %get3A_507 = arith.index_cast %scan3A_220 : i32 to index
        %get3A_508 = arith.constant 384 : index
        %get3A_509 = tpu.vector_load %arg8[%get3A_507, %get3A_508] {strides = array<i32>} : memref<16x1024xf32, #tpu.memory_space<vmem>>, vector<1x16xf32>,
        %get3A_510 = vector.shape_cast %get3A_509 : vector<1x16xf32> to vector<16xf32>
        %mul3A_511 = arith.constant 3.200000e+01 : f32
        %mul3A_512 = vector.broadcast %mul3A_511 : f32 to vector<16xf32>
        %mul3A_513 = arith.mulf %get3A_510, %mul3A_512 : vector<16xf32>
        %swap3A_514 = arith.index_cast %scan3A_220 : i32 to index
        %swap3A_515 = arith.constant 384 : index
        %swap3A_516 = tpu.vector_load %arg8[%swap3A_514, %swap3A_515] {strides = array<i32>} : memref<16x1024xf32, #tpu.memory_space<vmem>>, vector<1x16xf32>,
        %swap3A_517 = vector.shape_cast %swap3A_516 : vector<1x16xf32> to vector<16xf32>
        %swap3A_518 = vector.shape_cast %mul3A_513 : vector<16xf32> to vector<1x16xf32>
        tpu.vector_store %arg8[%swap3A_514, %swap3A_515], %swap3A_518 {strides = array<i32>} : memref<16x1024xf32, #tpu.memory_space<vmem>>, vector<1x16xf32>,
        %get3A_519 = arith.index_cast %scan3A_220 : i32 to index
        %get3A_520 = arith.constant 400 : index
        %get3A_521 = tpu.vector_load %arg8[%get3A_519, %get3A_520] {strides = array<i32>} : memref<16x1024xf32, #tpu.memory_space<vmem>>, vector<1x16xf32>,
        %get3A_522 = vector.shape_cast %get3A_521 : vector<1x16xf32> to vector<16xf32>
        %mul3A_523 = arith.constant 3.200000e+01 : f32
        %mul3A_524 = vector.broadcast %mul3A_523 : f32 to vector<16xf32>
        %mul3A_525 = arith.mulf %get3A_522, %mul3A_524 : vector<16xf32>
        %swap3A_526 = arith.index_cast %scan3A_220 : i32 to index
        %swap3A_527 = arith.constant 400 : index
        %swap3A_528 = tpu.vector_load %arg8[%swap3A_526, %swap3A_527] {strides = array<i32>} : memref<16x1024xf32, #tpu.memory_space<vmem>>, vector<1x16xf32>,
        %swap3A_529 = vector.shape_cast %swap3A_528 : vector<1x16xf32> to vector<16xf32>
        %swap3A_530 = vector.shape_cast %mul3A_525 : vector<16xf32> to vector<1x16xf32>
        tpu.vector_store %arg8[%swap3A_526, %swap3A_527], %swap3A_530 {strides = array<i32>} : memref<16x1024xf32, #tpu.memory_space<vmem>>, vector<1x16xf32>,
        %get3A_531 = arith.index_cast %scan3A_220 : i32 to index
        %get3A_532 = arith.constant 416 : index
        %get3A_533 = tpu.vector_load %arg8[%get3A_531, %get3A_532] {strides = array<i32>} : memref<16x1024xf32, #tpu.memory_space<vmem>>, vector<1x16xf32>,
        %get3A_534 = vector.shape_cast %get3A_533 : vector<1x16xf32> to vector<16xf32>
        %mul3A_535 = arith.constant 3.200000e+01 : f32
        %mul3A_536 = vector.broadcast %mul3A_535 : f32 to vector<16xf32>
        %mul3A_537 = arith.mulf %get3A_534, %mul3A_536 : vector<16xf32>
        %swap3A_538 = arith.index_cast %scan3A_220 : i32 to index
        %swap3A_539 = arith.constant 416 : index
        %swap3A_540 = tpu.vector_load %arg8[%swap3A_538, %swap3A_539] {strides = array<i32>} : memref<16x1024xf32, #tpu.memory_space<vmem>>, vector<1x16xf32>,
        %swap3A_541 = vector.shape_cast %swap3A_540 : vector<1x16xf32> to vector<16xf32>
        %swap3A_542 = vector.shape_cast %mul3A_537 : vector<16xf32> to vector<1x16xf32>
        tpu.vector_store %arg8[%swap3A_538, %swap3A_539], %swap3A_542 {strides = array<i32>} : memref<16x1024xf32, #tpu.memory_space<vmem>>, vector<1x16xf32>,
        %get3A_543 = arith.index_cast %scan3A_220 : i32 to index
        %get3A_544 = arith.constant 432 : index
        %get3A_545 = tpu.vector_load %arg8[%get3A_543, %get3A_544] {strides = array<i32>} : memref<16x1024xf32, #tpu.memory_space<vmem>>, vector<1x16xf32>,
        %get3A_546 = vector.shape_cast %get3A_545 : vector<1x16xf32> to vector<16xf32>
        %mul3A_547 = arith.constant 3.200000e+01 : f32
        %mul3A_548 = vector.broadcast %mul3A_547 : f32 to vector<16xf32>
        %mul3A_549 = arith.mulf %get3A_546, %mul3A_548 : vector<16xf32>
        %swap3A_550 = arith.index_cast %scan3A_220 : i32 to index
        %swap3A_551 = arith.constant 432 : index
        %swap3A_552 = tpu.vector_load %arg8[%swap3A_550, %swap3A_551] {strides = array<i32>} : memref<16x1024xf32, #tpu.memory_space<vmem>>, vector<1x16xf32>,
        %swap3A_553 = vector.shape_cast %swap3A_552 : vector<1x16xf32> to vector<16xf32>
        %swap3A_554 = vector.shape_cast %mul3A_549 : vector<16xf32> to vector<1x16xf32>
        tpu.vector_store %arg8[%swap3A_550, %swap3A_551], %swap3A_554 {strides = array<i32>} : memref<16x1024xf32, #tpu.memory_space<vmem>>, vector<1x16xf32>,
        %get3A_555 = arith.index_cast %scan3A_220 : i32 to index
        %get3A_556 = arith.constant 448 : index
        %get3A_557 = tpu.vector_load %arg8[%get3A_555, %get3A_556] {strides = array<i32>} : memref<16x1024xf32, #tpu.memory_space<vmem>>, vector<1x16xf32>,
        %get3A_558 = vector.shape_cast %get3A_557 : vector<1x16xf32> to vector<16xf32>
        %mul3A_559 = arith.constant 3.200000e+01 : f32
        %mul3A_560 = vector.broadcast %mul3A_559 : f32 to vector<16xf32>
        %mul3A_561 = arith.mulf %get3A_558, %mul3A_560 : vector<16xf32>
        %swap3A_562 = arith.index_cast %scan3A_220 : i32 to index
        %swap3A_563 = arith.constant 448 : index
        %swap3A_564 = tpu.vector_load %arg8[%swap3A_562, %swap3A_563] {strides = array<i32>} : memref<16x1024xf32, #tpu.memory_space<vmem>>, vector<1x16xf32>,
        %swap3A_565 = vector.shape_cast %swap3A_564 : vector<1x16xf32> to vector<16xf32>
        %swap3A_566 = vector.shape_cast %mul3A_561 : vector<16xf32> to vector<1x16xf32>
        tpu.vector_store %arg8[%swap3A_562, %swap3A_563], %swap3A_566 {strides = array<i32>} : memref<16x1024xf32, #tpu.memory_space<vmem>>, vector<1x16xf32>,
        %get3A_567 = arith.index_cast %scan3A_220 : i32 to index
        %get3A_568 = arith.constant 464 : index
        %get3A_569 = tpu.vector_load %arg8[%get3A_567, %get3A_568] {strides = array<i32>} : memref<16x1024xf32, #tpu.memory_space<vmem>>, vector<1x16xf32>,
        %get3A_570 = vector.shape_cast %get3A_569 : vector<1x16xf32> to vector<16xf32>
        %mul3A_571 = arith.constant 3.200000e+01 : f32
        %mul3A_572 = vector.broadcast %mul3A_571 : f32 to vector<16xf32>
        %mul3A_573 = arith.mulf %get3A_570, %mul3A_572 : vector<16xf32>
        %swap3A_574 = arith.index_cast %scan3A_220 : i32 to index
        %swap3A_575 = arith.constant 464 : index
        %swap3A_576 = tpu.vector_load %arg8[%swap3A_574, %swap3A_575] {strides = array<i32>} : memref<16x1024xf32, #tpu.memory_space<vmem>>, vector<1x16xf32>,
        %swap3A_577 = vector.shape_cast %swap3A_576 : vector<1x16xf32> to vector<16xf32>
        %swap3A_578 = vector.shape_cast %mul3A_573 : vector<16xf32> to vector<1x16xf32>
        tpu.vector_store %arg8[%swap3A_574, %swap3A_575], %swap3A_578 {strides = array<i32>} : memref<16x1024xf32, #tpu.memory_space<vmem>>, vector<1x16xf32>,
        %get3A_579 = arith.index_cast %scan3A_220 : i32 to index
        %get3A_580 = arith.constant 480 : index
        %get3A_581 = tpu.vector_load %arg8[%get3A_579, %get3A_580] {strides = array<i32>} : memref<16x1024xf32, #tpu.memory_space<vmem>>, vector<1x16xf32>,
        %get3A_582 = vector.shape_cast %get3A_581 : vector<1x16xf32> to vector<16xf32>
        %mul3A_583 = arith.constant 3.200000e+01 : f32
        %mul3A_584 = vector.broadcast %mul3A_583 : f32 to vector<16xf32>
        %mul3A_585 = arith.mulf %get3A_582, %mul3A_584 : vector<16xf32>
        %swap3A_586 = arith.index_cast %scan3A_220 : i32 to index
        %swap3A_587 = arith.constant 480 : index
        %swap3A_588 = tpu.vector_load %arg8[%swap3A_586, %swap3A_587] {strides = array<i32>} : memref<16x1024xf32, #tpu.memory_space<vmem>>, vector<1x16xf32>,
        %swap3A_589 = vector.shape_cast %swap3A_588 : vector<1x16xf32> to vector<16xf32>
        %swap3A_590 = vector.shape_cast %mul3A_585 : vector<16xf32> to vector<1x16xf32>
        tpu.vector_store %arg8[%swap3A_586, %swap3A_587], %swap3A_590 {strides = array<i32>} : memref<16x1024xf32, #tpu.memory_space<vmem>>, vector<1x16xf32>,
        %get3A_591 = arith.index_cast %scan3A_220 : i32 to index
        %get3A_592 = arith.constant 496 : index
        %get3A_593 = tpu.vector_load %arg8[%get3A_591, %get3A_592] {strides = array<i32>} : memref<16x1024xf32, #tpu.memory_space<vmem>>, vector<1x16xf32>,
        %get3A_594 = vector.shape_cast %get3A_593 : vector<1x16xf32> to vector<16xf32>
        %mul3A_595 = arith.constant 3.200000e+01 : f32
        %mul3A_596 = vector.broadcast %mul3A_595 : f32 to vector<16xf32>
        %mul3A_597 = arith.mulf %get3A_594, %mul3A_596 : vector<16xf32>
        %swap3A_598 = arith.index_cast %scan3A_220 : i32 to index
        %swap3A_599 = arith.constant 496 : index
        %swap3A_600 = tpu.vector_load %arg8[%swap3A_598, %swap3A_599] {strides = array<i32>} : memref<16x1024xf32, #tpu.memory_space<vmem>>, vector<1x16xf32>,
        %swap3A_601 = vector.shape_cast %swap3A_600 : vector<1x16xf32> to vector<16xf32>
        %swap3A_602 = vector.shape_cast %mul3A_597 : vector<16xf32> to vector<1x16xf32>
        tpu.vector_store %arg8[%swap3A_598, %swap3A_599], %swap3A_602 {strides = array<i32>} : memref<16x1024xf32, #tpu.memory_space<vmem>>, vector<1x16xf32>,
        %get3A_603 = arith.index_cast %scan3A_220 : i32 to index
        %get3A_604 = arith.constant 512 : index
        %get3A_605 = tpu.vector_load %arg8[%get3A_603, %get3A_604] {strides = array<i32>} : memref<16x1024xf32, #tpu.memory_space<vmem>>, vector<1x16xf32>,
        %get3A_606 = vector.shape_cast %get3A_605 : vector<1x16xf32> to vector<16xf32>
        %mul3A_607 = arith.constant 3.200000e+01 : f32
        %mul3A_608 = vector.broadcast %mul3A_607 : f32 to vector<16xf32>
        %mul3A_609 = arith.mulf %get3A_606, %mul3A_608 : vector<16xf32>
        %swap3A_610 = arith.index_cast %scan3A_220 : i32 to index
        %swap3A_611 = arith.constant 512 : index
        %swap3A_612 = tpu.vector_load %arg8[%swap3A_610, %swap3A_611] {strides = array<i32>} : memref<16x1024xf32, #tpu.memory_space<vmem>>, vector<1x16xf32>,
        %swap3A_613 = vector.shape_cast %swap3A_612 : vector<1x16xf32> to vector<16xf32>
        %swap3A_614 = vector.shape_cast %mul3A_609 : vector<16xf32> to vector<1x16xf32>
        tpu.vector_store %arg8[%swap3A_610, %swap3A_611], %swap3A_614 {strides = array<i32>} : memref<16x1024xf32, #tpu.memory_space<vmem>>, vector<1x16xf32>,
        %get3A_615 = arith.index_cast %scan3A_220 : i32 to index
        %get3A_616 = arith.constant 528 : index
        %get3A_617 = tpu.vector_load %arg8[%get3A_615, %get3A_616] {strides = array<i32>} : memref<16x1024xf32, #tpu.memory_space<vmem>>, vector<1x16xf32>,
        %get3A_618 = vector.shape_cast %get3A_617 : vector<1x16xf32> to vector<16xf32>
        %mul3A_619 = arith.constant 3.200000e+01 : f32
        %mul3A_620 = vector.broadcast %mul3A_619 : f32 to vector<16xf32>
        %mul3A_621 = arith.mulf %get3A_618, %mul3A_620 : vector<16xf32>
        %swap3A_622 = arith.index_cast %scan3A_220 : i32 to index
        %swap3A_623 = arith.constant 528 : index
        %swap3A_624 = tpu.vector_load %arg8[%swap3A_622, %swap3A_623] {strides = array<i32>} : memref<16x1024xf32, #tpu.memory_space<vmem>>, vector<1x16xf32>,
        %swap3A_625 = vector.shape_cast %swap3A_624 : vector<1x16xf32> to vector<16xf32>
        %swap3A_626 = vector.shape_cast %mul3A_621 : vector<16xf32> to vector<1x16xf32>
        tpu.vector_store %arg8[%swap3A_622, %swap3A_623], %swap3A_626 {strides = array<i32>} : memref<16x1024xf32, #tpu.memory_space<vmem>>, vector<1x16xf32>,
        %get3A_627 = arith.index_cast %scan3A_220 : i32 to index
        %get3A_628 = arith.constant 544 : index
        %get3A_629 = tpu.vector_load %arg8[%get3A_627, %get3A_628] {strides = array<i32>} : memref<16x1024xf32, #tpu.memory_space<vmem>>, vector<1x16xf32>,
        %get3A_630 = vector.shape_cast %get3A_629 : vector<1x16xf32> to vector<16xf32>
        %mul3A_631 = arith.constant 3.200000e+01 : f32
        %mul3A_632 = vector.broadcast %mul3A_631 : f32 to vector<16xf32>
        %mul3A_633 = arith.mulf %get3A_630, %mul3A_632 : vector<16xf32>
        %swap3A_634 = arith.index_cast %scan3A_220 : i32 to index
        %swap3A_635 = arith.constant 544 : index
        %swap3A_636 = tpu.vector_load %arg8[%swap3A_634, %swap3A_635] {strides = array<i32>} : memref<16x1024xf32, #tpu.memory_space<vmem>>, vector<1x16xf32>,
        %swap3A_637 = vector.shape_cast %swap3A_636 : vector<1x16xf32> to vector<16xf32>
        %swap3A_638 = vector.shape_cast %mul3A_633 : vector<16xf32> to vector<1x16xf32>
        tpu.vector_store %arg8[%swap3A_634, %swap3A_635], %swap3A_638 {strides = array<i32>} : memref<16x1024xf32, #tpu.memory_space<vmem>>, vector<1x16xf32>,
        %get3A_639 = arith.index_cast %scan3A_220 : i32 to index
        %get3A_640 = arith.constant 560 : index
        %get3A_641 = tpu.vector_load %arg8[%get3A_639, %get3A_640] {strides = array<i32>} : memref<16x1024xf32, #tpu.memory_space<vmem>>, vector<1x16xf32>,
        %get3A_642 = vector.shape_cast %get3A_641 : vector<1x16xf32> to vector<16xf32>
        %mul3A_643 = arith.constant 3.200000e+01 : f32
        %mul3A_644 = vector.broadcast %mul3A_643 : f32 to vector<16xf32>
        %mul3A_645 = arith.mulf %get3A_642, %mul3A_644 : vector<16xf32>
        %swap3A_646 = arith.index_cast %scan3A_220 : i32 to index
        %swap3A_647 = arith.constant 560 : index
        %swap3A_648 = tpu.vector_load %arg8[%swap3A_646, %swap3A_647] {strides = array<i32>} : memref<16x1024xf32, #tpu.memory_space<vmem>>, vector<1x16xf32>,
        %swap3A_649 = vector.shape_cast %swap3A_648 : vector<1x16xf32> to vector<16xf32>
        %swap3A_650 = vector.shape_cast %mul3A_645 : vector<16xf32> to vector<1x16xf32>
        tpu.vector_store %arg8[%swap3A_646, %swap3A_647], %swap3A_650 {strides = array<i32>} : memref<16x1024xf32, #tpu.memory_space<vmem>>, vector<1x16xf32>,
        %get3A_651 = arith.index_cast %scan3A_220 : i32 to index
        %get3A_652 = arith.constant 576 : index
        %get3A_653 = tpu.vector_load %arg8[%get3A_651, %get3A_652] {strides = array<i32>} : memref<16x1024xf32, #tpu.memory_space<vmem>>, vector<1x16xf32>,
        %get3A_654 = vector.shape_cast %get3A_653 : vector<1x16xf32> to vector<16xf32>
        %mul3A_655 = arith.constant 3.200000e+01 : f32
        %mul3A_656 = vector.broadcast %mul3A_655 : f32 to vector<16xf32>
        %mul3A_657 = arith.mulf %get3A_654, %mul3A_656 : vector<16xf32>
        %swap3A_658 = arith.index_cast %scan3A_220 : i32 to index
        %swap3A_659 = arith.constant 576 : index
        %swap3A_660 = tpu.vector_load %arg8[%swap3A_658, %swap3A_659] {strides = array<i32>} : memref<16x1024xf32, #tpu.memory_space<vmem>>, vector<1x16xf32>,
        %swap3A_661 = vector.shape_cast %swap3A_660 : vector<1x16xf32> to vector<16xf32>
        %swap3A_662 = vector.shape_cast %mul3A_657 : vector<16xf32> to vector<1x16xf32>
        tpu.vector_store %arg8[%swap3A_658, %swap3A_659], %swap3A_662 {strides = array<i32>} : memref<16x1024xf32, #tpu.memory_space<vmem>>, vector<1x16xf32>,
        %get3A_663 = arith.index_cast %scan3A_220 : i32 to index
        %get3A_664 = arith.constant 592 : index
        %get3A_665 = tpu.vector_load %arg8[%get3A_663, %get3A_664] {strides = array<i32>} : memref<16x1024xf32, #tpu.memory_space<vmem>>, vector<1x16xf32>,
        %get3A_666 = vector.shape_cast %get3A_665 : vector<1x16xf32> to vector<16xf32>
        %mul3A_667 = arith.constant 3.200000e+01 : f32
        %mul3A_668 = vector.broadcast %mul3A_667 : f32 to vector<16xf32>
        %mul3A_669 = arith.mulf %get3A_666, %mul3A_668 : vector<16xf32>
        %swap3A_670 = arith.index_cast %scan3A_220 : i32 to index
        %swap3A_671 = arith.constant 592 : index
        %swap3A_672 = tpu.vector_load %arg8[%swap3A_670, %swap3A_671] {strides = array<i32>} : memref<16x1024xf32, #tpu.memory_space<vmem>>, vector<1x16xf32>,
        %swap3A_673 = vector.shape_cast %swap3A_672 : vector<1x16xf32> to vector<16xf32>
        %swap3A_674 = vector.shape_cast %mul3A_669 : vector<16xf32> to vector<1x16xf32>
        tpu.vector_store %arg8[%swap3A_670, %swap3A_671], %swap3A_674 {strides = array<i32>} : memref<16x1024xf32, #tpu.memory_space<vmem>>, vector<1x16xf32>,
        %get3A_675 = arith.index_cast %scan3A_220 : i32 to index
        %get3A_676 = arith.constant 608 : index
        %get3A_677 = tpu.vector_load %arg8[%get3A_675, %get3A_676] {strides = array<i32>} : memref<16x1024xf32, #tpu.memory_space<vmem>>, vector<1x16xf32>,
        %get3A_678 = vector.shape_cast %get3A_677 : vector<1x16xf32> to vector<16xf32>
        %mul3A_679 = arith.constant 3.200000e+01 : f32
        %mul3A_680 = vector.broadcast %mul3A_679 : f32 to vector<16xf32>
        %mul3A_681 = arith.mulf %get3A_678, %mul3A_680 : vector<16xf32>
        %swap3A_682 = arith.index_cast %scan3A_220 : i32 to index
        %swap3A_683 = arith.constant 608 : index
        %swap3A_684 = tpu.vector_load %arg8[%swap3A_682, %swap3A_683] {strides = array<i32>} : memref<16x1024xf32, #tpu.memory_space<vmem>>, vector<1x16xf32>,
        %swap3A_685 = vector.shape_cast %swap3A_684 : vector<1x16xf32> to vector<16xf32>
        %swap3A_686 = vector.shape_cast %mul3A_681 : vector<16xf32> to vector<1x16xf32>
        tpu.vector_store %arg8[%swap3A_682, %swap3A_683], %swap3A_686 {strides = array<i32>} : memref<16x1024xf32, #tpu.memory_space<vmem>>, vector<1x16xf32>,
        %get3A_687 = arith.index_cast %scan3A_220 : i32 to index
        %get3A_688 = arith.constant 624 : index
        %get3A_689 = tpu.vector_load %arg8[%get3A_687, %get3A_688] {strides = array<i32>} : memref<16x1024xf32, #tpu.memory_space<vmem>>, vector<1x16xf32>,
        %get3A_690 = vector.shape_cast %get3A_689 : vector<1x16xf32> to vector<16xf32>
        %mul3A_691 = arith.constant 3.200000e+01 : f32
        %mul3A_692 = vector.broadcast %mul3A_691 : f32 to vector<16xf32>
        %mul3A_693 = arith.mulf %get3A_690, %mul3A_692 : vector<16xf32>
        %swap3A_694 = arith.index_cast %scan3A_220 : i32 to index
        %swap3A_695 = arith.constant 624 : index
        %swap3A_696 = tpu.vector_load %arg8[%swap3A_694, %swap3A_695] {strides = array<i32>} : memref<16x1024xf32, #tpu.memory_space<vmem>>, vector<1x16xf32>,
        %swap3A_697 = vector.shape_cast %swap3A_696 : vector<1x16xf32> to vector<16xf32>
        %swap3A_698 = vector.shape_cast %mul3A_693 : vector<16xf32> to vector<1x16xf32>
        tpu.vector_store %arg8[%swap3A_694, %swap3A_695], %swap3A_698 {strides = array<i32>} : memref<16x1024xf32, #tpu.memory_space<vmem>>, vector<1x16xf32>,
        %get3A_699 = arith.index_cast %scan3A_220 : i32 to index
        %get3A_700 = arith.constant 640 : index
        %get3A_701 = tpu.vector_load %arg8[%get3A_699, %get3A_700] {strides = array<i32>} : memref<16x1024xf32, #tpu.memory_space<vmem>>, vector<1x16xf32>,
        %get3A_702 = vector.shape_cast %get3A_701 : vector<1x16xf32> to vector<16xf32>
        %mul3A_703 = arith.constant 3.200000e+01 : f32
        %mul3A_704 = vector.broadcast %mul3A_703 : f32 to vector<16xf32>
        %mul3A_705 = arith.mulf %get3A_702, %mul3A_704 : vector<16xf32>
        %swap3A_706 = arith.index_cast %scan3A_220 : i32 to index
        %swap3A_707 = arith.constant 640 : index
        %swap3A_708 = tpu.vector_load %arg8[%swap3A_706, %swap3A_707] {strides = array<i32>} : memref<16x1024xf32, #tpu.memory_space<vmem>>, vector<1x16xf32>,
        %swap3A_709 = vector.shape_cast %swap3A_708 : vector<1x16xf32> to vector<16xf32>
        %swap3A_710 = vector.shape_cast %mul3A_705 : vector<16xf32> to vector<1x16xf32>
        tpu.vector_store %arg8[%swap3A_706, %swap3A_707], %swap3A_710 {strides = array<i32>} : memref<16x1024xf32, #tpu.memory_space<vmem>>, vector<1x16xf32>,
        %get3A_711 = arith.index_cast %scan3A_220 : i32 to index
        %get3A_712 = arith.constant 656 : index
        %get3A_713 = tpu.vector_load %arg8[%get3A_711, %get3A_712] {strides = array<i32>} : memref<16x1024xf32, #tpu.memory_space<vmem>>, vector<1x16xf32>,
        %get3A_714 = vector.shape_cast %get3A_713 : vector<1x16xf32> to vector<16xf32>
        %mul3A_715 = arith.constant 3.200000e+01 : f32
        %mul3A_716 = vector.broadcast %mul3A_715 : f32 to vector<16xf32>
        %mul3A_717 = arith.mulf %get3A_714, %mul3A_716 : vector<16xf32>
        %swap3A_718 = arith.index_cast %scan3A_220 : i32 to index
        %swap3A_719 = arith.constant 656 : index
        %swap3A_720 = tpu.vector_load %arg8[%swap3A_718, %swap3A_719] {strides = array<i32>} : memref<16x1024xf32, #tpu.memory_space<vmem>>, vector<1x16xf32>,
        %swap3A_721 = vector.shape_cast %swap3A_720 : vector<1x16xf32> to vector<16xf32>
        %swap3A_722 = vector.shape_cast %mul3A_717 : vector<16xf32> to vector<1x16xf32>
        tpu.vector_store %arg8[%swap3A_718, %swap3A_719], %swap3A_722 {strides = array<i32>} : memref<16x1024xf32, #tpu.memory_space<vmem>>, vector<1x16xf32>,
        %get3A_723 = arith.index_cast %scan3A_220 : i32 to index
        %get3A_724 = arith.constant 672 : index
        %get3A_725 = tpu.vector_load %arg8[%get3A_723, %get3A_724] {strides = array<i32>} : memref<16x1024xf32, #tpu.memory_space<vmem>>, vector<1x16xf32>,
        %get3A_726 = vector.shape_cast %get3A_725 : vector<1x16xf32> to vector<16xf32>
        %mul3A_727 = arith.constant 3.200000e+01 : f32
        %mul3A_728 = vector.broadcast %mul3A_727 : f32 to vector<16xf32>
        %mul3A_729 = arith.mulf %get3A_726, %mul3A_728 : vector<16xf32>
        %swap3A_730 = arith.index_cast %scan3A_220 : i32 to index
        %swap3A_731 = arith.constant 672 : index
        %swap3A_732 = tpu.vector_load %arg8[%swap3A_730, %swap3A_731] {strides = array<i32>} : memref<16x1024xf32, #tpu.memory_space<vmem>>, vector<1x16xf32>,
        %swap3A_733 = vector.shape_cast %swap3A_732 : vector<1x16xf32> to vector<16xf32>
        %swap3A_734 = vector.shape_cast %mul3A_729 : vector<16xf32> to vector<1x16xf32>
        tpu.vector_store %arg8[%swap3A_730, %swap3A_731], %swap3A_734 {strides = array<i32>} : memref<16x1024xf32, #tpu.memory_space<vmem>>, vector<1x16xf32>,
        %get3A_735 = arith.index_cast %scan3A_220 : i32 to index
        %get3A_736 = arith.constant 688 : index
        %get3A_737 = tpu.vector_load %arg8[%get3A_735, %get3A_736] {strides = array<i32>} : memref<16x1024xf32, #tpu.memory_space<vmem>>, vector<1x16xf32>,
        %get3A_738 = vector.shape_cast %get3A_737 : vector<1x16xf32> to vector<16xf32>
        %mul3A_739 = arith.constant 3.200000e+01 : f32
        %mul3A_740 = vector.broadcast %mul3A_739 : f32 to vector<16xf32>
        %mul3A_741 = arith.mulf %get3A_738, %mul3A_740 : vector<16xf32>
        %swap3A_742 = arith.index_cast %scan3A_220 : i32 to index
        %swap3A_743 = arith.constant 688 : index
        %swap3A_744 = tpu.vector_load %arg8[%swap3A_742, %swap3A_743] {strides = array<i32>} : memref<16x1024xf32, #tpu.memory_space<vmem>>, vector<1x16xf32>,
        %swap3A_745 = vector.shape_cast %swap3A_744 : vector<1x16xf32> to vector<16xf32>
        %swap3A_746 = vector.shape_cast %mul3A_741 : vector<16xf32> to vector<1x16xf32>
        tpu.vector_store %arg8[%swap3A_742, %swap3A_743], %swap3A_746 {strides = array<i32>} : memref<16x1024xf32, #tpu.memory_space<vmem>>, vector<1x16xf32>,
        %get3A_747 = arith.index_cast %scan3A_220 : i32 to index
        %get3A_748 = arith.constant 704 : index
        %get3A_749 = tpu.vector_load %arg8[%get3A_747, %get3A_748] {strides = array<i32>} : memref<16x1024xf32, #tpu.memory_space<vmem>>, vector<1x16xf32>,
        %get3A_750 = vector.shape_cast %get3A_749 : vector<1x16xf32> to vector<16xf32>
        %mul3A_751 = arith.constant 3.200000e+01 : f32
        %mul3A_752 = vector.broadcast %mul3A_751 : f32 to vector<16xf32>
        %mul3A_753 = arith.mulf %get3A_750, %mul3A_752 : vector<16xf32>
        %swap3A_754 = arith.index_cast %scan3A_220 : i32 to index
        %swap3A_755 = arith.constant 704 : index
        %swap3A_756 = tpu.vector_load %arg8[%swap3A_754, %swap3A_755] {strides = array<i32>} : memref<16x1024xf32, #tpu.memory_space<vmem>>, vector<1x16xf32>,
        %swap3A_757 = vector.shape_cast %swap3A_756 : vector<1x16xf32> to vector<16xf32>
        %swap3A_758 = vector.shape_cast %mul3A_753 : vector<16xf32> to vector<1x16xf32>
        tpu.vector_store %arg8[%swap3A_754, %swap3A_755], %swap3A_758 {strides = array<i32>} : memref<16x1024xf32, #tpu.memory_space<vmem>>, vector<1x16xf32>,
        %get3A_759 = arith.index_cast %scan3A_220 : i32 to index
        %get3A_760 = arith.constant 720 : index
        %get3A_761 = tpu.vector_load %arg8[%get3A_759, %get3A_760] {strides = array<i32>} : memref<16x1024xf32, #tpu.memory_space<vmem>>, vector<1x16xf32>,
        %get3A_762 = vector.shape_cast %get3A_761 : vector<1x16xf32> to vector<16xf32>
        %mul3A_763 = arith.constant 3.200000e+01 : f32
        %mul3A_764 = vector.broadcast %mul3A_763 : f32 to vector<16xf32>
        %mul3A_765 = arith.mulf %get3A_762, %mul3A_764 : vector<16xf32>
        %swap3A_766 = arith.index_cast %scan3A_220 : i32 to index
        %swap3A_767 = arith.constant 720 : index
        %swap3A_768 = tpu.vector_load %arg8[%swap3A_766, %swap3A_767] {strides = array<i32>} : memref<16x1024xf32, #tpu.memory_space<vmem>>, vector<1x16xf32>,
        %swap3A_769 = vector.shape_cast %swap3A_768 : vector<1x16xf32> to vector<16xf32>
        %swap3A_770 = vector.shape_cast %mul3A_765 : vector<16xf32> to vector<1x16xf32>
        tpu.vector_store %arg8[%swap3A_766, %swap3A_767], %swap3A_770 {strides = array<i32>} : memref<16x1024xf32, #tpu.memory_space<vmem>>, vector<1x16xf32>,
        %get3A_771 = arith.index_cast %scan3A_220 : i32 to index
        %get3A_772 = arith.constant 736 : index
        %get3A_773 = tpu.vector_load %arg8[%get3A_771, %get3A_772] {strides = array<i32>} : memref<16x1024xf32, #tpu.memory_space<vmem>>, vector<1x16xf32>,
        %get3A_774 = vector.shape_cast %get3A_773 : vector<1x16xf32> to vector<16xf32>
        %mul3A_775 = arith.constant 3.200000e+01 : f32
        %mul3A_776 = vector.broadcast %mul3A_775 : f32 to vector<16xf32>
        %mul3A_777 = arith.mulf %get3A_774, %mul3A_776 : vector<16xf32>
        %swap3A_778 = arith.index_cast %scan3A_220 : i32 to index
        %swap3A_779 = arith.constant 736 : index
        %swap3A_780 = tpu.vector_load %arg8[%swap3A_778, %swap3A_779] {strides = array<i32>} : memref<16x1024xf32, #tpu.memory_space<vmem>>, vector<1x16xf32>,
        %swap3A_781 = vector.shape_cast %swap3A_780 : vector<1x16xf32> to vector<16xf32>
        %swap3A_782 = vector.shape_cast %mul3A_777 : vector<16xf32> to vector<1x16xf32>
        tpu.vector_store %arg8[%swap3A_778, %swap3A_779], %swap3A_782 {strides = array<i32>} : memref<16x1024xf32, #tpu.memory_space<vmem>>, vector<1x16xf32>,
        %get3A_783 = arith.index_cast %scan3A_220 : i32 to index
        %get3A_784 = arith.constant 752 : index
        %get3A_785 = tpu.vector_load %arg8[%get3A_783, %get3A_784] {strides = array<i32>} : memref<16x1024xf32, #tpu.memory_space<vmem>>, vector<1x16xf32>,
        %get3A_786 = vector.shape_cast %get3A_785 : vector<1x16xf32> to vector<16xf32>
        %mul3A_787 = arith.constant 3.200000e+01 : f32
        %mul3A_788 = vector.broadcast %mul3A_787 : f32 to vector<16xf32>
        %mul3A_789 = arith.mulf %get3A_786, %mul3A_788 : vector<16xf32>
        %swap3A_790 = arith.index_cast %scan3A_220 : i32 to index
        %swap3A_791 = arith.constant 752 : index
        %swap3A_792 = tpu.vector_load %arg8[%swap3A_790, %swap3A_791] {strides = array<i32>} : memref<16x1024xf32, #tpu.memory_space<vmem>>, vector<1x16xf32>,
        %swap3A_793 = vector.shape_cast %swap3A_792 : vector<1x16xf32> to vector<16xf32>
        %swap3A_794 = vector.shape_cast %mul3A_789 : vector<16xf32> to vector<1x16xf32>
        tpu.vector_store %arg8[%swap3A_790, %swap3A_791], %swap3A_794 {strides = array<i32>} : memref<16x1024xf32, #tpu.memory_space<vmem>>, vector<1x16xf32>,
        %get3A_795 = arith.index_cast %scan3A_220 : i32 to index
        %get3A_796 = arith.constant 768 : index
        %get3A_797 = tpu.vector_load %arg8[%get3A_795, %get3A_796] {strides = array<i32>} : memref<16x1024xf32, #tpu.memory_space<vmem>>, vector<1x16xf32>,
        %get3A_798 = vector.shape_cast %get3A_797 : vector<1x16xf32> to vector<16xf32>
        %mul3A_799 = arith.constant 3.200000e+01 : f32
        %mul3A_800 = vector.broadcast %mul3A_799 : f32 to vector<16xf32>
        %mul3A_801 = arith.mulf %get3A_798, %mul3A_800 : vector<16xf32>
        %swap3A_802 = arith.index_cast %scan3A_220 : i32 to index
        %swap3A_803 = arith.constant 768 : index
        %swap3A_804 = tpu.vector_load %arg8[%swap3A_802, %swap3A_803] {strides = array<i32>} : memref<16x1024xf32, #tpu.memory_space<vmem>>, vector<1x16xf32>,
        %swap3A_805 = vector.shape_cast %swap3A_804 : vector<1x16xf32> to vector<16xf32>
        %swap3A_806 = vector.shape_cast %mul3A_801 : vector<16xf32> to vector<1x16xf32>
        tpu.vector_store %arg8[%swap3A_802, %swap3A_803], %swap3A_806 {strides = array<i32>} : memref<16x1024xf32, #tpu.memory_space<vmem>>, vector<1x16xf32>,
        %get3A_807 = arith.index_cast %scan3A_220 : i32 to index
        %get3A_808 = arith.constant 784 : index
        %get3A_809 = tpu.vector_load %arg8[%get3A_807, %get3A_808] {strides = array<i32>} : memref<16x1024xf32, #tpu.memory_space<vmem>>, vector<1x16xf32>,
        %get3A_810 = vector.shape_cast %get3A_809 : vector<1x16xf32> to vector<16xf32>
        %mul3A_811 = arith.constant 3.200000e+01 : f32
        %mul3A_812 = vector.broadcast %mul3A_811 : f32 to vector<16xf32>
        %mul3A_813 = arith.mulf %get3A_810, %mul3A_812 : vector<16xf32>
        %swap3A_814 = arith.index_cast %scan3A_220 : i32 to index
        %swap3A_815 = arith.constant 784 : index
        %swap3A_816 = tpu.vector_load %arg8[%swap3A_814, %swap3A_815] {strides = array<i32>} : memref<16x1024xf32, #tpu.memory_space<vmem>>, vector<1x16xf32>,
        %swap3A_817 = vector.shape_cast %swap3A_816 : vector<1x16xf32> to vector<16xf32>
        %swap3A_818 = vector.shape_cast %mul3A_813 : vector<16xf32> to vector<1x16xf32>
        tpu.vector_store %arg8[%swap3A_814, %swap3A_815], %swap3A_818 {strides = array<i32>} : memref<16x1024xf32, #tpu.memory_space<vmem>>, vector<1x16xf32>,
        %get3A_819 = arith.index_cast %scan3A_220 : i32 to index
        %get3A_820 = arith.constant 800 : index
        %get3A_821 = tpu.vector_load %arg8[%get3A_819, %get3A_820] {strides = array<i32>} : memref<16x1024xf32, #tpu.memory_space<vmem>>, vector<1x16xf32>,
        %get3A_822 = vector.shape_cast %get3A_821 : vector<1x16xf32> to vector<16xf32>
        %mul3A_823 = arith.constant 3.200000e+01 : f32
        %mul3A_824 = vector.broadcast %mul3A_823 : f32 to vector<16xf32>
        %mul3A_825 = arith.mulf %get3A_822, %mul3A_824 : vector<16xf32>
        %swap3A_826 = arith.index_cast %scan3A_220 : i32 to index
        %swap3A_827 = arith.constant 800 : index
        %swap3A_828 = tpu.vector_load %arg8[%swap3A_826, %swap3A_827] {strides = array<i32>} : memref<16x1024xf32, #tpu.memory_space<vmem>>, vector<1x16xf32>,
        %swap3A_829 = vector.shape_cast %swap3A_828 : vector<1x16xf32> to vector<16xf32>
        %swap3A_830 = vector.shape_cast %mul3A_825 : vector<16xf32> to vector<1x16xf32>
        tpu.vector_store %arg8[%swap3A_826, %swap3A_827], %swap3A_830 {strides = array<i32>} : memref<16x1024xf32, #tpu.memory_space<vmem>>, vector<1x16xf32>,
        %get3A_831 = arith.index_cast %scan3A_220 : i32 to index
        %get3A_832 = arith.constant 816 : index
        %get3A_833 = tpu.vector_load %arg8[%get3A_831, %get3A_832] {strides = array<i32>} : memref<16x1024xf32, #tpu.memory_space<vmem>>, vector<1x16xf32>,
        %get3A_834 = vector.shape_cast %get3A_833 : vector<1x16xf32> to vector<16xf32>
        %mul3A_835 = arith.constant 3.200000e+01 : f32
        %mul3A_836 = vector.broadcast %mul3A_835 : f32 to vector<16xf32>
        %mul3A_837 = arith.mulf %get3A_834, %mul3A_836 : vector<16xf32>
        %swap3A_838 = arith.index_cast %scan3A_220 : i32 to index
        %swap3A_839 = arith.constant 816 : index
        %swap3A_840 = tpu.vector_load %arg8[%swap3A_838, %swap3A_839] {strides = array<i32>} : memref<16x1024xf32, #tpu.memory_space<vmem>>, vector<1x16xf32>,
        %swap3A_841 = vector.shape_cast %swap3A_840 : vector<1x16xf32> to vector<16xf32>
        %swap3A_842 = vector.shape_cast %mul3A_837 : vector<16xf32> to vector<1x16xf32>
        tpu.vector_store %arg8[%swap3A_838, %swap3A_839], %swap3A_842 {strides = array<i32>} : memref<16x1024xf32, #tpu.memory_space<vmem>>, vector<1x16xf32>,
        %get3A_843 = arith.index_cast %scan3A_220 : i32 to index
        %get3A_844 = arith.constant 832 : index
        %get3A_845 = tpu.vector_load %arg8[%get3A_843, %get3A_844] {strides = array<i32>} : memref<16x1024xf32, #tpu.memory_space<vmem>>, vector<1x16xf32>,
        %get3A_846 = vector.shape_cast %get3A_845 : vector<1x16xf32> to vector<16xf32>
        %mul3A_847 = arith.constant 3.200000e+01 : f32
        %mul3A_848 = vector.broadcast %mul3A_847 : f32 to vector<16xf32>
        %mul3A_849 = arith.mulf %get3A_846, %mul3A_848 : vector<16xf32>
        %swap3A_850 = arith.index_cast %scan3A_220 : i32 to index
        %swap3A_851 = arith.constant 832 : index
        %swap3A_852 = tpu.vector_load %arg8[%swap3A_850, %swap3A_851] {strides = array<i32>} : memref<16x1024xf32, #tpu.memory_space<vmem>>, vector<1x16xf32>,
        %swap3A_853 = vector.shape_cast %swap3A_852 : vector<1x16xf32> to vector<16xf32>
        %swap3A_854 = vector.shape_cast %mul3A_849 : vector<16xf32> to vector<1x16xf32>
        tpu.vector_store %arg8[%swap3A_850, %swap3A_851], %swap3A_854 {strides = array<i32>} : memref<16x1024xf32, #tpu.memory_space<vmem>>, vector<1x16xf32>,
        %get3A_855 = arith.index_cast %scan3A_220 : i32 to index
        %get3A_856 = arith.constant 848 : index
        %get3A_857 = tpu.vector_load %arg8[%get3A_855, %get3A_856] {strides = array<i32>} : memref<16x1024xf32, #tpu.memory_space<vmem>>, vector<1x16xf32>,
        %get3A_858 = vector.shape_cast %get3A_857 : vector<1x16xf32> to vector<16xf32>
        %mul3A_859 = arith.constant 3.200000e+01 : f32
        %mul3A_860 = vector.broadcast %mul3A_859 : f32 to vector<16xf32>
        %mul3A_861 = arith.mulf %get3A_858, %mul3A_860 : vector<16xf32>
        %swap3A_862 = arith.index_cast %scan3A_220 : i32 to index
        %swap3A_863 = arith.constant 848 : index
        %swap3A_864 = tpu.vector_load %arg8[%swap3A_862, %swap3A_863] {strides = array<i32>} : memref<16x1024xf32, #tpu.memory_space<vmem>>, vector<1x16xf32>,
        %swap3A_865 = vector.shape_cast %swap3A_864 : vector<1x16xf32> to vector<16xf32>
        %swap3A_866 = vector.shape_cast %mul3A_861 : vector<16xf32> to vector<1x16xf32>
        tpu.vector_store %arg8[%swap3A_862, %swap3A_863], %swap3A_866 {strides = array<i32>} : memref<16x1024xf32, #tpu.memory_space<vmem>>, vector<1x16xf32>,
        %get3A_867 = arith.index_cast %scan3A_220 : i32 to index
        %get3A_868 = arith.constant 864 : index
        %get3A_869 = tpu.vector_load %arg8[%get3A_867, %get3A_868] {strides = array<i32>} : memref<16x1024xf32, #tpu.memory_space<vmem>>, vector<1x16xf32>,
        %get3A_870 = vector.shape_cast %get3A_869 : vector<1x16xf32> to vector<16xf32>
        %mul3A_871 = arith.constant 3.200000e+01 : f32
        %mul3A_872 = vector.broadcast %mul3A_871 : f32 to vector<16xf32>
        %mul3A_873 = arith.mulf %get3A_870, %mul3A_872 : vector<16xf32>
        %swap3A_874 = arith.index_cast %scan3A_220 : i32 to index
        %swap3A_875 = arith.constant 864 : index
        %swap3A_876 = tpu.vector_load %arg8[%swap3A_874, %swap3A_875] {strides = array<i32>} : memref<16x1024xf32, #tpu.memory_space<vmem>>, vector<1x16xf32>,
        %swap3A_877 = vector.shape_cast %swap3A_876 : vector<1x16xf32> to vector<16xf32>
        %swap3A_878 = vector.shape_cast %mul3A_873 : vector<16xf32> to vector<1x16xf32>
        tpu.vector_store %arg8[%swap3A_874, %swap3A_875], %swap3A_878 {strides = array<i32>} : memref<16x1024xf32, #tpu.memory_space<vmem>>, vector<1x16xf32>,
        %get3A_879 = arith.index_cast %scan3A_220 : i32 to index
        %get3A_880 = arith.constant 880 : index
        %get3A_881 = tpu.vector_load %arg8[%get3A_879, %get3A_880] {strides = array<i32>} : memref<16x1024xf32, #tpu.memory_space<vmem>>, vector<1x16xf32>,
        %get3A_882 = vector.shape_cast %get3A_881 : vector<1x16xf32> to vector<16xf32>
        %mul3A_883 = arith.constant 3.200000e+01 : f32
        %mul3A_884 = vector.broadcast %mul3A_883 : f32 to vector<16xf32>
        %mul3A_885 = arith.mulf %get3A_882, %mul3A_884 : vector<16xf32>
        %swap3A_886 = arith.index_cast %scan3A_220 : i32 to index
        %swap3A_887 = arith.constant 880 : index
        %swap3A_888 = tpu.vector_load %arg8[%swap3A_886, %swap3A_887] {strides = array<i32>} : memref<16x1024xf32, #tpu.memory_space<vmem>>, vector<1x16xf32>,
        %swap3A_889 = vector.shape_cast %swap3A_888 : vector<1x16xf32> to vector<16xf32>
        %swap3A_890 = vector.shape_cast %mul3A_885 : vector<16xf32> to vector<1x16xf32>
        tpu.vector_store %arg8[%swap3A_886, %swap3A_887], %swap3A_890 {strides = array<i32>} : memref<16x1024xf32, #tpu.memory_space<vmem>>, vector<1x16xf32>,
        %get3A_891 = arith.index_cast %scan3A_220 : i32 to index
        %get3A_892 = arith.constant 896 : index
        %get3A_893 = tpu.vector_load %arg8[%get3A_891, %get3A_892] {strides = array<i32>} : memref<16x1024xf32, #tpu.memory_space<vmem>>, vector<1x16xf32>,
        %get3A_894 = vector.shape_cast %get3A_893 : vector<1x16xf32> to vector<16xf32>
        %mul3A_895 = arith.constant 3.200000e+01 : f32
        %mul3A_896 = vector.broadcast %mul3A_895 : f32 to vector<16xf32>
        %mul3A_897 = arith.mulf %get3A_894, %mul3A_896 : vector<16xf32>
        %swap3A_898 = arith.index_cast %scan3A_220 : i32 to index
        %swap3A_899 = arith.constant 896 : index
        %swap3A_900 = tpu.vector_load %arg8[%swap3A_898, %swap3A_899] {strides = array<i32>} : memref<16x1024xf32, #tpu.memory_space<vmem>>, vector<1x16xf32>,
        %swap3A_901 = vector.shape_cast %swap3A_900 : vector<1x16xf32> to vector<16xf32>
        %swap3A_902 = vector.shape_cast %mul3A_897 : vector<16xf32> to vector<1x16xf32>
        tpu.vector_store %arg8[%swap3A_898, %swap3A_899], %swap3A_902 {strides = array<i32>} : memref<16x1024xf32, #tpu.memory_space<vmem>>, vector<1x16xf32>,
        %get3A_903 = arith.index_cast %scan3A_220 : i32 to index
        %get3A_904 = arith.constant 912 : index
        %get3A_905 = tpu.vector_load %arg8[%get3A_903, %get3A_904] {strides = array<i32>} : memref<16x1024xf32, #tpu.memory_space<vmem>>, vector<1x16xf32>,
        %get3A_906 = vector.shape_cast %get3A_905 : vector<1x16xf32> to vector<16xf32>
        %mul3A_907 = arith.constant 3.200000e+01 : f32
        %mul3A_908 = vector.broadcast %mul3A_907 : f32 to vector<16xf32>
        %mul3A_909 = arith.mulf %get3A_906, %mul3A_908 : vector<16xf32>
        %swap3A_910 = arith.index_cast %scan3A_220 : i32 to index
        %swap3A_911 = arith.constant 912 : index
        %swap3A_912 = tpu.vector_load %arg8[%swap3A_910, %swap3A_911] {strides = array<i32>} : memref<16x1024xf32, #tpu.memory_space<vmem>>, vector<1x16xf32>,
        %swap3A_913 = vector.shape_cast %swap3A_912 : vector<1x16xf32> to vector<16xf32>
        %swap3A_914 = vector.shape_cast %mul3A_909 : vector<16xf32> to vector<1x16xf32>
        tpu.vector_store %arg8[%swap3A_910, %swap3A_911], %swap3A_914 {strides = array<i32>} : memref<16x1024xf32, #tpu.memory_space<vmem>>, vector<1x16xf32>,
        %get3A_915 = arith.index_cast %scan3A_220 : i32 to index
        %get3A_916 = arith.constant 928 : index
        %get3A_917 = tpu.vector_load %arg8[%get3A_915, %get3A_916] {strides = array<i32>} : memref<16x1024xf32, #tpu.memory_space<vmem>>, vector<1x16xf32>,
        %get3A_918 = vector.shape_cast %get3A_917 : vector<1x16xf32> to vector<16xf32>
        %mul3A_919 = arith.constant 3.200000e+01 : f32
        %mul3A_920 = vector.broadcast %mul3A_919 : f32 to vector<16xf32>
        %mul3A_921 = arith.mulf %get3A_918, %mul3A_920 : vector<16xf32>
        %swap3A_922 = arith.index_cast %scan3A_220 : i32 to index
        %swap3A_923 = arith.constant 928 : index
        %swap3A_924 = tpu.vector_load %arg8[%swap3A_922, %swap3A_923] {strides = array<i32>} : memref<16x1024xf32, #tpu.memory_space<vmem>>, vector<1x16xf32>,
        %swap3A_925 = vector.shape_cast %swap3A_924 : vector<1x16xf32> to vector<16xf32>
        %swap3A_926 = vector.shape_cast %mul3A_921 : vector<16xf32> to vector<1x16xf32>
        tpu.vector_store %arg8[%swap3A_922, %swap3A_923], %swap3A_926 {strides = array<i32>} : memref<16x1024xf32, #tpu.memory_space<vmem>>, vector<1x16xf32>,
        %get3A_927 = arith.index_cast %scan3A_220 : i32 to index
        %get3A_928 = arith.constant 944 : index
        %get3A_929 = tpu.vector_load %arg8[%get3A_927, %get3A_928] {strides = array<i32>} : memref<16x1024xf32, #tpu.memory_space<vmem>>, vector<1x16xf32>,
        %get3A_930 = vector.shape_cast %get3A_929 : vector<1x16xf32> to vector<16xf32>
        %mul3A_931 = arith.constant 3.200000e+01 : f32
        %mul3A_932 = vector.broadcast %mul3A_931 : f32 to vector<16xf32>
        %mul3A_933 = arith.mulf %get3A_930, %mul3A_932 : vector<16xf32>
        %swap3A_934 = arith.index_cast %scan3A_220 : i32 to index
        %swap3A_935 = arith.constant 944 : index
        %swap3A_936 = tpu.vector_load %arg8[%swap3A_934, %swap3A_935] {strides = array<i32>} : memref<16x1024xf32, #tpu.memory_space<vmem>>, vector<1x16xf32>,
        %swap3A_937 = vector.shape_cast %swap3A_936 : vector<1x16xf32> to vector<16xf32>
        %swap3A_938 = vector.shape_cast %mul3A_933 : vector<16xf32> to vector<1x16xf32>
        tpu.vector_store %arg8[%swap3A_934, %swap3A_935], %swap3A_938 {strides = array<i32>} : memref<16x1024xf32, #tpu.memory_space<vmem>>, vector<1x16xf32>,
        %get3A_939 = arith.index_cast %scan3A_220 : i32 to index
        %get3A_940 = arith.constant 960 : index
        %get3A_941 = tpu.vector_load %arg8[%get3A_939, %get3A_940] {strides = array<i32>} : memref<16x1024xf32, #tpu.memory_space<vmem>>, vector<1x16xf32>,
        %get3A_942 = vector.shape_cast %get3A_941 : vector<1x16xf32> to vector<16xf32>
        %mul3A_943 = arith.constant 3.200000e+01 : f32
        %mul3A_944 = vector.broadcast %mul3A_943 : f32 to vector<16xf32>
        %mul3A_945 = arith.mulf %get3A_942, %mul3A_944 : vector<16xf32>
        %swap3A_946 = arith.index_cast %scan3A_220 : i32 to index
        %swap3A_947 = arith.constant 960 : index
        %swap3A_948 = tpu.vector_load %arg8[%swap3A_946, %swap3A_947] {strides = array<i32>} : memref<16x1024xf32, #tpu.memory_space<vmem>>, vector<1x16xf32>,
        %swap3A_949 = vector.shape_cast %swap3A_948 : vector<1x16xf32> to vector<16xf32>
        %swap3A_950 = vector.shape_cast %mul3A_945 : vector<16xf32> to vector<1x16xf32>
        tpu.vector_store %arg8[%swap3A_946, %swap3A_947], %swap3A_950 {strides = array<i32>} : memref<16x1024xf32, #tpu.memory_space<vmem>>, vector<1x16xf32>,
        %get3A_951 = arith.index_cast %scan3A_220 : i32 to index
        %get3A_952 = arith.constant 976 : index
        %get3A_953 = tpu.vector_load %arg8[%get3A_951, %get3A_952] {strides = array<i32>} : memref<16x1024xf32, #tpu.memory_space<vmem>>, vector<1x16xf32>,
        %get3A_954 = vector.shape_cast %get3A_953 : vector<1x16xf32> to vector<16xf32>
        %mul3A_955 = arith.constant 3.200000e+01 : f32
        %mul3A_956 = vector.broadcast %mul3A_955 : f32 to vector<16xf32>
        %mul3A_957 = arith.mulf %get3A_954, %mul3A_956 : vector<16xf32>
        %swap3A_958 = arith.index_cast %scan3A_220 : i32 to index
        %swap3A_959 = arith.constant 976 : index
        %swap3A_960 = tpu.vector_load %arg8[%swap3A_958, %swap3A_959] {strides = array<i32>} : memref<16x1024xf32, #tpu.memory_space<vmem>>, vector<1x16xf32>,
        %swap3A_961 = vector.shape_cast %swap3A_960 : vector<1x16xf32> to vector<16xf32>
        %swap3A_962 = vector.shape_cast %mul3A_957 : vector<16xf32> to vector<1x16xf32>
        tpu.vector_store %arg8[%swap3A_958, %swap3A_959], %swap3A_962 {strides = array<i32>} : memref<16x1024xf32, #tpu.memory_space<vmem>>, vector<1x16xf32>,
        %get3A_963 = arith.index_cast %scan3A_220 : i32 to index
        %get3A_964 = arith.constant 992 : index
        %get3A_965 = tpu.vector_load %arg8[%get3A_963, %get3A_964] {strides = array<i32>} : memref<16x1024xf32, #tpu.memory_space<vmem>>, vector<1x16xf32>,
        %get3A_966 = vector.shape_cast %get3A_965 : vector<1x16xf32> to vector<16xf32>
        %mul3A_967 = arith.constant 3.200000e+01 : f32
        %mul3A_968 = vector.broadcast %mul3A_967 : f32 to vector<16xf32>
        %mul3A_969 = arith.mulf %get3A_966, %mul3A_968 : vector<16xf32>
        %swap3A_970 = arith.index_cast %scan3A_220 : i32 to index
        %swap3A_971 = arith.constant 992 : index
        %swap3A_972 = tpu.vector_load %arg8[%swap3A_970, %swap3A_971] {strides = array<i32>} : memref<16x1024xf32, #tpu.memory_space<vmem>>, vector<1x16xf32>,
        %swap3A_973 = vector.shape_cast %swap3A_972 : vector<1x16xf32> to vector<16xf32>
        %swap3A_974 = vector.shape_cast %mul3A_969 : vector<16xf32> to vector<1x16xf32>
        tpu.vector_store %arg8[%swap3A_970, %swap3A_971], %swap3A_974 {strides = array<i32>} : memref<16x1024xf32, #tpu.memory_space<vmem>>, vector<1x16xf32>,
        %get3A_975 = arith.index_cast %scan3A_220 : i32 to index
        %get3A_976 = arith.constant 1008 : index
        %get3A_977 = tpu.vector_load %arg8[%get3A_975, %get3A_976] {strides = array<i32>} : memref<16x1024xf32, #tpu.memory_space<vmem>>, vector<1x16xf32>,
        %get3A_978 = vector.shape_cast %get3A_977 : vector<1x16xf32> to vector<16xf32>
        %mul3A_979 = arith.constant 3.200000e+01 : f32
        %mul3A_980 = vector.broadcast %mul3A_979 : f32 to vector<16xf32>
        %mul3A_981 = arith.mulf %get3A_978, %mul3A_980 : vector<16xf32>
        %swap3A_982 = arith.index_cast %scan3A_220 : i32 to index
        %swap3A_983 = arith.constant 1008 : index
        %swap3A_984 = tpu.vector_load %arg8[%swap3A_982, %swap3A_983] {strides = array<i32>} : memref<16x1024xf32, #tpu.memory_space<vmem>>, vector<1x16xf32>,
        %swap3A_985 = vector.shape_cast %swap3A_984 : vector<1x16xf32> to vector<16xf32>
        %swap3A_986 = vector.shape_cast %mul3A_981 : vector<16xf32> to vector<1x16xf32>
        tpu.vector_store %arg8[%swap3A_982, %swap3A_983], %swap3A_986 {strides = array<i32>} : memref<16x1024xf32, #tpu.memory_space<vmem>>, vector<1x16xf32>,
      }
      %scan3A_169 = arith.constant 16 : i32
      %mul3A_170 = arith.constant 16 : i32
      %mul3A_171 = arith.muli %add3A_141, %mul3A_170 : i32
      %add3A_172 = arith.addi %mul3A_32, %mul3A_171 : i32
      %dma_start3A_173 = arith.constant 0 : i32
      %dma_start3A_174 = tpu.memref_slice %arg4[%select_n3A, %add3A_172, %dma_start3A_173] : memref<4x4096x1024xf32, #tpu.memory_space<hbm>> -> memref<1x16x1024xf32, #tpu.memory_space<hbm>>
      %dma_start3A_175 = tpu.memref_squeeze %dma_start3A_174 : memref<1x16x1024xf32, #tpu.memory_space<hbm>> -> memref<16x1024xf32, #tpu.memory_space<hbm>>
      %dma_start3A_176 = arith.constant 0 : i32
      %dma_start3A_177 = tpu.memref_slice %arg4[%select_n3A, %add3A_172, %dma_start3A_176] : memref<4x4096x1024xf32, #tpu.memory_space<hbm>> -> memref<1x16x1024xf32, #tpu.memory_space<hbm>>
      %dma_start3A_178 = tpu.memref_squeeze %dma_start3A_177 : memref<1x16x1024xf32, #tpu.memory_space<hbm>> -> memref<16x1024xf32, #tpu.memory_space<hbm>>
      tpu.enqueue_dma source(%arg8 : memref<16x1024xf32, #tpu.memory_space<vmem>>) target(%dma_start3A_178 : memref<16x1024xf32, #tpu.memory_space<hbm>>) target_semaphore(%arg16 : memref<!tpu.dma_semaphore, #tpu.memory_space<semaphore_mem>>)
      %mul3A_179 = arith.constant 4 : i32
      %mul3A_180 = arith.muli %scan3A_64, %mul3A_179 : i32
      %add3A_181 = arith.constant 3 : i32
      %add3A_182 = arith.addi %mul3A_180, %add3A_181 : i32
      %sub3A_183 = arith.constant 2 : i32
      %sub3A_184 = arith.subi %add3A_182, %sub3A_183 : i32
      %mul3A_185 = arith.constant 16 : i32
      %mul3A_186 = arith.muli %sub3A_184, %mul3A_185 : i32
      %add3A_187 = arith.addi %mul3A_32, %mul3A_186 : i32
      %dma_wait3A_188 = arith.constant 0 : i32
      %dma_wait3A_189 = tpu.memref_slice %arg4[%select_n3A, %add3A_187, %dma_wait3A_188] : memref<4x4096x1024xf32, #tpu.memory_space<hbm>> -> memref<1x16x1024xf32, #tpu.memory_space<hbm>>
      %dma_wait3A_190 = tpu.memref_squeeze %dma_wait3A_189 : memref<1x16x1024xf32, #tpu.memory_space<hbm>> -> memref<16x1024xf32, #tpu.memory_space<hbm>>
      %dma_wait3A_191 = arith.constant 0 : i32
      %dma_wait3A_192 = tpu.memref_slice %arg4[%select_n3A, %add3A_187, %dma_wait3A_191] : memref<4x4096x1024xf32, #tpu.memory_space<hbm>> -> memref<1x16x1024xf32, #tpu.memory_space<hbm>>
      %dma_wait3A_193 = tpu.memref_squeeze %dma_wait3A_192 : memref<1x16x1024xf32, #tpu.memory_space<hbm>> -> memref<16x1024xf32, #tpu.memory_space<hbm>>
      tpu.wait_dma2 semaphore(%arg15 : memref<!tpu.dma_semaphore, #tpu.memory_space<semaphore_mem>>) src(%arg7 : memref<16x1024xf32, #tpu.memory_space<vmem>>) dst(%dma_wait3A_193 : memref<16x1024xf32, #tpu.memory_space<hbm>>)
      %lt3A_194 = arith.constant 7 : i32
      %lt3A_195 = arith.cmpi slt, %scan3A_64, %lt3A_194 : i32
      %convert_element_type3A_196 = arith.extui %lt3A_195 : i1 to i32
      %cond3A_197 = arith.constant 0 : i32
      %cond3A_198 = arith.cmpi ne, %convert_element_type3A_196, %cond3A_197 : i32
      scf.if %cond3A_198 {
        %add3A_220 = arith.constant 2 : i32
        %add3A_221 = arith.addi %add3A_182, %add3A_220 : i32
        %mul3A_222 = arith.constant 16 : i32
        %mul3A_223 = arith.muli %add3A_221, %mul3A_222 : i32
        %dma_start3A_224 = tpu.memref_slice %arg5[%mul3A_223] : memref<512xi32, #tpu.memory_space<vmem>> -> memref<16xi32, #tpu.memory_space<vmem>>
        %dma_start3A_225 = arith.constant 0 : i32
        %dma_start3A_226 = arith.constant 0 : i32
        %dma_start3A_227 = tpu.memref_slice %arg2[%dma_start3A_225, %dma_start3A_226] : memref<100000x1024xf32, #tpu.memory_space<hbm>> -> memref<100000x1024xf32, #tpu.memory_space<hbm>>
        tpu.enqueue_indirect_dma source(%dma_start3A_227 : memref<100000x1024xf32, #tpu.memory_space<hbm>>) target(%arg7 : memref<16x1024xf32, #tpu.memory_space<vmem>>) offsets(%dma_start3A_224 : memref<16xi32, #tpu.memory_space<vmem>>) semaphore(%arg11 : memref<!tpu.dma_semaphore, #tpu.memory_space<semaphore_mem>>)
      } else {
      }
      %mul3A_199 = arith.constant 16 : i32
      %mul3A_200 = arith.muli %add3A_182, %mul3A_199 : i32
      %dma_wait3A_201 = tpu.memref_slice %arg5[%mul3A_200] : memref<512xi32, #tpu.memory_space<vmem>> -> memref<16xi32, #tpu.memory_space<vmem>>
      %dma_wait3A_202 = arith.constant 0 : i32
      %dma_wait3A_203 = arith.constant 0 : i32
      %dma_wait3A_204 = tpu.memref_slice %arg2[%dma_wait3A_202, %dma_wait3A_203] : memref<100000x1024xf32, #tpu.memory_space<hbm>> -> memref<100000x1024xf32, #tpu.memory_space<hbm>>
      tpu.wait_indirect_dma semaphore(%arg13 : memref<!tpu.dma_semaphore, #tpu.memory_space<semaphore_mem>>) src(%dma_wait3A_204 : memref<100000x1024xf32, #tpu.memory_space<hbm>>) dst(%arg9 : memref<16x1024xf32, #tpu.memory_space<vmem>>)
      %scan3A_205 = arith.constant 0 : i32
      %scan3A_206 = arith.constant 0 : i32
      %scan3A_207 = arith.constant 16 : i32
      %scan3A_208 = arith.addi %scan3A_206, %scan3A_207 : i32
      %scan3A_209 = arith.constant 1 : i32
      scf.for %scan3A_220 = %scan3A_206 to %scan3A_208 step %scan3A_209  : i32 {
        %get3A = arith.index_cast %scan3A_220 : i32 to index
        %get3A_221 = arith.constant 0 : index
        %get3A_222 = tpu.vector_load %arg9[%get3A, %get3A_221] {strides = array<i32>} : memref<16x1024xf32, #tpu.memory_space<vmem>>, vector<1x16xf32>,
        %get3A_223 = vector.shape_cast %get3A_222 : vector<1x16xf32> to vector<16xf32>
        %mul3A_224 = arith.constant 3.200000e+01 : f32
        %mul3A_225 = vector.broadcast %mul3A_224 : f32 to vector<16xf32>
        %mul3A_226 = arith.mulf %get3A_223, %mul3A_225 : vector<16xf32>
        %swap3A = arith.index_cast %scan3A_220 : i32 to index
        %swap3A_227 = arith.constant 0 : index
        %swap3A_228 = tpu.vector_load %arg9[%swap3A, %swap3A_227] {strides = array<i32>} : memref<16x1024xf32, #tpu.memory_space<vmem>>, vector<1x16xf32>,
        %swap3A_229 = vector.shape_cast %swap3A_228 : vector<1x16xf32> to vector<16xf32>
        %swap3A_230 = vector.shape_cast %mul3A_226 : vector<16xf32> to vector<1x16xf32>
        tpu.vector_store %arg9[%swap3A, %swap3A_227], %swap3A_230 {strides = array<i32>} : memref<16x1024xf32, #tpu.memory_space<vmem>>, vector<1x16xf32>,
        %get3A_231 = arith.index_cast %scan3A_220 : i32 to index
        %get3A_232 = arith.constant 16 : index
        %get3A_233 = tpu.vector_load %arg9[%get3A_231, %get3A_232] {strides = array<i32>} : memref<16x1024xf32, #tpu.memory_space<vmem>>, vector<1x16xf32>,
        %get3A_234 = vector.shape_cast %get3A_233 : vector<1x16xf32> to vector<16xf32>
        %mul3A_235 = arith.constant 3.200000e+01 : f32
        %mul3A_236 = vector.broadcast %mul3A_235 : f32 to vector<16xf32>
        %mul3A_237 = arith.mulf %get3A_234, %mul3A_236 : vector<16xf32>
        %swap3A_238 = arith.index_cast %scan3A_220 : i32 to index
        %swap3A_239 = arith.constant 16 : index
        %swap3A_240 = tpu.vector_load %arg9[%swap3A_238, %swap3A_239] {strides = array<i32>} : memref<16x1024xf32, #tpu.memory_space<vmem>>, vector<1x16xf32>,
        %swap3A_241 = vector.shape_cast %swap3A_240 : vector<1x16xf32> to vector<16xf32>
        %swap3A_242 = vector.shape_cast %mul3A_237 : vector<16xf32> to vector<1x16xf32>
        tpu.vector_store %arg9[%swap3A_238, %swap3A_239], %swap3A_242 {strides = array<i32>} : memref<16x1024xf32, #tpu.memory_space<vmem>>, vector<1x16xf32>,
        %get3A_243 = arith.index_cast %scan3A_220 : i32 to index
        %get3A_244 = arith.constant 32 : index
        %get3A_245 = tpu.vector_load %arg9[%get3A_243, %get3A_244] {strides = array<i32>} : memref<16x1024xf32, #tpu.memory_space<vmem>>, vector<1x16xf32>,
        %get3A_246 = vector.shape_cast %get3A_245 : vector<1x16xf32> to vector<16xf32>
        %mul3A_247 = arith.constant 3.200000e+01 : f32
        %mul3A_248 = vector.broadcast %mul3A_247 : f32 to vector<16xf32>
        %mul3A_249 = arith.mulf %get3A_246, %mul3A_248 : vector<16xf32>
        %swap3A_250 = arith.index_cast %scan3A_220 : i32 to index
        %swap3A_251 = arith.constant 32 : index
        %swap3A_252 = tpu.vector_load %arg9[%swap3A_250, %swap3A_251] {strides = array<i32>} : memref<16x1024xf32, #tpu.memory_space<vmem>>, vector<1x16xf32>,
        %swap3A_253 = vector.shape_cast %swap3A_252 : vector<1x16xf32> to vector<16xf32>
        %swap3A_254 = vector.shape_cast %mul3A_249 : vector<16xf32> to vector<1x16xf32>
        tpu.vector_store %arg9[%swap3A_250, %swap3A_251], %swap3A_254 {strides = array<i32>} : memref<16x1024xf32, #tpu.memory_space<vmem>>, vector<1x16xf32>,
        %get3A_255 = arith.index_cast %scan3A_220 : i32 to index
        %get3A_256 = arith.constant 48 : index
        %get3A_257 = tpu.vector_load %arg9[%get3A_255, %get3A_256] {strides = array<i32>} : memref<16x1024xf32, #tpu.memory_space<vmem>>, vector<1x16xf32>,
        %get3A_258 = vector.shape_cast %get3A_257 : vector<1x16xf32> to vector<16xf32>
        %mul3A_259 = arith.constant 3.200000e+01 : f32
        %mul3A_260 = vector.broadcast %mul3A_259 : f32 to vector<16xf32>
        %mul3A_261 = arith.mulf %get3A_258, %mul3A_260 : vector<16xf32>
        %swap3A_262 = arith.index_cast %scan3A_220 : i32 to index
        %swap3A_263 = arith.constant 48 : index
        %swap3A_264 = tpu.vector_load %arg9[%swap3A_262, %swap3A_263] {strides = array<i32>} : memref<16x1024xf32, #tpu.memory_space<vmem>>, vector<1x16xf32>,
        %swap3A_265 = vector.shape_cast %swap3A_264 : vector<1x16xf32> to vector<16xf32>
        %swap3A_266 = vector.shape_cast %mul3A_261 : vector<16xf32> to vector<1x16xf32>
        tpu.vector_store %arg9[%swap3A_262, %swap3A_263], %swap3A_266 {strides = array<i32>} : memref<16x1024xf32, #tpu.memory_space<vmem>>, vector<1x16xf32>,
        %get3A_267 = arith.index_cast %scan3A_220 : i32 to index
        %get3A_268 = arith.constant 64 : index
        %get3A_269 = tpu.vector_load %arg9[%get3A_267, %get3A_268] {strides = array<i32>} : memref<16x1024xf32, #tpu.memory_space<vmem>>, vector<1x16xf32>,
        %get3A_270 = vector.shape_cast %get3A_269 : vector<1x16xf32> to vector<16xf32>
        %mul3A_271 = arith.constant 3.200000e+01 : f32
        %mul3A_272 = vector.broadcast %mul3A_271 : f32 to vector<16xf32>
        %mul3A_273 = arith.mulf %get3A_270, %mul3A_272 : vector<16xf32>
        %swap3A_274 = arith.index_cast %scan3A_220 : i32 to index
        %swap3A_275 = arith.constant 64 : index
        %swap3A_276 = tpu.vector_load %arg9[%swap3A_274, %swap3A_275] {strides = array<i32>} : memref<16x1024xf32, #tpu.memory_space<vmem>>, vector<1x16xf32>,
        %swap3A_277 = vector.shape_cast %swap3A_276 : vector<1x16xf32> to vector<16xf32>
        %swap3A_278 = vector.shape_cast %mul3A_273 : vector<16xf32> to vector<1x16xf32>
        tpu.vector_store %arg9[%swap3A_274, %swap3A_275], %swap3A_278 {strides = array<i32>} : memref<16x1024xf32, #tpu.memory_space<vmem>>, vector<1x16xf32>,
        %get3A_279 = arith.index_cast %scan3A_220 : i32 to index
        %get3A_280 = arith.constant 80 : index
        %get3A_281 = tpu.vector_load %arg9[%get3A_279, %get3A_280] {strides = array<i32>} : memref<16x1024xf32, #tpu.memory_space<vmem>>, vector<1x16xf32>,
        %get3A_282 = vector.shape_cast %get3A_281 : vector<1x16xf32> to vector<16xf32>
        %mul3A_283 = arith.constant 3.200000e+01 : f32
        %mul3A_284 = vector.broadcast %mul3A_283 : f32 to vector<16xf32>
        %mul3A_285 = arith.mulf %get3A_282, %mul3A_284 : vector<16xf32>
        %swap3A_286 = arith.index_cast %scan3A_220 : i32 to index
        %swap3A_287 = arith.constant 80 : index
        %swap3A_288 = tpu.vector_load %arg9[%swap3A_286, %swap3A_287] {strides = array<i32>} : memref<16x1024xf32, #tpu.memory_space<vmem>>, vector<1x16xf32>,
        %swap3A_289 = vector.shape_cast %swap3A_288 : vector<1x16xf32> to vector<16xf32>
        %swap3A_290 = vector.shape_cast %mul3A_285 : vector<16xf32> to vector<1x16xf32>
        tpu.vector_store %arg9[%swap3A_286, %swap3A_287], %swap3A_290 {strides = array<i32>} : memref<16x1024xf32, #tpu.memory_space<vmem>>, vector<1x16xf32>,
        %get3A_291 = arith.index_cast %scan3A_220 : i32 to index
        %get3A_292 = arith.constant 96 : index
        %get3A_293 = tpu.vector_load %arg9[%get3A_291, %get3A_292] {strides = array<i32>} : memref<16x1024xf32, #tpu.memory_space<vmem>>, vector<1x16xf32>,
        %get3A_294 = vector.shape_cast %get3A_293 : vector<1x16xf32> to vector<16xf32>
        %mul3A_295 = arith.constant 3.200000e+01 : f32
        %mul3A_296 = vector.broadcast %mul3A_295 : f32 to vector<16xf32>
        %mul3A_297 = arith.mulf %get3A_294, %mul3A_296 : vector<16xf32>
        %swap3A_298 = arith.index_cast %scan3A_220 : i32 to index
        %swap3A_299 = arith.constant 96 : index
        %swap3A_300 = tpu.vector_load %arg9[%swap3A_298, %swap3A_299] {strides = array<i32>} : memref<16x1024xf32, #tpu.memory_space<vmem>>, vector<1x16xf32>,
        %swap3A_301 = vector.shape_cast %swap3A_300 : vector<1x16xf32> to vector<16xf32>
        %swap3A_302 = vector.shape_cast %mul3A_297 : vector<16xf32> to vector<1x16xf32>
        tpu.vector_store %arg9[%swap3A_298, %swap3A_299], %swap3A_302 {strides = array<i32>} : memref<16x1024xf32, #tpu.memory_space<vmem>>, vector<1x16xf32>,
        %get3A_303 = arith.index_cast %scan3A_220 : i32 to index
        %get3A_304 = arith.constant 112 : index
        %get3A_305 = tpu.vector_load %arg9[%get3A_303, %get3A_304] {strides = array<i32>} : memref<16x1024xf32, #tpu.memory_space<vmem>>, vector<1x16xf32>,
        %get3A_306 = vector.shape_cast %get3A_305 : vector<1x16xf32> to vector<16xf32>
        %mul3A_307 = arith.constant 3.200000e+01 : f32
        %mul3A_308 = vector.broadcast %mul3A_307 : f32 to vector<16xf32>
        %mul3A_309 = arith.mulf %get3A_306, %mul3A_308 : vector<16xf32>
        %swap3A_310 = arith.index_cast %scan3A_220 : i32 to index
        %swap3A_311 = arith.constant 112 : index
        %swap3A_312 = tpu.vector_load %arg9[%swap3A_310, %swap3A_311] {strides = array<i32>} : memref<16x1024xf32, #tpu.memory_space<vmem>>, vector<1x16xf32>,
        %swap3A_313 = vector.shape_cast %swap3A_312 : vector<1x16xf32> to vector<16xf32>
        %swap3A_314 = vector.shape_cast %mul3A_309 : vector<16xf32> to vector<1x16xf32>
        tpu.vector_store %arg9[%swap3A_310, %swap3A_311], %swap3A_314 {strides = array<i32>} : memref<16x1024xf32, #tpu.memory_space<vmem>>, vector<1x16xf32>,
        %get3A_315 = arith.index_cast %scan3A_220 : i32 to index
        %get3A_316 = arith.constant 128 : index
        %get3A_317 = tpu.vector_load %arg9[%get3A_315, %get3A_316] {strides = array<i32>} : memref<16x1024xf32, #tpu.memory_space<vmem>>, vector<1x16xf32>,
        %get3A_318 = vector.shape_cast %get3A_317 : vector<1x16xf32> to vector<16xf32>
        %mul3A_319 = arith.constant 3.200000e+01 : f32
        %mul3A_320 = vector.broadcast %mul3A_319 : f32 to vector<16xf32>
        %mul3A_321 = arith.mulf %get3A_318, %mul3A_320 : vector<16xf32>
        %swap3A_322 = arith.index_cast %scan3A_220 : i32 to index
        %swap3A_323 = arith.constant 128 : index
        %swap3A_324 = tpu.vector_load %arg9[%swap3A_322, %swap3A_323] {strides = array<i32>} : memref<16x1024xf32, #tpu.memory_space<vmem>>, vector<1x16xf32>,
        %swap3A_325 = vector.shape_cast %swap3A_324 : vector<1x16xf32> to vector<16xf32>
        %swap3A_326 = vector.shape_cast %mul3A_321 : vector<16xf32> to vector<1x16xf32>
        tpu.vector_store %arg9[%swap3A_322, %swap3A_323], %swap3A_326 {strides = array<i32>} : memref<16x1024xf32, #tpu.memory_space<vmem>>, vector<1x16xf32>,
        %get3A_327 = arith.index_cast %scan3A_220 : i32 to index
        %get3A_328 = arith.constant 144 : index
        %get3A_329 = tpu.vector_load %arg9[%get3A_327, %get3A_328] {strides = array<i32>} : memref<16x1024xf32, #tpu.memory_space<vmem>>, vector<1x16xf32>,
        %get3A_330 = vector.shape_cast %get3A_329 : vector<1x16xf32> to vector<16xf32>
        %mul3A_331 = arith.constant 3.200000e+01 : f32
        %mul3A_332 = vector.broadcast %mul3A_331 : f32 to vector<16xf32>
        %mul3A_333 = arith.mulf %get3A_330, %mul3A_332 : vector<16xf32>
        %swap3A_334 = arith.index_cast %scan3A_220 : i32 to index
        %swap3A_335 = arith.constant 144 : index
        %swap3A_336 = tpu.vector_load %arg9[%swap3A_334, %swap3A_335] {strides = array<i32>} : memref<16x1024xf32, #tpu.memory_space<vmem>>, vector<1x16xf32>,
        %swap3A_337 = vector.shape_cast %swap3A_336 : vector<1x16xf32> to vector<16xf32>
        %swap3A_338 = vector.shape_cast %mul3A_333 : vector<16xf32> to vector<1x16xf32>
        tpu.vector_store %arg9[%swap3A_334, %swap3A_335], %swap3A_338 {strides = array<i32>} : memref<16x1024xf32, #tpu.memory_space<vmem>>, vector<1x16xf32>,
        %get3A_339 = arith.index_cast %scan3A_220 : i32 to index
        %get3A_340 = arith.constant 160 : index
        %get3A_341 = tpu.vector_load %arg9[%get3A_339, %get3A_340] {strides = array<i32>} : memref<16x1024xf32, #tpu.memory_space<vmem>>, vector<1x16xf32>,
        %get3A_342 = vector.shape_cast %get3A_341 : vector<1x16xf32> to vector<16xf32>
        %mul3A_343 = arith.constant 3.200000e+01 : f32
        %mul3A_344 = vector.broadcast %mul3A_343 : f32 to vector<16xf32>
        %mul3A_345 = arith.mulf %get3A_342, %mul3A_344 : vector<16xf32>
        %swap3A_346 = arith.index_cast %scan3A_220 : i32 to index
        %swap3A_347 = arith.constant 160 : index
        %swap3A_348 = tpu.vector_load %arg9[%swap3A_346, %swap3A_347] {strides = array<i32>} : memref<16x1024xf32, #tpu.memory_space<vmem>>, vector<1x16xf32>,
        %swap3A_349 = vector.shape_cast %swap3A_348 : vector<1x16xf32> to vector<16xf32>
        %swap3A_350 = vector.shape_cast %mul3A_345 : vector<16xf32> to vector<1x16xf32>
        tpu.vector_store %arg9[%swap3A_346, %swap3A_347], %swap3A_350 {strides = array<i32>} : memref<16x1024xf32, #tpu.memory_space<vmem>>, vector<1x16xf32>,
        %get3A_351 = arith.index_cast %scan3A_220 : i32 to index
        %get3A_352 = arith.constant 176 : index
        %get3A_353 = tpu.vector_load %arg9[%get3A_351, %get3A_352] {strides = array<i32>} : memref<16x1024xf32, #tpu.memory_space<vmem>>, vector<1x16xf32>,
        %get3A_354 = vector.shape_cast %get3A_353 : vector<1x16xf32> to vector<16xf32>
        %mul3A_355 = arith.constant 3.200000e+01 : f32
        %mul3A_356 = vector.broadcast %mul3A_355 : f32 to vector<16xf32>
        %mul3A_357 = arith.mulf %get3A_354, %mul3A_356 : vector<16xf32>
        %swap3A_358 = arith.index_cast %scan3A_220 : i32 to index
        %swap3A_359 = arith.constant 176 : index
        %swap3A_360 = tpu.vector_load %arg9[%swap3A_358, %swap3A_359] {strides = array<i32>} : memref<16x1024xf32, #tpu.memory_space<vmem>>, vector<1x16xf32>,
        %swap3A_361 = vector.shape_cast %swap3A_360 : vector<1x16xf32> to vector<16xf32>
        %swap3A_362 = vector.shape_cast %mul3A_357 : vector<16xf32> to vector<1x16xf32>
        tpu.vector_store %arg9[%swap3A_358, %swap3A_359], %swap3A_362 {strides = array<i32>} : memref<16x1024xf32, #tpu.memory_space<vmem>>, vector<1x16xf32>,
        %get3A_363 = arith.index_cast %scan3A_220 : i32 to index
        %get3A_364 = arith.constant 192 : index
        %get3A_365 = tpu.vector_load %arg9[%get3A_363, %get3A_364] {strides = array<i32>} : memref<16x1024xf32, #tpu.memory_space<vmem>>, vector<1x16xf32>,
        %get3A_366 = vector.shape_cast %get3A_365 : vector<1x16xf32> to vector<16xf32>
        %mul3A_367 = arith.constant 3.200000e+01 : f32
        %mul3A_368 = vector.broadcast %mul3A_367 : f32 to vector<16xf32>
        %mul3A_369 = arith.mulf %get3A_366, %mul3A_368 : vector<16xf32>
        %swap3A_370 = arith.index_cast %scan3A_220 : i32 to index
        %swap3A_371 = arith.constant 192 : index
        %swap3A_372 = tpu.vector_load %arg9[%swap3A_370, %swap3A_371] {strides = array<i32>} : memref<16x1024xf32, #tpu.memory_space<vmem>>, vector<1x16xf32>,
        %swap3A_373 = vector.shape_cast %swap3A_372 : vector<1x16xf32> to vector<16xf32>
        %swap3A_374 = vector.shape_cast %mul3A_369 : vector<16xf32> to vector<1x16xf32>
        tpu.vector_store %arg9[%swap3A_370, %swap3A_371], %swap3A_374 {strides = array<i32>} : memref<16x1024xf32, #tpu.memory_space<vmem>>, vector<1x16xf32>,
        %get3A_375 = arith.index_cast %scan3A_220 : i32 to index
        %get3A_376 = arith.constant 208 : index
        %get3A_377 = tpu.vector_load %arg9[%get3A_375, %get3A_376] {strides = array<i32>} : memref<16x1024xf32, #tpu.memory_space<vmem>>, vector<1x16xf32>,
        %get3A_378 = vector.shape_cast %get3A_377 : vector<1x16xf32> to vector<16xf32>
        %mul3A_379 = arith.constant 3.200000e+01 : f32
        %mul3A_380 = vector.broadcast %mul3A_379 : f32 to vector<16xf32>
        %mul3A_381 = arith.mulf %get3A_378, %mul3A_380 : vector<16xf32>
        %swap3A_382 = arith.index_cast %scan3A_220 : i32 to index
        %swap3A_383 = arith.constant 208 : index
        %swap3A_384 = tpu.vector_load %arg9[%swap3A_382, %swap3A_383] {strides = array<i32>} : memref<16x1024xf32, #tpu.memory_space<vmem>>, vector<1x16xf32>,
        %swap3A_385 = vector.shape_cast %swap3A_384 : vector<1x16xf32> to vector<16xf32>
        %swap3A_386 = vector.shape_cast %mul3A_381 : vector<16xf32> to vector<1x16xf32>
        tpu.vector_store %arg9[%swap3A_382, %swap3A_383], %swap3A_386 {strides = array<i32>} : memref<16x1024xf32, #tpu.memory_space<vmem>>, vector<1x16xf32>,
        %get3A_387 = arith.index_cast %scan3A_220 : i32 to index
        %get3A_388 = arith.constant 224 : index
        %get3A_389 = tpu.vector_load %arg9[%get3A_387, %get3A_388] {strides = array<i32>} : memref<16x1024xf32, #tpu.memory_space<vmem>>, vector<1x16xf32>,
        %get3A_390 = vector.shape_cast %get3A_389 : vector<1x16xf32> to vector<16xf32>
        %mul3A_391 = arith.constant 3.200000e+01 : f32
        %mul3A_392 = vector.broadcast %mul3A_391 : f32 to vector<16xf32>
        %mul3A_393 = arith.mulf %get3A_390, %mul3A_392 : vector<16xf32>
        %swap3A_394 = arith.index_cast %scan3A_220 : i32 to index
        %swap3A_395 = arith.constant 224 : index
        %swap3A_396 = tpu.vector_load %arg9[%swap3A_394, %swap3A_395] {strides = array<i32>} : memref<16x1024xf32, #tpu.memory_space<vmem>>, vector<1x16xf32>,
        %swap3A_397 = vector.shape_cast %swap3A_396 : vector<1x16xf32> to vector<16xf32>
        %swap3A_398 = vector.shape_cast %mul3A_393 : vector<16xf32> to vector<1x16xf32>
        tpu.vector_store %arg9[%swap3A_394, %swap3A_395], %swap3A_398 {strides = array<i32>} : memref<16x1024xf32, #tpu.memory_space<vmem>>, vector<1x16xf32>,
        %get3A_399 = arith.index_cast %scan3A_220 : i32 to index
        %get3A_400 = arith.constant 240 : index
        %get3A_401 = tpu.vector_load %arg9[%get3A_399, %get3A_400] {strides = array<i32>} : memref<16x1024xf32, #tpu.memory_space<vmem>>, vector<1x16xf32>,
        %get3A_402 = vector.shape_cast %get3A_401 : vector<1x16xf32> to vector<16xf32>
        %mul3A_403 = arith.constant 3.200000e+01 : f32
        %mul3A_404 = vector.broadcast %mul3A_403 : f32 to vector<16xf32>
        %mul3A_405 = arith.mulf %get3A_402, %mul3A_404 : vector<16xf32>
        %swap3A_406 = arith.index_cast %scan3A_220 : i32 to index
        %swap3A_407 = arith.constant 240 : index
        %swap3A_408 = tpu.vector_load %arg9[%swap3A_406, %swap3A_407] {strides = array<i32>} : memref<16x1024xf32, #tpu.memory_space<vmem>>, vector<1x16xf32>,
        %swap3A_409 = vector.shape_cast %swap3A_408 : vector<1x16xf32> to vector<16xf32>
        %swap3A_410 = vector.shape_cast %mul3A_405 : vector<16xf32> to vector<1x16xf32>
        tpu.vector_store %arg9[%swap3A_406, %swap3A_407], %swap3A_410 {strides = array<i32>} : memref<16x1024xf32, #tpu.memory_space<vmem>>, vector<1x16xf32>,
        %get3A_411 = arith.index_cast %scan3A_220 : i32 to index
        %get3A_412 = arith.constant 256 : index
        %get3A_413 = tpu.vector_load %arg9[%get3A_411, %get3A_412] {strides = array<i32>} : memref<16x1024xf32, #tpu.memory_space<vmem>>, vector<1x16xf32>,
        %get3A_414 = vector.shape_cast %get3A_413 : vector<1x16xf32> to vector<16xf32>
        %mul3A_415 = arith.constant 3.200000e+01 : f32
        %mul3A_416 = vector.broadcast %mul3A_415 : f32 to vector<16xf32>
        %mul3A_417 = arith.mulf %get3A_414, %mul3A_416 : vector<16xf32>
        %swap3A_418 = arith.index_cast %scan3A_220 : i32 to index
        %swap3A_419 = arith.constant 256 : index
        %swap3A_420 = tpu.vector_load %arg9[%swap3A_418, %swap3A_419] {strides = array<i32>} : memref<16x1024xf32, #tpu.memory_space<vmem>>, vector<1x16xf32>,
        %swap3A_421 = vector.shape_cast %swap3A_420 : vector<1x16xf32> to vector<16xf32>
        %swap3A_422 = vector.shape_cast %mul3A_417 : vector<16xf32> to vector<1x16xf32>
        tpu.vector_store %arg9[%swap3A_418, %swap3A_419], %swap3A_422 {strides = array<i32>} : memref<16x1024xf32, #tpu.memory_space<vmem>>, vector<1x16xf32>,
        %get3A_423 = arith.index_cast %scan3A_220 : i32 to index
        %get3A_424 = arith.constant 272 : index
        %get3A_425 = tpu.vector_load %arg9[%get3A_423, %get3A_424] {strides = array<i32>} : memref<16x1024xf32, #tpu.memory_space<vmem>>, vector<1x16xf32>,
        %get3A_426 = vector.shape_cast %get3A_425 : vector<1x16xf32> to vector<16xf32>
        %mul3A_427 = arith.constant 3.200000e+01 : f32
        %mul3A_428 = vector.broadcast %mul3A_427 : f32 to vector<16xf32>
        %mul3A_429 = arith.mulf %get3A_426, %mul3A_428 : vector<16xf32>
        %swap3A_430 = arith.index_cast %scan3A_220 : i32 to index
        %swap3A_431 = arith.constant 272 : index
        %swap3A_432 = tpu.vector_load %arg9[%swap3A_430, %swap3A_431] {strides = array<i32>} : memref<16x1024xf32, #tpu.memory_space<vmem>>, vector<1x16xf32>,
        %swap3A_433 = vector.shape_cast %swap3A_432 : vector<1x16xf32> to vector<16xf32>
        %swap3A_434 = vector.shape_cast %mul3A_429 : vector<16xf32> to vector<1x16xf32>
        tpu.vector_store %arg9[%swap3A_430, %swap3A_431], %swap3A_434 {strides = array<i32>} : memref<16x1024xf32, #tpu.memory_space<vmem>>, vector<1x16xf32>,
        %get3A_435 = arith.index_cast %scan3A_220 : i32 to index
        %get3A_436 = arith.constant 288 : index
        %get3A_437 = tpu.vector_load %arg9[%get3A_435, %get3A_436] {strides = array<i32>} : memref<16x1024xf32, #tpu.memory_space<vmem>>, vector<1x16xf32>,
        %get3A_438 = vector.shape_cast %get3A_437 : vector<1x16xf32> to vector<16xf32>
        %mul3A_439 = arith.constant 3.200000e+01 : f32
        %mul3A_440 = vector.broadcast %mul3A_439 : f32 to vector<16xf32>
        %mul3A_441 = arith.mulf %get3A_438, %mul3A_440 : vector<16xf32>
        %swap3A_442 = arith.index_cast %scan3A_220 : i32 to index
        %swap3A_443 = arith.constant 288 : index
        %swap3A_444 = tpu.vector_load %arg9[%swap3A_442, %swap3A_443] {strides = array<i32>} : memref<16x1024xf32, #tpu.memory_space<vmem>>, vector<1x16xf32>,
        %swap3A_445 = vector.shape_cast %swap3A_444 : vector<1x16xf32> to vector<16xf32>
        %swap3A_446 = vector.shape_cast %mul3A_441 : vector<16xf32> to vector<1x16xf32>
        tpu.vector_store %arg9[%swap3A_442, %swap3A_443], %swap3A_446 {strides = array<i32>} : memref<16x1024xf32, #tpu.memory_space<vmem>>, vector<1x16xf32>,
        %get3A_447 = arith.index_cast %scan3A_220 : i32 to index
        %get3A_448 = arith.constant 304 : index
        %get3A_449 = tpu.vector_load %arg9[%get3A_447, %get3A_448] {strides = array<i32>} : memref<16x1024xf32, #tpu.memory_space<vmem>>, vector<1x16xf32>,
        %get3A_450 = vector.shape_cast %get3A_449 : vector<1x16xf32> to vector<16xf32>
        %mul3A_451 = arith.constant 3.200000e+01 : f32
        %mul3A_452 = vector.broadcast %mul3A_451 : f32 to vector<16xf32>
        %mul3A_453 = arith.mulf %get3A_450, %mul3A_452 : vector<16xf32>
        %swap3A_454 = arith.index_cast %scan3A_220 : i32 to index
        %swap3A_455 = arith.constant 304 : index
        %swap3A_456 = tpu.vector_load %arg9[%swap3A_454, %swap3A_455] {strides = array<i32>} : memref<16x1024xf32, #tpu.memory_space<vmem>>, vector<1x16xf32>,
        %swap3A_457 = vector.shape_cast %swap3A_456 : vector<1x16xf32> to vector<16xf32>
        %swap3A_458 = vector.shape_cast %mul3A_453 : vector<16xf32> to vector<1x16xf32>
        tpu.vector_store %arg9[%swap3A_454, %swap3A_455], %swap3A_458 {strides = array<i32>} : memref<16x1024xf32, #tpu.memory_space<vmem>>, vector<1x16xf32>,
        %get3A_459 = arith.index_cast %scan3A_220 : i32 to index
        %get3A_460 = arith.constant 320 : index
        %get3A_461 = tpu.vector_load %arg9[%get3A_459, %get3A_460] {strides = array<i32>} : memref<16x1024xf32, #tpu.memory_space<vmem>>, vector<1x16xf32>,
        %get3A_462 = vector.shape_cast %get3A_461 : vector<1x16xf32> to vector<16xf32>
        %mul3A_463 = arith.constant 3.200000e+01 : f32
        %mul3A_464 = vector.broadcast %mul3A_463 : f32 to vector<16xf32>
        %mul3A_465 = arith.mulf %get3A_462, %mul3A_464 : vector<16xf32>
        %swap3A_466 = arith.index_cast %scan3A_220 : i32 to index
        %swap3A_467 = arith.constant 320 : index
        %swap3A_468 = tpu.vector_load %arg9[%swap3A_466, %swap3A_467] {strides = array<i32>} : memref<16x1024xf32, #tpu.memory_space<vmem>>, vector<1x16xf32>,
        %swap3A_469 = vector.shape_cast %swap3A_468 : vector<1x16xf32> to vector<16xf32>
        %swap3A_470 = vector.shape_cast %mul3A_465 : vector<16xf32> to vector<1x16xf32>
        tpu.vector_store %arg9[%swap3A_466, %swap3A_467], %swap3A_470 {strides = array<i32>} : memref<16x1024xf32, #tpu.memory_space<vmem>>, vector<1x16xf32>,
        %get3A_471 = arith.index_cast %scan3A_220 : i32 to index
        %get3A_472 = arith.constant 336 : index
        %get3A_473 = tpu.vector_load %arg9[%get3A_471, %get3A_472] {strides = array<i32>} : memref<16x1024xf32, #tpu.memory_space<vmem>>, vector<1x16xf32>,
        %get3A_474 = vector.shape_cast %get3A_473 : vector<1x16xf32> to vector<16xf32>
        %mul3A_475 = arith.constant 3.200000e+01 : f32
        %mul3A_476 = vector.broadcast %mul3A_475 : f32 to vector<16xf32>
        %mul3A_477 = arith.mulf %get3A_474, %mul3A_476 : vector<16xf32>
        %swap3A_478 = arith.index_cast %scan3A_220 : i32 to index
        %swap3A_479 = arith.constant 336 : index
        %swap3A_480 = tpu.vector_load %arg9[%swap3A_478, %swap3A_479] {strides = array<i32>} : memref<16x1024xf32, #tpu.memory_space<vmem>>, vector<1x16xf32>,
        %swap3A_481 = vector.shape_cast %swap3A_480 : vector<1x16xf32> to vector<16xf32>
        %swap3A_482 = vector.shape_cast %mul3A_477 : vector<16xf32> to vector<1x16xf32>
        tpu.vector_store %arg9[%swap3A_478, %swap3A_479], %swap3A_482 {strides = array<i32>} : memref<16x1024xf32, #tpu.memory_space<vmem>>, vector<1x16xf32>,
        %get3A_483 = arith.index_cast %scan3A_220 : i32 to index
        %get3A_484 = arith.constant 352 : index
        %get3A_485 = tpu.vector_load %arg9[%get3A_483, %get3A_484] {strides = array<i32>} : memref<16x1024xf32, #tpu.memory_space<vmem>>, vector<1x16xf32>,
        %get3A_486 = vector.shape_cast %get3A_485 : vector<1x16xf32> to vector<16xf32>
        %mul3A_487 = arith.constant 3.200000e+01 : f32
        %mul3A_488 = vector.broadcast %mul3A_487 : f32 to vector<16xf32>
        %mul3A_489 = arith.mulf %get3A_486, %mul3A_488 : vector<16xf32>
        %swap3A_490 = arith.index_cast %scan3A_220 : i32 to index
        %swap3A_491 = arith.constant 352 : index
        %swap3A_492 = tpu.vector_load %arg9[%swap3A_490, %swap3A_491] {strides = array<i32>} : memref<16x1024xf32, #tpu.memory_space<vmem>>, vector<1x16xf32>,
        %swap3A_493 = vector.shape_cast %swap3A_492 : vector<1x16xf32> to vector<16xf32>
        %swap3A_494 = vector.shape_cast %mul3A_489 : vector<16xf32> to vector<1x16xf32>
        tpu.vector_store %arg9[%swap3A_490, %swap3A_491], %swap3A_494 {strides = array<i32>} : memref<16x1024xf32, #tpu.memory_space<vmem>>, vector<1x16xf32>,
        %get3A_495 = arith.index_cast %scan3A_220 : i32 to index
        %get3A_496 = arith.constant 368 : index
        %get3A_497 = tpu.vector_load %arg9[%get3A_495, %get3A_496] {strides = array<i32>} : memref<16x1024xf32, #tpu.memory_space<vmem>>, vector<1x16xf32>,
        %get3A_498 = vector.shape_cast %get3A_497 : vector<1x16xf32> to vector<16xf32>
        %mul3A_499 = arith.constant 3.200000e+01 : f32
        %mul3A_500 = vector.broadcast %mul3A_499 : f32 to vector<16xf32>
        %mul3A_501 = arith.mulf %get3A_498, %mul3A_500 : vector<16xf32>
        %swap3A_502 = arith.index_cast %scan3A_220 : i32 to index
        %swap3A_503 = arith.constant 368 : index
        %swap3A_504 = tpu.vector_load %arg9[%swap3A_502, %swap3A_503] {strides = array<i32>} : memref<16x1024xf32, #tpu.memory_space<vmem>>, vector<1x16xf32>,
        %swap3A_505 = vector.shape_cast %swap3A_504 : vector<1x16xf32> to vector<16xf32>
        %swap3A_506 = vector.shape_cast %mul3A_501 : vector<16xf32> to vector<1x16xf32>
        tpu.vector_store %arg9[%swap3A_502, %swap3A_503], %swap3A_506 {strides = array<i32>} : memref<16x1024xf32, #tpu.memory_space<vmem>>, vector<1x16xf32>,
        %get3A_507 = arith.index_cast %scan3A_220 : i32 to index
        %get3A_508 = arith.constant 384 : index
        %get3A_509 = tpu.vector_load %arg9[%get3A_507, %get3A_508] {strides = array<i32>} : memref<16x1024xf32, #tpu.memory_space<vmem>>, vector<1x16xf32>,
        %get3A_510 = vector.shape_cast %get3A_509 : vector<1x16xf32> to vector<16xf32>
        %mul3A_511 = arith.constant 3.200000e+01 : f32
        %mul3A_512 = vector.broadcast %mul3A_511 : f32 to vector<16xf32>
        %mul3A_513 = arith.mulf %get3A_510, %mul3A_512 : vector<16xf32>
        %swap3A_514 = arith.index_cast %scan3A_220 : i32 to index
        %swap3A_515 = arith.constant 384 : index
        %swap3A_516 = tpu.vector_load %arg9[%swap3A_514, %swap3A_515] {strides = array<i32>} : memref<16x1024xf32, #tpu.memory_space<vmem>>, vector<1x16xf32>,
        %swap3A_517 = vector.shape_cast %swap3A_516 : vector<1x16xf32> to vector<16xf32>
        %swap3A_518 = vector.shape_cast %mul3A_513 : vector<16xf32> to vector<1x16xf32>
        tpu.vector_store %arg9[%swap3A_514, %swap3A_515], %swap3A_518 {strides = array<i32>} : memref<16x1024xf32, #tpu.memory_space<vmem>>, vector<1x16xf32>,
        %get3A_519 = arith.index_cast %scan3A_220 : i32 to index
        %get3A_520 = arith.constant 400 : index
        %get3A_521 = tpu.vector_load %arg9[%get3A_519, %get3A_520] {strides = array<i32>} : memref<16x1024xf32, #tpu.memory_space<vmem>>, vector<1x16xf32>,
        %get3A_522 = vector.shape_cast %get3A_521 : vector<1x16xf32> to vector<16xf32>
        %mul3A_523 = arith.constant 3.200000e+01 : f32
        %mul3A_524 = vector.broadcast %mul3A_523 : f32 to vector<16xf32>
        %mul3A_525 = arith.mulf %get3A_522, %mul3A_524 : vector<16xf32>
        %swap3A_526 = arith.index_cast %scan3A_220 : i32 to index
        %swap3A_527 = arith.constant 400 : index
        %swap3A_528 = tpu.vector_load %arg9[%swap3A_526, %swap3A_527] {strides = array<i32>} : memref<16x1024xf32, #tpu.memory_space<vmem>>, vector<1x16xf32>,
        %swap3A_529 = vector.shape_cast %swap3A_528 : vector<1x16xf32> to vector<16xf32>
        %swap3A_530 = vector.shape_cast %mul3A_525 : vector<16xf32> to vector<1x16xf32>
        tpu.vector_store %arg9[%swap3A_526, %swap3A_527], %swap3A_530 {strides = array<i32>} : memref<16x1024xf32, #tpu.memory_space<vmem>>, vector<1x16xf32>,
        %get3A_531 = arith.index_cast %scan3A_220 : i32 to index
        %get3A_532 = arith.constant 416 : index
        %get3A_533 = tpu.vector_load %arg9[%get3A_531, %get3A_532] {strides = array<i32>} : memref<16x1024xf32, #tpu.memory_space<vmem>>, vector<1x16xf32>,
        %get3A_534 = vector.shape_cast %get3A_533 : vector<1x16xf32> to vector<16xf32>
        %mul3A_535 = arith.constant 3.200000e+01 : f32
        %mul3A_536 = vector.broadcast %mul3A_535 : f32 to vector<16xf32>
        %mul3A_537 = arith.mulf %get3A_534, %mul3A_536 : vector<16xf32>
        %swap3A_538 = arith.index_cast %scan3A_220 : i32 to index
        %swap3A_539 = arith.constant 416 : index
        %swap3A_540 = tpu.vector_load %arg9[%swap3A_538, %swap3A_539] {strides = array<i32>} : memref<16x1024xf32, #tpu.memory_space<vmem>>, vector<1x16xf32>,
        %swap3A_541 = vector.shape_cast %swap3A_540 : vector<1x16xf32> to vector<16xf32>
        %swap3A_542 = vector.shape_cast %mul3A_537 : vector<16xf32> to vector<1x16xf32>
        tpu.vector_store %arg9[%swap3A_538, %swap3A_539], %swap3A_542 {strides = array<i32>} : memref<16x1024xf32, #tpu.memory_space<vmem>>, vector<1x16xf32>,
        %get3A_543 = arith.index_cast %scan3A_220 : i32 to index
        %get3A_544 = arith.constant 432 : index
        %get3A_545 = tpu.vector_load %arg9[%get3A_543, %get3A_544] {strides = array<i32>} : memref<16x1024xf32, #tpu.memory_space<vmem>>, vector<1x16xf32>,
        %get3A_546 = vector.shape_cast %get3A_545 : vector<1x16xf32> to vector<16xf32>
        %mul3A_547 = arith.constant 3.200000e+01 : f32
        %mul3A_548 = vector.broadcast %mul3A_547 : f32 to vector<16xf32>
        %mul3A_549 = arith.mulf %get3A_546, %mul3A_548 : vector<16xf32>
        %swap3A_550 = arith.index_cast %scan3A_220 : i32 to index
        %swap3A_551 = arith.constant 432 : index
        %swap3A_552 = tpu.vector_load %arg9[%swap3A_550, %swap3A_551] {strides = array<i32>} : memref<16x1024xf32, #tpu.memory_space<vmem>>, vector<1x16xf32>,
        %swap3A_553 = vector.shape_cast %swap3A_552 : vector<1x16xf32> to vector<16xf32>
        %swap3A_554 = vector.shape_cast %mul3A_549 : vector<16xf32> to vector<1x16xf32>
        tpu.vector_store %arg9[%swap3A_550, %swap3A_551], %swap3A_554 {strides = array<i32>} : memref<16x1024xf32, #tpu.memory_space<vmem>>, vector<1x16xf32>,
        %get3A_555 = arith.index_cast %scan3A_220 : i32 to index
        %get3A_556 = arith.constant 448 : index
        %get3A_557 = tpu.vector_load %arg9[%get3A_555, %get3A_556] {strides = array<i32>} : memref<16x1024xf32, #tpu.memory_space<vmem>>, vector<1x16xf32>,
        %get3A_558 = vector.shape_cast %get3A_557 : vector<1x16xf32> to vector<16xf32>
        %mul3A_559 = arith.constant 3.200000e+01 : f32
        %mul3A_560 = vector.broadcast %mul3A_559 : f32 to vector<16xf32>
        %mul3A_561 = arith.mulf %get3A_558, %mul3A_560 : vector<16xf32>
        %swap3A_562 = arith.index_cast %scan3A_220 : i32 to index
        %swap3A_563 = arith.constant 448 : index
        %swap3A_564 = tpu.vector_load %arg9[%swap3A_562, %swap3A_563] {strides = array<i32>} : memref<16x1024xf32, #tpu.memory_space<vmem>>, vector<1x16xf32>,
        %swap3A_565 = vector.shape_cast %swap3A_564 : vector<1x16xf32> to vector<16xf32>
        %swap3A_566 = vector.shape_cast %mul3A_561 : vector<16xf32> to vector<1x16xf32>
        tpu.vector_store %arg9[%swap3A_562, %swap3A_563], %swap3A_566 {strides = array<i32>} : memref<16x1024xf32, #tpu.memory_space<vmem>>, vector<1x16xf32>,
        %get3A_567 = arith.index_cast %scan3A_220 : i32 to index
        %get3A_568 = arith.constant 464 : index
        %get3A_569 = tpu.vector_load %arg9[%get3A_567, %get3A_568] {strides = array<i32>} : memref<16x1024xf32, #tpu.memory_space<vmem>>, vector<1x16xf32>,
        %get3A_570 = vector.shape_cast %get3A_569 : vector<1x16xf32> to vector<16xf32>
        %mul3A_571 = arith.constant 3.200000e+01 : f32
        %mul3A_572 = vector.broadcast %mul3A_571 : f32 to vector<16xf32>
        %mul3A_573 = arith.mulf %get3A_570, %mul3A_572 : vector<16xf32>
        %swap3A_574 = arith.index_cast %scan3A_220 : i32 to index
        %swap3A_575 = arith.constant 464 : index
        %swap3A_576 = tpu.vector_load %arg9[%swap3A_574, %swap3A_575] {strides = array<i32>} : memref<16x1024xf32, #tpu.memory_space<vmem>>, vector<1x16xf32>,
        %swap3A_577 = vector.shape_cast %swap3A_576 : vector<1x16xf32> to vector<16xf32>
        %swap3A_578 = vector.shape_cast %mul3A_573 : vector<16xf32> to vector<1x16xf32>
        tpu.vector_store %arg9[%swap3A_574, %swap3A_575], %swap3A_578 {strides = array<i32>} : memref<16x1024xf32, #tpu.memory_space<vmem>>, vector<1x16xf32>,
        %get3A_579 = arith.index_cast %scan3A_220 : i32 to index
        %get3A_580 = arith.constant 480 : index
        %get3A_581 = tpu.vector_load %arg9[%get3A_579, %get3A_580] {strides = array<i32>} : memref<16x1024xf32, #tpu.memory_space<vmem>>, vector<1x16xf32>,
        %get3A_582 = vector.shape_cast %get3A_581 : vector<1x16xf32> to vector<16xf32>
        %mul3A_583 = arith.constant 3.200000e+01 : f32
        %mul3A_584 = vector.broadcast %mul3A_583 : f32 to vector<16xf32>
        %mul3A_585 = arith.mulf %get3A_582, %mul3A_584 : vector<16xf32>
        %swap3A_586 = arith.index_cast %scan3A_220 : i32 to index
        %swap3A_587 = arith.constant 480 : index
        %swap3A_588 = tpu.vector_load %arg9[%swap3A_586, %swap3A_587] {strides = array<i32>} : memref<16x1024xf32, #tpu.memory_space<vmem>>, vector<1x16xf32>,
        %swap3A_589 = vector.shape_cast %swap3A_588 : vector<1x16xf32> to vector<16xf32>
        %swap3A_590 = vector.shape_cast %mul3A_585 : vector<16xf32> to vector<1x16xf32>
        tpu.vector_store %arg9[%swap3A_586, %swap3A_587], %swap3A_590 {strides = array<i32>} : memref<16x1024xf32, #tpu.memory_space<vmem>>, vector<1x16xf32>,
        %get3A_591 = arith.index_cast %scan3A_220 : i32 to index
        %get3A_592 = arith.constant 496 : index
        %get3A_593 = tpu.vector_load %arg9[%get3A_591, %get3A_592] {strides = array<i32>} : memref<16x1024xf32, #tpu.memory_space<vmem>>, vector<1x16xf32>,
        %get3A_594 = vector.shape_cast %get3A_593 : vector<1x16xf32> to vector<16xf32>
        %mul3A_595 = arith.constant 3.200000e+01 : f32
        %mul3A_596 = vector.broadcast %mul3A_595 : f32 to vector<16xf32>
        %mul3A_597 = arith.mulf %get3A_594, %mul3A_596 : vector<16xf32>
        %swap3A_598 = arith.index_cast %scan3A_220 : i32 to index
        %swap3A_599 = arith.constant 496 : index
        %swap3A_600 = tpu.vector_load %arg9[%swap3A_598, %swap3A_599] {strides = array<i32>} : memref<16x1024xf32, #tpu.memory_space<vmem>>, vector<1x16xf32>,
        %swap3A_601 = vector.shape_cast %swap3A_600 : vector<1x16xf32> to vector<16xf32>
        %swap3A_602 = vector.shape_cast %mul3A_597 : vector<16xf32> to vector<1x16xf32>
        tpu.vector_store %arg9[%swap3A_598, %swap3A_599], %swap3A_602 {strides = array<i32>} : memref<16x1024xf32, #tpu.memory_space<vmem>>, vector<1x16xf32>,
        %get3A_603 = arith.index_cast %scan3A_220 : i32 to index
        %get3A_604 = arith.constant 512 : index
        %get3A_605 = tpu.vector_load %arg9[%get3A_603, %get3A_604] {strides = array<i32>} : memref<16x1024xf32, #tpu.memory_space<vmem>>, vector<1x16xf32>,
        %get3A_606 = vector.shape_cast %get3A_605 : vector<1x16xf32> to vector<16xf32>
        %mul3A_607 = arith.constant 3.200000e+01 : f32
        %mul3A_608 = vector.broadcast %mul3A_607 : f32 to vector<16xf32>
        %mul3A_609 = arith.mulf %get3A_606, %mul3A_608 : vector<16xf32>
        %swap3A_610 = arith.index_cast %scan3A_220 : i32 to index
        %swap3A_611 = arith.constant 512 : index
        %swap3A_612 = tpu.vector_load %arg9[%swap3A_610, %swap3A_611] {strides = array<i32>} : memref<16x1024xf32, #tpu.memory_space<vmem>>, vector<1x16xf32>,
        %swap3A_613 = vector.shape_cast %swap3A_612 : vector<1x16xf32> to vector<16xf32>
        %swap3A_614 = vector.shape_cast %mul3A_609 : vector<16xf32> to vector<1x16xf32>
        tpu.vector_store %arg9[%swap3A_610, %swap3A_611], %swap3A_614 {strides = array<i32>} : memref<16x1024xf32, #tpu.memory_space<vmem>>, vector<1x16xf32>,
        %get3A_615 = arith.index_cast %scan3A_220 : i32 to index
        %get3A_616 = arith.constant 528 : index
        %get3A_617 = tpu.vector_load %arg9[%get3A_615, %get3A_616] {strides = array<i32>} : memref<16x1024xf32, #tpu.memory_space<vmem>>, vector<1x16xf32>,
        %get3A_618 = vector.shape_cast %get3A_617 : vector<1x16xf32> to vector<16xf32>
        %mul3A_619 = arith.constant 3.200000e+01 : f32
        %mul3A_620 = vector.broadcast %mul3A_619 : f32 to vector<16xf32>
        %mul3A_621 = arith.mulf %get3A_618, %mul3A_620 : vector<16xf32>
        %swap3A_622 = arith.index_cast %scan3A_220 : i32 to index
        %swap3A_623 = arith.constant 528 : index
        %swap3A_624 = tpu.vector_load %arg9[%swap3A_622, %swap3A_623] {strides = array<i32>} : memref<16x1024xf32, #tpu.memory_space<vmem>>, vector<1x16xf32>,
        %swap3A_625 = vector.shape_cast %swap3A_624 : vector<1x16xf32> to vector<16xf32>
        %swap3A_626 = vector.shape_cast %mul3A_621 : vector<16xf32> to vector<1x16xf32>
        tpu.vector_store %arg9[%swap3A_622, %swap3A_623], %swap3A_626 {strides = array<i32>} : memref<16x1024xf32, #tpu.memory_space<vmem>>, vector<1x16xf32>,
        %get3A_627 = arith.index_cast %scan3A_220 : i32 to index
        %get3A_628 = arith.constant 544 : index
        %get3A_629 = tpu.vector_load %arg9[%get3A_627, %get3A_628] {strides = array<i32>} : memref<16x1024xf32, #tpu.memory_space<vmem>>, vector<1x16xf32>,
        %get3A_630 = vector.shape_cast %get3A_629 : vector<1x16xf32> to vector<16xf32>
        %mul3A_631 = arith.constant 3.200000e+01 : f32
        %mul3A_632 = vector.broadcast %mul3A_631 : f32 to vector<16xf32>
        %mul3A_633 = arith.mulf %get3A_630, %mul3A_632 : vector<16xf32>
        %swap3A_634 = arith.index_cast %scan3A_220 : i32 to index
        %swap3A_635 = arith.constant 544 : index
        %swap3A_636 = tpu.vector_load %arg9[%swap3A_634, %swap3A_635] {strides = array<i32>} : memref<16x1024xf32, #tpu.memory_space<vmem>>, vector<1x16xf32>,
        %swap3A_637 = vector.shape_cast %swap3A_636 : vector<1x16xf32> to vector<16xf32>
        %swap3A_638 = vector.shape_cast %mul3A_633 : vector<16xf32> to vector<1x16xf32>
        tpu.vector_store %arg9[%swap3A_634, %swap3A_635], %swap3A_638 {strides = array<i32>} : memref<16x1024xf32, #tpu.memory_space<vmem>>, vector<1x16xf32>,
        %get3A_639 = arith.index_cast %scan3A_220 : i32 to index
        %get3A_640 = arith.constant 560 : index
        %get3A_641 = tpu.vector_load %arg9[%get3A_639, %get3A_640] {strides = array<i32>} : memref<16x1024xf32, #tpu.memory_space<vmem>>, vector<1x16xf32>,
        %get3A_642 = vector.shape_cast %get3A_641 : vector<1x16xf32> to vector<16xf32>
        %mul3A_643 = arith.constant 3.200000e+01 : f32
        %mul3A_644 = vector.broadcast %mul3A_643 : f32 to vector<16xf32>
        %mul3A_645 = arith.mulf %get3A_642, %mul3A_644 : vector<16xf32>
        %swap3A_646 = arith.index_cast %scan3A_220 : i32 to index
        %swap3A_647 = arith.constant 560 : index
        %swap3A_648 = tpu.vector_load %arg9[%swap3A_646, %swap3A_647] {strides = array<i32>} : memref<16x1024xf32, #tpu.memory_space<vmem>>, vector<1x16xf32>,
        %swap3A_649 = vector.shape_cast %swap3A_648 : vector<1x16xf32> to vector<16xf32>
        %swap3A_650 = vector.shape_cast %mul3A_645 : vector<16xf32> to vector<1x16xf32>
        tpu.vector_store %arg9[%swap3A_646, %swap3A_647], %swap3A_650 {strides = array<i32>} : memref<16x1024xf32, #tpu.memory_space<vmem>>, vector<1x16xf32>,
        %get3A_651 = arith.index_cast %scan3A_220 : i32 to index
        %get3A_652 = arith.constant 576 : index
        %get3A_653 = tpu.vector_load %arg9[%get3A_651, %get3A_652] {strides = array<i32>} : memref<16x1024xf32, #tpu.memory_space<vmem>>, vector<1x16xf32>,
        %get3A_654 = vector.shape_cast %get3A_653 : vector<1x16xf32> to vector<16xf32>
        %mul3A_655 = arith.constant 3.200000e+01 : f32
        %mul3A_656 = vector.broadcast %mul3A_655 : f32 to vector<16xf32>
        %mul3A_657 = arith.mulf %get3A_654, %mul3A_656 : vector<16xf32>
        %swap3A_658 = arith.index_cast %scan3A_220 : i32 to index
        %swap3A_659 = arith.constant 576 : index
        %swap3A_660 = tpu.vector_load %arg9[%swap3A_658, %swap3A_659] {strides = array<i32>} : memref<16x1024xf32, #tpu.memory_space<vmem>>, vector<1x16xf32>,
        %swap3A_661 = vector.shape_cast %swap3A_660 : vector<1x16xf32> to vector<16xf32>
        %swap3A_662 = vector.shape_cast %mul3A_657 : vector<16xf32> to vector<1x16xf32>
        tpu.vector_store %arg9[%swap3A_658, %swap3A_659], %swap3A_662 {strides = array<i32>} : memref<16x1024xf32, #tpu.memory_space<vmem>>, vector<1x16xf32>,
        %get3A_663 = arith.index_cast %scan3A_220 : i32 to index
        %get3A_664 = arith.constant 592 : index
        %get3A_665 = tpu.vector_load %arg9[%get3A_663, %get3A_664] {strides = array<i32>} : memref<16x1024xf32, #tpu.memory_space<vmem>>, vector<1x16xf32>,
        %get3A_666 = vector.shape_cast %get3A_665 : vector<1x16xf32> to vector<16xf32>
        %mul3A_667 = arith.constant 3.200000e+01 : f32
        %mul3A_668 = vector.broadcast %mul3A_667 : f32 to vector<16xf32>
        %mul3A_669 = arith.mulf %get3A_666, %mul3A_668 : vector<16xf32>
        %swap3A_670 = arith.index_cast %scan3A_220 : i32 to index
        %swap3A_671 = arith.constant 592 : index
        %swap3A_672 = tpu.vector_load %arg9[%swap3A_670, %swap3A_671] {strides = array<i32>} : memref<16x1024xf32, #tpu.memory_space<vmem>>, vector<1x16xf32>,
        %swap3A_673 = vector.shape_cast %swap3A_672 : vector<1x16xf32> to vector<16xf32>
        %swap3A_674 = vector.shape_cast %mul3A_669 : vector<16xf32> to vector<1x16xf32>
        tpu.vector_store %arg9[%swap3A_670, %swap3A_671], %swap3A_674 {strides = array<i32>} : memref<16x1024xf32, #tpu.memory_space<vmem>>, vector<1x16xf32>,
        %get3A_675 = arith.index_cast %scan3A_220 : i32 to index
        %get3A_676 = arith.constant 608 : index
        %get3A_677 = tpu.vector_load %arg9[%get3A_675, %get3A_676] {strides = array<i32>} : memref<16x1024xf32, #tpu.memory_space<vmem>>, vector<1x16xf32>,
        %get3A_678 = vector.shape_cast %get3A_677 : vector<1x16xf32> to vector<16xf32>
        %mul3A_679 = arith.constant 3.200000e+01 : f32
        %mul3A_680 = vector.broadcast %mul3A_679 : f32 to vector<16xf32>
        %mul3A_681 = arith.mulf %get3A_678, %mul3A_680 : vector<16xf32>
        %swap3A_682 = arith.index_cast %scan3A_220 : i32 to index
        %swap3A_683 = arith.constant 608 : index
        %swap3A_684 = tpu.vector_load %arg9[%swap3A_682, %swap3A_683] {strides = array<i32>} : memref<16x1024xf32, #tpu.memory_space<vmem>>, vector<1x16xf32>,
        %swap3A_685 = vector.shape_cast %swap3A_684 : vector<1x16xf32> to vector<16xf32>
        %swap3A_686 = vector.shape_cast %mul3A_681 : vector<16xf32> to vector<1x16xf32>
        tpu.vector_store %arg9[%swap3A_682, %swap3A_683], %swap3A_686 {strides = array<i32>} : memref<16x1024xf32, #tpu.memory_space<vmem>>, vector<1x16xf32>,
        %get3A_687 = arith.index_cast %scan3A_220 : i32 to index
        %get3A_688 = arith.constant 624 : index
        %get3A_689 = tpu.vector_load %arg9[%get3A_687, %get3A_688] {strides = array<i32>} : memref<16x1024xf32, #tpu.memory_space<vmem>>, vector<1x16xf32>,
        %get3A_690 = vector.shape_cast %get3A_689 : vector<1x16xf32> to vector<16xf32>
        %mul3A_691 = arith.constant 3.200000e+01 : f32
        %mul3A_692 = vector.broadcast %mul3A_691 : f32 to vector<16xf32>
        %mul3A_693 = arith.mulf %get3A_690, %mul3A_692 : vector<16xf32>
        %swap3A_694 = arith.index_cast %scan3A_220 : i32 to index
        %swap3A_695 = arith.constant 624 : index
        %swap3A_696 = tpu.vector_load %arg9[%swap3A_694, %swap3A_695] {strides = array<i32>} : memref<16x1024xf32, #tpu.memory_space<vmem>>, vector<1x16xf32>,
        %swap3A_697 = vector.shape_cast %swap3A_696 : vector<1x16xf32> to vector<16xf32>
        %swap3A_698 = vector.shape_cast %mul3A_693 : vector<16xf32> to vector<1x16xf32>
        tpu.vector_store %arg9[%swap3A_694, %swap3A_695], %swap3A_698 {strides = array<i32>} : memref<16x1024xf32, #tpu.memory_space<vmem>>, vector<1x16xf32>,
        %get3A_699 = arith.index_cast %scan3A_220 : i32 to index
        %get3A_700 = arith.constant 640 : index
        %get3A_701 = tpu.vector_load %arg9[%get3A_699, %get3A_700] {strides = array<i32>} : memref<16x1024xf32, #tpu.memory_space<vmem>>, vector<1x16xf32>,
        %get3A_702 = vector.shape_cast %get3A_701 : vector<1x16xf32> to vector<16xf32>
        %mul3A_703 = arith.constant 3.200000e+01 : f32
        %mul3A_704 = vector.broadcast %mul3A_703 : f32 to vector<16xf32>
        %mul3A_705 = arith.mulf %get3A_702, %mul3A_704 : vector<16xf32>
        %swap3A_706 = arith.index_cast %scan3A_220 : i32 to index
        %swap3A_707 = arith.constant 640 : index
        %swap3A_708 = tpu.vector_load %arg9[%swap3A_706, %swap3A_707] {strides = array<i32>} : memref<16x1024xf32, #tpu.memory_space<vmem>>, vector<1x16xf32>,
        %swap3A_709 = vector.shape_cast %swap3A_708 : vector<1x16xf32> to vector<16xf32>
        %swap3A_710 = vector.shape_cast %mul3A_705 : vector<16xf32> to vector<1x16xf32>
        tpu.vector_store %arg9[%swap3A_706, %swap3A_707], %swap3A_710 {strides = array<i32>} : memref<16x1024xf32, #tpu.memory_space<vmem>>, vector<1x16xf32>,
        %get3A_711 = arith.index_cast %scan3A_220 : i32 to index
        %get3A_712 = arith.constant 656 : index
        %get3A_713 = tpu.vector_load %arg9[%get3A_711, %get3A_712] {strides = array<i32>} : memref<16x1024xf32, #tpu.memory_space<vmem>>, vector<1x16xf32>,
        %get3A_714 = vector.shape_cast %get3A_713 : vector<1x16xf32> to vector<16xf32>
        %mul3A_715 = arith.constant 3.200000e+01 : f32
        %mul3A_716 = vector.broadcast %mul3A_715 : f32 to vector<16xf32>
        %mul3A_717 = arith.mulf %get3A_714, %mul3A_716 : vector<16xf32>
        %swap3A_718 = arith.index_cast %scan3A_220 : i32 to index
        %swap3A_719 = arith.constant 656 : index
        %swap3A_720 = tpu.vector_load %arg9[%swap3A_718, %swap3A_719] {strides = array<i32>} : memref<16x1024xf32, #tpu.memory_space<vmem>>, vector<1x16xf32>,
        %swap3A_721 = vector.shape_cast %swap3A_720 : vector<1x16xf32> to vector<16xf32>
        %swap3A_722 = vector.shape_cast %mul3A_717 : vector<16xf32> to vector<1x16xf32>
        tpu.vector_store %arg9[%swap3A_718, %swap3A_719], %swap3A_722 {strides = array<i32>} : memref<16x1024xf32, #tpu.memory_space<vmem>>, vector<1x16xf32>,
        %get3A_723 = arith.index_cast %scan3A_220 : i32 to index
        %get3A_724 = arith.constant 672 : index
        %get3A_725 = tpu.vector_load %arg9[%get3A_723, %get3A_724] {strides = array<i32>} : memref<16x1024xf32, #tpu.memory_space<vmem>>, vector<1x16xf32>,
        %get3A_726 = vector.shape_cast %get3A_725 : vector<1x16xf32> to vector<16xf32>
        %mul3A_727 = arith.constant 3.200000e+01 : f32
        %mul3A_728 = vector.broadcast %mul3A_727 : f32 to vector<16xf32>
        %mul3A_729 = arith.mulf %get3A_726, %mul3A_728 : vector<16xf32>
        %swap3A_730 = arith.index_cast %scan3A_220 : i32 to index
        %swap3A_731 = arith.constant 672 : index
        %swap3A_732 = tpu.vector_load %arg9[%swap3A_730, %swap3A_731] {strides = array<i32>} : memref<16x1024xf32, #tpu.memory_space<vmem>>, vector<1x16xf32>,
        %swap3A_733 = vector.shape_cast %swap3A_732 : vector<1x16xf32> to vector<16xf32>
        %swap3A_734 = vector.shape_cast %mul3A_729 : vector<16xf32> to vector<1x16xf32>
        tpu.vector_store %arg9[%swap3A_730, %swap3A_731], %swap3A_734 {strides = array<i32>} : memref<16x1024xf32, #tpu.memory_space<vmem>>, vector<1x16xf32>,
        %get3A_735 = arith.index_cast %scan3A_220 : i32 to index
        %get3A_736 = arith.constant 688 : index
        %get3A_737 = tpu.vector_load %arg9[%get3A_735, %get3A_736] {strides = array<i32>} : memref<16x1024xf32, #tpu.memory_space<vmem>>, vector<1x16xf32>,
        %get3A_738 = vector.shape_cast %get3A_737 : vector<1x16xf32> to vector<16xf32>
        %mul3A_739 = arith.constant 3.200000e+01 : f32
        %mul3A_740 = vector.broadcast %mul3A_739 : f32 to vector<16xf32>
        %mul3A_741 = arith.mulf %get3A_738, %mul3A_740 : vector<16xf32>
        %swap3A_742 = arith.index_cast %scan3A_220 : i32 to index
        %swap3A_743 = arith.constant 688 : index
        %swap3A_744 = tpu.vector_load %arg9[%swap3A_742, %swap3A_743] {strides = array<i32>} : memref<16x1024xf32, #tpu.memory_space<vmem>>, vector<1x16xf32>,
        %swap3A_745 = vector.shape_cast %swap3A_744 : vector<1x16xf32> to vector<16xf32>
        %swap3A_746 = vector.shape_cast %mul3A_741 : vector<16xf32> to vector<1x16xf32>
        tpu.vector_store %arg9[%swap3A_742, %swap3A_743], %swap3A_746 {strides = array<i32>} : memref<16x1024xf32, #tpu.memory_space<vmem>>, vector<1x16xf32>,
        %get3A_747 = arith.index_cast %scan3A_220 : i32 to index
        %get3A_748 = arith.constant 704 : index
        %get3A_749 = tpu.vector_load %arg9[%get3A_747, %get3A_748] {strides = array<i32>} : memref<16x1024xf32, #tpu.memory_space<vmem>>, vector<1x16xf32>,
        %get3A_750 = vector.shape_cast %get3A_749 : vector<1x16xf32> to vector<16xf32>
        %mul3A_751 = arith.constant 3.200000e+01 : f32
        %mul3A_752 = vector.broadcast %mul3A_751 : f32 to vector<16xf32>
        %mul3A_753 = arith.mulf %get3A_750, %mul3A_752 : vector<16xf32>
        %swap3A_754 = arith.index_cast %scan3A_220 : i32 to index
        %swap3A_755 = arith.constant 704 : index
        %swap3A_756 = tpu.vector_load %arg9[%swap3A_754, %swap3A_755] {strides = array<i32>} : memref<16x1024xf32, #tpu.memory_space<vmem>>, vector<1x16xf32>,
        %swap3A_757 = vector.shape_cast %swap3A_756 : vector<1x16xf32> to vector<16xf32>
        %swap3A_758 = vector.shape_cast %mul3A_753 : vector<16xf32> to vector<1x16xf32>
        tpu.vector_store %arg9[%swap3A_754, %swap3A_755], %swap3A_758 {strides = array<i32>} : memref<16x1024xf32, #tpu.memory_space<vmem>>, vector<1x16xf32>,
        %get3A_759 = arith.index_cast %scan3A_220 : i32 to index
        %get3A_760 = arith.constant 720 : index
        %get3A_761 = tpu.vector_load %arg9[%get3A_759, %get3A_760] {strides = array<i32>} : memref<16x1024xf32, #tpu.memory_space<vmem>>, vector<1x16xf32>,
        %get3A_762 = vector.shape_cast %get3A_761 : vector<1x16xf32> to vector<16xf32>
        %mul3A_763 = arith.constant 3.200000e+01 : f32
        %mul3A_764 = vector.broadcast %mul3A_763 : f32 to vector<16xf32>
        %mul3A_765 = arith.mulf %get3A_762, %mul3A_764 : vector<16xf32>
        %swap3A_766 = arith.index_cast %scan3A_220 : i32 to index
        %swap3A_767 = arith.constant 720 : index
        %swap3A_768 = tpu.vector_load %arg9[%swap3A_766, %swap3A_767] {strides = array<i32>} : memref<16x1024xf32, #tpu.memory_space<vmem>>, vector<1x16xf32>,
        %swap3A_769 = vector.shape_cast %swap3A_768 : vector<1x16xf32> to vector<16xf32>
        %swap3A_770 = vector.shape_cast %mul3A_765 : vector<16xf32> to vector<1x16xf32>
        tpu.vector_store %arg9[%swap3A_766, %swap3A_767], %swap3A_770 {strides = array<i32>} : memref<16x1024xf32, #tpu.memory_space<vmem>>, vector<1x16xf32>,
        %get3A_771 = arith.index_cast %scan3A_220 : i32 to index
        %get3A_772 = arith.constant 736 : index
        %get3A_773 = tpu.vector_load %arg9[%get3A_771, %get3A_772] {strides = array<i32>} : memref<16x1024xf32, #tpu.memory_space<vmem>>, vector<1x16xf32>,
        %get3A_774 = vector.shape_cast %get3A_773 : vector<1x16xf32> to vector<16xf32>
        %mul3A_775 = arith.constant 3.200000e+01 : f32
        %mul3A_776 = vector.broadcast %mul3A_775 : f32 to vector<16xf32>
        %mul3A_777 = arith.mulf %get3A_774, %mul3A_776 : vector<16xf32>
        %swap3A_778 = arith.index_cast %scan3A_220 : i32 to index
        %swap3A_779 = arith.constant 736 : index
        %swap3A_780 = tpu.vector_load %arg9[%swap3A_778, %swap3A_779] {strides = array<i32>} : memref<16x1024xf32, #tpu.memory_space<vmem>>, vector<1x16xf32>,
        %swap3A_781 = vector.shape_cast %swap3A_780 : vector<1x16xf32> to vector<16xf32>
        %swap3A_782 = vector.shape_cast %mul3A_777 : vector<16xf32> to vector<1x16xf32>
        tpu.vector_store %arg9[%swap3A_778, %swap3A_779], %swap3A_782 {strides = array<i32>} : memref<16x1024xf32, #tpu.memory_space<vmem>>, vector<1x16xf32>,
        %get3A_783 = arith.index_cast %scan3A_220 : i32 to index
        %get3A_784 = arith.constant 752 : index
        %get3A_785 = tpu.vector_load %arg9[%get3A_783, %get3A_784] {strides = array<i32>} : memref<16x1024xf32, #tpu.memory_space<vmem>>, vector<1x16xf32>,
        %get3A_786 = vector.shape_cast %get3A_785 : vector<1x16xf32> to vector<16xf32>
        %mul3A_787 = arith.constant 3.200000e+01 : f32
        %mul3A_788 = vector.broadcast %mul3A_787 : f32 to vector<16xf32>
        %mul3A_789 = arith.mulf %get3A_786, %mul3A_788 : vector<16xf32>
        %swap3A_790 = arith.index_cast %scan3A_220 : i32 to index
        %swap3A_791 = arith.constant 752 : index
        %swap3A_792 = tpu.vector_load %arg9[%swap3A_790, %swap3A_791] {strides = array<i32>} : memref<16x1024xf32, #tpu.memory_space<vmem>>, vector<1x16xf32>,
        %swap3A_793 = vector.shape_cast %swap3A_792 : vector<1x16xf32> to vector<16xf32>
        %swap3A_794 = vector.shape_cast %mul3A_789 : vector<16xf32> to vector<1x16xf32>
        tpu.vector_store %arg9[%swap3A_790, %swap3A_791], %swap3A_794 {strides = array<i32>} : memref<16x1024xf32, #tpu.memory_space<vmem>>, vector<1x16xf32>,
        %get3A_795 = arith.index_cast %scan3A_220 : i32 to index
        %get3A_796 = arith.constant 768 : index
        %get3A_797 = tpu.vector_load %arg9[%get3A_795, %get3A_796] {strides = array<i32>} : memref<16x1024xf32, #tpu.memory_space<vmem>>, vector<1x16xf32>,
        %get3A_798 = vector.shape_cast %get3A_797 : vector<1x16xf32> to vector<16xf32>
        %mul3A_799 = arith.constant 3.200000e+01 : f32
        %mul3A_800 = vector.broadcast %mul3A_799 : f32 to vector<16xf32>
        %mul3A_801 = arith.mulf %get3A_798, %mul3A_800 : vector<16xf32>
        %swap3A_802 = arith.index_cast %scan3A_220 : i32 to index
        %swap3A_803 = arith.constant 768 : index
        %swap3A_804 = tpu.vector_load %arg9[%swap3A_802, %swap3A_803] {strides = array<i32>} : memref<16x1024xf32, #tpu.memory_space<vmem>>, vector<1x16xf32>,
        %swap3A_805 = vector.shape_cast %swap3A_804 : vector<1x16xf32> to vector<16xf32>
        %swap3A_806 = vector.shape_cast %mul3A_801 : vector<16xf32> to vector<1x16xf32>
        tpu.vector_store %arg9[%swap3A_802, %swap3A_803], %swap3A_806 {strides = array<i32>} : memref<16x1024xf32, #tpu.memory_space<vmem>>, vector<1x16xf32>,
        %get3A_807 = arith.index_cast %scan3A_220 : i32 to index
        %get3A_808 = arith.constant 784 : index
        %get3A_809 = tpu.vector_load %arg9[%get3A_807, %get3A_808] {strides = array<i32>} : memref<16x1024xf32, #tpu.memory_space<vmem>>, vector<1x16xf32>,
        %get3A_810 = vector.shape_cast %get3A_809 : vector<1x16xf32> to vector<16xf32>
        %mul3A_811 = arith.constant 3.200000e+01 : f32
        %mul3A_812 = vector.broadcast %mul3A_811 : f32 to vector<16xf32>
        %mul3A_813 = arith.mulf %get3A_810, %mul3A_812 : vector<16xf32>
        %swap3A_814 = arith.index_cast %scan3A_220 : i32 to index
        %swap3A_815 = arith.constant 784 : index
        %swap3A_816 = tpu.vector_load %arg9[%swap3A_814, %swap3A_815] {strides = array<i32>} : memref<16x1024xf32, #tpu.memory_space<vmem>>, vector<1x16xf32>,
        %swap3A_817 = vector.shape_cast %swap3A_816 : vector<1x16xf32> to vector<16xf32>
        %swap3A_818 = vector.shape_cast %mul3A_813 : vector<16xf32> to vector<1x16xf32>
        tpu.vector_store %arg9[%swap3A_814, %swap3A_815], %swap3A_818 {strides = array<i32>} : memref<16x1024xf32, #tpu.memory_space<vmem>>, vector<1x16xf32>,
        %get3A_819 = arith.index_cast %scan3A_220 : i32 to index
        %get3A_820 = arith.constant 800 : index
        %get3A_821 = tpu.vector_load %arg9[%get3A_819, %get3A_820] {strides = array<i32>} : memref<16x1024xf32, #tpu.memory_space<vmem>>, vector<1x16xf32>,
        %get3A_822 = vector.shape_cast %get3A_821 : vector<1x16xf32> to vector<16xf32>
        %mul3A_823 = arith.constant 3.200000e+01 : f32
        %mul3A_824 = vector.broadcast %mul3A_823 : f32 to vector<16xf32>
        %mul3A_825 = arith.mulf %get3A_822, %mul3A_824 : vector<16xf32>
        %swap3A_826 = arith.index_cast %scan3A_220 : i32 to index
        %swap3A_827 = arith.constant 800 : index
        %swap3A_828 = tpu.vector_load %arg9[%swap3A_826, %swap3A_827] {strides = array<i32>} : memref<16x1024xf32, #tpu.memory_space<vmem>>, vector<1x16xf32>,
        %swap3A_829 = vector.shape_cast %swap3A_828 : vector<1x16xf32> to vector<16xf32>
        %swap3A_830 = vector.shape_cast %mul3A_825 : vector<16xf32> to vector<1x16xf32>
        tpu.vector_store %arg9[%swap3A_826, %swap3A_827], %swap3A_830 {strides = array<i32>} : memref<16x1024xf32, #tpu.memory_space<vmem>>, vector<1x16xf32>,
        %get3A_831 = arith.index_cast %scan3A_220 : i32 to index
        %get3A_832 = arith.constant 816 : index
        %get3A_833 = tpu.vector_load %arg9[%get3A_831, %get3A_832] {strides = array<i32>} : memref<16x1024xf32, #tpu.memory_space<vmem>>, vector<1x16xf32>,
        %get3A_834 = vector.shape_cast %get3A_833 : vector<1x16xf32> to vector<16xf32>
        %mul3A_835 = arith.constant 3.200000e+01 : f32
        %mul3A_836 = vector.broadcast %mul3A_835 : f32 to vector<16xf32>
        %mul3A_837 = arith.mulf %get3A_834, %mul3A_836 : vector<16xf32>
        %swap3A_838 = arith.index_cast %scan3A_220 : i32 to index
        %swap3A_839 = arith.constant 816 : index
        %swap3A_840 = tpu.vector_load %arg9[%swap3A_838, %swap3A_839] {strides = array<i32>} : memref<16x1024xf32, #tpu.memory_space<vmem>>, vector<1x16xf32>,
        %swap3A_841 = vector.shape_cast %swap3A_840 : vector<1x16xf32> to vector<16xf32>
        %swap3A_842 = vector.shape_cast %mul3A_837 : vector<16xf32> to vector<1x16xf32>
        tpu.vector_store %arg9[%swap3A_838, %swap3A_839], %swap3A_842 {strides = array<i32>} : memref<16x1024xf32, #tpu.memory_space<vmem>>, vector<1x16xf32>,
        %get3A_843 = arith.index_cast %scan3A_220 : i32 to index
        %get3A_844 = arith.constant 832 : index
        %get3A_845 = tpu.vector_load %arg9[%get3A_843, %get3A_844] {strides = array<i32>} : memref<16x1024xf32, #tpu.memory_space<vmem>>, vector<1x16xf32>,
        %get3A_846 = vector.shape_cast %get3A_845 : vector<1x16xf32> to vector<16xf32>
        %mul3A_847 = arith.constant 3.200000e+01 : f32
        %mul3A_848 = vector.broadcast %mul3A_847 : f32 to vector<16xf32>
        %mul3A_849 = arith.mulf %get3A_846, %mul3A_848 : vector<16xf32>
        %swap3A_850 = arith.index_cast %scan3A_220 : i32 to index
        %swap3A_851 = arith.constant 832 : index
        %swap3A_852 = tpu.vector_load %arg9[%swap3A_850, %swap3A_851] {strides = array<i32>} : memref<16x1024xf32, #tpu.memory_space<vmem>>, vector<1x16xf32>,
        %swap3A_853 = vector.shape_cast %swap3A_852 : vector<1x16xf32> to vector<16xf32>
        %swap3A_854 = vector.shape_cast %mul3A_849 : vector<16xf32> to vector<1x16xf32>
        tpu.vector_store %arg9[%swap3A_850, %swap3A_851], %swap3A_854 {strides = array<i32>} : memref<16x1024xf32, #tpu.memory_space<vmem>>, vector<1x16xf32>,
        %get3A_855 = arith.index_cast %scan3A_220 : i32 to index
        %get3A_856 = arith.constant 848 : index
        %get3A_857 = tpu.vector_load %arg9[%get3A_855, %get3A_856] {strides = array<i32>} : memref<16x1024xf32, #tpu.memory_space<vmem>>, vector<1x16xf32>,
        %get3A_858 = vector.shape_cast %get3A_857 : vector<1x16xf32> to vector<16xf32>
        %mul3A_859 = arith.constant 3.200000e+01 : f32
        %mul3A_860 = vector.broadcast %mul3A_859 : f32 to vector<16xf32>
        %mul3A_861 = arith.mulf %get3A_858, %mul3A_860 : vector<16xf32>
        %swap3A_862 = arith.index_cast %scan3A_220 : i32 to index
        %swap3A_863 = arith.constant 848 : index
        %swap3A_864 = tpu.vector_load %arg9[%swap3A_862, %swap3A_863] {strides = array<i32>} : memref<16x1024xf32, #tpu.memory_space<vmem>>, vector<1x16xf32>,
        %swap3A_865 = vector.shape_cast %swap3A_864 : vector<1x16xf32> to vector<16xf32>
        %swap3A_866 = vector.shape_cast %mul3A_861 : vector<16xf32> to vector<1x16xf32>
        tpu.vector_store %arg9[%swap3A_862, %swap3A_863], %swap3A_866 {strides = array<i32>} : memref<16x1024xf32, #tpu.memory_space<vmem>>, vector<1x16xf32>,
        %get3A_867 = arith.index_cast %scan3A_220 : i32 to index
        %get3A_868 = arith.constant 864 : index
        %get3A_869 = tpu.vector_load %arg9[%get3A_867, %get3A_868] {strides = array<i32>} : memref<16x1024xf32, #tpu.memory_space<vmem>>, vector<1x16xf32>,
        %get3A_870 = vector.shape_cast %get3A_869 : vector<1x16xf32> to vector<16xf32>
        %mul3A_871 = arith.constant 3.200000e+01 : f32
        %mul3A_872 = vector.broadcast %mul3A_871 : f32 to vector<16xf32>
        %mul3A_873 = arith.mulf %get3A_870, %mul3A_872 : vector<16xf32>
        %swap3A_874 = arith.index_cast %scan3A_220 : i32 to index
        %swap3A_875 = arith.constant 864 : index
        %swap3A_876 = tpu.vector_load %arg9[%swap3A_874, %swap3A_875] {strides = array<i32>} : memref<16x1024xf32, #tpu.memory_space<vmem>>, vector<1x16xf32>,
        %swap3A_877 = vector.shape_cast %swap3A_876 : vector<1x16xf32> to vector<16xf32>
        %swap3A_878 = vector.shape_cast %mul3A_873 : vector<16xf32> to vector<1x16xf32>
        tpu.vector_store %arg9[%swap3A_874, %swap3A_875], %swap3A_878 {strides = array<i32>} : memref<16x1024xf32, #tpu.memory_space<vmem>>, vector<1x16xf32>,
        %get3A_879 = arith.index_cast %scan3A_220 : i32 to index
        %get3A_880 = arith.constant 880 : index
        %get3A_881 = tpu.vector_load %arg9[%get3A_879, %get3A_880] {strides = array<i32>} : memref<16x1024xf32, #tpu.memory_space<vmem>>, vector<1x16xf32>,
        %get3A_882 = vector.shape_cast %get3A_881 : vector<1x16xf32> to vector<16xf32>
        %mul3A_883 = arith.constant 3.200000e+01 : f32
        %mul3A_884 = vector.broadcast %mul3A_883 : f32 to vector<16xf32>
        %mul3A_885 = arith.mulf %get3A_882, %mul3A_884 : vector<16xf32>
        %swap3A_886 = arith.index_cast %scan3A_220 : i32 to index
        %swap3A_887 = arith.constant 880 : index
        %swap3A_888 = tpu.vector_load %arg9[%swap3A_886, %swap3A_887] {strides = array<i32>} : memref<16x1024xf32, #tpu.memory_space<vmem>>, vector<1x16xf32>,
        %swap3A_889 = vector.shape_cast %swap3A_888 : vector<1x16xf32> to vector<16xf32>
        %swap3A_890 = vector.shape_cast %mul3A_885 : vector<16xf32> to vector<1x16xf32>
        tpu.vector_store %arg9[%swap3A_886, %swap3A_887], %swap3A_890 {strides = array<i32>} : memref<16x1024xf32, #tpu.memory_space<vmem>>, vector<1x16xf32>,
        %get3A_891 = arith.index_cast %scan3A_220 : i32 to index
        %get3A_892 = arith.constant 896 : index
        %get3A_893 = tpu.vector_load %arg9[%get3A_891, %get3A_892] {strides = array<i32>} : memref<16x1024xf32, #tpu.memory_space<vmem>>, vector<1x16xf32>,
        %get3A_894 = vector.shape_cast %get3A_893 : vector<1x16xf32> to vector<16xf32>
        %mul3A_895 = arith.constant 3.200000e+01 : f32
        %mul3A_896 = vector.broadcast %mul3A_895 : f32 to vector<16xf32>
        %mul3A_897 = arith.mulf %get3A_894, %mul3A_896 : vector<16xf32>
        %swap3A_898 = arith.index_cast %scan3A_220 : i32 to index
        %swap3A_899 = arith.constant 896 : index
        %swap3A_900 = tpu.vector_load %arg9[%swap3A_898, %swap3A_899] {strides = array<i32>} : memref<16x1024xf32, #tpu.memory_space<vmem>>, vector<1x16xf32>,
        %swap3A_901 = vector.shape_cast %swap3A_900 : vector<1x16xf32> to vector<16xf32>
        %swap3A_902 = vector.shape_cast %mul3A_897 : vector<16xf32> to vector<1x16xf32>
        tpu.vector_store %arg9[%swap3A_898, %swap3A_899], %swap3A_902 {strides = array<i32>} : memref<16x1024xf32, #tpu.memory_space<vmem>>, vector<1x16xf32>,
        %get3A_903 = arith.index_cast %scan3A_220 : i32 to index
        %get3A_904 = arith.constant 912 : index
        %get3A_905 = tpu.vector_load %arg9[%get3A_903, %get3A_904] {strides = array<i32>} : memref<16x1024xf32, #tpu.memory_space<vmem>>, vector<1x16xf32>,
        %get3A_906 = vector.shape_cast %get3A_905 : vector<1x16xf32> to vector<16xf32>
        %mul3A_907 = arith.constant 3.200000e+01 : f32
        %mul3A_908 = vector.broadcast %mul3A_907 : f32 to vector<16xf32>
        %mul3A_909 = arith.mulf %get3A_906, %mul3A_908 : vector<16xf32>
        %swap3A_910 = arith.index_cast %scan3A_220 : i32 to index
        %swap3A_911 = arith.constant 912 : index
        %swap3A_912 = tpu.vector_load %arg9[%swap3A_910, %swap3A_911] {strides = array<i32>} : memref<16x1024xf32, #tpu.memory_space<vmem>>, vector<1x16xf32>,
        %swap3A_913 = vector.shape_cast %swap3A_912 : vector<1x16xf32> to vector<16xf32>
        %swap3A_914 = vector.shape_cast %mul3A_909 : vector<16xf32> to vector<1x16xf32>
        tpu.vector_store %arg9[%swap3A_910, %swap3A_911], %swap3A_914 {strides = array<i32>} : memref<16x1024xf32, #tpu.memory_space<vmem>>, vector<1x16xf32>,
        %get3A_915 = arith.index_cast %scan3A_220 : i32 to index
        %get3A_916 = arith.constant 928 : index
        %get3A_917 = tpu.vector_load %arg9[%get3A_915, %get3A_916] {strides = array<i32>} : memref<16x1024xf32, #tpu.memory_space<vmem>>, vector<1x16xf32>,
        %get3A_918 = vector.shape_cast %get3A_917 : vector<1x16xf32> to vector<16xf32>
        %mul3A_919 = arith.constant 3.200000e+01 : f32
        %mul3A_920 = vector.broadcast %mul3A_919 : f32 to vector<16xf32>
        %mul3A_921 = arith.mulf %get3A_918, %mul3A_920 : vector<16xf32>
        %swap3A_922 = arith.index_cast %scan3A_220 : i32 to index
        %swap3A_923 = arith.constant 928 : index
        %swap3A_924 = tpu.vector_load %arg9[%swap3A_922, %swap3A_923] {strides = array<i32>} : memref<16x1024xf32, #tpu.memory_space<vmem>>, vector<1x16xf32>,
        %swap3A_925 = vector.shape_cast %swap3A_924 : vector<1x16xf32> to vector<16xf32>
        %swap3A_926 = vector.shape_cast %mul3A_921 : vector<16xf32> to vector<1x16xf32>
        tpu.vector_store %arg9[%swap3A_922, %swap3A_923], %swap3A_926 {strides = array<i32>} : memref<16x1024xf32, #tpu.memory_space<vmem>>, vector<1x16xf32>,
        %get3A_927 = arith.index_cast %scan3A_220 : i32 to index
        %get3A_928 = arith.constant 944 : index
        %get3A_929 = tpu.vector_load %arg9[%get3A_927, %get3A_928] {strides = array<i32>} : memref<16x1024xf32, #tpu.memory_space<vmem>>, vector<1x16xf32>,
        %get3A_930 = vector.shape_cast %get3A_929 : vector<1x16xf32> to vector<16xf32>
        %mul3A_931 = arith.constant 3.200000e+01 : f32
        %mul3A_932 = vector.broadcast %mul3A_931 : f32 to vector<16xf32>
        %mul3A_933 = arith.mulf %get3A_930, %mul3A_932 : vector<16xf32>
        %swap3A_934 = arith.index_cast %scan3A_220 : i32 to index
        %swap3A_935 = arith.constant 944 : index
        %swap3A_936 = tpu.vector_load %arg9[%swap3A_934, %swap3A_935] {strides = array<i32>} : memref<16x1024xf32, #tpu.memory_space<vmem>>, vector<1x16xf32>,
        %swap3A_937 = vector.shape_cast %swap3A_936 : vector<1x16xf32> to vector<16xf32>
        %swap3A_938 = vector.shape_cast %mul3A_933 : vector<16xf32> to vector<1x16xf32>
        tpu.vector_store %arg9[%swap3A_934, %swap3A_935], %swap3A_938 {strides = array<i32>} : memref<16x1024xf32, #tpu.memory_space<vmem>>, vector<1x16xf32>,
        %get3A_939 = arith.index_cast %scan3A_220 : i32 to index
        %get3A_940 = arith.constant 960 : index
        %get3A_941 = tpu.vector_load %arg9[%get3A_939, %get3A_940] {strides = array<i32>} : memref<16x1024xf32, #tpu.memory_space<vmem>>, vector<1x16xf32>,
        %get3A_942 = vector.shape_cast %get3A_941 : vector<1x16xf32> to vector<16xf32>
        %mul3A_943 = arith.constant 3.200000e+01 : f32
        %mul3A_944 = vector.broadcast %mul3A_943 : f32 to vector<16xf32>
        %mul3A_945 = arith.mulf %get3A_942, %mul3A_944 : vector<16xf32>
        %swap3A_946 = arith.index_cast %scan3A_220 : i32 to index
        %swap3A_947 = arith.constant 960 : index
        %swap3A_948 = tpu.vector_load %arg9[%swap3A_946, %swap3A_947] {strides = array<i32>} : memref<16x1024xf32, #tpu.memory_space<vmem>>, vector<1x16xf32>,
        %swap3A_949 = vector.shape_cast %swap3A_948 : vector<1x16xf32> to vector<16xf32>
        %swap3A_950 = vector.shape_cast %mul3A_945 : vector<16xf32> to vector<1x16xf32>
        tpu.vector_store %arg9[%swap3A_946, %swap3A_947], %swap3A_950 {strides = array<i32>} : memref<16x1024xf32, #tpu.memory_space<vmem>>, vector<1x16xf32>,
        %get3A_951 = arith.index_cast %scan3A_220 : i32 to index
        %get3A_952 = arith.constant 976 : index
        %get3A_953 = tpu.vector_load %arg9[%get3A_951, %get3A_952] {strides = array<i32>} : memref<16x1024xf32, #tpu.memory_space<vmem>>, vector<1x16xf32>,
        %get3A_954 = vector.shape_cast %get3A_953 : vector<1x16xf32> to vector<16xf32>
        %mul3A_955 = arith.constant 3.200000e+01 : f32
        %mul3A_956 = vector.broadcast %mul3A_955 : f32 to vector<16xf32>
        %mul3A_957 = arith.mulf %get3A_954, %mul3A_956 : vector<16xf32>
        %swap3A_958 = arith.index_cast %scan3A_220 : i32 to index
        %swap3A_959 = arith.constant 976 : index
        %swap3A_960 = tpu.vector_load %arg9[%swap3A_958, %swap3A_959] {strides = array<i32>} : memref<16x1024xf32, #tpu.memory_space<vmem>>, vector<1x16xf32>,
        %swap3A_961 = vector.shape_cast %swap3A_960 : vector<1x16xf32> to vector<16xf32>
        %swap3A_962 = vector.shape_cast %mul3A_957 : vector<16xf32> to vector<1x16xf32>
        tpu.vector_store %arg9[%swap3A_958, %swap3A_959], %swap3A_962 {strides = array<i32>} : memref<16x1024xf32, #tpu.memory_space<vmem>>, vector<1x16xf32>,
        %get3A_963 = arith.index_cast %scan3A_220 : i32 to index
        %get3A_964 = arith.constant 992 : index
        %get3A_965 = tpu.vector_load %arg9[%get3A_963, %get3A_964] {strides = array<i32>} : memref<16x1024xf32, #tpu.memory_space<vmem>>, vector<1x16xf32>,
        %get3A_966 = vector.shape_cast %get3A_965 : vector<1x16xf32> to vector<16xf32>
        %mul3A_967 = arith.constant 3.200000e+01 : f32
        %mul3A_968 = vector.broadcast %mul3A_967 : f32 to vector<16xf32>
        %mul3A_969 = arith.mulf %get3A_966, %mul3A_968 : vector<16xf32>
        %swap3A_970 = arith.index_cast %scan3A_220 : i32 to index
        %swap3A_971 = arith.constant 992 : index
        %swap3A_972 = tpu.vector_load %arg9[%swap3A_970, %swap3A_971] {strides = array<i32>} : memref<16x1024xf32, #tpu.memory_space<vmem>>, vector<1x16xf32>,
        %swap3A_973 = vector.shape_cast %swap3A_972 : vector<1x16xf32> to vector<16xf32>
        %swap3A_974 = vector.shape_cast %mul3A_969 : vector<16xf32> to vector<1x16xf32>
        tpu.vector_store %arg9[%swap3A_970, %swap3A_971], %swap3A_974 {strides = array<i32>} : memref<16x1024xf32, #tpu.memory_space<vmem>>, vector<1x16xf32>,
        %get3A_975 = arith.index_cast %scan3A_220 : i32 to index
        %get3A_976 = arith.constant 1008 : index
        %get3A_977 = tpu.vector_load %arg9[%get3A_975, %get3A_976] {strides = array<i32>} : memref<16x1024xf32, #tpu.memory_space<vmem>>, vector<1x16xf32>,
        %get3A_978 = vector.shape_cast %get3A_977 : vector<1x16xf32> to vector<16xf32>
        %mul3A_979 = arith.constant 3.200000e+01 : f32
        %mul3A_980 = vector.broadcast %mul3A_979 : f32 to vector<16xf32>
        %mul3A_981 = arith.mulf %get3A_978, %mul3A_980 : vector<16xf32>
        %swap3A_982 = arith.index_cast %scan3A_220 : i32 to index
        %swap3A_983 = arith.constant 1008 : index
        %swap3A_984 = tpu.vector_load %arg9[%swap3A_982, %swap3A_983] {strides = array<i32>} : memref<16x1024xf32, #tpu.memory_space<vmem>>, vector<1x16xf32>,
        %swap3A_985 = vector.shape_cast %swap3A_984 : vector<1x16xf32> to vector<16xf32>
        %swap3A_986 = vector.shape_cast %mul3A_981 : vector<16xf32> to vector<1x16xf32>
        tpu.vector_store %arg9[%swap3A_982, %swap3A_983], %swap3A_986 {strides = array<i32>} : memref<16x1024xf32, #tpu.memory_space<vmem>>, vector<1x16xf32>,
      }
      %scan3A_210 = arith.constant 16 : i32
      %mul3A_211 = arith.constant 16 : i32
      %mul3A_212 = arith.muli %add3A_182, %mul3A_211 : i32
      %add3A_213 = arith.addi %mul3A_32, %mul3A_212 : i32
      %dma_start3A_214 = arith.constant 0 : i32
      %dma_start3A_215 = tpu.memref_slice %arg4[%select_n3A, %add3A_213, %dma_start3A_214] : memref<4x4096x1024xf32, #tpu.memory_space<hbm>> -> memref<1x16x1024xf32, #tpu.memory_space<hbm>>
      %dma_start3A_216 = tpu.memref_squeeze %dma_start3A_215 : memref<1x16x1024xf32, #tpu.memory_space<hbm>> -> memref<16x1024xf32, #tpu.memory_space<hbm>>
      %dma_start3A_217 = arith.constant 0 : i32
      %dma_start3A_218 = tpu.memref_slice %arg4[%select_n3A, %add3A_213, %dma_start3A_217] : memref<4x4096x1024xf32, #tpu.memory_space<hbm>> -> memref<1x16x1024xf32, #tpu.memory_space<hbm>>
      %dma_start3A_219 = tpu.memref_squeeze %dma_start3A_218 : memref<1x16x1024xf32, #tpu.memory_space<hbm>> -> memref<16x1024xf32, #tpu.memory_space<hbm>>
      tpu.enqueue_dma source(%arg9 : memref<16x1024xf32, #tpu.memory_space<vmem>>) target(%dma_start3A_219 : memref<16x1024xf32, #tpu.memory_space<hbm>>) target_semaphore(%arg17 : memref<!tpu.dma_semaphore, #tpu.memory_space<semaphore_mem>>)
    }
    %scan3A_48 = arith.constant 8 : i32
    %add3A_49 = arith.constant 480 : i32
    %add3A_50 = arith.addi %mul3A_32, %add3A_49 : i32
    %dma_wait3A = arith.constant 0 : i32
    %dma_wait3A_51 = tpu.memref_slice %arg4[%select_n3A, %add3A_50, %dma_wait3A] : memref<4x4096x1024xf32, #tpu.memory_space<hbm>> -> memref<1x16x1024xf32, #tpu.memory_space<hbm>>
    %dma_wait3A_52 = tpu.memref_squeeze %dma_wait3A_51 : memref<1x16x1024xf32, #tpu.memory_space<hbm>> -> memref<16x1024xf32, #tpu.memory_space<hbm>>
    %dma_wait3A_53 = arith.constant 0 : i32
    %dma_wait3A_54 = tpu.memref_slice %arg4[%select_n3A, %add3A_50, %dma_wait3A_53] : memref<4x4096x1024xf32, #tpu.memory_space<hbm>> -> memref<1x16x1024xf32, #tpu.memory_space<hbm>>
    %dma_wait3A_55 = tpu.memref_squeeze %dma_wait3A_54 : memref<1x16x1024xf32, #tpu.memory_space<hbm>> -> memref<16x1024xf32, #tpu.memory_space<hbm>>
    tpu.wait_dma2 semaphore(%arg16 : memref<!tpu.dma_semaphore, #tpu.memory_space<semaphore_mem>>) src(%arg8 : memref<16x1024xf32, #tpu.memory_space<vmem>>) dst(%dma_wait3A_55 : memref<16x1024xf32, #tpu.memory_space<hbm>>)
    %add3A_56 = arith.constant 496 : i32
    %add3A_57 = arith.addi %mul3A_32, %add3A_56 : i32
    %dma_wait3A_58 = arith.constant 0 : i32
    %dma_wait3A_59 = tpu.memref_slice %arg4[%select_n3A, %add3A_57, %dma_wait3A_58] : memref<4x4096x1024xf32, #tpu.memory_space<hbm>> -> memref<1x16x1024xf32, #tpu.memory_space<hbm>>
    %dma_wait3A_60 = tpu.memref_squeeze %dma_wait3A_59 : memref<1x16x1024xf32, #tpu.memory_space<hbm>> -> memref<16x1024xf32, #tpu.memory_space<hbm>>
    %dma_wait3A_61 = arith.constant 0 : i32
    %dma_wait3A_62 = tpu.memref_slice %arg4[%select_n3A, %add3A_57, %dma_wait3A_61] : memref<4x4096x1024xf32, #tpu.memory_space<hbm>> -> memref<1x16x1024xf32, #tpu.memory_space<hbm>>
    %dma_wait3A_63 = tpu.memref_squeeze %dma_wait3A_62 : memref<1x16x1024xf32, #tpu.memory_space<hbm>> -> memref<16x1024xf32, #tpu.memory_space<hbm>>
    tpu.wait_dma2 semaphore(%arg17 : memref<!tpu.dma_semaphore, #tpu.memory_space<semaphore_mem>>) src(%arg9 : memref<16x1024xf32, #tpu.memory_space<vmem>>) dst(%dma_wait3A_63 : memref<16x1024xf32, #tpu.memory_space<hbm>>)
    return
  }
}

</mosaic_0001>

<sc_bundles>
// kernel: kernel.3.cloned.1.call-start
scs
__scs_entry_jumppad:
0x0: {  	(pc) =	sbr.rel $0x88, $3  }
0x1: {  	(tag) =	ssettag $0x0;
	lr =	simm.s32 $0x1  }
0x2: {  	[smem:$0x3F9F] =	sst lr;
	_ =	strace $0xD0000000  }
0x3: {  	_ = 	snop  }
0x4: {  	_ = 	snop  }
0x5: {  	_ = 	snop  }
0x6: {  	_ = 	snop  }
0x7: {  	_ = 	snop  }
__scs_overlays_trampoline_lowered:
0x8: {  	[smem:$0x3FAE] =	sst s0  }
0x9: {  	[smem:$0x3FAF] =	sst s1  }
0xa: {  	[smem:$0x3FB0] =	sst s2  }
0xb: {  	[smem:$0x3FB1] =	sst s3  }
0xc: {  	[smem:$0x3FB2] =	sst s4  }
0xd: {  	[smem:$0x3FB3] =	sst s5  }
0xe: {  	[smem:$0x3FB4] =	sst s6  }
0xf: {  	[smem:$0x3FB5] =	sst s7  }
0x10: {  	[smem:$0x3FB6] =	sst s8  }
0x11: {  	[smem:$0x3FB7] =	sst s9;
	s0 =	simm.s32 @!p0 $0x0  }
0x12: {  	s1 =	sld [smem:$0x3F9D];
	s0 =	simm.s32 @p0 $0x1  }
0x13: {  	[smem:$0x3FB8] =	sst s0;
	s0 =	simm.s32 @!p1 $0x0  }
0x14: {  	s2 =	sld [smem:$0x3F9C];
	s0 =	simm.s32 @p1 $0x1  }
0x15: {  	[smem:$0x3FB9] =	sst s0;
	s0 =	simm.s32 @!p2 $0x0  }
0x16: {  	s3 =	sld [smem:$0x3FDB];
	s0 =	simm.s32 @p2 $0x1  }
0x17: {  	s4 =	simm.s32 $0x1BF5;
	[smem:$0x3FBB] =	sst s0  }
0x18: {  	s0 =	sld [smem:$0x3F9E];
	_ =	swait.ge [sflag:s4], $0x0  }
0x19: {  	s7 =	sld [smem:$0x3F9F]  }
0x1a: {  	s8 =	sadd.s32 $0xFFFFE003, lr  }
0x1b: {  	s9 =	sadd.s32 $0xFFFFFEF7, lr;
	s5 =	simm.s32 $0xFFFFFFFF;
	p2 =	slt.u32 s8, $0xFFFFF086  }
0x1c: {  	p1 =	slt.u32 s9, $0xF7A;
	s5 =	simm.s32 @!p2 $0x0  }
0x1d: {  	s5 =	simm.s32 @p1 $0x1;
	p0 =	seq.s32 s7, s2  }
0x1e: {  	s7 =	smul.u32 @!p0 $0xF7A, s2;
	p2 =	seq.s32 @!p0 s5, $0x0  }
0x1f: {  	s9 =	smul.u32 $0xF7A, s1;
	s8 =	simm.s32 @!p0 $0x1BF5;
	p2 =	por !p2, p0  }
0x20: {  	[sflag:s8] =	ssyncset.s32 @!p0 $0xFFFFF086;
	s6 =	sadd.s32 @!p0 s3, s7;
	s7 =	simm.s32 @!p0 $0x108  }
0x21: {  	s3 =	sadd.s32 s3, s9;
	s6 =	sadd.s32 @!p0 $0x88, s6;
	s7 =	simm.s32 @p2 $0x1082  }
0x22: {  	[simem:s7], [sflag:s8] =	dma.local @!p0 [hbm:s6], $0xF7A  }
0x23: {  	s9 =	sor.u32 $0xD0000000, s2;
	s6 =	simm.s32 $0x108;
	_ =	swait.ge @!p0 [sflag:s8], $0x0  }
0x24: {  	s3 =	sadd.s32 $0x88, s3;
	s6 =	simm.s32 @!p1 $0x1082;
	[sflag:s4] =	ssyncset.s32 $0xFFFFF086  }
0x25: {  	[simem:s6], [sflag:s4] =	dma.local [hbm:s3], $0xF7A  }
0x26: {  	[smem:$0x3F9F] =	sst s1;
	(tag) =	ssettag s2;
	_ =	strace s9  }
0x27: {  	s1 =	sld [smem:$0x3FAF]  }
0x28: {  	s2 =	sld [smem:$0x3FB0]  }
0x29: {  	s4 =	sld [smem:$0x3FB2]  }
0x2a: {  	p0 =	seq.s32 s5, $0x0;
	s5 =	sld [smem:$0x3FB3]  }
0x2b: {  	s6 =	sld [smem:$0x3FB4]  }
0x2c: {  	s7 =	sld [smem:$0x3FB5]  }
0x2d: {  	s3 =	simm.s32 $0x108;
	s8 =	sld [smem:$0x3FB6]  }
0x2e: {  	s3 =	simm.s32 @!p0 $0x1082;
	s9 =	sld [smem:$0x3FB7]  }
0x2f: {  	lr =	sadd.s32 s0, s3;
	s0 =	sld [smem:$0x3FAE]  }
0x30: {  	s3 =	sld [smem:$0x3FB1]  }
0x31: {  	[smem:$0x3FBA] =	sst s10  }
0x32: {  	s10 =	sld [smem:$0x3FB8];
	_ =	sdelay $0x3  }
0x33: {  	p0 =	seq.s32 s10, $0x1;
	s10 =	sld [smem:$0x3FBA];
	_ =	sdelay $0x3  }
0x34: {  	[smem:$0x3FBA] =	sst s10  }
0x35: {  	s10 =	sld [smem:$0x3FB9];
	_ =	sdelay $0x3  }
0x36: {  	p1 =	seq.s32 s10, $0x1;
	s10 =	sld [smem:$0x3FBA];
	_ =	sdelay $0x3  }
0x37: {  	[smem:$0x3FBA] =	sst s10  }
0x38: {  	s10 =	sld [smem:$0x3FBB]  }
0x39: {  	_ = 	snop;
	(pc) =	sbr.ind lr, $3  }
0x3a: {  	_ = 	snop  }
0x3b: {  	_ = 	snop  }
0x3c: {  	p2 =	seq.s32 s10, $0x1;
	s10 =	sld [smem:$0x3FBA]  }
0x3d: {  	_ =	shalt  }
0x3e: {  	_ =	shalt  }
0x3f: {  	_ =	shalt  }
0x40: {  	_ =	shalt  }
0x41: {  	_ =	shalt  }
0x42: {  	_ =	shalt  }
0x43: {  	_ =	shalt  }
0x44: {  	_ =	shalt  }
0x45: {  	_ =	shalt  }
0x46: {  	_ =	shalt  }
0x47: {  	_ =	shalt  }
0x48: {  	_ =	shalt  }
0x49: {  	_ =	shalt  }
0x4a: {  	_ =	shalt  }
0x4b: {  	_ =	shalt  }
0x4c: {  	_ =	shalt  }
0x4d: {  	_ =	shalt  }
0x4e: {  	_ =	shalt  }
0x4f: {  	_ =	shalt  }
0x50: {  	_ =	shalt  }
0x51: {  	_ =	shalt  }
0x52: {  	_ =	shalt  }
0x53: {  	_ =	shalt  }
0x54: {  	_ =	shalt  }
0x55: {  	_ =	shalt  }
0x56: {  	_ =	shalt  }
0x57: {  	_ =	shalt  }
0x58: {  	_ =	shalt  }
0x59: {  	_ =	shalt  }
0x5a: {  	_ =	shalt  }
0x5b: {  	_ =	shalt  }
0x5c: {  	_ =	shalt  }
0x5d: {  	_ =	shalt  }
0x5e: {  	_ =	shalt  }
0x5f: {  	_ =	shalt  }
0x60: {  	_ =	shalt  }
0x61: {  	_ =	shalt  }
0x62: {  	_ =	shalt  }
0x63: {  	_ =	shalt  }
0x64: {  	_ =	shalt  }
0x65: {  	_ =	shalt  }
0x66: {  	_ =	shalt  }
0x67: {  	_ =	shalt  }
0x68: {  	_ =	shalt  }
0x69: {  	_ =	shalt  }
0x6a: {  	_ =	shalt  }
0x6b: {  	_ =	shalt  }
0x6c: {  	_ =	shalt  }
0x6d: {  	_ =	shalt  }
0x6e: {  	_ =	shalt  }
0x6f: {  	_ =	shalt  }
0x70: {  	_ =	shalt  }
0x71: {  	_ =	shalt  }
0x72: {  	_ =	shalt  }
0x73: {  	_ =	shalt  }
0x74: {  	_ =	shalt  }
0x75: {  	_ =	shalt  }
0x76: {  	_ =	shalt  }
0x77: {  	_ =	shalt  }
0x78: {  	_ =	shalt  }
0x79: {  	_ =	shalt  }
0x7a: {  	_ =	shalt  }
0x7b: {  	_ =	shalt  }
0x7c: {  	_ =	shalt  }
0x7d: {  	_ =	shalt  }
0x7e: {  	_ =	shalt  }
0x7f: {  	_ =	shalt  }
0x80: {  	_ =	shalt  }
0x81: {  	_ =	shalt  }
0x82: {  	_ =	shalt  }
0x83: {  	_ =	shalt  }
0x84: {  	_ =	shalt  }
0x85: {  	_ =	shalt  }
0x86: {  	_ =	shalt  }
0x87: {  	_ =	shalt  }
.Lfunc_end0:
.L_simem_size_0:
called_computation_lowered:
.L_overlay_start_0:
0x88: {  	s2 =	sld [smem:$0x3FD9]  }
0x89: {  	s3 =	sld [smem:$0x3FFE];
	_ =	sdelay $0x1  }
0x8a: {  	s1 =	srdreg.scid  }
0x8b: {  	s0 =	sand.u32 $0x1, s1  }
0x8c: {  	s18 =	sshll.u32 s0, $0xA;
	s2 =	sadd.s32 s3, s2  }
0x8d: {  	s2 =	sadd.s32 s2, s18  }
0x8e: {  	[smem:$0x3FC6] =	sst s2  }
0x8f: {  	_ = 	snop  }
0x90: {  	s2 =	sld [smem:$0x3FC9]  }
0x91: {  	s19 =	sld [smem:$0x3FC8]  }
0x92: {  	s4 =	sld [smem:$0x3FD0];
	(tm) =	ssettm $0x1  }
0x93: {  	s5 =	sld [smem:$0x3FFB];
	_ =	sdelay $0x3  }
0x94: {  	_ =	strace s5  }
0x95: {  	s5 =	sld [smem:$0x3FFC];
	_ =	sdelay $0x3  }
0x96: {  	_ =	strace s5  }
0x97: {  	s5 =	sld [smem:$0x3FFD];
	_ =	sdelay $0x3  }
0x98: {  	_ =	strace s5  }
0x99: {  	_ =	strace $0x8FFFFFFF  }
0x9a: {  	s20 =	sld [smem:$0x3FDB];
	_ =	sdelay $0x1  }
0x9b: {  	s6 =	simm.s32 $_scs_section_size  }
0x9c: {  	s7 =	simm.s32 $_size__tile_overlayer_lowered;
	s8 =	simm.s32 $_tile_overlayer_lowered  }
0x9d: {  	s23 =	simm.s32 $0x1BFF;
	s22 =	sshll.u32 s8, $0x1;
	s5 =	sadd.s32 s6, s20  }
0x9e: {  	s9 =	simm.s32 $0x0;
	s21 =	sshll.u32 s7, $0x1;
	s7 =	sadd.s32 s22, s5  }
0x9f: {  	[timem:s9], [sflag:s23] =	dma.local [hbm:s7], s21  }
0xa0: {  	_ =	swait.ge [sflag:s23], s21  }
0xa1: {  	s6 =	ssub.s32 $0x0, s21;
	[sflag:s23] =	ssyncset.done $0x0  }
0xa2: {  	[sflag:s23] =	ssyncadd.s32 s6;
	_ =	sdelay $0x1  }
0xa3: {  	s24 =	simm.s32 $0x1B8B  }
0xa4: {  	_ =	swait.ge [sflag:s24], $0x1  }
0xa5: {  	[sflag:s24] =	ssyncset.done $0x0  }
0xa6: {  	s25 =	simm.s32 $0x1B8E;
	[sflag:s24] =	ssyncadd.s32 $0xFFFFFFFF  }
0xa7: {  	s26 =	simm.s32 $execute0_lowered;
	[smem:$0x3FD2] =	sst s25  }
0xa8: {  	s6 =	sshll.u32 s26, $0x1;
	_ =	strace $0x80000046;
	[dreg:$0x1] =	wrdreg $0xFFFFFFFF  }
0xa9: {  	s28 =	simm.s32 $_size_execute0_lowered;
	s5 =	sadd.s32 s5, s6;
	[dreg:$0x0] =	wrdreg $0x0  }
0xaa: {  	s6 =	sshll.u32 s28, $0x1;
	[dreg:$0x2] =	wrdreg s5  }
0xab: {  	[dreg:$0x3] =	wrdreg s6  }
0xac: {  	[dreg:$0x4] =	wrdreg $0xC0  }
0xad: {  	_ =	task [dreg:s9], $0x5FFFF  }
0xae: {  	[dreg:$0x1] =	wrdreg $0xFFFFFFFF  }
0xaf: {  	[dreg:$0x0] =	wrdreg $0x60  }
0xb0: {  	[dreg:$0x2] =	wrdreg s19  }
0xb1: {  	[dreg:$0x3] =	wrdreg s2  }
0xb2: {  	[dreg:$0x4] =	wrdreg s4  }
0xb3: {  	[dreg:$0x5] =	wrdreg $0x9  }
0xb4: {  	_ =	task.clear_ibuf [dreg:s9], $0x6FFFF;
	_ =	strace $0x90000046  }
0xb5: {  	s29 =	simm.s32 $0x9;
	_ =	strace $0x80000048  }
0xb6: {  	_ =	swait.ge [sflag:s29], $0x1  }
0xb7: {  	[sflag:s29] =	ssyncadd.s32 $0xFFFFFFFF  }
0xb8: {  	_ =	strace $0x90000048  }
0xb9: {  	_ =	sfence  }
0xba: {  	s30 =	sld [smem:$0x0];
	_ =	sdelay $0x2  }
0xbb: {  	s31 =	sshll.u32 s1, $0xD;
	s1 =	sshrl.u32 s1, $0x2  }
0xbc: {  	s3 =	sand.u32 $0x4000, s31;
	s1 =	sadd.s32 s1, s30  }
0xbd: {  	s0 =	sor.u32 s3, s0;
	s1 =	sshll.u32 s1, $0x11  }
0xbe: {  	s0 =	sor.u32 s1, s0  }
0xbf: {  	s0 =	sadd.s32 $0x8F2B, s0  }
0xc0: {  	[sflag:s0] =	ssyncadd.remote.s32 $0x1  }
0xc1: {  	_ =	sfence.sel $0xFFFF  }
0xc2: {  	[dreg:$0x0] =	wrdreg $0xFFFFFFFF;
	(pc) =	sbr.abs _section_cstart, $3  }
0xc3: {  	[dreg:$0x1] =	wrdreg $0xFFFFFFFF  }
0xc4: {  	_ =	task.clear_ibuf [dreg:s9], $0x2FFFF;
	_ =	strace $0x9FFFFFFF  }
0xc5: {  	(tm) =	ssettm $0x7FFFFFFF  }
tec
execute0_lowered:
.L_overlay_start_1:
0x0: {  	(tag) =	ssettag $0x1  }
0x1: {  	s2 =	rddreg [dreg:$0x0]  }
0x2: {  	s0 =	rddreg [dreg:$0x1]  }
0x3: {  	s3 =	rddreg [dreg:$0x2]  }
0x4: {  	s6 =	stileid.u32;
	s1 =	srdreg.scid  }
0x5: {  	s4 =	simm.s32 $0x0;
	s15 =	simm.s32 $0x200;
	s23 =	simm.s32 $0x4200  }
0x6: {  	s24 =	simm.s32 $0x1;
	s25 =	simm.s32 $0xC200;
	s13 =	simm.s32 $0x2  }
0x7: {  	s14 =	simm.s32 $0x3;
	s16 =	simm.s32 $0x6;
	s17 =	simm.s32 $0x4  }
0x8: {  	s19 =	simm.s32 $0x0;
	s5 =	sshll.u32 s6, $0x1;
	s1 =	sand.u32 $0x1, s1  }
0x9: {  	[smem:$0x7FF] =	sst s4;
	s6 =	sshrl.u32 s6, $0x2;
	s9 =	sadd.s32 $0x300, s2  }
0xa: {  	s5 =	sand.u32 $0x6, s5;
	s7 =	sshll.u32 s6, $0x4;
	_ =	strace $0x80000047  }
0xb: {  	s11 =	sshll.u32 s6, $0x16;
	s10 =	sor.u32 s1, s5;
	s1 =	ssub.s32 $0x2, s1  }
0xc: {  	s6 =	simm.s32 $0x5;
	s5 =	sshll.u32 s10, $0x8;
	s8 =	sshrl.u32 s1, $0x1  }
0xd: {  	s30 =	sshll.u32 s10, $0x13;
	s7 =	sor.u32 s7, s5;
	s1 =	ssub.s32 s1, s8  }
0xe: {  	s5 =	sshll.u32 s10, $0x9;
	s8 =	sadd.s32 $0x200, s2;
	s0 =	sadd.s32 s0, s7  }
0xf: {  	v2 =	vlaneseq.u32;
	s12 =	sor.u32 s11, s30;
	s31 =	smax.u32 s1, $0x1;
	[dreg:$0x4] =	wrdreg s0  }
0x10: {  	vm0 =	vmmov $0xffff;
	v1 =	vshrl.u32 v2, $0x3;
	s10 =	simm.s32 $0xFA00;
	s0 =	sadd.s32 $0x40, s0;
	[dreg:$0x6] =	wrdreg s31  }
0x11: {  	v0 =	vand.u32 $0x7, v2;
	v2 =	vor.u32 $0x8, v2;
	v1 =	vmul.u32 $0x8, v1;
	s7 =	sadd.s32 $0x100, s2;
	s1 =	simm.s32 $0x8200;
	[dreg:$0x5] =	wrdreg s0  }
.LBB2_1:
0x12: {  	[dreg:$0x7] =	wrdreg s19  }
0x13: {  	s0 =	rddreg [dreg:$0x4];
	s18 =	simm.s32 $0x9  }
0x14: {  	[tilespmem:s4], [sflag:$0x9] =	stream.linear.gather [hbm4b:s0+s4], $0x80, $0x38;
	[tilespmem:$0x10200] =	vst v63  }
0x15: {  	_ =	swait.ge [sflag:s18], $0x80  }
0x16: {  	[sflag:s18] =	ssyncset.done $0x0  }
0x17: {  	[sflag:s18] =	ssyncadd.s32 $0xFFFFFF80  }
0x18: {  	v3 =	vld [tilespmem:$0x0];
	_ =	sdelay $0x4  }
0x19: {  	v4 =	vshll.u32 v3, $0x3  }
0x1a: {  	v3 =	vand.u32 $0x7, v3;
	v4 =	vand.u32 $0xFFFFFFC0, v4  }
0x1b: {  	v3 =	vor.u32 v3, v4  }
0x1c: {  	v4 =	vperm.xlane v3, v0;
	_ =	sdelay $0x1  }
0x1d: {  	v4 =	vadd.s32 v1, v4;
	_ =	sdelay $0x4  }
0x1e: {  	[tilespmem:s15], [sflag:$0x1] =	stream.indirect_vreg.gather [hbm4b:s2+s4], $0x80, v4, vm0, $0xb8;
	[tilespmem:$0x10200] =	vst v63  }
0x1f: {  	s21 =	simm.s32 $0xA00;
	v3 =	vperm.xlane v3, v2  }
0x20: {  	[tilespmem:s21], [sflag:$0x1] =	stream.indirect_vreg.gather [hbm4b:s7+s4], $0x80, v4, vm0, $0xb8;
	[tilespmem:$0x10200] =	vst v63  }
0x21: {  	s22 =	simm.s32 $0x1200;
	v3 =	vadd.s32 v1, v3  }
0x22: {  	[tilespmem:s22], [sflag:$0x1] =	stream.indirect_vreg.gather [hbm4b:s8+s4], $0x80, v4, vm0, $0xb8;
	[tilespmem:$0x10200] =	vst v63  }
0x23: {  	s26 =	simm.s32 $0x1A00  }
0x24: {  	[tilespmem:s26], [sflag:$0x1] =	stream.indirect_vreg.gather [hbm4b:s9+s4], $0x80, v4, vm0, $0xb8;
	[tilespmem:$0x10200] =	vst v63  }
0x25: {  	s28 =	simm.s32 $0x2200  }
0x26: {  	[tilespmem:s28], [sflag:$0x1] =	stream.indirect_vreg.gather [hbm4b:s2+s4], $0x80, v3, vm0, $0xb8;
	[tilespmem:$0x10200] =	vst v63  }
0x27: {  	s29 =	simm.s32 $0x2A00  }
0x28: {  	[tilespmem:s29], [sflag:$0x1] =	stream.indirect_vreg.gather [hbm4b:s7+s4], $0x80, v3, vm0, $0xb8;
	[tilespmem:$0x10200] =	vst v63  }
0x29: {  	s30 =	simm.s32 $0x3200  }
0x2a: {  	[tilespmem:s30], [sflag:$0x1] =	stream.indirect_vreg.gather [hbm4b:s8+s4], $0x80, v3, vm0, $0xb8;
	[tilespmem:$0x10200] =	vst v63  }
0x2b: {  	s31 =	simm.s32 $0x3A00  }
0x2c: {  	[tilespmem:s31], [sflag:$0x1] =	stream.indirect_vreg.gather [hbm4b:s9+s4], $0x80, v3, vm0, $0xb8;
	[tilespmem:$0x10200] =	vst v63  }
0x2d: {  	v3 =	vld [tilespmem:$0x10];
	_ =	sdelay $0x4  }
0x2e: {  	v63 =	vshll.u32 v3, $0x3  }
0x2f: {  	v3 =	vand.u32 $0x7, v3;
	v4 =	vand.u32 $0xFFFFFFC0, v63  }
0x30: {  	v3 =	vor.u32 v3, v4  }
0x31: {  	v4 =	vperm.xlane v3, v0;
	_ =	sdelay $0x1  }
0x32: {  	v4 =	vadd.s32 v1, v4;
	_ =	sdelay $0x4  }
0x33: {  	[tilespmem:s23], [sflag:$0x2] =	stream.indirect_vreg.gather [hbm4b:s2+s4], $0x80, v4, vm0, $0xb8;
	[tilespmem:$0x10200] =	vst v63  }
0x34: {  	s19 =	simm.s32 $0x4A00;
	v3 =	vperm.xlane v3, v2  }
0x35: {  	[tilespmem:s19], [sflag:$0x2] =	stream.indirect_vreg.gather [hbm4b:s7+s4], $0x80, v4, vm0, $0xb8;
	[tilespmem:$0x10200] =	vst v63  }
0x36: {  	s20 =	simm.s32 $0x5200;
	v3 =	vadd.s32 v1, v3  }
0x37: {  	[tilespmem:s20], [sflag:$0x2] =	stream.indirect_vreg.gather [hbm4b:s8+s4], $0x80, v4, vm0, $0xb8;
	[tilespmem:$0x10200] =	vst v63  }
0x38: {  	s21 =	simm.s32 $0x5A00  }
0x39: {  	[tilespmem:s21], [sflag:$0x2] =	stream.indirect_vreg.gather [hbm4b:s9+s4], $0x80, v4, vm0, $0xb8;
	[tilespmem:$0x10200] =	vst v63  }
0x3a: {  	s22 =	simm.s32 $0x6200  }
0x3b: {  	[tilespmem:s22], [sflag:$0x2] =	stream.indirect_vreg.gather [hbm4b:s2+s4], $0x80, v3, vm0, $0xb8;
	[tilespmem:$0x10200] =	vst v63  }
0x3c: {  	s26 =	simm.s32 $0x6A00  }
0x3d: {  	[tilespmem:s26], [sflag:$0x2] =	stream.indirect_vreg.gather [hbm4b:s7+s4], $0x80, v3, vm0, $0xb8;
	[tilespmem:$0x10200] =	vst v63  }
0x3e: {  	s28 =	simm.s32 $0x7200  }
0x3f: {  	[tilespmem:s28], [sflag:$0x2] =	stream.indirect_vreg.gather [hbm4b:s8+s4], $0x80, v3, vm0, $0xb8;
	[tilespmem:$0x10200] =	vst v63  }
0x40: {  	s29 =	simm.s32 $0x7A00  }
0x41: {  	[tilespmem:s29], [sflag:$0x2] =	stream.indirect_vreg.gather [hbm4b:s9+s4], $0x80, v3, vm0, $0xb8;
	[tilespmem:$0x10200] =	vst v63  }
0x42: {  	s30 =	rddreg [dreg:$0x5];
	s31 =	simm.s32 $0x80  }
0x43: {  	[tilespmem:s31], [sflag:$0x9] =	stream.strided.gather [hbm4b:s30+s31], $0x180, s15, s31, $0x38;
	[tilespmem:$0x10200] =	vst v63  }
0x44: {  	_ =	swait.ge [sflag:s18], $0x180  }
0x45: {  	[sflag:s18] =	ssyncset.done $0x0  }
0x46: {  	[sflag:s18] =	ssyncadd.s32 $0xFFFFFE80;
	s18 =	simm.s32 $0x0  }
.LBB2_2:
0x47: {  	p0 =	seq.s32 s18, $0x0  }
0x48: {  	s19 =	simm.s32 @!p0 $0x7  }
0x49: {  	_ =	swait.ge @!p0 [sflag:s19], $0x4000  }
0x4a: {  	[sflag:s19] =	ssyncset.done @!p0 $0x0  }
0x4b: {  	s21 =	sshll.u32 s18, $0x6;
	[sflag:s19] =	ssyncadd.s32 @!p0 $0xFFFFC000  }
0x4c: {  	v3 =	vld [tilespmem:s21+$0x20];
	_ =	sdelay $0x4  }
0x4d: {  	v4 =	vshll.u32 v3, $0x3  }
0x4e: {  	v3 =	vand.u32 $0x7, v3;
	v4 =	vand.u32 $0xFFFFFFC0, v4  }
0x4f: {  	v3 =	vor.u32 v3, v4  }
0x50: {  	v4 =	vperm.xlane v3, v0;
	_ =	sdelay $0x1  }
0x51: {  	v4 =	vadd.s32 v1, v4;
	_ =	sdelay $0x3  }
0x52: {  	s19 =	simm.s32 $0x0  }
0x53: {  	[tilespmem:s1], [sflag:$0x3] =	stream.indirect_vreg.gather [hbm4b:s2+s19], $0x80, v4, vm0, $0xb8;
	[tilespmem:$0x10200] =	vst v63  }
0x54: {  	s0 =	simm.s32 $0x8A00;
	v3 =	vperm.xlane v3, v2  }
0x55: {  	[tilespmem:s0], [sflag:$0x3] =	stream.indirect_vreg.gather [hbm4b:s7+s19], $0x80, v4, vm0, $0xb8;
	[tilespmem:$0x10200] =	vst v63  }
0x56: {  	s20 =	simm.s32 $0x9200;
	v3 =	vadd.s32 v1, v3  }
0x57: {  	[tilespmem:s20], [sflag:$0x3] =	stream.indirect_vreg.gather [hbm4b:s8+s19], $0x80, v4, vm0, $0xb8;
	[tilespmem:$0x10200] =	vst v63  }
0x58: {  	s22 =	simm.s32 $0x9A00  }
0x59: {  	[tilespmem:s22], [sflag:$0x3] =	stream.indirect_vreg.gather [hbm4b:s9+s19], $0x80, v4, vm0, $0xb8;
	[tilespmem:$0x10200] =	vst v63  }
0x5a: {  	s26 =	simm.s32 $0xA200  }
0x5b: {  	[tilespmem:s26], [sflag:$0x3] =	stream.indirect_vreg.gather [hbm4b:s2+s19], $0x80, v3, vm0, $0xb8;
	[tilespmem:$0x10200] =	vst v63  }
0x5c: {  	s29 =	simm.s32 $0xAA00  }
0x5d: {  	[tilespmem:s29], [sflag:$0x3] =	stream.indirect_vreg.gather [hbm4b:s7+s19], $0x80, v3, vm0, $0xb8;
	[tilespmem:$0x10200] =	vst v63  }
0x5e: {  	s30 =	simm.s32 $0xB200  }
0x5f: {  	[tilespmem:s30], [sflag:$0x3] =	stream.indirect_vreg.gather [hbm4b:s8+s19], $0x80, v3, vm0, $0xb8;
	[tilespmem:$0x10200] =	vst v63  }
0x60: {  	s31 =	simm.s32 $0xBA00  }
0x61: {  	[tilespmem:s31], [sflag:$0x3] =	stream.indirect_vreg.gather [hbm4b:s9+s19], $0x80, v3, vm0, $0xb8;
	[tilespmem:$0x10200] =	vst v63  }
0x62: {  	_ =	swait.ge [sflag:s24], $0x4000  }
0x63: {  	s28 =	simm.s32 $0x0;
	s20 =	sor.u32 $0x20, s21;
	[sflag:s24] =	ssyncset.done $0x0  }
0x64: {  	s22 =	simm.s32 $0xFFFFC000;
	s26 =	simm.s32 $0x0;
	[sflag:s24] =	ssyncadd.s32 $0xFFFFC000  }
.LBB2_3:
0x65: {  	s29 =	sadd.s32 $0x4000, s22  }
0x66: {  	s30 =	sand.u32 $0x380, s28;
	s29 =	sand.u32 $0x2000, s29  }
0x67: {  	s29 =	sor.u32 s30, s29  }
0x68: {  	v3 =	vld [tilespmem:s29+$0x200]  }
0x69: {  	v4 =	vld [tilespmem:s29+$0x210]  }
0x6a: {  	v6 =	vld [tilespmem:s29+$0x230]  }
0x6b: {  	v8 =	vld [tilespmem:s29+$0x260]  }
0x6c: {  	v5 =	vld [tilespmem:s29+$0x220]  }
0x6d: {  	v43 =	vld [tilespmem:s29+$0x600];
	v3 =	vmul.f32 $3.200000000e+01, v3  }
0x6e: {  	v7 =	vld [tilespmem:s29+$0x250];
	v4 =	vmul.f32 $3.200000000e+01, v4  }
0x6f: {  	v46 =	vld [tilespmem:s29+$0x620];
	v44 =	vmul.f32 $3.200000000e+01, v6;
	[tilespmem:s29+$0x200] =	vst v3  }
0x70: {  	v9 =	vld [tilespmem:s29+$0x270];
	v47 =	vmul.f32 $3.200000000e+01, v8;
	[tilespmem:s29+$0x210] =	vst v4  }
0x71: {  	v49 =	vld [tilespmem:s29+$0x650];
	v3 =	vmul.f32 $3.200000000e+01, v5;
	[tilespmem:s29+$0x230] =	vst v44  }
0x72: {  	v45 =	vld [tilespmem:s29+$0x610];
	v50 =	vmul.f32 $3.200000000e+01, v43;
	[tilespmem:s29+$0x260] =	vst v47  }
0x73: {  	v52 =	vld [tilespmem:s29+$0x670];
	[tilespmem:s29+$0x220] =	vst v3;
	v3 =	vmul.f32 $3.200000000e+01, v7  }
0x74: {  	v48 =	vld [tilespmem:s29+$0x630];
	v53 =	vmul.f32 $3.200000000e+01, v46;
	[tilespmem:s29+$0x600] =	vst v50  }
0x75: {  	v55 =	vld [tilespmem:s29+$0xA10];
	[tilespmem:s29+$0x250] =	vst v3;
	v3 =	vmul.f32 $3.200000000e+01, v9  }
0x76: {  	v51 =	vld [tilespmem:s29+$0x660];
	v56 =	vmul.f32 $3.200000000e+01, v49;
	[tilespmem:s29+$0x620] =	vst v53  }
0x77: {  	v58 =	vld [tilespmem:s29+$0xA30];
	[tilespmem:s29+$0x270] =	vst v3;
	v3 =	vmul.f32 $3.200000000e+01, v45  }
0x78: {  	v54 =	vld [tilespmem:s29+$0xA00];
	v59 =	vmul.f32 $3.200000000e+01, v52;
	[tilespmem:s29+$0x650] =	vst v56  }
0x79: {  	v61 =	vld [tilespmem:s29+$0xA60];
	[tilespmem:s29+$0x610] =	vst v3;
	v3 =	vmul.f32 $3.200000000e+01, v48  }
0x7a: {  	v57 =	vld [tilespmem:s29+$0xA20];
	v62 =	vmul.f32 $3.200000000e+01, v55;
	[tilespmem:s29+$0x670] =	vst v59  }
0x7b: {  	v12 =	vld [tilespmem:s29+$0xE00];
	[tilespmem:s29+$0x630] =	vst v3;
	v3 =	vmul.f32 $3.200000000e+01, v51  }
0x7c: {  	v60 =	vld [tilespmem:s29+$0xA50];
	v13 =	vmul.f32 $3.200000000e+01, v58;
	[tilespmem:s29+$0xA10] =	vst v62  }
0x7d: {  	v15 =	vld [tilespmem:s29+$0xE20];
	[tilespmem:s29+$0x660] =	vst v3;
	v3 =	vmul.f32 $3.200000000e+01, v54  }
0x7e: {  	v63 =	vld [tilespmem:s29+$0xA70];
	v16 =	vmul.f32 $3.200000000e+01, v61;
	[tilespmem:s29+$0xA30] =	vst v13  }
0x7f: {  	v18 =	vld [tilespmem:s29+$0xE50];
	[tilespmem:s29+$0xA00] =	vst v3;
	v3 =	vmul.f32 $3.200000000e+01, v57  }
0x80: {  	v14 =	vld [tilespmem:s29+$0xE10];
	v19 =	vmul.f32 $3.200000000e+01, v12;
	[tilespmem:s29+$0xA60] =	vst v16  }
0x81: {  	v21 =	vld [tilespmem:s29+$0xE70];
	[tilespmem:s29+$0xA20] =	vst v3;
	v3 =	vmul.f32 $3.200000000e+01, v60  }
0x82: {  	v17 =	vld [tilespmem:s29+$0xE30];
	v22 =	vmul.f32 $3.200000000e+01, v15;
	[tilespmem:s29+$0xE00] =	vst v19  }
0x83: {  	v24 =	vld [tilespmem:s29+$0x1210];
	[tilespmem:s29+$0xA50] =	vst v3;
	v3 =	vmul.f32 $3.200000000e+01, v63  }
0x84: {  	v20 =	vld [tilespmem:s29+$0xE60];
	v25 =	vmul.f32 $3.200000000e+01, v18;
	[tilespmem:s29+$0xE20] =	vst v22  }
0x85: {  	v27 =	vld [tilespmem:s29+$0x1230];
	[tilespmem:s29+$0xA70] =	vst v3;
	v3 =	vmul.f32 $3.200000000e+01, v14  }
0x86: {  	v23 =	vld [tilespmem:s29+$0x1200];
	v28 =	vmul.f32 $3.200000000e+01, v21;
	[tilespmem:s29+$0xE50] =	vst v25  }
0x87: {  	v30 =	vld [tilespmem:s29+$0x1260];
	[tilespmem:s29+$0xE10] =	vst v3;
	v3 =	vmul.f32 $3.200000000e+01, v17  }
0x88: {  	v26 =	vld [tilespmem:s29+$0x1220];
	v31 =	vmul.f32 $3.200000000e+01, v24;
	[tilespmem:s29+$0xE70] =	vst v28  }
0x89: {  	v33 =	vld [tilespmem:s29+$0x1600];
	[tilespmem:s29+$0xE30] =	vst v3;
	v3 =	vmul.f32 $3.200000000e+01, v20  }
0x8a: {  	v29 =	vld [tilespmem:s29+$0x1250];
	v34 =	vmul.f32 $3.200000000e+01, v27;
	[tilespmem:s29+$0x1210] =	vst v31  }
0x8b: {  	v36 =	vld [tilespmem:s29+$0x1620];
	[tilespmem:s29+$0xE60] =	vst v3;
	v3 =	vmul.f32 $3.200000000e+01, v23  }
0x8c: {  	v32 =	vld [tilespmem:s29+$0x1270];
	v37 =	vmul.f32 $3.200000000e+01, v30;
	[tilespmem:s29+$0x1230] =	vst v34  }
0x8d: {  	v39 =	vld [tilespmem:s29+$0x1650];
	[tilespmem:s29+$0x1200] =	vst v3;
	v3 =	vmul.f32 $3.200000000e+01, v26  }
0x8e: {  	v35 =	vld [tilespmem:s29+$0x1610];
	v40 =	vmul.f32 $3.200000000e+01, v33;
	[tilespmem:s29+$0x1260] =	vst v37  }
0x8f: {  	v42 =	vld [tilespmem:s29+$0x1670];
	[tilespmem:s29+$0x1220] =	vst v3;
	v3 =	vmul.f32 $3.200000000e+01, v29  }
0x90: {  	v38 =	vld [tilespmem:s29+$0x1630];
	v43 =	vmul.f32 $3.200000000e+01, v36;
	[tilespmem:s29+$0x1600] =	vst v40  }
0x91: {  	v47 =	vld [tilespmem:s29+$0x1A20];
	[tilespmem:s29+$0x1250] =	vst v3;
	v3 =	vmul.f32 $3.200000000e+01, v32  }
0x92: {  	v41 =	vld [tilespmem:s29+$0x1660];
	v46 =	vmul.f32 $3.200000000e+01, v39;
	[tilespmem:s29+$0x1620] =	vst v43  }
0x93: {  	v50 =	vld [tilespmem:s29+$0x1A50];
	[tilespmem:s29+$0x1270] =	vst v3;
	v3 =	vmul.f32 $3.200000000e+01, v35  }
0x94: {  	v49 =	vmul.f32 $3.200000000e+01, v42;
	v44 =	vld [tilespmem:s29+$0x1A00];
	[tilespmem:s29+$0x1650] =	vst v46  }
0x95: {  	v53 =	vld [tilespmem:s29+$0x1A70];
	[tilespmem:s29+$0x1610] =	vst v3;
	v3 =	vmul.f32 $3.200000000e+01, v38  }
0x96: {  	[tilespmem:s29+$0x1670] =	vst v49;
	v7 =	vmul.f32 $3.200000000e+01, v47;
	v45 =	vld [tilespmem:s29+$0x1A10]  }
0x97: {  	v48 =	vld [tilespmem:s29+$0x1A30];
	[tilespmem:s29+$0x1630] =	vst v3;
	v3 =	vmul.f32 $3.200000000e+01, v41  }
0x98: {  	v9 =	vmul.f32 $3.200000000e+01, v50;
	[tilespmem:s29+$0x1A20] =	vst v7;
	v51 =	vld [tilespmem:s29+$0x1A60]  }
0x99: {  	[tilespmem:s29+$0x1660] =	vst v3;
	v3 =	vmul.f32 $3.200000000e+01, v44  }
0x9a: {  	v58 =	vld [tilespmem:s29+$0x1640];
	v6 =	vmul.f32 $3.200000000e+01, v53;
	[tilespmem:s29+$0x1A50] =	vst v9  }
0x9b: {  	v52 =	vmul.f32 $3.200000000e+01, v45;
	[tilespmem:s29+$0x1A00] =	vst v3;
	v3 =	vld [tilespmem:s29+$0x240]  }
0x9c: {  	s0 =	sand.u32 $0x7, s19;
	v56 =	vld [tilespmem:s29+$0xE40];
	[tilespmem:s29+$0x1A70] =	vst v6;
	v8 =	vmul.f32 $3.200000000e+01, v48  }
0x9d: {  	s30 =	sshll.u32 s0, $0x7;
	v55 =	vld [tilespmem:s29+$0xA40];
	[tilespmem:s29+$0x1A10] =	vst v52;
	v5 =	vmul.f32 $3.200000000e+01, v51  }
0x9e: {  	s30 =	sadd.s32 s30, s26;
	v54 =	vld [tilespmem:s29+$0x640];
	[tilespmem:s29+$0x1A30] =	vst v8  }
0x9f: {  	s31 =	sor.u32 $0x1C00, s30;
	v62 =	vmul.f32 $3.200000000e+01, v58;
	v57 =	vld [tilespmem:s29+$0x1240];
	[tilespmem:s29+$0x1A60] =	vst v5  }
0xa0: {  	v60 =	vld [tilespmem:s31+$0x200];
	v3 =	vmul.f32 $3.200000000e+01, v3  }
0xa1: {  	v59 =	vld [tilespmem:s29+$0x1A40];
	v61 =	vmul.f32 $3.200000000e+01, v56;
	[tilespmem:s29+$0x1640] =	vst v62  }
0xa2: {  	[tilespmem:s29+$0x240] =	vst v3;
	v3 =	vmul.f32 $3.200000000e+01, v55  }
0xa3: {  	[tilespmem:s29+$0xE40] =	vst v61;
	v4 =	vmul.f32 $3.200000000e+01, v54  }
0xa4: {  	[tilespmem:s29+$0xA40] =	vst v3;
	v3 =	vmul.f32 $3.200000000e+01, v57  }
0xa5: {  	[tilespmem:s29+$0x640] =	vst v4;
	v63 =	vmul.f32 $3.200000000e+01, v60  }
0xa6: {  	[tilespmem:s29+$0x1240] =	vst v3;
	v3 =	vmul.f32 $3.200000000e+01, v59  }
0xa7: {  	[tilespmem:s31+$0x200] =	vst v63  }
0xa8: {  	s31 =	sor.u32 $0x1C10, s30;
	[tilespmem:s29+$0x1A40] =	vst v3  }
0xa9: {  	v3 =	vld [tilespmem:s31+$0x200];
	_ =	sdelay $0x4  }
0xaa: {  	v3 =	vmul.f32 $3.200000000e+01, v3;
	_ =	sdelay $0x1  }
0xab: {  	s0 =	sor.u32 $0x1C20, s30;
	[tilespmem:s31+$0x200] =	vst v3  }
0xac: {  	v3 =	vld [tilespmem:s0+$0x200];
	_ =	sdelay $0x4  }
0xad: {  	v3 =	vmul.f32 $3.200000000e+01, v3;
	_ =	sdelay $0x1  }
0xae: {  	s31 =	sor.u32 $0x1C30, s30;
	[tilespmem:s0+$0x200] =	vst v3  }
0xaf: {  	v3 =	vld [tilespmem:s31+$0x200];
	_ =	sdelay $0x4  }
0xb0: {  	v3 =	vmul.f32 $3.200000000e+01, v3;
	_ =	sdelay $0x1  }
0xb1: {  	s0 =	sor.u32 $0x1C40, s30;
	[tilespmem:s31+$0x200] =	vst v3  }
0xb2: {  	v3 =	vld [tilespmem:s0+$0x200];
	_ =	sdelay $0x4  }
0xb3: {  	v3 =	vmul.f32 $3.200000000e+01, v3;
	_ =	sdelay $0x1  }
0xb4: {  	s31 =	sor.u32 $0x1C50, s30;
	[tilespmem:s0+$0x200] =	vst v3  }
0xb5: {  	v3 =	vld [tilespmem:s31+$0x200];
	_ =	sdelay $0x4  }
0xb6: {  	v3 =	vmul.f32 $3.200000000e+01, v3;
	_ =	sdelay $0x1  }
0xb7: {  	s0 =	sor.u32 $0x1C60, s30;
	[tilespmem:s31+$0x200] =	vst v3  }
0xb8: {  	v3 =	vld [tilespmem:s0+$0x200];
	_ =	sdelay $0x4  }
0xb9: {  	v3 =	vmul.f32 $3.200000000e+01, v3;
	_ =	sdelay $0x1  }
0xba: {  	s31 =	sor.u32 $0x1C70, s30;
	[tilespmem:s0+$0x200] =	vst v3  }
0xbb: {  	v3 =	vld [tilespmem:s31+$0x200];
	_ =	sdelay $0x1  }
0xbc: {  	p1 =	sne.s32 s28, $0x780  }
.Ltmp0:
0xbd: {  	_ = 	snop;
	(pc) =	sbr.rel @p1 .LBB2_3-.Ltmp0, $4  }
0xbe: {  	_ = 	snop  }
0xbf: {  	v3 =	vmul.f32 $3.200000000e+01, v3  }
0xc0: {  	s19 =	sadd.s32 $0x1, s19  }
0xc1: {  	s22 =	sadd.s32 $0x400, s22;
	s28 =	sadd.s32 $0x80, s28;
	s26 =	sadd.s32 $0x400, s26;
	[tilespmem:s31+$0x200] =	vst v3  }
0xc2: {  	s19 =	sshll.u32 s18, $0x10  }
0xc3: {  	s19 =	sadd.s32 s12, s19  }
0xc4: {  	s19 =	sshrl.u32 s19, $0x3  }
0xc5: {  	s19 =	sadd.s32 s3, s19  }
0xc6: {  	[hbm4b:s19+s4] =	stream.linear.scatter [tilespmem:s15], [sflag:$0x5], $0x4000, $0x38;
	[tilespmem:$0x10200] =	vst v63  }
0xc7: {  	s19 =	simm.s32 @!p0 $0x8  }
0xc8: {  	_ =	swait.ge @!p0 [sflag:s19], $0x4000  }
0xc9: {  	[sflag:s19] =	ssyncset.done @!p0 $0x0  }
0xca: {  	[sflag:s19] =	ssyncadd.s32 @!p0 $0xFFFFC000;
	s19 =	sor.u32 $0x30, s21  }
0xcb: {  	v3 =	vld [tilespmem:s19+$0x0];
	_ =	sdelay $0x4  }
0xcc: {  	v4 =	vshll.u32 v3, $0x3  }
0xcd: {  	v3 =	vand.u32 $0x7, v3;
	v4 =	vand.u32 $0xFFFFFFC0, v4  }
0xce: {  	v3 =	vor.u32 v3, v4  }
0xcf: {  	v4 =	vperm.xlane v3, v0;
	_ =	sdelay $0x1  }
0xd0: {  	v4 =	vadd.s32 v1, v4;
	_ =	sdelay $0x3  }
0xd1: {  	s22 =	simm.s32 $0x0  }
0xd2: {  	[tilespmem:s25], [sflag:$0x4] =	stream.indirect_vreg.gather [hbm4b:s2+s22], $0x80, v4, vm0, $0xb8;
	[tilespmem:$0x10200] =	vst v63  }
0xd3: {  	s0 =	simm.s32 $0xCA00;
	v3 =	vperm.xlane v3, v2  }
0xd4: {  	[tilespmem:s0], [sflag:$0x4] =	stream.indirect_vreg.gather [hbm4b:s7+s22], $0x80, v4, vm0, $0xb8;
	[tilespmem:$0x10200] =	vst v63  }
0xd5: {  	s30 =	simm.s32 $0xD200;
	v3 =	vadd.s32 v1, v3  }
0xd6: {  	[tilespmem:s30], [sflag:$0x4] =	stream.indirect_vreg.gather [hbm4b:s8+s22], $0x80, v4, vm0, $0xb8;
	[tilespmem:$0x10200] =	vst v63  }
0xd7: {  	s31 =	simm.s32 $0xDA00  }
0xd8: {  	[tilespmem:s31], [sflag:$0x4] =	stream.indirect_vreg.gather [hbm4b:s9+s22], $0x80, v4, vm0, $0xb8;
	[tilespmem:$0x10200] =	vst v63  }
0xd9: {  	s26 =	simm.s32 $0xE200  }
0xda: {  	[tilespmem:s26], [sflag:$0x4] =	stream.indirect_vreg.gather [hbm4b:s2+s22], $0x80, v3, vm0, $0xb8;
	[tilespmem:$0x10200] =	vst v63  }
0xdb: {  	s30 =	simm.s32 $0xEA00  }
0xdc: {  	[tilespmem:s30], [sflag:$0x4] =	stream.indirect_vreg.gather [hbm4b:s7+s22], $0x80, v3, vm0, $0xb8;
	[tilespmem:$0x10200] =	vst v63  }
0xdd: {  	s31 =	simm.s32 $0xF200  }
0xde: {  	[tilespmem:s31], [sflag:$0x4] =	stream.indirect_vreg.gather [hbm4b:s8+s22], $0x80, v3, vm0, $0xb8;
	[tilespmem:$0x10200] =	vst v63  }
0xdf: {  	_ = 	snop  }
0xe0: {  	[tilespmem:s10], [sflag:$0x4] =	stream.indirect_vreg.gather [hbm4b:s9+s22], $0x80, v3, vm0, $0xb8;
	[tilespmem:$0x10200] =	vst v63  }
0xe1: {  	_ =	swait.ge [sflag:s13], $0x4000  }
0xe2: {  	s28 =	simm.s32 $0x0;
	[sflag:s13] =	ssyncset.done $0x0  }
0xe3: {  	s29 =	simm.s32 $0x0;
	s26 =	simm.s32 $0xFFFFC000;
	[sflag:s13] =	ssyncadd.s32 $0xFFFFC000  }
.LBB2_5:
0xe4: {  	s30 =	sadd.s32 $0x4000, s26  }
0xe5: {  	s31 =	sand.u32 $0x380, s29;
	s30 =	sand.u32 $0x2000, s30  }
0xe6: {  	s30 =	sor.u32 s31, s30  }
0xe7: {  	v3 =	vld [tilespmem:s30+$0x4200]  }
0xe8: {  	v4 =	vld [tilespmem:s30+$0x4210]  }
0xe9: {  	v6 =	vld [tilespmem:s30+$0x4230]  }
0xea: {  	v8 =	vld [tilespmem:s30+$0x4260]  }
0xeb: {  	v5 =	vld [tilespmem:s30+$0x4220]  }
0xec: {  	v43 =	vld [tilespmem:s30+$0x4600];
	v3 =	vmul.f32 $3.200000000e+01, v3  }
0xed: {  	v7 =	vld [tilespmem:s30+$0x4250];
	v4 =	vmul.f32 $3.200000000e+01, v4  }
0xee: {  	v46 =	vld [tilespmem:s30+$0x4620];
	v44 =	vmul.f32 $3.200000000e+01, v6;
	[tilespmem:s30+$0x4200] =	vst v3  }
0xef: {  	v9 =	vld [tilespmem:s30+$0x4270];
	v47 =	vmul.f32 $3.200000000e+01, v8;
	[tilespmem:s30+$0x4210] =	vst v4  }
0xf0: {  	v49 =	vld [tilespmem:s30+$0x4650];
	v3 =	vmul.f32 $3.200000000e+01, v5;
	[tilespmem:s30+$0x4230] =	vst v44  }
0xf1: {  	v45 =	vld [tilespmem:s30+$0x4610];
	v50 =	vmul.f32 $3.200000000e+01, v43;
	[tilespmem:s30+$0x4260] =	vst v47  }
0xf2: {  	v52 =	vld [tilespmem:s30+$0x4670];
	[tilespmem:s30+$0x4220] =	vst v3;
	v3 =	vmul.f32 $3.200000000e+01, v7  }
0xf3: {  	v48 =	vld [tilespmem:s30+$0x4630];
	v53 =	vmul.f32 $3.200000000e+01, v46;
	[tilespmem:s30+$0x4600] =	vst v50  }
0xf4: {  	v55 =	vld [tilespmem:s30+$0x4A10];
	[tilespmem:s30+$0x4250] =	vst v3;
	v3 =	vmul.f32 $3.200000000e+01, v9  }
0xf5: {  	v51 =	vld [tilespmem:s30+$0x4660];
	v56 =	vmul.f32 $3.200000000e+01, v49;
	[tilespmem:s30+$0x4620] =	vst v53  }
0xf6: {  	v58 =	vld [tilespmem:s30+$0x4A30];
	[tilespmem:s30+$0x4270] =	vst v3;
	v3 =	vmul.f32 $3.200000000e+01, v45  }
0xf7: {  	v54 =	vld [tilespmem:s30+$0x4A00];
	v59 =	vmul.f32 $3.200000000e+01, v52;
	[tilespmem:s30+$0x4650] =	vst v56  }
0xf8: {  	v61 =	vld [tilespmem:s30+$0x4A60];
	[tilespmem:s30+$0x4610] =	vst v3;
	v3 =	vmul.f32 $3.200000000e+01, v48  }
0xf9: {  	v57 =	vld [tilespmem:s30+$0x4A20];
	v62 =	vmul.f32 $3.200000000e+01, v55;
	[tilespmem:s30+$0x4670] =	vst v59  }
0xfa: {  	v12 =	vld [tilespmem:s30+$0x4E00];
	[tilespmem:s30+$0x4630] =	vst v3;
	v3 =	vmul.f32 $3.200000000e+01, v51  }
0xfb: {  	v60 =	vld [tilespmem:s30+$0x4A50];
	v13 =	vmul.f32 $3.200000000e+01, v58;
	[tilespmem:s30+$0x4A10] =	vst v62  }
0xfc: {  	v15 =	vld [tilespmem:s30+$0x4E20];
	[tilespmem:s30+$0x4660] =	vst v3;
	v3 =	vmul.f32 $3.200000000e+01, v54  }
0xfd: {  	v63 =	vld [tilespmem:s30+$0x4A70];
	v16 =	vmul.f32 $3.200000000e+01, v61;
	[tilespmem:s30+$0x4A30] =	vst v13  }
0xfe: {  	v18 =	vld [tilespmem:s30+$0x4E50];
	[tilespmem:s30+$0x4A00] =	vst v3;
	v3 =	vmul.f32 $3.200000000e+01, v57  }
0xff: {  	v14 =	vld [tilespmem:s30+$0x4E10];
	v19 =	vmul.f32 $3.200000000e+01, v12;
	[tilespmem:s30+$0x4A60] =	vst v16  }
0x100: {  	v21 =	vld [tilespmem:s30+$0x4E70];
	[tilespmem:s30+$0x4A20] =	vst v3;
	v3 =	vmul.f32 $3.200000000e+01, v60  }
0x101: {  	v17 =	vld [tilespmem:s30+$0x4E30];
	v22 =	vmul.f32 $3.200000000e+01, v15;
	[tilespmem:s30+$0x4E00] =	vst v19  }
0x102: {  	v24 =	vld [tilespmem:s30+$0x5210];
	[tilespmem:s30+$0x4A50] =	vst v3;
	v3 =	vmul.f32 $3.200000000e+01, v63  }
0x103: {  	v20 =	vld [tilespmem:s30+$0x4E60];
	v25 =	vmul.f32 $3.200000000e+01, v18;
	[tilespmem:s30+$0x4E20] =	vst v22  }
0x104: {  	v27 =	vld [tilespmem:s30+$0x5230];
	[tilespmem:s30+$0x4A70] =	vst v3;
	v3 =	vmul.f32 $3.200000000e+01, v14  }
0x105: {  	v23 =	vld [tilespmem:s30+$0x5200];
	v28 =	vmul.f32 $3.200000000e+01, v21;
	[tilespmem:s30+$0x4E50] =	vst v25  }
0x106: {  	v30 =	vld [tilespmem:s30+$0x5260];
	[tilespmem:s30+$0x4E10] =	vst v3;
	v3 =	vmul.f32 $3.200000000e+01, v17  }
0x107: {  	v26 =	vld [tilespmem:s30+$0x5220];
	v31 =	vmul.f32 $3.200000000e+01, v24;
	[tilespmem:s30+$0x4E70] =	vst v28  }
0x108: {  	v33 =	vld [tilespmem:s30+$0x5600];
	[tilespmem:s30+$0x4E30] =	vst v3;
	v3 =	vmul.f32 $3.200000000e+01, v20  }
0x109: {  	v29 =	vld [tilespmem:s30+$0x5250];
	v34 =	vmul.f32 $3.200000000e+01, v27;
	[tilespmem:s30+$0x5210] =	vst v31  }
0x10a: {  	v36 =	vld [tilespmem:s30+$0x5620];
	[tilespmem:s30+$0x4E60] =	vst v3;
	v3 =	vmul.f32 $3.200000000e+01, v23  }
0x10b: {  	v32 =	vld [tilespmem:s30+$0x5270];
	v37 =	vmul.f32 $3.200000000e+01, v30;
	[tilespmem:s30+$0x5230] =	vst v34  }
0x10c: {  	v39 =	vld [tilespmem:s30+$0x5650];
	[tilespmem:s30+$0x5200] =	vst v3;
	v3 =	vmul.f32 $3.200000000e+01, v26  }
0x10d: {  	v35 =	vld [tilespmem:s30+$0x5610];
	v40 =	vmul.f32 $3.200000000e+01, v33;
	[tilespmem:s30+$0x5260] =	vst v37  }
0x10e: {  	v42 =	vld [tilespmem:s30+$0x5670];
	[tilespmem:s30+$0x5220] =	vst v3;
	v3 =	vmul.f32 $3.200000000e+01, v29  }
0x10f: {  	v38 =	vld [tilespmem:s30+$0x5630];
	v43 =	vmul.f32 $3.200000000e+01, v36;
	[tilespmem:s30+$0x5600] =	vst v40  }
0x110: {  	v47 =	vld [tilespmem:s30+$0x5A20];
	[tilespmem:s30+$0x5250] =	vst v3;
	v3 =	vmul.f32 $3.200000000e+01, v32  }
0x111: {  	v41 =	vld [tilespmem:s30+$0x5660];
	v46 =	vmul.f32 $3.200000000e+01, v39;
	[tilespmem:s30+$0x5620] =	vst v43  }
0x112: {  	v50 =	vld [tilespmem:s30+$0x5A50];
	[tilespmem:s30+$0x5270] =	vst v3;
	v3 =	vmul.f32 $3.200000000e+01, v35  }
0x113: {  	v49 =	vmul.f32 $3.200000000e+01, v42;
	v44 =	vld [tilespmem:s30+$0x5A00];
	[tilespmem:s30+$0x5650] =	vst v46  }
0x114: {  	v53 =	vld [tilespmem:s30+$0x5A70];
	[tilespmem:s30+$0x5610] =	vst v3;
	v3 =	vmul.f32 $3.200000000e+01, v38  }
0x115: {  	[tilespmem:s30+$0x5670] =	vst v49;
	v7 =	vmul.f32 $3.200000000e+01, v47;
	v45 =	vld [tilespmem:s30+$0x5A10]  }
0x116: {  	v48 =	vld [tilespmem:s30+$0x5A30];
	[tilespmem:s30+$0x5630] =	vst v3;
	v3 =	vmul.f32 $3.200000000e+01, v41  }
0x117: {  	v9 =	vmul.f32 $3.200000000e+01, v50;
	[tilespmem:s30+$0x5A20] =	vst v7;
	v51 =	vld [tilespmem:s30+$0x5A60]  }
0x118: {  	[tilespmem:s30+$0x5660] =	vst v3;
	v3 =	vmul.f32 $3.200000000e+01, v44  }
0x119: {  	v58 =	vld [tilespmem:s30+$0x5640];
	v6 =	vmul.f32 $3.200000000e+01, v53;
	[tilespmem:s30+$0x5A50] =	vst v9  }
0x11a: {  	v52 =	vmul.f32 $3.200000000e+01, v45;
	[tilespmem:s30+$0x5A00] =	vst v3;
	v3 =	vld [tilespmem:s30+$0x4240]  }
0x11b: {  	s0 =	sand.u32 $0x7, s22;
	v56 =	vld [tilespmem:s30+$0x4E40];
	[tilespmem:s30+$0x5A70] =	vst v6;
	v8 =	vmul.f32 $3.200000000e+01, v48  }
0x11c: {  	s31 =	sshll.u32 s0, $0x7;
	v55 =	vld [tilespmem:s30+$0x4A40];
	[tilespmem:s30+$0x5A10] =	vst v52;
	v5 =	vmul.f32 $3.200000000e+01, v51  }
0x11d: {  	s31 =	sadd.s32 s31, s28;
	v54 =	vld [tilespmem:s30+$0x4640];
	[tilespmem:s30+$0x5A30] =	vst v8  }
0x11e: {  	s0 =	sor.u32 $0x1C00, s31;
	v62 =	vmul.f32 $3.200000000e+01, v58;
	v57 =	vld [tilespmem:s30+$0x5240];
	[tilespmem:s30+$0x5A60] =	vst v5  }
0x11f: {  	v60 =	vld [tilespmem:s0+$0x4200];
	v3 =	vmul.f32 $3.200000000e+01, v3  }
0x120: {  	v59 =	vld [tilespmem:s30+$0x5A40];
	v61 =	vmul.f32 $3.200000000e+01, v56;
	[tilespmem:s30+$0x5640] =	vst v62  }
0x121: {  	[tilespmem:s30+$0x4240] =	vst v3;
	v3 =	vmul.f32 $3.200000000e+01, v55  }
0x122: {  	[tilespmem:s30+$0x4E40] =	vst v61;
	v4 =	vmul.f32 $3.200000000e+01, v54  }
0x123: {  	[tilespmem:s30+$0x4A40] =	vst v3;
	v3 =	vmul.f32 $3.200000000e+01, v57  }
0x124: {  	[tilespmem:s30+$0x4640] =	vst v4;
	v63 =	vmul.f32 $3.200000000e+01, v60  }
0x125: {  	[tilespmem:s30+$0x5240] =	vst v3;
	v3 =	vmul.f32 $3.200000000e+01, v59  }
0x126: {  	[tilespmem:s0+$0x4200] =	vst v63  }
0x127: {  	[tilespmem:s30+$0x5A40] =	vst v3;
	s30 =	sor.u32 $0x1C10, s31  }
0x128: {  	v3 =	vld [tilespmem:s30+$0x4200];
	_ =	sdelay $0x4  }
0x129: {  	v3 =	vmul.f32 $3.200000000e+01, v3;
	_ =	sdelay $0x1  }
0x12a: {  	[tilespmem:s30+$0x4200] =	vst v3;
	s30 =	sor.u32 $0x1C20, s31  }
0x12b: {  	v3 =	vld [tilespmem:s30+$0x4200];
	_ =	sdelay $0x4  }
0x12c: {  	v3 =	vmul.f32 $3.200000000e+01, v3;
	_ =	sdelay $0x1  }
0x12d: {  	[tilespmem:s30+$0x4200] =	vst v3;
	s30 =	sor.u32 $0x1C30, s31  }
0x12e: {  	v3 =	vld [tilespmem:s30+$0x4200];
	_ =	sdelay $0x4  }
0x12f: {  	v3 =	vmul.f32 $3.200000000e+01, v3;
	_ =	sdelay $0x1  }
0x130: {  	[tilespmem:s30+$0x4200] =	vst v3;
	s30 =	sor.u32 $0x1C40, s31  }
0x131: {  	v3 =	vld [tilespmem:s30+$0x4200];
	_ =	sdelay $0x4  }
0x132: {  	v3 =	vmul.f32 $3.200000000e+01, v3;
	_ =	sdelay $0x1  }
0x133: {  	[tilespmem:s30+$0x4200] =	vst v3;
	s30 =	sor.u32 $0x1C50, s31  }
0x134: {  	v3 =	vld [tilespmem:s30+$0x4200];
	_ =	sdelay $0x4  }
0x135: {  	v3 =	vmul.f32 $3.200000000e+01, v3;
	_ =	sdelay $0x1  }
0x136: {  	[tilespmem:s30+$0x4200] =	vst v3;
	s30 =	sor.u32 $0x1C60, s31  }
0x137: {  	v3 =	vld [tilespmem:s30+$0x4200];
	_ =	sdelay $0x4  }
0x138: {  	v3 =	vmul.f32 $3.200000000e+01, v3;
	_ =	sdelay $0x1  }
0x139: {  	s31 =	sor.u32 $0x1C70, s31;
	[tilespmem:s30+$0x4200] =	vst v3  }
0x13a: {  	v3 =	vld [tilespmem:s31+$0x4200];
	_ =	sdelay $0x1  }
0x13b: {  	p0 =	sne.s32 s29, $0x780  }
.Ltmp1:
0x13c: {  	_ = 	snop;
	(pc) =	sbr.rel @p0 .LBB2_5-.Ltmp1, $4  }
0x13d: {  	_ = 	snop  }
0x13e: {  	v3 =	vmul.f32 $3.200000000e+01, v3  }
0x13f: {  	s22 =	sadd.s32 $0x1, s22  }
0x140: {  	s26 =	sadd.s32 $0x400, s26;
	s29 =	sadd.s32 $0x80, s29;
	s28 =	sadd.s32 $0x400, s28;
	[tilespmem:s31+$0x4200] =	vst v3  }
0x141: {  	s0 =	sadd.s32 s21, s5  }
0x142: {  	s0 =	sshll.u32 s0, $0xA  }
0x143: {  	s0 =	sadd.s32 s11, s0  }
0x144: {  	s0 =	sadd.s32 $0x4000, s0  }
0x145: {  	s0 =	sshrl.u32 s0, $0x3  }
0x146: {  	s0 =	sadd.s32 s3, s0  }
0x147: {  	[hbm4b:s0+s4] =	stream.linear.scatter [tilespmem:s23], [sflag:$0x6], $0x4000, $0x38;
	[tilespmem:$0x10200] =	vst v63  }
0x148: {  	p0 =	seq.s32 s18, $0x7;
	_ =	swait.ge [sflag:s6], $0x4000  }
0x149: {  	s0 =	sshll.u32 @!p0 s18, $0x6;
	[sflag:s6] =	ssyncset.done $0x0  }
0x14a: {  	s21 =	sand.u32 @!p0 $0x3FFFFFC0, s0;
	[sflag:s6] =	ssyncadd.s32 $0xFFFFC000  }
0x14b: {  	v3 =	vld @!p0 [tilespmem:s21+$0x40];
	_ =	sdelay $0x4  }
0x14c: {  	v4 =	vshll.u32 @!p0 v3, $0x3  }
0x14d: {  	v5 =	vlaneseq.u32 @!p0;
	v3 =	vand.u32 @!p0 $0x7, v3;
	v4 =	vand.u32 @!p0 $0xFFFFFFC0, v4  }
0x14e: {  	v6 =	vshrl.u32 @!p0 v5, $0x3;
	v3 =	vor.u32 @!p0 v3, v4;
	v4 =	vand.u32 @!p0 $0x7, v5  }
0x14f: {  	v6 =	vmul.u32 @!p0 $0x8, v6;
	v4 =	vperm.xlane @!p0 v3, v4;
	_ =	sdelay $0x1  }
0x150: {  	v4 =	vadd.s32 @!p0 v6, v4;
	_ =	sdelay $0x3  }
0x151: {  	vm1 =	vmmov @!p0 $0xffff;
	s22 =	simm.s32 @!p0 $0x200;
	s0 =	simm.s32 @!p0 $0x0  }
0x152: {  	v5 =	vor.u32 @!p0 $0x8, v5;
	[tilespmem:s22], [sflag:$0x1] =	stream.indirect_vreg.gather @!p0 [hbm4b:s2+s0], $0x80, v4, vm1, $0xb8;
	[tilespmem:$0x10200] =	vst v63  }
0x153: {  	v3 =	vperm.xlane @!p0 v3, v5;
	s22 =	simm.s32 @!p0 $0xA00  }
0x154: {  	[tilespmem:s22], [sflag:$0x1] =	stream.indirect_vreg.gather @!p0 [hbm4b:s7+s0], $0x80, v4, vm1, $0xb8;
	[tilespmem:$0x10200] =	vst v63  }
0x155: {  	v3 =	vadd.s32 @!p0 v6, v3;
	s22 =	simm.s32 @!p0 $0x1200  }
0x156: {  	[tilespmem:s22], [sflag:$0x1] =	stream.indirect_vreg.gather @!p0 [hbm4b:s8+s0], $0x80, v4, vm1, $0xb8;
	[tilespmem:$0x10200] =	vst v63  }
0x157: {  	s22 =	simm.s32 @!p0 $0x1A00  }
0x158: {  	[tilespmem:s22], [sflag:$0x1] =	stream.indirect_vreg.gather @!p0 [hbm4b:s9+s0], $0x80, v4, vm1, $0xb8;
	[tilespmem:$0x10200] =	vst v63  }
0x159: {  	s22 =	simm.s32 @!p0 $0x2200  }
0x15a: {  	[tilespmem:s22], [sflag:$0x1] =	stream.indirect_vreg.gather @!p0 [hbm4b:s2+s0], $0x80, v3, vm1, $0xb8;
	[tilespmem:$0x10200] =	vst v63  }
0x15b: {  	s22 =	simm.s32 @!p0 $0x2A00  }
0x15c: {  	[tilespmem:s22], [sflag:$0x1] =	stream.indirect_vreg.gather @!p0 [hbm4b:s7+s0], $0x80, v3, vm1, $0xb8;
	[tilespmem:$0x10200] =	vst v63  }
0x15d: {  	s22 =	simm.s32 @!p0 $0x3200  }
0x15e: {  	[tilespmem:s22], [sflag:$0x1] =	stream.indirect_vreg.gather @!p0 [hbm4b:s8+s0], $0x80, v3, vm1, $0xb8;
	[tilespmem:$0x10200] =	vst v63  }
0x15f: {  	s22 =	simm.s32 @!p0 $0x3A00  }
0x160: {  	[tilespmem:s22], [sflag:$0x1] =	stream.indirect_vreg.gather @!p0 [hbm4b:s9+s0], $0x80, v3, vm1, $0xb8;
	[tilespmem:$0x10200] =	vst v63  }
0x161: {  	_ =	swait.ge [sflag:s14], $0x4000  }
0x162: {  	s26 =	simm.s32 $0xFFFFC000;
	s28 =	simm.s32 $0x0;
	[sflag:s14] =	ssyncset.done $0x0  }
0x163: {  	s29 =	simm.s32 $0x0;
	s22 =	simm.s32 $0x0;
	[sflag:s14] =	ssyncadd.s32 $0xFFFFC000  }
.LBB2_7:
0x164: {  	s0 =	sadd.s32 $0x4000, s26  }
0x165: {  	s30 =	sand.u32 $0x380, s29;
	s0 =	sand.u32 $0x2000, s0  }
0x166: {  	s30 =	sor.u32 s30, s0  }
0x167: {  	v3 =	vld [tilespmem:s30+$0x8200]  }
0x168: {  	v4 =	vld [tilespmem:s30+$0x8210]  }
0x169: {  	v6 =	vld [tilespmem:s30+$0x8230]  }
0x16a: {  	v8 =	vld [tilespmem:s30+$0x8260]  }
0x16b: {  	v5 =	vld [tilespmem:s30+$0x8220]  }
0x16c: {  	v43 =	vld [tilespmem:s30+$0x8600];
	v3 =	vmul.f32 $3.200000000e+01, v3  }
0x16d: {  	v7 =	vld [tilespmem:s30+$0x8250];
	v4 =	vmul.f32 $3.200000000e+01, v4  }
0x16e: {  	v46 =	vld [tilespmem:s30+$0x8620];
	v44 =	vmul.f32 $3.200000000e+01, v6;
	[tilespmem:s30+$0x8200] =	vst v3  }
0x16f: {  	v9 =	vld [tilespmem:s30+$0x8270];
	v47 =	vmul.f32 $3.200000000e+01, v8;
	[tilespmem:s30+$0x8210] =	vst v4  }
0x170: {  	v49 =	vld [tilespmem:s30+$0x8650];
	v3 =	vmul.f32 $3.200000000e+01, v5;
	[tilespmem:s30+$0x8230] =	vst v44  }
0x171: {  	v45 =	vld [tilespmem:s30+$0x8610];
	v50 =	vmul.f32 $3.200000000e+01, v43;
	[tilespmem:s30+$0x8260] =	vst v47  }
0x172: {  	v52 =	vld [tilespmem:s30+$0x8670];
	[tilespmem:s30+$0x8220] =	vst v3;
	v3 =	vmul.f32 $3.200000000e+01, v7  }
0x173: {  	v48 =	vld [tilespmem:s30+$0x8630];
	v53 =	vmul.f32 $3.200000000e+01, v46;
	[tilespmem:s30+$0x8600] =	vst v50  }
0x174: {  	v55 =	vld [tilespmem:s30+$0x8A10];
	[tilespmem:s30+$0x8250] =	vst v3;
	v3 =	vmul.f32 $3.200000000e+01, v9  }
0x175: {  	v51 =	vld [tilespmem:s30+$0x8660];
	v56 =	vmul.f32 $3.200000000e+01, v49;
	[tilespmem:s30+$0x8620] =	vst v53  }
0x176: {  	v58 =	vld [tilespmem:s30+$0x8A30];
	[tilespmem:s30+$0x8270] =	vst v3;
	v3 =	vmul.f32 $3.200000000e+01, v45  }
0x177: {  	v54 =	vld [tilespmem:s30+$0x8A00];
	v59 =	vmul.f32 $3.200000000e+01, v52;
	[tilespmem:s30+$0x8650] =	vst v56  }
0x178: {  	v61 =	vld [tilespmem:s30+$0x8A60];
	[tilespmem:s30+$0x8610] =	vst v3;
	v3 =	vmul.f32 $3.200000000e+01, v48  }
0x179: {  	v57 =	vld [tilespmem:s30+$0x8A20];
	v62 =	vmul.f32 $3.200000000e+01, v55;
	[tilespmem:s30+$0x8670] =	vst v59  }
0x17a: {  	v12 =	vld [tilespmem:s30+$0x8E00];
	[tilespmem:s30+$0x8630] =	vst v3;
	v3 =	vmul.f32 $3.200000000e+01, v51  }
0x17b: {  	v60 =	vld [tilespmem:s30+$0x8A50];
	v13 =	vmul.f32 $3.200000000e+01, v58;
	[tilespmem:s30+$0x8A10] =	vst v62  }
0x17c: {  	v15 =	vld [tilespmem:s30+$0x8E20];
	[tilespmem:s30+$0x8660] =	vst v3;
	v3 =	vmul.f32 $3.200000000e+01, v54  }
0x17d: {  	v63 =	vld [tilespmem:s30+$0x8A70];
	v16 =	vmul.f32 $3.200000000e+01, v61;
	[tilespmem:s30+$0x8A30] =	vst v13  }
0x17e: {  	v18 =	vld [tilespmem:s30+$0x8E50];
	[tilespmem:s30+$0x8A00] =	vst v3;
	v3 =	vmul.f32 $3.200000000e+01, v57  }
0x17f: {  	v14 =	vld [tilespmem:s30+$0x8E10];
	v19 =	vmul.f32 $3.200000000e+01, v12;
	[tilespmem:s30+$0x8A60] =	vst v16  }
0x180: {  	v21 =	vld [tilespmem:s30+$0x8E70];
	[tilespmem:s30+$0x8A20] =	vst v3;
	v3 =	vmul.f32 $3.200000000e+01, v60  }
0x181: {  	v17 =	vld [tilespmem:s30+$0x8E30];
	v22 =	vmul.f32 $3.200000000e+01, v15;
	[tilespmem:s30+$0x8E00] =	vst v19  }
0x182: {  	v24 =	vld [tilespmem:s30+$0x9210];
	[tilespmem:s30+$0x8A50] =	vst v3;
	v3 =	vmul.f32 $3.200000000e+01, v63  }
0x183: {  	v20 =	vld [tilespmem:s30+$0x8E60];
	v25 =	vmul.f32 $3.200000000e+01, v18;
	[tilespmem:s30+$0x8E20] =	vst v22  }
0x184: {  	v27 =	vld [tilespmem:s30+$0x9230];
	[tilespmem:s30+$0x8A70] =	vst v3;
	v3 =	vmul.f32 $3.200000000e+01, v14  }
0x185: {  	v23 =	vld [tilespmem:s30+$0x9200];
	v28 =	vmul.f32 $3.200000000e+01, v21;
	[tilespmem:s30+$0x8E50] =	vst v25  }
0x186: {  	v30 =	vld [tilespmem:s30+$0x9260];
	[tilespmem:s30+$0x8E10] =	vst v3;
	v3 =	vmul.f32 $3.200000000e+01, v17  }
0x187: {  	v26 =	vld [tilespmem:s30+$0x9220];
	v31 =	vmul.f32 $3.200000000e+01, v24;
	[tilespmem:s30+$0x8E70] =	vst v28  }
0x188: {  	v33 =	vld [tilespmem:s30+$0x9600];
	[tilespmem:s30+$0x8E30] =	vst v3;
	v3 =	vmul.f32 $3.200000000e+01, v20  }
0x189: {  	v29 =	vld [tilespmem:s30+$0x9250];
	v34 =	vmul.f32 $3.200000000e+01, v27;
	[tilespmem:s30+$0x9210] =	vst v31  }
0x18a: {  	v36 =	vld [tilespmem:s30+$0x9620];
	[tilespmem:s30+$0x8E60] =	vst v3;
	v3 =	vmul.f32 $3.200000000e+01, v23  }
0x18b: {  	v32 =	vld [tilespmem:s30+$0x9270];
	v37 =	vmul.f32 $3.200000000e+01, v30;
	[tilespmem:s30+$0x9230] =	vst v34  }
0x18c: {  	v39 =	vld [tilespmem:s30+$0x9650];
	[tilespmem:s30+$0x9200] =	vst v3;
	v3 =	vmul.f32 $3.200000000e+01, v26  }
0x18d: {  	v35 =	vld [tilespmem:s30+$0x9610];
	v40 =	vmul.f32 $3.200000000e+01, v33;
	[tilespmem:s30+$0x9260] =	vst v37  }
0x18e: {  	v42 =	vld [tilespmem:s30+$0x9670];
	[tilespmem:s30+$0x9220] =	vst v3;
	v3 =	vmul.f32 $3.200000000e+01, v29  }
0x18f: {  	v38 =	vld [tilespmem:s30+$0x9630];
	v43 =	vmul.f32 $3.200000000e+01, v36;
	[tilespmem:s30+$0x9600] =	vst v40  }
0x190: {  	v47 =	vld [tilespmem:s30+$0x9A20];
	[tilespmem:s30+$0x9250] =	vst v3;
	v3 =	vmul.f32 $3.200000000e+01, v32  }
0x191: {  	v41 =	vld [tilespmem:s30+$0x9660];
	v46 =	vmul.f32 $3.200000000e+01, v39;
	[tilespmem:s30+$0x9620] =	vst v43  }
0x192: {  	v50 =	vld [tilespmem:s30+$0x9A50];
	[tilespmem:s30+$0x9270] =	vst v3;
	v3 =	vmul.f32 $3.200000000e+01, v35  }
0x193: {  	v49 =	vmul.f32 $3.200000000e+01, v42;
	v44 =	vld [tilespmem:s30+$0x9A00];
	[tilespmem:s30+$0x9650] =	vst v46  }
0x194: {  	v53 =	vld [tilespmem:s30+$0x9A70];
	[tilespmem:s30+$0x9610] =	vst v3;
	v3 =	vmul.f32 $3.200000000e+01, v38  }
0x195: {  	[tilespmem:s30+$0x9670] =	vst v49;
	v7 =	vmul.f32 $3.200000000e+01, v47;
	v45 =	vld [tilespmem:s30+$0x9A10]  }
0x196: {  	v48 =	vld [tilespmem:s30+$0x9A30];
	[tilespmem:s30+$0x9630] =	vst v3;
	v3 =	vmul.f32 $3.200000000e+01, v41  }
0x197: {  	v9 =	vmul.f32 $3.200000000e+01, v50;
	[tilespmem:s30+$0x9A20] =	vst v7;
	v51 =	vld [tilespmem:s30+$0x9A60]  }
0x198: {  	[tilespmem:s30+$0x9660] =	vst v3;
	v3 =	vmul.f32 $3.200000000e+01, v44  }
0x199: {  	v58 =	vld [tilespmem:s30+$0x9640];
	v6 =	vmul.f32 $3.200000000e+01, v53;
	[tilespmem:s30+$0x9A50] =	vst v9  }
0x19a: {  	v52 =	vmul.f32 $3.200000000e+01, v45;
	[tilespmem:s30+$0x9A00] =	vst v3;
	v3 =	vld [tilespmem:s30+$0x8240]  }
0x19b: {  	s31 =	sand.u32 $0x7, s22;
	v56 =	vld [tilespmem:s30+$0x8E40];
	[tilespmem:s30+$0x9A70] =	vst v6;
	v8 =	vmul.f32 $3.200000000e+01, v48  }
0x19c: {  	s0 =	sshll.u32 s31, $0x7;
	v55 =	vld [tilespmem:s30+$0x8A40];
	[tilespmem:s30+$0x9A10] =	vst v52;
	v5 =	vmul.f32 $3.200000000e+01, v51  }
0x19d: {  	s0 =	sadd.s32 s0, s28;
	v54 =	vld [tilespmem:s30+$0x8640];
	[tilespmem:s30+$0x9A30] =	vst v8  }
0x19e: {  	s31 =	sor.u32 $0x1C00, s0;
	v62 =	vmul.f32 $3.200000000e+01, v58;
	v57 =	vld [tilespmem:s30+$0x9240];
	[tilespmem:s30+$0x9A60] =	vst v5  }
0x19f: {  	v60 =	vld [tilespmem:s31+$0x8200];
	v3 =	vmul.f32 $3.200000000e+01, v3  }
0x1a0: {  	v59 =	vld [tilespmem:s30+$0x9A40];
	v61 =	vmul.f32 $3.200000000e+01, v56;
	[tilespmem:s30+$0x9640] =	vst v62  }
0x1a1: {  	[tilespmem:s30+$0x8240] =	vst v3;
	v3 =	vmul.f32 $3.200000000e+01, v55  }
0x1a2: {  	[tilespmem:s30+$0x8E40] =	vst v61;
	v4 =	vmul.f32 $3.200000000e+01, v54  }
0x1a3: {  	[tilespmem:s30+$0x8A40] =	vst v3;
	v3 =	vmul.f32 $3.200000000e+01, v57  }
0x1a4: {  	[tilespmem:s30+$0x8640] =	vst v4;
	v63 =	vmul.f32 $3.200000000e+01, v60  }
0x1a5: {  	[tilespmem:s30+$0x9240] =	vst v3;
	v3 =	vmul.f32 $3.200000000e+01, v59  }
0x1a6: {  	[tilespmem:s31+$0x8200] =	vst v63  }
0x1a7: {  	s31 =	sor.u32 $0x1C10, s0;
	[tilespmem:s30+$0x9A40] =	vst v3  }
0x1a8: {  	v3 =	vld [tilespmem:s31+$0x8200];
	_ =	sdelay $0x4  }
0x1a9: {  	v3 =	vmul.f32 $3.200000000e+01, v3;
	_ =	sdelay $0x1  }
0x1aa: {  	[tilespmem:s31+$0x8200] =	vst v3;
	s31 =	sor.u32 $0x1C20, s0  }
0x1ab: {  	v3 =	vld [tilespmem:s31+$0x8200];
	_ =	sdelay $0x4  }
0x1ac: {  	v3 =	vmul.f32 $3.200000000e+01, v3;
	_ =	sdelay $0x1  }
0x1ad: {  	[tilespmem:s31+$0x8200] =	vst v3;
	s31 =	sor.u32 $0x1C30, s0  }
0x1ae: {  	v3 =	vld [tilespmem:s31+$0x8200];
	_ =	sdelay $0x4  }
0x1af: {  	v3 =	vmul.f32 $3.200000000e+01, v3;
	_ =	sdelay $0x1  }
0x1b0: {  	[tilespmem:s31+$0x8200] =	vst v3;
	s31 =	sor.u32 $0x1C40, s0  }
0x1b1: {  	v3 =	vld [tilespmem:s31+$0x8200];
	_ =	sdelay $0x4  }
0x1b2: {  	v3 =	vmul.f32 $3.200000000e+01, v3;
	_ =	sdelay $0x1  }
0x1b3: {  	[tilespmem:s31+$0x8200] =	vst v3;
	s31 =	sor.u32 $0x1C50, s0  }
0x1b4: {  	v3 =	vld [tilespmem:s31+$0x8200];
	_ =	sdelay $0x4  }
0x1b5: {  	v3 =	vmul.f32 $3.200000000e+01, v3;
	_ =	sdelay $0x1  }
0x1b6: {  	[tilespmem:s31+$0x8200] =	vst v3;
	s31 =	sor.u32 $0x1C60, s0  }
0x1b7: {  	v3 =	vld [tilespmem:s31+$0x8200];
	_ =	sdelay $0x4  }
0x1b8: {  	v3 =	vmul.f32 $3.200000000e+01, v3;
	_ =	sdelay $0x1  }
0x1b9: {  	s0 =	sor.u32 $0x1C70, s0;
	[tilespmem:s31+$0x8200] =	vst v3  }
0x1ba: {  	v3 =	vld [tilespmem:s0+$0x8200];
	_ =	sdelay $0x1  }
0x1bb: {  	p1 =	sne.s32 s29, $0x780  }
.Ltmp2:
0x1bc: {  	_ = 	snop;
	(pc) =	sbr.rel @p1 .LBB2_7-.Ltmp2, $4  }
0x1bd: {  	_ = 	snop  }
0x1be: {  	v3 =	vmul.f32 $3.200000000e+01, v3  }
0x1bf: {  	s22 =	sadd.s32 $0x1, s22  }
0x1c0: {  	s26 =	sadd.s32 $0x400, s26;
	s29 =	sadd.s32 $0x80, s29;
	s28 =	sadd.s32 $0x400, s28;
	[tilespmem:s0+$0x8200] =	vst v3  }
0x1c1: {  	s0 =	sadd.s32 s5, s20  }
0x1c2: {  	s0 =	sshll.u32 s0, $0xA  }
0x1c3: {  	s0 =	sadd.s32 s11, s0  }
0x1c4: {  	s0 =	sshrl.u32 s0, $0x3  }
0x1c5: {  	s0 =	sadd.s32 s3, s0  }
0x1c6: {  	[hbm4b:s0+s4] =	stream.linear.scatter [tilespmem:s1], [sflag:$0x7], $0x4000, $0x38;
	[tilespmem:$0x10200] =	vst v63  }
0x1c7: {  	_ =	swait.ge [sflag:s16], $0x4000  }
0x1c8: {  	[sflag:s16] =	ssyncset.done $0x0  }
0x1c9: {  	[sflag:s16] =	ssyncadd.s32 $0xFFFFC000  }
0x1ca: {  	v3 =	vld @!p0 [tilespmem:s21+$0x50];
	_ =	sdelay $0x4  }
0x1cb: {  	v4 =	vshll.u32 @!p0 v3, $0x3  }
0x1cc: {  	v5 =	vlaneseq.u32 @!p0;
	v3 =	vand.u32 @!p0 $0x7, v3;
	v4 =	vand.u32 @!p0 $0xFFFFFFC0, v4  }
0x1cd: {  	v6 =	vshrl.u32 @!p0 v5, $0x3;
	v3 =	vor.u32 @!p0 v3, v4;
	v4 =	vand.u32 @!p0 $0x7, v5  }
0x1ce: {  	v6 =	vmul.u32 @!p0 $0x8, v6;
	v4 =	vperm.xlane @!p0 v3, v4;
	_ =	sdelay $0x1  }
0x1cf: {  	v4 =	vadd.s32 @!p0 v6, v4;
	_ =	sdelay $0x3  }
0x1d0: {  	s20 =	simm.s32 @!p0 $0x4200;
	s0 =	simm.s32 @!p0 $0x0  }
0x1d1: {  	v5 =	vor.u32 @!p0 $0x8, v5;
	[tilespmem:s20], [sflag:$0x2] =	stream.indirect_vreg.gather @!p0 [hbm4b:s2+s0], $0x80, v4, vm1, $0xb8;
	[tilespmem:$0x10200] =	vst v63  }
0x1d2: {  	v3 =	vperm.xlane @!p0 v3, v5;
	s20 =	simm.s32 @!p0 $0x4A00  }
0x1d3: {  	[tilespmem:s20], [sflag:$0x2] =	stream.indirect_vreg.gather @!p0 [hbm4b:s7+s0], $0x80, v4, vm1, $0xb8;
	[tilespmem:$0x10200] =	vst v63  }
0x1d4: {  	v3 =	vadd.s32 @!p0 v6, v3;
	s20 =	simm.s32 @!p0 $0x5200  }
0x1d5: {  	[tilespmem:s20], [sflag:$0x2] =	stream.indirect_vreg.gather @!p0 [hbm4b:s8+s0], $0x80, v4, vm1, $0xb8;
	[tilespmem:$0x10200] =	vst v63  }
0x1d6: {  	s20 =	simm.s32 @!p0 $0x5A00  }
0x1d7: {  	[tilespmem:s20], [sflag:$0x2] =	stream.indirect_vreg.gather @!p0 [hbm4b:s9+s0], $0x80, v4, vm1, $0xb8;
	[tilespmem:$0x10200] =	vst v63  }
0x1d8: {  	s20 =	simm.s32 @!p0 $0x6200  }
0x1d9: {  	[tilespmem:s20], [sflag:$0x2] =	stream.indirect_vreg.gather @!p0 [hbm4b:s2+s0], $0x80, v3, vm1, $0xb8;
	[tilespmem:$0x10200] =	vst v63  }
0x1da: {  	s20 =	simm.s32 @!p0 $0x6A00  }
0x1db: {  	[tilespmem:s20], [sflag:$0x2] =	stream.indirect_vreg.gather @!p0 [hbm4b:s7+s0], $0x80, v3, vm1, $0xb8;
	[tilespmem:$0x10200] =	vst v63  }
0x1dc: {  	s20 =	simm.s32 @!p0 $0x7200  }
0x1dd: {  	[tilespmem:s20], [sflag:$0x2] =	stream.indirect_vreg.gather @!p0 [hbm4b:s8+s0], $0x80, v3, vm1, $0xb8;
	[tilespmem:$0x10200] =	vst v63  }
0x1de: {  	s20 =	simm.s32 @!p0 $0x7A00  }
0x1df: {  	[tilespmem:s20], [sflag:$0x2] =	stream.indirect_vreg.gather @!p0 [hbm4b:s9+s0], $0x80, v3, vm1, $0xb8;
	[tilespmem:$0x10200] =	vst v63  }
0x1e0: {  	_ =	swait.ge [sflag:s17], $0x4000  }
0x1e1: {  	s22 =	simm.s32 $0x0;
	s26 =	simm.s32 $0x0;
	[sflag:s17] =	ssyncset.done $0x0  }
0x1e2: {  	s21 =	simm.s32 $0xFFFFC000;
	s20 =	simm.s32 $0x0;
	[sflag:s17] =	ssyncadd.s32 $0xFFFFC000  }
.LBB2_9:
0x1e3: {  	s0 =	sadd.s32 $0x4000, s21  }
0x1e4: {  	s28 =	sand.u32 $0x380, s26;
	s0 =	sand.u32 $0x2000, s0  }
0x1e5: {  	s28 =	sor.u32 s28, s0  }
0x1e6: {  	v3 =	vld [tilespmem:s28+$0xC200]  }
0x1e7: {  	v4 =	vld [tilespmem:s28+$0xC210]  }
0x1e8: {  	v6 =	vld [tilespmem:s28+$0xC230]  }
0x1e9: {  	v8 =	vld [tilespmem:s28+$0xC260]  }
0x1ea: {  	v5 =	vld [tilespmem:s28+$0xC220]  }
0x1eb: {  	v43 =	vld [tilespmem:s28+$0xC600];
	v3 =	vmul.f32 $3.200000000e+01, v3  }
0x1ec: {  	v7 =	vld [tilespmem:s28+$0xC250];
	v4 =	vmul.f32 $3.200000000e+01, v4  }
0x1ed: {  	v46 =	vld [tilespmem:s28+$0xC620];
	v44 =	vmul.f32 $3.200000000e+01, v6;
	[tilespmem:s28+$0xC200] =	vst v3  }
0x1ee: {  	v9 =	vld [tilespmem:s28+$0xC270];
	v47 =	vmul.f32 $3.200000000e+01, v8;
	[tilespmem:s28+$0xC210] =	vst v4  }
0x1ef: {  	v49 =	vld [tilespmem:s28+$0xC650];
	v3 =	vmul.f32 $3.200000000e+01, v5;
	[tilespmem:s28+$0xC230] =	vst v44  }
0x1f0: {  	v45 =	vld [tilespmem:s28+$0xC610];
	v50 =	vmul.f32 $3.200000000e+01, v43;
	[tilespmem:s28+$0xC260] =	vst v47  }
0x1f1: {  	v52 =	vld [tilespmem:s28+$0xC670];
	[tilespmem:s28+$0xC220] =	vst v3;
	v3 =	vmul.f32 $3.200000000e+01, v7  }
0x1f2: {  	v48 =	vld [tilespmem:s28+$0xC630];
	v53 =	vmul.f32 $3.200000000e+01, v46;
	[tilespmem:s28+$0xC600] =	vst v50  }
0x1f3: {  	v55 =	vld [tilespmem:s28+$0xCA10];
	[tilespmem:s28+$0xC250] =	vst v3;
	v3 =	vmul.f32 $3.200000000e+01, v9  }
0x1f4: {  	v51 =	vld [tilespmem:s28+$0xC660];
	v56 =	vmul.f32 $3.200000000e+01, v49;
	[tilespmem:s28+$0xC620] =	vst v53  }
0x1f5: {  	v58 =	vld [tilespmem:s28+$0xCA30];
	[tilespmem:s28+$0xC270] =	vst v3;
	v3 =	vmul.f32 $3.200000000e+01, v45  }
0x1f6: {  	v54 =	vld [tilespmem:s28+$0xCA00];
	v59 =	vmul.f32 $3.200000000e+01, v52;
	[tilespmem:s28+$0xC650] =	vst v56  }
0x1f7: {  	v61 =	vld [tilespmem:s28+$0xCA60];
	[tilespmem:s28+$0xC610] =	vst v3;
	v3 =	vmul.f32 $3.200000000e+01, v48  }
0x1f8: {  	v57 =	vld [tilespmem:s28+$0xCA20];
	v62 =	vmul.f32 $3.200000000e+01, v55;
	[tilespmem:s28+$0xC670] =	vst v59  }
0x1f9: {  	v12 =	vld [tilespmem:s28+$0xCE00];
	[tilespmem:s28+$0xC630] =	vst v3;
	v3 =	vmul.f32 $3.200000000e+01, v51  }
0x1fa: {  	v60 =	vld [tilespmem:s28+$0xCA50];
	v13 =	vmul.f32 $3.200000000e+01, v58;
	[tilespmem:s28+$0xCA10] =	vst v62  }
0x1fb: {  	v15 =	vld [tilespmem:s28+$0xCE20];
	[tilespmem:s28+$0xC660] =	vst v3;
	v3 =	vmul.f32 $3.200000000e+01, v54  }
0x1fc: {  	v63 =	vld [tilespmem:s28+$0xCA70];
	v16 =	vmul.f32 $3.200000000e+01, v61;
	[tilespmem:s28+$0xCA30] =	vst v13  }
0x1fd: {  	v18 =	vld [tilespmem:s28+$0xCE50];
	[tilespmem:s28+$0xCA00] =	vst v3;
	v3 =	vmul.f32 $3.200000000e+01, v57  }
0x1fe: {  	v14 =	vld [tilespmem:s28+$0xCE10];
	v19 =	vmul.f32 $3.200000000e+01, v12;
	[tilespmem:s28+$0xCA60] =	vst v16  }
0x1ff: {  	v21 =	vld [tilespmem:s28+$0xCE70];
	[tilespmem:s28+$0xCA20] =	vst v3;
	v3 =	vmul.f32 $3.200000000e+01, v60  }
0x200: {  	v17 =	vld [tilespmem:s28+$0xCE30];
	v22 =	vmul.f32 $3.200000000e+01, v15;
	[tilespmem:s28+$0xCE00] =	vst v19  }
0x201: {  	v24 =	vld [tilespmem:s28+$0xD210];
	[tilespmem:s28+$0xCA50] =	vst v3;
	v3 =	vmul.f32 $3.200000000e+01, v63  }
0x202: {  	v20 =	vld [tilespmem:s28+$0xCE60];
	v25 =	vmul.f32 $3.200000000e+01, v18;
	[tilespmem:s28+$0xCE20] =	vst v22  }
0x203: {  	v27 =	vld [tilespmem:s28+$0xD230];
	[tilespmem:s28+$0xCA70] =	vst v3;
	v3 =	vmul.f32 $3.200000000e+01, v14  }
0x204: {  	v23 =	vld [tilespmem:s28+$0xD200];
	v28 =	vmul.f32 $3.200000000e+01, v21;
	[tilespmem:s28+$0xCE50] =	vst v25  }
0x205: {  	v30 =	vld [tilespmem:s28+$0xD260];
	[tilespmem:s28+$0xCE10] =	vst v3;
	v3 =	vmul.f32 $3.200000000e+01, v17  }
0x206: {  	v26 =	vld [tilespmem:s28+$0xD220];
	v31 =	vmul.f32 $3.200000000e+01, v24;
	[tilespmem:s28+$0xCE70] =	vst v28  }
0x207: {  	v33 =	vld [tilespmem:s28+$0xD600];
	[tilespmem:s28+$0xCE30] =	vst v3;
	v3 =	vmul.f32 $3.200000000e+01, v20  }
0x208: {  	v29 =	vld [tilespmem:s28+$0xD250];
	v34 =	vmul.f32 $3.200000000e+01, v27;
	[tilespmem:s28+$0xD210] =	vst v31  }
0x209: {  	v36 =	vld [tilespmem:s28+$0xD620];
	[tilespmem:s28+$0xCE60] =	vst v3;
	v3 =	vmul.f32 $3.200000000e+01, v23  }
0x20a: {  	v32 =	vld [tilespmem:s28+$0xD270];
	v37 =	vmul.f32 $3.200000000e+01, v30;
	[tilespmem:s28+$0xD230] =	vst v34  }
0x20b: {  	v39 =	vld [tilespmem:s28+$0xD650];
	[tilespmem:s28+$0xD200] =	vst v3;
	v3 =	vmul.f32 $3.200000000e+01, v26  }
0x20c: {  	v35 =	vld [tilespmem:s28+$0xD610];
	v40 =	vmul.f32 $3.200000000e+01, v33;
	[tilespmem:s28+$0xD260] =	vst v37  }
0x20d: {  	v42 =	vld [tilespmem:s28+$0xD670];
	[tilespmem:s28+$0xD220] =	vst v3;
	v3 =	vmul.f32 $3.200000000e+01, v29  }
0x20e: {  	v38 =	vld [tilespmem:s28+$0xD630];
	v43 =	vmul.f32 $3.200000000e+01, v36;
	[tilespmem:s28+$0xD600] =	vst v40  }
0x20f: {  	v47 =	vld [tilespmem:s28+$0xDA20];
	[tilespmem:s28+$0xD250] =	vst v3;
	v3 =	vmul.f32 $3.200000000e+01, v32  }
0x210: {  	v41 =	vld [tilespmem:s28+$0xD660];
	v46 =	vmul.f32 $3.200000000e+01, v39;
	[tilespmem:s28+$0xD620] =	vst v43  }
0x211: {  	v50 =	vld [tilespmem:s28+$0xDA50];
	[tilespmem:s28+$0xD270] =	vst v3;
	v3 =	vmul.f32 $3.200000000e+01, v35  }
0x212: {  	v49 =	vmul.f32 $3.200000000e+01, v42;
	v44 =	vld [tilespmem:s28+$0xDA00];
	[tilespmem:s28+$0xD650] =	vst v46  }
0x213: {  	v53 =	vld [tilespmem:s28+$0xDA70];
	[tilespmem:s28+$0xD610] =	vst v3;
	v3 =	vmul.f32 $3.200000000e+01, v38  }
0x214: {  	[tilespmem:s28+$0xD670] =	vst v49;
	v7 =	vmul.f32 $3.200000000e+01, v47;
	v45 =	vld [tilespmem:s28+$0xDA10]  }
0x215: {  	v48 =	vld [tilespmem:s28+$0xDA30];
	[tilespmem:s28+$0xD630] =	vst v3;
	v3 =	vmul.f32 $3.200000000e+01, v41  }
0x216: {  	v9 =	vmul.f32 $3.200000000e+01, v50;
	[tilespmem:s28+$0xDA20] =	vst v7;
	v51 =	vld [tilespmem:s28+$0xDA60]  }
0x217: {  	[tilespmem:s28+$0xD660] =	vst v3;
	v3 =	vmul.f32 $3.200000000e+01, v44  }
0x218: {  	v58 =	vld [tilespmem:s28+$0xD640];
	v6 =	vmul.f32 $3.200000000e+01, v53;
	[tilespmem:s28+$0xDA50] =	vst v9  }
0x219: {  	v52 =	vmul.f32 $3.200000000e+01, v45;
	[tilespmem:s28+$0xDA00] =	vst v3;
	v3 =	vld [tilespmem:s28+$0xC240]  }
0x21a: {  	s31 =	sand.u32 $0x7, s20;
	v56 =	vld [tilespmem:s28+$0xCE40];
	[tilespmem:s28+$0xDA70] =	vst v6;
	v8 =	vmul.f32 $3.200000000e+01, v48  }
0x21b: {  	s0 =	sshll.u32 s31, $0x7;
	v55 =	vld [tilespmem:s28+$0xCA40];
	[tilespmem:s28+$0xDA10] =	vst v52;
	v5 =	vmul.f32 $3.200000000e+01, v51  }
0x21c: {  	s0 =	sadd.s32 s0, s22;
	v54 =	vld [tilespmem:s28+$0xC640];
	[tilespmem:s28+$0xDA30] =	vst v8  }
0x21d: {  	s29 =	sor.u32 $0x1C00, s0;
	v62 =	vmul.f32 $3.200000000e+01, v58;
	v57 =	vld [tilespmem:s28+$0xD240];
	[tilespmem:s28+$0xDA60] =	vst v5  }
0x21e: {  	v60 =	vld [tilespmem:s29+$0xC200];
	v3 =	vmul.f32 $3.200000000e+01, v3  }
0x21f: {  	v59 =	vld [tilespmem:s28+$0xDA40];
	v61 =	vmul.f32 $3.200000000e+01, v56;
	[tilespmem:s28+$0xD640] =	vst v62  }
0x220: {  	[tilespmem:s28+$0xC240] =	vst v3;
	v3 =	vmul.f32 $3.200000000e+01, v55  }
0x221: {  	[tilespmem:s28+$0xCE40] =	vst v61;
	v4 =	vmul.f32 $3.200000000e+01, v54  }
0x222: {  	[tilespmem:s28+$0xCA40] =	vst v3;
	v3 =	vmul.f32 $3.200000000e+01, v57  }
0x223: {  	[tilespmem:s28+$0xC640] =	vst v4;
	v63 =	vmul.f32 $3.200000000e+01, v60  }
0x224: {  	[tilespmem:s28+$0xD240] =	vst v3;
	v3 =	vmul.f32 $3.200000000e+01, v59  }
0x225: {  	[tilespmem:s29+$0xC200] =	vst v63  }
0x226: {  	s29 =	sor.u32 $0x1C10, s0;
	[tilespmem:s28+$0xDA40] =	vst v3  }
0x227: {  	v3 =	vld [tilespmem:s29+$0xC200];
	_ =	sdelay $0x4  }
0x228: {  	v3 =	vmul.f32 $3.200000000e+01, v3;
	_ =	sdelay $0x1  }
0x229: {  	s30 =	sor.u32 $0x1C20, s0;
	[tilespmem:s29+$0xC200] =	vst v3  }
0x22a: {  	v3 =	vld [tilespmem:s30+$0xC200];
	_ =	sdelay $0x4  }
0x22b: {  	v3 =	vmul.f32 $3.200000000e+01, v3;
	_ =	sdelay $0x1  }
0x22c: {  	s31 =	sor.u32 $0x1C30, s0;
	[tilespmem:s30+$0xC200] =	vst v3  }
0x22d: {  	v3 =	vld [tilespmem:s31+$0xC200];
	_ =	sdelay $0x4  }
0x22e: {  	v3 =	vmul.f32 $3.200000000e+01, v3;
	_ =	sdelay $0x1  }
0x22f: {  	s29 =	sor.u32 $0x1C40, s0;
	[tilespmem:s31+$0xC200] =	vst v3  }
0x230: {  	v3 =	vld [tilespmem:s29+$0xC200];
	_ =	sdelay $0x4  }
0x231: {  	v3 =	vmul.f32 $3.200000000e+01, v3;
	_ =	sdelay $0x1  }
0x232: {  	s30 =	sor.u32 $0x1C50, s0;
	[tilespmem:s29+$0xC200] =	vst v3  }
0x233: {  	v3 =	vld [tilespmem:s30+$0xC200];
	_ =	sdelay $0x4  }
0x234: {  	v3 =	vmul.f32 $3.200000000e+01, v3;
	_ =	sdelay $0x1  }
0x235: {  	s31 =	sor.u32 $0x1C60, s0;
	[tilespmem:s30+$0xC200] =	vst v3  }
0x236: {  	v3 =	vld [tilespmem:s31+$0xC200];
	_ =	sdelay $0x4  }
0x237: {  	v3 =	vmul.f32 $3.200000000e+01, v3;
	_ =	sdelay $0x1  }
0x238: {  	s0 =	sor.u32 $0x1C70, s0;
	[tilespmem:s31+$0xC200] =	vst v3  }
0x239: {  	v3 =	vld [tilespmem:s0+$0xC200];
	_ =	sdelay $0x1  }
0x23a: {  	p0 =	sne.s32 s26, $0x780  }
.Ltmp3:
0x23b: {  	_ = 	snop;
	(pc) =	sbr.rel @p0 .LBB2_9-.Ltmp3, $4  }
0x23c: {  	_ = 	snop  }
0x23d: {  	v3 =	vmul.f32 $3.200000000e+01, v3  }
0x23e: {  	s20 =	sadd.s32 $0x1, s20  }
0x23f: {  	s21 =	sadd.s32 $0x400, s21;
	s26 =	sadd.s32 $0x80, s26;
	s22 =	sadd.s32 $0x400, s22;
	[tilespmem:s0+$0xC200] =	vst v3  }
0x240: {  	s18 =	sadd.s32 $0x1, s18  }
0x241: {  	s0 =	sadd.s32 s5, s19;
	p0 =	sne.s32 s18, $0x8  }
.Ltmp4:
0x242: {  	s0 =	sshll.u32 s0, $0xA;
	(pc) =	sbr.rel @p0 .LBB2_2-.Ltmp4, $4  }
0x243: {  	s0 =	sadd.s32 s11, s0  }
0x244: {  	s0 =	sshrl.u32 s0, $0x3  }
0x245: {  	s0 =	sadd.s32 s3, s0  }
0x246: {  	[hbm4b:s0+s4] =	stream.linear.scatter [tilespmem:s25], [sflag:$0x8], $0x4000, $0x38;
	[tilespmem:$0x10200] =	vst v63  }
0x247: {  	s0 =	simm.s32 $0x7  }
0x248: {  	_ =	swait.ge [sflag:s0], $0x4000  }
0x249: {  	[sflag:s0] =	ssyncset.done $0x0  }
0x24a: {  	s18 =	simm.s32 $0x8;
	[sflag:s0] =	ssyncadd.s32 $0xFFFFC000  }
0x24b: {  	_ =	swait.ge [sflag:s18], $0x4000  }
0x24c: {  	s19 =	rddreg [dreg:$0x7]  }
0x24d: {  	s31 =	rddreg [dreg:$0x6];
	s19 =	sadd.s32 $0x1, s19  }
0x24e: {  	p0 =	sne.s32 s19, s31  }
.Ltmp5:
0x24f: {  	_ = 	snop;
	(pc) =	sbr.rel @p0 .LBB2_1-.Ltmp5, $3  }
0x250: {  	_ =	sdelay $0x1  }
0x251: {  	[sflag:s18] =	ssyncset.done $0x0  }
0x252: {  	[sflag:s18] =	ssyncadd.s32 $0xFFFFC000  }
0x253: {  	_ =	sfence.sel $0x180000  }
0x254: {  	[bflag:$0x0] =	sbarrier.arrive $0xFFFF  }
0x255: {  	_ =	strace $0x90000047  }
0x256: {  	s0 =	stileid.u32;
	[bflag:$0x2] =	sbarrier.arrive $0xFFFF  }
0x257: {  	p0 =	sne.s32 s0, $0x0;
	s0 =	rddreg [dreg:$0x3]  }
0x258: {  	s0 =	sadd.s32 @!p0 $0x100000, s0  }
0x259: {  	[sflag:s0] =	ssyncadd.tile.s32 @!p0 $0x1;
	_ =	shalt  }
.Lfunc_end2:
_tile_overlayer_lowered:
.L_overlay_start_2:
0x25a: {  	(tag) =	ssettag $0x2  }
0x25b: {  	s0 =	rddreg [dreg:$0x0];
	s2 =	stileid.u32  }
0x25c: {  	s1 =	rddreg [dreg:$0x1];
	p0 =	sne.s32 s2, $0x0  }
0x25d: {  	s3 =	rddreg [dreg:$0x2];
	[bflag:$0x3] =	sbarrier.arrive $0xFFFF;
	s2 =	simm.s32 @!p0 $0x1C09  }
0x25e: {  	[timem:s3], [sflag:s2] =	dma.local @!p0 [hbm:s0], s1  }
0x25f: {  	s0 =	simm.s32 @!p0 $0x9  }
0x260: {  	_ =	swait.ge @!p0 [sflag:s0], s1  }
0x261: {  	s1 =	ssub.s32 @!p0 $0x0, s1;
	[sflag:s0] =	ssyncset.done @!p0 $0x0  }
0x262: {  	[sflag:s0] =	ssyncadd.s32 @!p0 s1  }
0x263: {  	[bflag:$0x3] =	sbarrier.arrive $0xFFFF  }
0x264: {  	_ =	shalt  }

</sc_bundles>
